<compile_context>
chip_gen: v7x
topology: tpu7x:2x2x1
jax: 0.10.2.dev20260603
libtpu: 0.0.44.dev20260713+nightly
codegen_flags: <defaults>
</compile_context>

<pallas_src>
import jax
import jax.numpy as jnp
from jax import lax
from jax.experimental import pallas as pl
from jax.experimental.pallas import tpu as pltpu
from jax.experimental.pallas import tpu_sc as plsc

NODE_NUM = 50000
DIM = 128
K1 = 3
M = 2
NPAIR = 2 * K1
PWD = NPAIR * NPAIR
BATCH = 4096

_NC = 2
_NS = 16
_NW = _NC * _NS
_BC = BATCH // 2
_PER_W = (2 * _BC) // _NW
_CH = 128
_LANES = 16
_NTASK = K1 * (_PER_W // _CH)


def _vgather(x, idx):
    return lax.gather(
        x, idx[:, None],
        lax.GatherDimensionNumbers(offset_dims=(), collapsed_slice_dims=(0,),
                                   start_index_map=(0,)),
        (1,), mode=lax.GatherScatterMode.PROMISE_IN_BOUNDS)


def _sc_fused_gather(ids_hbm, rp_hbm, lam_hbm, out_hbm,
                     idx_v, lam_v, idx0, idx1, bb,
                     gsem, asem, osem):
    wid = lax.axis_index("s") * _NC + lax.axis_index("c")
    base = wid * _PER_W
    half = base // _BC
    brow = base - half * _BC

    pltpu.sync_copy(ids_hbm.at[pl.ds(base, _PER_W)], idx_v)

    pltpu.sync_copy(lam_hbm, lam_v.at[pl.ds(0, 6)])
    lv = lam_v[...]
    rks = []
    for k in range(K1):
        l0 = _vgather(lv, jnp.full((16,), 2 * k, jnp.int32))
        l1 = _vgather(lv, jnp.full((16,), 2 * k + 1, jnp.int32))
        rks.append(jnp.exp(l1 - l0))

    for t in range(_NTASK):
        for tt in range(_CH // _LANES):
            sld = pl.ds(tt * _LANES, _LANES)
            v = idx_v[sld]
            idx0[t, sld] = v + (t * NODE_NUM)
            idx1[t, sld] = v + ((K1 + t) * NODE_NUM)
    hg = [pltpu.async_copy(rp_hbm.at[idx1.at[t]], bb.at[t], gsem)
          for t in range(_NTASK)]
    ha = [None] * _NTASK
    for t in range(_NTASK):
        hg[t].wait()
        rk = rks[t]

        @plsc.parallel_loop(0, _CH, 1, unroll=2)
        def _scale_row(c, t=t, rk=rk):
            for l in range(DIM // _LANES):
                sl = pl.ds(l * _LANES, _LANES)
                bb[t, c, sl] = bb[t, c, sl] * rk
        ha[t] = pltpu.async_copy(rp_hbm.at[idx0.at[t]], bb.at[t], asem,
                                 add=True)
    ho = [None] * _NTASK
    for t in range(_NTASK):
        ha[t].wait()
        ho[t] = pltpu.async_copy(
            bb.at[t], out_hbm.at[half * K1 + t, pl.ds(brow, _CH)], osem)
    for t in range(_NTASK):
        ho[t].wait()


_sc_gather_call = pl.kernel(
    _sc_fused_gather,
    out_type=jax.ShapeDtypeStruct((NPAIR, _BC, DIM), jnp.float32),
    mesh=plsc.VectorSubcoreMesh(core_axis_name="c", subcore_axis_name="s"),
    scratch_types=[
        pltpu.VMEM((_PER_W,), jnp.int32),
        pltpu.VMEM((_LANES,), jnp.float32),
        pltpu.VMEM((_NTASK, _CH), jnp.int32),
        pltpu.VMEM((_NTASK, _CH), jnp.int32),
        pltpu.VMEM((_NTASK, _CH, DIM), jnp.float32),
        pltpu.SemaphoreType.DMA,
        pltpu.SemaphoreType.DMA,
        pltpu.SemaphoreType.DMA,
    ],
)


_BBLK = 512


def _tc_gram_mlp(rp_ref, lam_ref, w1_ref, b1_ref, w2_ref, b2_ref, out_ref):
    e = jnp.exp(lam_ref[...])
    w0 = []
    for k in range(K1):
        e0 = e[:, 2 * k:2 * k + 1]
        e1 = e[:, 2 * k + 1:2 * k + 2]
        w0.append(e0 / (e0 + e1))
    w0 = w0 + w0
    rows = [rp_ref[i, :, :] * w0[i] for i in range(NPAIR)]
    ent = {}
    for i in range(NPAIR):
        for j in range(i, NPAIR):
            ent[(i, j)] = jnp.sum(rows[i] * rows[j], axis=1, keepdims=True)
    cols = []
    for i in range(NPAIR):
        for j in range(NPAIR):
            cols.append(ent[(i, j)] if i <= j else ent[(j, i)])
    feat = jnp.concatenate(cols, axis=1)
    feat = jnp.where(feat < 0.0, 0.0, feat)
    feat = jnp.log(feat + 1.0)
    h = jnp.dot(feat, w1_ref[...], preferred_element_type=jnp.float32)
    h = jnp.maximum(h + b1_ref[...], 0.0)
    out_ref[...] = (
        jnp.dot(h, w2_ref[...], preferred_element_type=jnp.float32)
        + b2_ref[...])


def _tc_call(fused, lam2, W1, b1, W2, b2):
    nblk = _BC // _BBLK
    return pl.pallas_call(
        _tc_gram_mlp,
        grid=(nblk,),
        in_specs=[
            pl.BlockSpec((NPAIR, _BBLK, DIM), lambda i: (0, i, 0)),
            pl.BlockSpec((1, K1 * M), lambda i: (0, 0)),
            pl.BlockSpec((PWD, 4 * PWD), lambda i: (0, 0)),
            pl.BlockSpec((1, 4 * PWD), lambda i: (0, 0)),
            pl.BlockSpec((4 * PWD, PWD), lambda i: (0, 0)),
            pl.BlockSpec((1, PWD), lambda i: (0, 0)),
        ],
        out_specs=pl.BlockSpec((_BBLK, PWD), lambda i: (i, 0)),
        out_shape=jax.ShapeDtypeStruct((_BC, PWD), jnp.float32),
    )(fused, lam2, W1, b1, W2, b2)


def kernel(src_node_ids, dst_node_ids, RP, lambda_weights, W1, b1, W2, b2):
    src = src_node_ids.astype(jnp.int32)
    dst = dst_node_ids.astype(jnp.int32)
    rp_flat = RP.reshape(M * K1 * NODE_NUM, DIM)
    lam_flat = lambda_weights.reshape(K1 * M).astype(jnp.float32)
    b1r = b1.reshape(1, 4 * PWD)
    b2r = b2.reshape(1, PWD)

    ids_a = jnp.concatenate([src[:_BC], dst[:_BC]])
    ids_b = jnp.concatenate([src[_BC:], dst[_BC:]])
    lam2 = lam_flat.reshape(1, K1 * M)
    fused_a = _sc_gather_call(ids_a, rp_flat, lam_flat)
    fused_b = _sc_gather_call(ids_b, rp_flat, lam_flat)
    out_a = _tc_call(fused_a, lam2, W1, b1r, W2, b2r)
    out_b = _tc_call(fused_b, lam2, W1, b1r, W2, b2r)
    return jnp.concatenate([out_a, out_b], axis=0)

# --- scband reference (transcript-rebuilt; emitter-appended) ---
"""Pipeline reference for scband-tpnet-3882650437025 (READ-ONLY COPY).

The authoritative reference and input builder live on the scoring server;
editing this copy changes nothing except your own understanding.
"""

import jax, jax.numpy as jnp
import numpy as np
import math

NODE_NUM = 50000
DIM = 128
NUM_LAYER = 2
M = 2
K1 = NUM_LAYER + 1
PWD = (2 * NUM_LAYER + 2) ** 2
BATCH = 4096


def setup_inputs(seed: int = 0) -> dict:
    key = jax.random.key(seed)
    ks = jax.random.split(key, 8)
    src_node_ids = jax.random.randint(ks[0], (BATCH,), 0, NODE_NUM)
    dst_node_ids = jax.random.randint(ks[1], (BATCH,), 0, NODE_NUM)
    # random projection states: M time-decay scales x (num_layer+1) hop matrices [node_num, dim]
    RP = jax.random.normal(ks[2], (M, K1, NODE_NUM, DIM), dtype=jnp.float32) / math.sqrt(DIM)
    lambda_weights = 0.1 * jax.random.normal(ks[3], (K1, M), dtype=jnp.float32)
    W1 = jax.random.normal(ks[4], (PWD, 4 * PWD), dtype=jnp.float32) / math.sqrt(PWD)
    b1 = jnp.zeros((4 * PWD,), dtype=jnp.float32)
    W2 = jax.random.normal(ks[5], (4 * PWD, PWD), dtype=jnp.float32) / math.sqrt(4 * PWD)
    b2 = jnp.zeros((PWD,), dtype=jnp.float32)
    return {"src_node_ids": src_node_ids, "dst_node_ids": dst_node_ids, "RP": RP,
            "lambda_weights": lambda_weights, "W1": W1, "b1": b1, "W2": W2, "b2": b2}


def reference(src_node_ids, dst_node_ids, RP, lambda_weights, W1, b1, W2, b2):
    # get_random_projections: per-scale gather, softmax-weighted fusion over scales
    W = jax.nn.softmax(lambda_weights, axis=1)              # [K1, M]
    Wb = jnp.transpose(W).reshape(M, 1, K1, 1)              # [M, 1, K1, 1]

    def fused_projections(ids):
        S = jnp.take(RP, ids, axis=2)                       # [M, K1, B, dim] gather
        S = jnp.transpose(S, (0, 2, 1, 3))                  # [M, B, K1, dim]
        return jnp.sum(S * Wb, axis=0)                      # [B, K1, dim]

    src_rp = fused_projections(src_node_ids)
    dst_rp = fused_projections(dst_node_ids)
    rp = jnp.concatenate([src_rp, dst_rp], axis=1)          # [B, 2*K1, dim]
    feat = jnp.matmul(rp, jnp.transpose(rp, (0, 2, 1))).reshape(rp.shape[0], -1)  # [B, (2*K1)^2]
    # not_scale == False branch
    feat = jnp.where(feat < 0.0, 0.0, feat)
    feat = jnp.log(feat + 1.0)
    h = jax.nn.relu(feat @ W1 + b1)
    return h @ W2 + b2

if __name__ == "__main__":
    import jax
    _d = setup_inputs()
    print(jax.jit(kernel)(*tuple(_d.values())))

</pallas_src>

<mosaic_0001>
#map = affine_map<(d0, d1) -> (0)>
#map1 = affine_map<(d0, d1) -> (0, 0)>
#map2 = affine_map<(d0, d1) -> (0, 0, 0)>
module attributes {stable_mosaic.version = 14 : i64} {
  func.func @_sc_fused_gather(%arg0: i32, %arg1: i32, %arg2: memref<4096xi32, #tpu.memory_space<hbm>>, %arg3: memref<300000x128xf32, #tpu.memory_space<hbm>>, %arg4: memref<6xf32, #tpu.memory_space<hbm>>, %arg5: memref<6x2048x128xf32, #tpu.memory_space<hbm>>, %arg6: memref<128xi32, #tpu.memory_space<vmem>>, %arg7: memref<16xf32, #tpu.memory_space<vmem>>, %arg8: memref<3x128xi32, #tpu.memory_space<vmem>>, %arg9: memref<3x128xi32, #tpu.memory_space<vmem>>, %arg10: memref<3x128x128xf32, #tpu.memory_space<vmem>>, %arg11: memref<!tpu.dma_semaphore, #tpu.memory_space<semaphore_mem>>, %arg12: memref<!tpu.dma_semaphore, #tpu.memory_space<semaphore_mem>>, %arg13: memref<!tpu.dma_semaphore, #tpu.memory_space<semaphore_mem>>) attributes {dimension_semantics = [#tpu.dimension_semantics<core_parallel>, #tpu.dimension_semantics<subcore_parallel>], iteration_bounds = array<i64: 2, 16>, scalar_prefetch = 0 : i64, scratch_operands = 8 : i64, tpu.core_type = #tpu.core_type<sc_vector_subcore>, window_params = [{transform_indices = #map}, {transform_indices = #map1}, {transform_indices = #map}, {transform_indices = #map2}]} {
    %mul3A = arith.constant 2 : i32
    %mul3A_0 = arith.muli %arg1, %mul3A : i32
    %add3A = arith.addi %mul3A_0, %arg0 : i32
    %mul3A_1 = arith.constant 128 : i32
    %mul3A_2 = arith.muli %add3A, %mul3A_1 : i32
    %jit3A = arith.constant 2048 : i32
    %div3A = arith.divsi %mul3A_2, %jit3A : i32
    %sign3A = arith.constant 0 : i32
    %sign3A_3 = arith.cmpi sgt, %mul3A_2, %sign3A : i32
    %sign3A_4 = arith.extui %sign3A_3 : i1 to i32
    %sign3A_5 = arith.constant 0 : i32
    %sign3A_6 = arith.cmpi slt, %mul3A_2, %sign3A_5 : i32
    %sign3A_7 = arith.extui %sign3A_6 : i1 to i32
    %sign3A_8 = arith.subi %sign3A_4, %sign3A_7 : i32
    %sign3A_9 = arith.constant 0 : i32
    %sign3A_10 = arith.cmpi sgt, %jit3A, %sign3A_9 : i32
    %sign3A_11 = arith.extui %sign3A_10 : i1 to i32
    %sign3A_12 = arith.constant 0 : i32
    %sign3A_13 = arith.cmpi slt, %jit3A, %sign3A_12 : i32
    %sign3A_14 = arith.extui %sign3A_13 : i1 to i32
    %sign3A_15 = arith.subi %sign3A_11, %sign3A_14 : i32
    %ne3A = arith.cmpi ne, %sign3A_8, %sign3A_15 : i32
    %rem3A = arith.remsi %mul3A_2, %jit3A : i32
    %ne3A_16 = arith.constant 0 : i32
    %ne3A_17 = arith.cmpi ne, %rem3A, %ne3A_16 : i32
    %and3A = arith.andi %ne3A, %ne3A_17 : i1
    %sub3A = arith.constant 1 : i32
    %sub3A_18 = arith.subi %div3A, %sub3A : i32
    %select_n3A = arith.select %and3A, %sub3A_18, %div3A : i32
    %mul3A_19 = arith.constant 2048 : i32
    %mul3A_20 = arith.muli %select_n3A, %mul3A_19 : i32
    %sub3A_21 = arith.subi %mul3A_2, %mul3A_20 : i32
    "tpu.region"() ({
      %run_scoped3A = tpu.sem_alloc : memref<!tpu.dma_semaphore, #tpu.memory_space<semaphore_mem>>
      %dma_start3A_812 = tpu.memref_slice %arg2[%mul3A_2] : memref<4096xi32, #tpu.memory_space<hbm>> -> memref<128xi32, #tpu.memory_space<hbm>>
      %dma_start3A_813 = tpu.memref_slice %arg2[%mul3A_2] : memref<4096xi32, #tpu.memory_space<hbm>> -> memref<128xi32, #tpu.memory_space<hbm>>
      tpu.enqueue_dma source(%dma_start3A_813 : memref<128xi32, #tpu.memory_space<hbm>>) target(%arg6 : memref<128xi32, #tpu.memory_space<vmem>>) target_semaphore(%run_scoped3A : memref<!tpu.dma_semaphore, #tpu.memory_space<semaphore_mem>>)
      %dma_wait3A_814 = tpu.memref_slice %arg2[%mul3A_2] : memref<4096xi32, #tpu.memory_space<hbm>> -> memref<128xi32, #tpu.memory_space<hbm>>
      %dma_wait3A_815 = tpu.memref_slice %arg2[%mul3A_2] : memref<4096xi32, #tpu.memory_space<hbm>> -> memref<128xi32, #tpu.memory_space<hbm>>
      tpu.wait_dma2 semaphore(%run_scoped3A : memref<!tpu.dma_semaphore, #tpu.memory_space<semaphore_mem>>) src(%dma_wait3A_815 : memref<128xi32, #tpu.memory_space<hbm>>) dst(%arg6 : memref<128xi32, #tpu.memory_space<vmem>>)
      tpu.yield
    }) : () -> ()
    "tpu.region"() ({
      %run_scoped3A = tpu.sem_alloc : memref<!tpu.dma_semaphore, #tpu.memory_space<semaphore_mem>>
      %dma_start3A_812 = arith.constant 0 : i32
      %dma_start3A_813 = tpu.memref_slice %arg7[%dma_start3A_812] : memref<16xf32, #tpu.memory_space<vmem>> -> memref<6xf32, #tpu.memory_space<vmem>>
      %dma_start3A_814 = arith.constant 0 : i32
      %dma_start3A_815 = tpu.memref_slice %arg7[%dma_start3A_814] : memref<16xf32, #tpu.memory_space<vmem>> -> memref<6xf32, #tpu.memory_space<vmem>>
      tpu.enqueue_dma source(%arg4 : memref<6xf32, #tpu.memory_space<hbm>>) target(%dma_start3A_815 : memref<6xf32, #tpu.memory_space<vmem>>) target_semaphore(%run_scoped3A : memref<!tpu.dma_semaphore, #tpu.memory_space<semaphore_mem>>)
      %dma_wait3A_816 = arith.constant 0 : i32
      %dma_wait3A_817 = tpu.memref_slice %arg7[%dma_wait3A_816] : memref<16xf32, #tpu.memory_space<vmem>> -> memref<6xf32, #tpu.memory_space<vmem>>
      %dma_wait3A_818 = arith.constant 0 : i32
      %dma_wait3A_819 = tpu.memref_slice %arg7[%dma_wait3A_818] : memref<16xf32, #tpu.memory_space<vmem>> -> memref<6xf32, #tpu.memory_space<vmem>>
      tpu.wait_dma2 semaphore(%run_scoped3A : memref<!tpu.dma_semaphore, #tpu.memory_space<semaphore_mem>>) src(%arg4 : memref<6xf32, #tpu.memory_space<hbm>>) dst(%dma_wait3A_819 : memref<6xf32, #tpu.memory_space<vmem>>)
      tpu.yield
    }) : () -> ()
    %get3A = arith.constant 0 : index
    %get3A_22 = tpu.vector_load %arg7[%get3A] {strides = array<i32>} : memref<16xf32, #tpu.memory_space<vmem>>, vector<16xf32>,
    %get3A_23 = vector.shape_cast %get3A_22 : vector<16xf32> to vector<16xf32>
    %broadcast_in_dim3A = arith.constant 0 : i32
    %broadcast_in_dim3A_24 = vector.broadcast %broadcast_in_dim3A : i32 to vector<16xi32>
    %broadcast_in_dim3A_25 = vector.shape_cast %broadcast_in_dim3A_24 : vector<16xi32> to vector<16x1xi32>
    %gather3A = vector.shape_cast %broadcast_in_dim3A_25 : vector<16x1xi32> to vector<16xi32>
    %gather3A_26 = tpu.dynamic_gather %get3A_23[%gather3A] in [0] : vector<16xf32>, vector<16xi32> -> vector<16xf32>
    %broadcast_in_dim3A_27 = arith.constant 1 : i32
    %broadcast_in_dim3A_28 = vector.broadcast %broadcast_in_dim3A_27 : i32 to vector<16xi32>
    %broadcast_in_dim3A_29 = vector.shape_cast %broadcast_in_dim3A_28 : vector<16xi32> to vector<16x1xi32>
    %gather3A_30 = vector.shape_cast %broadcast_in_dim3A_29 : vector<16x1xi32> to vector<16xi32>
    %gather3A_31 = tpu.dynamic_gather %get3A_23[%gather3A_30] in [0] : vector<16xf32>, vector<16xi32> -> vector<16xf32>
    %sub3A_32 = arith.subf %gather3A_31, %gather3A_26 : vector<16xf32>
    %exp3A = math.exp %sub3A_32 : vector<16xf32>
    %broadcast_in_dim3A_33 = arith.constant 2 : i32
    %broadcast_in_dim3A_34 = vector.broadcast %broadcast_in_dim3A_33 : i32 to vector<16xi32>
    %broadcast_in_dim3A_35 = vector.shape_cast %broadcast_in_dim3A_34 : vector<16xi32> to vector<16x1xi32>
    %gather3A_36 = vector.shape_cast %broadcast_in_dim3A_35 : vector<16x1xi32> to vector<16xi32>
    %gather3A_37 = tpu.dynamic_gather %get3A_23[%gather3A_36] in [0] : vector<16xf32>, vector<16xi32> -> vector<16xf32>
    %broadcast_in_dim3A_38 = arith.constant 3 : i32
    %broadcast_in_dim3A_39 = vector.broadcast %broadcast_in_dim3A_38 : i32 to vector<16xi32>
    %broadcast_in_dim3A_40 = vector.shape_cast %broadcast_in_dim3A_39 : vector<16xi32> to vector<16x1xi32>
    %gather3A_41 = vector.shape_cast %broadcast_in_dim3A_40 : vector<16x1xi32> to vector<16xi32>
    %gather3A_42 = tpu.dynamic_gather %get3A_23[%gather3A_41] in [0] : vector<16xf32>, vector<16xi32> -> vector<16xf32>
    %sub3A_43 = arith.subf %gather3A_42, %gather3A_37 : vector<16xf32>
    %exp3A_44 = math.exp %sub3A_43 : vector<16xf32>
    %broadcast_in_dim3A_45 = arith.constant 4 : i32
    %broadcast_in_dim3A_46 = vector.broadcast %broadcast_in_dim3A_45 : i32 to vector<16xi32>
    %broadcast_in_dim3A_47 = vector.shape_cast %broadcast_in_dim3A_46 : vector<16xi32> to vector<16x1xi32>
    %gather3A_48 = vector.shape_cast %broadcast_in_dim3A_47 : vector<16x1xi32> to vector<16xi32>
    %gather3A_49 = tpu.dynamic_gather %get3A_23[%gather3A_48] in [0] : vector<16xf32>, vector<16xi32> -> vector<16xf32>
    %broadcast_in_dim3A_50 = arith.constant 5 : i32
    %broadcast_in_dim3A_51 = vector.broadcast %broadcast_in_dim3A_50 : i32 to vector<16xi32>
    %broadcast_in_dim3A_52 = vector.shape_cast %broadcast_in_dim3A_51 : vector<16xi32> to vector<16x1xi32>
    %gather3A_53 = vector.shape_cast %broadcast_in_dim3A_52 : vector<16x1xi32> to vector<16xi32>
    %gather3A_54 = tpu.dynamic_gather %get3A_23[%gather3A_53] in [0] : vector<16xf32>, vector<16xi32> -> vector<16xf32>
    %sub3A_55 = arith.subf %gather3A_54, %gather3A_49 : vector<16xf32>
    %exp3A_56 = math.exp %sub3A_55 : vector<16xf32>
    %get3A_57 = arith.constant 0 : index
    %get3A_58 = tpu.vector_load %arg6[%get3A_57] {strides = array<i32>} : memref<128xi32, #tpu.memory_space<vmem>>, vector<16xi32>,
    %get3A_59 = vector.shape_cast %get3A_58 : vector<16xi32> to vector<16xi32>
    %add3A_60 = arith.constant 0 : i32
    %add3A_61 = vector.broadcast %add3A_60 : i32 to vector<16xi32>
    %add3A_62 = arith.addi %get3A_59, %add3A_61 : vector<16xi32>
    %swap3A = arith.constant 0 : i32
    %swap3A_63 = arith.index_cast %swap3A : i32 to index
    %swap3A_64 = arith.constant 0 : index
    %swap3A_65 = tpu.vector_load %arg8[%swap3A_63, %swap3A_64] {strides = array<i32>} : memref<3x128xi32, #tpu.memory_space<vmem>>, vector<1x16xi32>,
    %swap3A_66 = vector.shape_cast %swap3A_65 : vector<1x16xi32> to vector<16xi32>
    %swap3A_67 = vector.shape_cast %add3A_62 : vector<16xi32> to vector<1x16xi32>
    tpu.vector_store %arg8[%swap3A_63, %swap3A_64], %swap3A_67 {strides = array<i32>} : memref<3x128xi32, #tpu.memory_space<vmem>>, vector<1x16xi32>,
    %add3A_68 = arith.constant 150000 : i32
    %add3A_69 = vector.broadcast %add3A_68 : i32 to vector<16xi32>
    %add3A_70 = arith.addi %get3A_59, %add3A_69 : vector<16xi32>
    %swap3A_71 = arith.constant 0 : i32
    %swap3A_72 = arith.index_cast %swap3A_71 : i32 to index
    %swap3A_73 = arith.constant 0 : index
    %swap3A_74 = tpu.vector_load %arg9[%swap3A_72, %swap3A_73] {strides = array<i32>} : memref<3x128xi32, #tpu.memory_space<vmem>>, vector<1x16xi32>,
    %swap3A_75 = vector.shape_cast %swap3A_74 : vector<1x16xi32> to vector<16xi32>
    %swap3A_76 = vector.shape_cast %add3A_70 : vector<16xi32> to vector<1x16xi32>
    tpu.vector_store %arg9[%swap3A_72, %swap3A_73], %swap3A_76 {strides = array<i32>} : memref<3x128xi32, #tpu.memory_space<vmem>>, vector<1x16xi32>,
    %get3A_77 = arith.constant 16 : index
    %get3A_78 = tpu.vector_load %arg6[%get3A_77] {strides = array<i32>} : memref<128xi32, #tpu.memory_space<vmem>>, vector<16xi32>,
    %get3A_79 = vector.shape_cast %get3A_78 : vector<16xi32> to vector<16xi32>
    %add3A_80 = arith.constant 0 : i32
    %add3A_81 = vector.broadcast %add3A_80 : i32 to vector<16xi32>
    %add3A_82 = arith.addi %get3A_79, %add3A_81 : vector<16xi32>
    %swap3A_83 = arith.constant 0 : i32
    %swap3A_84 = arith.index_cast %swap3A_83 : i32 to index
    %swap3A_85 = arith.constant 16 : index
    %swap3A_86 = tpu.vector_load %arg8[%swap3A_84, %swap3A_85] {strides = array<i32>} : memref<3x128xi32, #tpu.memory_space<vmem>>, vector<1x16xi32>,
    %swap3A_87 = vector.shape_cast %swap3A_86 : vector<1x16xi32> to vector<16xi32>
    %swap3A_88 = vector.shape_cast %add3A_82 : vector<16xi32> to vector<1x16xi32>
    tpu.vector_store %arg8[%swap3A_84, %swap3A_85], %swap3A_88 {strides = array<i32>} : memref<3x128xi32, #tpu.memory_space<vmem>>, vector<1x16xi32>,
    %add3A_89 = arith.constant 150000 : i32
    %add3A_90 = vector.broadcast %add3A_89 : i32 to vector<16xi32>
    %add3A_91 = arith.addi %get3A_79, %add3A_90 : vector<16xi32>
    %swap3A_92 = arith.constant 0 : i32
    %swap3A_93 = arith.index_cast %swap3A_92 : i32 to index
    %swap3A_94 = arith.constant 16 : index
    %swap3A_95 = tpu.vector_load %arg9[%swap3A_93, %swap3A_94] {strides = array<i32>} : memref<3x128xi32, #tpu.memory_space<vmem>>, vector<1x16xi32>,
    %swap3A_96 = vector.shape_cast %swap3A_95 : vector<1x16xi32> to vector<16xi32>
    %swap3A_97 = vector.shape_cast %add3A_91 : vector<16xi32> to vector<1x16xi32>
    tpu.vector_store %arg9[%swap3A_93, %swap3A_94], %swap3A_97 {strides = array<i32>} : memref<3x128xi32, #tpu.memory_space<vmem>>, vector<1x16xi32>,
    %get3A_98 = arith.constant 32 : index
    %get3A_99 = tpu.vector_load %arg6[%get3A_98] {strides = array<i32>} : memref<128xi32, #tpu.memory_space<vmem>>, vector<16xi32>,
    %get3A_100 = vector.shape_cast %get3A_99 : vector<16xi32> to vector<16xi32>
    %add3A_101 = arith.constant 0 : i32
    %add3A_102 = vector.broadcast %add3A_101 : i32 to vector<16xi32>
    %add3A_103 = arith.addi %get3A_100, %add3A_102 : vector<16xi32>
    %swap3A_104 = arith.constant 0 : i32
    %swap3A_105 = arith.index_cast %swap3A_104 : i32 to index
    %swap3A_106 = arith.constant 32 : index
    %swap3A_107 = tpu.vector_load %arg8[%swap3A_105, %swap3A_106] {strides = array<i32>} : memref<3x128xi32, #tpu.memory_space<vmem>>, vector<1x16xi32>,
    %swap3A_108 = vector.shape_cast %swap3A_107 : vector<1x16xi32> to vector<16xi32>
    %swap3A_109 = vector.shape_cast %add3A_103 : vector<16xi32> to vector<1x16xi32>
    tpu.vector_store %arg8[%swap3A_105, %swap3A_106], %swap3A_109 {strides = array<i32>} : memref<3x128xi32, #tpu.memory_space<vmem>>, vector<1x16xi32>,
    %add3A_110 = arith.constant 150000 : i32
    %add3A_111 = vector.broadcast %add3A_110 : i32 to vector<16xi32>
    %add3A_112 = arith.addi %get3A_100, %add3A_111 : vector<16xi32>
    %swap3A_113 = arith.constant 0 : i32
    %swap3A_114 = arith.index_cast %swap3A_113 : i32 to index
    %swap3A_115 = arith.constant 32 : index
    %swap3A_116 = tpu.vector_load %arg9[%swap3A_114, %swap3A_115] {strides = array<i32>} : memref<3x128xi32, #tpu.memory_space<vmem>>, vector<1x16xi32>,
    %swap3A_117 = vector.shape_cast %swap3A_116 : vector<1x16xi32> to vector<16xi32>
    %swap3A_118 = vector.shape_cast %add3A_112 : vector<16xi32> to vector<1x16xi32>
    tpu.vector_store %arg9[%swap3A_114, %swap3A_115], %swap3A_118 {strides = array<i32>} : memref<3x128xi32, #tpu.memory_space<vmem>>, vector<1x16xi32>,
    %get3A_119 = arith.constant 48 : index
    %get3A_120 = tpu.vector_load %arg6[%get3A_119] {strides = array<i32>} : memref<128xi32, #tpu.memory_space<vmem>>, vector<16xi32>,
    %get3A_121 = vector.shape_cast %get3A_120 : vector<16xi32> to vector<16xi32>
    %add3A_122 = arith.constant 0 : i32
    %add3A_123 = vector.broadcast %add3A_122 : i32 to vector<16xi32>
    %add3A_124 = arith.addi %get3A_121, %add3A_123 : vector<16xi32>
    %swap3A_125 = arith.constant 0 : i32
    %swap3A_126 = arith.index_cast %swap3A_125 : i32 to index
    %swap3A_127 = arith.constant 48 : index
    %swap3A_128 = tpu.vector_load %arg8[%swap3A_126, %swap3A_127] {strides = array<i32>} : memref<3x128xi32, #tpu.memory_space<vmem>>, vector<1x16xi32>,
    %swap3A_129 = vector.shape_cast %swap3A_128 : vector<1x16xi32> to vector<16xi32>
    %swap3A_130 = vector.shape_cast %add3A_124 : vector<16xi32> to vector<1x16xi32>
    tpu.vector_store %arg8[%swap3A_126, %swap3A_127], %swap3A_130 {strides = array<i32>} : memref<3x128xi32, #tpu.memory_space<vmem>>, vector<1x16xi32>,
    %add3A_131 = arith.constant 150000 : i32
    %add3A_132 = vector.broadcast %add3A_131 : i32 to vector<16xi32>
    %add3A_133 = arith.addi %get3A_121, %add3A_132 : vector<16xi32>
    %swap3A_134 = arith.constant 0 : i32
    %swap3A_135 = arith.index_cast %swap3A_134 : i32 to index
    %swap3A_136 = arith.constant 48 : index
    %swap3A_137 = tpu.vector_load %arg9[%swap3A_135, %swap3A_136] {strides = array<i32>} : memref<3x128xi32, #tpu.memory_space<vmem>>, vector<1x16xi32>,
    %swap3A_138 = vector.shape_cast %swap3A_137 : vector<1x16xi32> to vector<16xi32>
    %swap3A_139 = vector.shape_cast %add3A_133 : vector<16xi32> to vector<1x16xi32>
    tpu.vector_store %arg9[%swap3A_135, %swap3A_136], %swap3A_139 {strides = array<i32>} : memref<3x128xi32, #tpu.memory_space<vmem>>, vector<1x16xi32>,
    %get3A_140 = arith.constant 64 : index
    %get3A_141 = tpu.vector_load %arg6[%get3A_140] {strides = array<i32>} : memref<128xi32, #tpu.memory_space<vmem>>, vector<16xi32>,
    %get3A_142 = vector.shape_cast %get3A_141 : vector<16xi32> to vector<16xi32>
    %add3A_143 = arith.constant 0 : i32
    %add3A_144 = vector.broadcast %add3A_143 : i32 to vector<16xi32>
    %add3A_145 = arith.addi %get3A_142, %add3A_144 : vector<16xi32>
    %swap3A_146 = arith.constant 0 : i32
    %swap3A_147 = arith.index_cast %swap3A_146 : i32 to index
    %swap3A_148 = arith.constant 64 : index
    %swap3A_149 = tpu.vector_load %arg8[%swap3A_147, %swap3A_148] {strides = array<i32>} : memref<3x128xi32, #tpu.memory_space<vmem>>, vector<1x16xi32>,
    %swap3A_150 = vector.shape_cast %swap3A_149 : vector<1x16xi32> to vector<16xi32>
    %swap3A_151 = vector.shape_cast %add3A_145 : vector<16xi32> to vector<1x16xi32>
    tpu.vector_store %arg8[%swap3A_147, %swap3A_148], %swap3A_151 {strides = array<i32>} : memref<3x128xi32, #tpu.memory_space<vmem>>, vector<1x16xi32>,
    %add3A_152 = arith.constant 150000 : i32
    %add3A_153 = vector.broadcast %add3A_152 : i32 to vector<16xi32>
    %add3A_154 = arith.addi %get3A_142, %add3A_153 : vector<16xi32>
    %swap3A_155 = arith.constant 0 : i32
    %swap3A_156 = arith.index_cast %swap3A_155 : i32 to index
    %swap3A_157 = arith.constant 64 : index
    %swap3A_158 = tpu.vector_load %arg9[%swap3A_156, %swap3A_157] {strides = array<i32>} : memref<3x128xi32, #tpu.memory_space<vmem>>, vector<1x16xi32>,
    %swap3A_159 = vector.shape_cast %swap3A_158 : vector<1x16xi32> to vector<16xi32>
    %swap3A_160 = vector.shape_cast %add3A_154 : vector<16xi32> to vector<1x16xi32>
    tpu.vector_store %arg9[%swap3A_156, %swap3A_157], %swap3A_160 {strides = array<i32>} : memref<3x128xi32, #tpu.memory_space<vmem>>, vector<1x16xi32>,
    %get3A_161 = arith.constant 80 : index
    %get3A_162 = tpu.vector_load %arg6[%get3A_161] {strides = array<i32>} : memref<128xi32, #tpu.memory_space<vmem>>, vector<16xi32>,
    %get3A_163 = vector.shape_cast %get3A_162 : vector<16xi32> to vector<16xi32>
    %add3A_164 = arith.constant 0 : i32
    %add3A_165 = vector.broadcast %add3A_164 : i32 to vector<16xi32>
    %add3A_166 = arith.addi %get3A_163, %add3A_165 : vector<16xi32>
    %swap3A_167 = arith.constant 0 : i32
    %swap3A_168 = arith.index_cast %swap3A_167 : i32 to index
    %swap3A_169 = arith.constant 80 : index
    %swap3A_170 = tpu.vector_load %arg8[%swap3A_168, %swap3A_169] {strides = array<i32>} : memref<3x128xi32, #tpu.memory_space<vmem>>, vector<1x16xi32>,
    %swap3A_171 = vector.shape_cast %swap3A_170 : vector<1x16xi32> to vector<16xi32>
    %swap3A_172 = vector.shape_cast %add3A_166 : vector<16xi32> to vector<1x16xi32>
    tpu.vector_store %arg8[%swap3A_168, %swap3A_169], %swap3A_172 {strides = array<i32>} : memref<3x128xi32, #tpu.memory_space<vmem>>, vector<1x16xi32>,
    %add3A_173 = arith.constant 150000 : i32
    %add3A_174 = vector.broadcast %add3A_173 : i32 to vector<16xi32>
    %add3A_175 = arith.addi %get3A_163, %add3A_174 : vector<16xi32>
    %swap3A_176 = arith.constant 0 : i32
    %swap3A_177 = arith.index_cast %swap3A_176 : i32 to index
    %swap3A_178 = arith.constant 80 : index
    %swap3A_179 = tpu.vector_load %arg9[%swap3A_177, %swap3A_178] {strides = array<i32>} : memref<3x128xi32, #tpu.memory_space<vmem>>, vector<1x16xi32>,
    %swap3A_180 = vector.shape_cast %swap3A_179 : vector<1x16xi32> to vector<16xi32>
    %swap3A_181 = vector.shape_cast %add3A_175 : vector<16xi32> to vector<1x16xi32>
    tpu.vector_store %arg9[%swap3A_177, %swap3A_178], %swap3A_181 {strides = array<i32>} : memref<3x128xi32, #tpu.memory_space<vmem>>, vector<1x16xi32>,
    %get3A_182 = arith.constant 96 : index
    %get3A_183 = tpu.vector_load %arg6[%get3A_182] {strides = array<i32>} : memref<128xi32, #tpu.memory_space<vmem>>, vector<16xi32>,
    %get3A_184 = vector.shape_cast %get3A_183 : vector<16xi32> to vector<16xi32>
    %add3A_185 = arith.constant 0 : i32
    %add3A_186 = vector.broadcast %add3A_185 : i32 to vector<16xi32>
    %add3A_187 = arith.addi %get3A_184, %add3A_186 : vector<16xi32>
    %swap3A_188 = arith.constant 0 : i32
    %swap3A_189 = arith.index_cast %swap3A_188 : i32 to index
    %swap3A_190 = arith.constant 96 : index
    %swap3A_191 = tpu.vector_load %arg8[%swap3A_189, %swap3A_190] {strides = array<i32>} : memref<3x128xi32, #tpu.memory_space<vmem>>, vector<1x16xi32>,
    %swap3A_192 = vector.shape_cast %swap3A_191 : vector<1x16xi32> to vector<16xi32>
    %swap3A_193 = vector.shape_cast %add3A_187 : vector<16xi32> to vector<1x16xi32>
    tpu.vector_store %arg8[%swap3A_189, %swap3A_190], %swap3A_193 {strides = array<i32>} : memref<3x128xi32, #tpu.memory_space<vmem>>, vector<1x16xi32>,
    %add3A_194 = arith.constant 150000 : i32
    %add3A_195 = vector.broadcast %add3A_194 : i32 to vector<16xi32>
    %add3A_196 = arith.addi %get3A_184, %add3A_195 : vector<16xi32>
    %swap3A_197 = arith.constant 0 : i32
    %swap3A_198 = arith.index_cast %swap3A_197 : i32 to index
    %swap3A_199 = arith.constant 96 : index
    %swap3A_200 = tpu.vector_load %arg9[%swap3A_198, %swap3A_199] {strides = array<i32>} : memref<3x128xi32, #tpu.memory_space<vmem>>, vector<1x16xi32>,
    %swap3A_201 = vector.shape_cast %swap3A_200 : vector<1x16xi32> to vector<16xi32>
    %swap3A_202 = vector.shape_cast %add3A_196 : vector<16xi32> to vector<1x16xi32>
    tpu.vector_store %arg9[%swap3A_198, %swap3A_199], %swap3A_202 {strides = array<i32>} : memref<3x128xi32, #tpu.memory_space<vmem>>, vector<1x16xi32>,
    %get3A_203 = arith.constant 112 : index
    %get3A_204 = tpu.vector_load %arg6[%get3A_203] {strides = array<i32>} : memref<128xi32, #tpu.memory_space<vmem>>, vector<16xi32>,
    %get3A_205 = vector.shape_cast %get3A_204 : vector<16xi32> to vector<16xi32>
    %add3A_206 = arith.constant 0 : i32
    %add3A_207 = vector.broadcast %add3A_206 : i32 to vector<16xi32>
    %add3A_208 = arith.addi %get3A_205, %add3A_207 : vector<16xi32>
    %swap3A_209 = arith.constant 0 : i32
    %swap3A_210 = arith.index_cast %swap3A_209 : i32 to index
    %swap3A_211 = arith.constant 112 : index
    %swap3A_212 = tpu.vector_load %arg8[%swap3A_210, %swap3A_211] {strides = array<i32>} : memref<3x128xi32, #tpu.memory_space<vmem>>, vector<1x16xi32>,
    %swap3A_213 = vector.shape_cast %swap3A_212 : vector<1x16xi32> to vector<16xi32>
    %swap3A_214 = vector.shape_cast %add3A_208 : vector<16xi32> to vector<1x16xi32>
    tpu.vector_store %arg8[%swap3A_210, %swap3A_211], %swap3A_214 {strides = array<i32>} : memref<3x128xi32, #tpu.memory_space<vmem>>, vector<1x16xi32>,
    %add3A_215 = arith.constant 150000 : i32
    %add3A_216 = vector.broadcast %add3A_215 : i32 to vector<16xi32>
    %add3A_217 = arith.addi %get3A_205, %add3A_216 : vector<16xi32>
    %swap3A_218 = arith.constant 0 : i32
    %swap3A_219 = arith.index_cast %swap3A_218 : i32 to index
    %swap3A_220 = arith.constant 112 : index
    %swap3A_221 = tpu.vector_load %arg9[%swap3A_219, %swap3A_220] {strides = array<i32>} : memref<3x128xi32, #tpu.memory_space<vmem>>, vector<1x16xi32>,
    %swap3A_222 = vector.shape_cast %swap3A_221 : vector<1x16xi32> to vector<16xi32>
    %swap3A_223 = vector.shape_cast %add3A_217 : vector<16xi32> to vector<1x16xi32>
    tpu.vector_store %arg9[%swap3A_219, %swap3A_220], %swap3A_223 {strides = array<i32>} : memref<3x128xi32, #tpu.memory_space<vmem>>, vector<1x16xi32>,
    %get3A_224 = arith.constant 0 : index
    %get3A_225 = tpu.vector_load %arg6[%get3A_224] {strides = array<i32>} : memref<128xi32, #tpu.memory_space<vmem>>, vector<16xi32>,
    %get3A_226 = vector.shape_cast %get3A_225 : vector<16xi32> to vector<16xi32>
    %add3A_227 = arith.constant 50000 : i32
    %add3A_228 = vector.broadcast %add3A_227 : i32 to vector<16xi32>
    %add3A_229 = arith.addi %get3A_226, %add3A_228 : vector<16xi32>
    %swap3A_230 = arith.constant 1 : i32
    %swap3A_231 = arith.index_cast %swap3A_230 : i32 to index
    %swap3A_232 = arith.constant 0 : index
    %swap3A_233 = tpu.vector_load %arg8[%swap3A_231, %swap3A_232] {strides = array<i32>} : memref<3x128xi32, #tpu.memory_space<vmem>>, vector<1x16xi32>,
    %swap3A_234 = vector.shape_cast %swap3A_233 : vector<1x16xi32> to vector<16xi32>
    %swap3A_235 = vector.shape_cast %add3A_229 : vector<16xi32> to vector<1x16xi32>
    tpu.vector_store %arg8[%swap3A_231, %swap3A_232], %swap3A_235 {strides = array<i32>} : memref<3x128xi32, #tpu.memory_space<vmem>>, vector<1x16xi32>,
    %add3A_236 = arith.constant 200000 : i32
    %add3A_237 = vector.broadcast %add3A_236 : i32 to vector<16xi32>
    %add3A_238 = arith.addi %get3A_226, %add3A_237 : vector<16xi32>
    %swap3A_239 = arith.constant 1 : i32
    %swap3A_240 = arith.index_cast %swap3A_239 : i32 to index
    %swap3A_241 = arith.constant 0 : index
    %swap3A_242 = tpu.vector_load %arg9[%swap3A_240, %swap3A_241] {strides = array<i32>} : memref<3x128xi32, #tpu.memory_space<vmem>>, vector<1x16xi32>,
    %swap3A_243 = vector.shape_cast %swap3A_242 : vector<1x16xi32> to vector<16xi32>
    %swap3A_244 = vector.shape_cast %add3A_238 : vector<16xi32> to vector<1x16xi32>
    tpu.vector_store %arg9[%swap3A_240, %swap3A_241], %swap3A_244 {strides = array<i32>} : memref<3x128xi32, #tpu.memory_space<vmem>>, vector<1x16xi32>,
    %get3A_245 = arith.constant 16 : index
    %get3A_246 = tpu.vector_load %arg6[%get3A_245] {strides = array<i32>} : memref<128xi32, #tpu.memory_space<vmem>>, vector<16xi32>,
    %get3A_247 = vector.shape_cast %get3A_246 : vector<16xi32> to vector<16xi32>
    %add3A_248 = arith.constant 50000 : i32
    %add3A_249 = vector.broadcast %add3A_248 : i32 to vector<16xi32>
    %add3A_250 = arith.addi %get3A_247, %add3A_249 : vector<16xi32>
    %swap3A_251 = arith.constant 1 : i32
    %swap3A_252 = arith.index_cast %swap3A_251 : i32 to index
    %swap3A_253 = arith.constant 16 : index
    %swap3A_254 = tpu.vector_load %arg8[%swap3A_252, %swap3A_253] {strides = array<i32>} : memref<3x128xi32, #tpu.memory_space<vmem>>, vector<1x16xi32>,
    %swap3A_255 = vector.shape_cast %swap3A_254 : vector<1x16xi32> to vector<16xi32>
    %swap3A_256 = vector.shape_cast %add3A_250 : vector<16xi32> to vector<1x16xi32>
    tpu.vector_store %arg8[%swap3A_252, %swap3A_253], %swap3A_256 {strides = array<i32>} : memref<3x128xi32, #tpu.memory_space<vmem>>, vector<1x16xi32>,
    %add3A_257 = arith.constant 200000 : i32
    %add3A_258 = vector.broadcast %add3A_257 : i32 to vector<16xi32>
    %add3A_259 = arith.addi %get3A_247, %add3A_258 : vector<16xi32>
    %swap3A_260 = arith.constant 1 : i32
    %swap3A_261 = arith.index_cast %swap3A_260 : i32 to index
    %swap3A_262 = arith.constant 16 : index
    %swap3A_263 = tpu.vector_load %arg9[%swap3A_261, %swap3A_262] {strides = array<i32>} : memref<3x128xi32, #tpu.memory_space<vmem>>, vector<1x16xi32>,
    %swap3A_264 = vector.shape_cast %swap3A_263 : vector<1x16xi32> to vector<16xi32>
    %swap3A_265 = vector.shape_cast %add3A_259 : vector<16xi32> to vector<1x16xi32>
    tpu.vector_store %arg9[%swap3A_261, %swap3A_262], %swap3A_265 {strides = array<i32>} : memref<3x128xi32, #tpu.memory_space<vmem>>, vector<1x16xi32>,
    %get3A_266 = arith.constant 32 : index
    %get3A_267 = tpu.vector_load %arg6[%get3A_266] {strides = array<i32>} : memref<128xi32, #tpu.memory_space<vmem>>, vector<16xi32>,
    %get3A_268 = vector.shape_cast %get3A_267 : vector<16xi32> to vector<16xi32>
    %add3A_269 = arith.constant 50000 : i32
    %add3A_270 = vector.broadcast %add3A_269 : i32 to vector<16xi32>
    %add3A_271 = arith.addi %get3A_268, %add3A_270 : vector<16xi32>
    %swap3A_272 = arith.constant 1 : i32
    %swap3A_273 = arith.index_cast %swap3A_272 : i32 to index
    %swap3A_274 = arith.constant 32 : index
    %swap3A_275 = tpu.vector_load %arg8[%swap3A_273, %swap3A_274] {strides = array<i32>} : memref<3x128xi32, #tpu.memory_space<vmem>>, vector<1x16xi32>,
    %swap3A_276 = vector.shape_cast %swap3A_275 : vector<1x16xi32> to vector<16xi32>
    %swap3A_277 = vector.shape_cast %add3A_271 : vector<16xi32> to vector<1x16xi32>
    tpu.vector_store %arg8[%swap3A_273, %swap3A_274], %swap3A_277 {strides = array<i32>} : memref<3x128xi32, #tpu.memory_space<vmem>>, vector<1x16xi32>,
    %add3A_278 = arith.constant 200000 : i32
    %add3A_279 = vector.broadcast %add3A_278 : i32 to vector<16xi32>
    %add3A_280 = arith.addi %get3A_268, %add3A_279 : vector<16xi32>
    %swap3A_281 = arith.constant 1 : i32
    %swap3A_282 = arith.index_cast %swap3A_281 : i32 to index
    %swap3A_283 = arith.constant 32 : index
    %swap3A_284 = tpu.vector_load %arg9[%swap3A_282, %swap3A_283] {strides = array<i32>} : memref<3x128xi32, #tpu.memory_space<vmem>>, vector<1x16xi32>,
    %swap3A_285 = vector.shape_cast %swap3A_284 : vector<1x16xi32> to vector<16xi32>
    %swap3A_286 = vector.shape_cast %add3A_280 : vector<16xi32> to vector<1x16xi32>
    tpu.vector_store %arg9[%swap3A_282, %swap3A_283], %swap3A_286 {strides = array<i32>} : memref<3x128xi32, #tpu.memory_space<vmem>>, vector<1x16xi32>,
    %get3A_287 = arith.constant 48 : index
    %get3A_288 = tpu.vector_load %arg6[%get3A_287] {strides = array<i32>} : memref<128xi32, #tpu.memory_space<vmem>>, vector<16xi32>,
    %get3A_289 = vector.shape_cast %get3A_288 : vector<16xi32> to vector<16xi32>
    %add3A_290 = arith.constant 50000 : i32
    %add3A_291 = vector.broadcast %add3A_290 : i32 to vector<16xi32>
    %add3A_292 = arith.addi %get3A_289, %add3A_291 : vector<16xi32>
    %swap3A_293 = arith.constant 1 : i32
    %swap3A_294 = arith.index_cast %swap3A_293 : i32 to index
    %swap3A_295 = arith.constant 48 : index
    %swap3A_296 = tpu.vector_load %arg8[%swap3A_294, %swap3A_295] {strides = array<i32>} : memref<3x128xi32, #tpu.memory_space<vmem>>, vector<1x16xi32>,
    %swap3A_297 = vector.shape_cast %swap3A_296 : vector<1x16xi32> to vector<16xi32>
    %swap3A_298 = vector.shape_cast %add3A_292 : vector<16xi32> to vector<1x16xi32>
    tpu.vector_store %arg8[%swap3A_294, %swap3A_295], %swap3A_298 {strides = array<i32>} : memref<3x128xi32, #tpu.memory_space<vmem>>, vector<1x16xi32>,
    %add3A_299 = arith.constant 200000 : i32
    %add3A_300 = vector.broadcast %add3A_299 : i32 to vector<16xi32>
    %add3A_301 = arith.addi %get3A_289, %add3A_300 : vector<16xi32>
    %swap3A_302 = arith.constant 1 : i32
    %swap3A_303 = arith.index_cast %swap3A_302 : i32 to index
    %swap3A_304 = arith.constant 48 : index
    %swap3A_305 = tpu.vector_load %arg9[%swap3A_303, %swap3A_304] {strides = array<i32>} : memref<3x128xi32, #tpu.memory_space<vmem>>, vector<1x16xi32>,
    %swap3A_306 = vector.shape_cast %swap3A_305 : vector<1x16xi32> to vector<16xi32>
    %swap3A_307 = vector.shape_cast %add3A_301 : vector<16xi32> to vector<1x16xi32>
    tpu.vector_store %arg9[%swap3A_303, %swap3A_304], %swap3A_307 {strides = array<i32>} : memref<3x128xi32, #tpu.memory_space<vmem>>, vector<1x16xi32>,
    %get3A_308 = arith.constant 64 : index
    %get3A_309 = tpu.vector_load %arg6[%get3A_308] {strides = array<i32>} : memref<128xi32, #tpu.memory_space<vmem>>, vector<16xi32>,
    %get3A_310 = vector.shape_cast %get3A_309 : vector<16xi32> to vector<16xi32>
    %add3A_311 = arith.constant 50000 : i32
    %add3A_312 = vector.broadcast %add3A_311 : i32 to vector<16xi32>
    %add3A_313 = arith.addi %get3A_310, %add3A_312 : vector<16xi32>
    %swap3A_314 = arith.constant 1 : i32
    %swap3A_315 = arith.index_cast %swap3A_314 : i32 to index
    %swap3A_316 = arith.constant 64 : index
    %swap3A_317 = tpu.vector_load %arg8[%swap3A_315, %swap3A_316] {strides = array<i32>} : memref<3x128xi32, #tpu.memory_space<vmem>>, vector<1x16xi32>,
    %swap3A_318 = vector.shape_cast %swap3A_317 : vector<1x16xi32> to vector<16xi32>
    %swap3A_319 = vector.shape_cast %add3A_313 : vector<16xi32> to vector<1x16xi32>
    tpu.vector_store %arg8[%swap3A_315, %swap3A_316], %swap3A_319 {strides = array<i32>} : memref<3x128xi32, #tpu.memory_space<vmem>>, vector<1x16xi32>,
    %add3A_320 = arith.constant 200000 : i32
    %add3A_321 = vector.broadcast %add3A_320 : i32 to vector<16xi32>
    %add3A_322 = arith.addi %get3A_310, %add3A_321 : vector<16xi32>
    %swap3A_323 = arith.constant 1 : i32
    %swap3A_324 = arith.index_cast %swap3A_323 : i32 to index
    %swap3A_325 = arith.constant 64 : index
    %swap3A_326 = tpu.vector_load %arg9[%swap3A_324, %swap3A_325] {strides = array<i32>} : memref<3x128xi32, #tpu.memory_space<vmem>>, vector<1x16xi32>,
    %swap3A_327 = vector.shape_cast %swap3A_326 : vector<1x16xi32> to vector<16xi32>
    %swap3A_328 = vector.shape_cast %add3A_322 : vector<16xi32> to vector<1x16xi32>
    tpu.vector_store %arg9[%swap3A_324, %swap3A_325], %swap3A_328 {strides = array<i32>} : memref<3x128xi32, #tpu.memory_space<vmem>>, vector<1x16xi32>,
    %get3A_329 = arith.constant 80 : index
    %get3A_330 = tpu.vector_load %arg6[%get3A_329] {strides = array<i32>} : memref<128xi32, #tpu.memory_space<vmem>>, vector<16xi32>,
    %get3A_331 = vector.shape_cast %get3A_330 : vector<16xi32> to vector<16xi32>
    %add3A_332 = arith.constant 50000 : i32
    %add3A_333 = vector.broadcast %add3A_332 : i32 to vector<16xi32>
    %add3A_334 = arith.addi %get3A_331, %add3A_333 : vector<16xi32>
    %swap3A_335 = arith.constant 1 : i32
    %swap3A_336 = arith.index_cast %swap3A_335 : i32 to index
    %swap3A_337 = arith.constant 80 : index
    %swap3A_338 = tpu.vector_load %arg8[%swap3A_336, %swap3A_337] {strides = array<i32>} : memref<3x128xi32, #tpu.memory_space<vmem>>, vector<1x16xi32>,
    %swap3A_339 = vector.shape_cast %swap3A_338 : vector<1x16xi32> to vector<16xi32>
    %swap3A_340 = vector.shape_cast %add3A_334 : vector<16xi32> to vector<1x16xi32>
    tpu.vector_store %arg8[%swap3A_336, %swap3A_337], %swap3A_340 {strides = array<i32>} : memref<3x128xi32, #tpu.memory_space<vmem>>, vector<1x16xi32>,
    %add3A_341 = arith.constant 200000 : i32
    %add3A_342 = vector.broadcast %add3A_341 : i32 to vector<16xi32>
    %add3A_343 = arith.addi %get3A_331, %add3A_342 : vector<16xi32>
    %swap3A_344 = arith.constant 1 : i32
    %swap3A_345 = arith.index_cast %swap3A_344 : i32 to index
    %swap3A_346 = arith.constant 80 : index
    %swap3A_347 = tpu.vector_load %arg9[%swap3A_345, %swap3A_346] {strides = array<i32>} : memref<3x128xi32, #tpu.memory_space<vmem>>, vector<1x16xi32>,
    %swap3A_348 = vector.shape_cast %swap3A_347 : vector<1x16xi32> to vector<16xi32>
    %swap3A_349 = vector.shape_cast %add3A_343 : vector<16xi32> to vector<1x16xi32>
    tpu.vector_store %arg9[%swap3A_345, %swap3A_346], %swap3A_349 {strides = array<i32>} : memref<3x128xi32, #tpu.memory_space<vmem>>, vector<1x16xi32>,
    %get3A_350 = arith.constant 96 : index
    %get3A_351 = tpu.vector_load %arg6[%get3A_350] {strides = array<i32>} : memref<128xi32, #tpu.memory_space<vmem>>, vector<16xi32>,
    %get3A_352 = vector.shape_cast %get3A_351 : vector<16xi32> to vector<16xi32>
    %add3A_353 = arith.constant 50000 : i32
    %add3A_354 = vector.broadcast %add3A_353 : i32 to vector<16xi32>
    %add3A_355 = arith.addi %get3A_352, %add3A_354 : vector<16xi32>
    %swap3A_356 = arith.constant 1 : i32
    %swap3A_357 = arith.index_cast %swap3A_356 : i32 to index
    %swap3A_358 = arith.constant 96 : index
    %swap3A_359 = tpu.vector_load %arg8[%swap3A_357, %swap3A_358] {strides = array<i32>} : memref<3x128xi32, #tpu.memory_space<vmem>>, vector<1x16xi32>,
    %swap3A_360 = vector.shape_cast %swap3A_359 : vector<1x16xi32> to vector<16xi32>
    %swap3A_361 = vector.shape_cast %add3A_355 : vector<16xi32> to vector<1x16xi32>
    tpu.vector_store %arg8[%swap3A_357, %swap3A_358], %swap3A_361 {strides = array<i32>} : memref<3x128xi32, #tpu.memory_space<vmem>>, vector<1x16xi32>,
    %add3A_362 = arith.constant 200000 : i32
    %add3A_363 = vector.broadcast %add3A_362 : i32 to vector<16xi32>
    %add3A_364 = arith.addi %get3A_352, %add3A_363 : vector<16xi32>
    %swap3A_365 = arith.constant 1 : i32
    %swap3A_366 = arith.index_cast %swap3A_365 : i32 to index
    %swap3A_367 = arith.constant 96 : index
    %swap3A_368 = tpu.vector_load %arg9[%swap3A_366, %swap3A_367] {strides = array<i32>} : memref<3x128xi32, #tpu.memory_space<vmem>>, vector<1x16xi32>,
    %swap3A_369 = vector.shape_cast %swap3A_368 : vector<1x16xi32> to vector<16xi32>
    %swap3A_370 = vector.shape_cast %add3A_364 : vector<16xi32> to vector<1x16xi32>
    tpu.vector_store %arg9[%swap3A_366, %swap3A_367], %swap3A_370 {strides = array<i32>} : memref<3x128xi32, #tpu.memory_space<vmem>>, vector<1x16xi32>,
    %get3A_371 = arith.constant 112 : index
    %get3A_372 = tpu.vector_load %arg6[%get3A_371] {strides = array<i32>} : memref<128xi32, #tpu.memory_space<vmem>>, vector<16xi32>,
    %get3A_373 = vector.shape_cast %get3A_372 : vector<16xi32> to vector<16xi32>
    %add3A_374 = arith.constant 50000 : i32
    %add3A_375 = vector.broadcast %add3A_374 : i32 to vector<16xi32>
    %add3A_376 = arith.addi %get3A_373, %add3A_375 : vector<16xi32>
    %swap3A_377 = arith.constant 1 : i32
    %swap3A_378 = arith.index_cast %swap3A_377 : i32 to index
    %swap3A_379 = arith.constant 112 : index
    %swap3A_380 = tpu.vector_load %arg8[%swap3A_378, %swap3A_379] {strides = array<i32>} : memref<3x128xi32, #tpu.memory_space<vmem>>, vector<1x16xi32>,
    %swap3A_381 = vector.shape_cast %swap3A_380 : vector<1x16xi32> to vector<16xi32>
    %swap3A_382 = vector.shape_cast %add3A_376 : vector<16xi32> to vector<1x16xi32>
    tpu.vector_store %arg8[%swap3A_378, %swap3A_379], %swap3A_382 {strides = array<i32>} : memref<3x128xi32, #tpu.memory_space<vmem>>, vector<1x16xi32>,
    %add3A_383 = arith.constant 200000 : i32
    %add3A_384 = vector.broadcast %add3A_383 : i32 to vector<16xi32>
    %add3A_385 = arith.addi %get3A_373, %add3A_384 : vector<16xi32>
    %swap3A_386 = arith.constant 1 : i32
    %swap3A_387 = arith.index_cast %swap3A_386 : i32 to index
    %swap3A_388 = arith.constant 112 : index
    %swap3A_389 = tpu.vector_load %arg9[%swap3A_387, %swap3A_388] {strides = array<i32>} : memref<3x128xi32, #tpu.memory_space<vmem>>, vector<1x16xi32>,
    %swap3A_390 = vector.shape_cast %swap3A_389 : vector<1x16xi32> to vector<16xi32>
    %swap3A_391 = vector.shape_cast %add3A_385 : vector<16xi32> to vector<1x16xi32>
    tpu.vector_store %arg9[%swap3A_387, %swap3A_388], %swap3A_391 {strides = array<i32>} : memref<3x128xi32, #tpu.memory_space<vmem>>, vector<1x16xi32>,
    %get3A_392 = arith.constant 0 : index
    %get3A_393 = tpu.vector_load %arg6[%get3A_392] {strides = array<i32>} : memref<128xi32, #tpu.memory_space<vmem>>, vector<16xi32>,
    %get3A_394 = vector.shape_cast %get3A_393 : vector<16xi32> to vector<16xi32>
    %add3A_395 = arith.constant 100000 : i32
    %add3A_396 = vector.broadcast %add3A_395 : i32 to vector<16xi32>
    %add3A_397 = arith.addi %get3A_394, %add3A_396 : vector<16xi32>
    %swap3A_398 = arith.constant 2 : i32
    %swap3A_399 = arith.index_cast %swap3A_398 : i32 to index
    %swap3A_400 = arith.constant 0 : index
    %swap3A_401 = tpu.vector_load %arg8[%swap3A_399, %swap3A_400] {strides = array<i32>} : memref<3x128xi32, #tpu.memory_space<vmem>>, vector<1x16xi32>,
    %swap3A_402 = vector.shape_cast %swap3A_401 : vector<1x16xi32> to vector<16xi32>
    %swap3A_403 = vector.shape_cast %add3A_397 : vector<16xi32> to vector<1x16xi32>
    tpu.vector_store %arg8[%swap3A_399, %swap3A_400], %swap3A_403 {strides = array<i32>} : memref<3x128xi32, #tpu.memory_space<vmem>>, vector<1x16xi32>,
    %add3A_404 = arith.constant 250000 : i32
    %add3A_405 = vector.broadcast %add3A_404 : i32 to vector<16xi32>
    %add3A_406 = arith.addi %get3A_394, %add3A_405 : vector<16xi32>
    %swap3A_407 = arith.constant 2 : i32
    %swap3A_408 = arith.index_cast %swap3A_407 : i32 to index
    %swap3A_409 = arith.constant 0 : index
    %swap3A_410 = tpu.vector_load %arg9[%swap3A_408, %swap3A_409] {strides = array<i32>} : memref<3x128xi32, #tpu.memory_space<vmem>>, vector<1x16xi32>,
    %swap3A_411 = vector.shape_cast %swap3A_410 : vector<1x16xi32> to vector<16xi32>
    %swap3A_412 = vector.shape_cast %add3A_406 : vector<16xi32> to vector<1x16xi32>
    tpu.vector_store %arg9[%swap3A_408, %swap3A_409], %swap3A_412 {strides = array<i32>} : memref<3x128xi32, #tpu.memory_space<vmem>>, vector<1x16xi32>,
    %get3A_413 = arith.constant 16 : index
    %get3A_414 = tpu.vector_load %arg6[%get3A_413] {strides = array<i32>} : memref<128xi32, #tpu.memory_space<vmem>>, vector<16xi32>,
    %get3A_415 = vector.shape_cast %get3A_414 : vector<16xi32> to vector<16xi32>
    %add3A_416 = arith.constant 100000 : i32
    %add3A_417 = vector.broadcast %add3A_416 : i32 to vector<16xi32>
    %add3A_418 = arith.addi %get3A_415, %add3A_417 : vector<16xi32>
    %swap3A_419 = arith.constant 2 : i32
    %swap3A_420 = arith.index_cast %swap3A_419 : i32 to index
    %swap3A_421 = arith.constant 16 : index
    %swap3A_422 = tpu.vector_load %arg8[%swap3A_420, %swap3A_421] {strides = array<i32>} : memref<3x128xi32, #tpu.memory_space<vmem>>, vector<1x16xi32>,
    %swap3A_423 = vector.shape_cast %swap3A_422 : vector<1x16xi32> to vector<16xi32>
    %swap3A_424 = vector.shape_cast %add3A_418 : vector<16xi32> to vector<1x16xi32>
    tpu.vector_store %arg8[%swap3A_420, %swap3A_421], %swap3A_424 {strides = array<i32>} : memref<3x128xi32, #tpu.memory_space<vmem>>, vector<1x16xi32>,
    %add3A_425 = arith.constant 250000 : i32
    %add3A_426 = vector.broadcast %add3A_425 : i32 to vector<16xi32>
    %add3A_427 = arith.addi %get3A_415, %add3A_426 : vector<16xi32>
    %swap3A_428 = arith.constant 2 : i32
    %swap3A_429 = arith.index_cast %swap3A_428 : i32 to index
    %swap3A_430 = arith.constant 16 : index
    %swap3A_431 = tpu.vector_load %arg9[%swap3A_429, %swap3A_430] {strides = array<i32>} : memref<3x128xi32, #tpu.memory_space<vmem>>, vector<1x16xi32>,
    %swap3A_432 = vector.shape_cast %swap3A_431 : vector<1x16xi32> to vector<16xi32>
    %swap3A_433 = vector.shape_cast %add3A_427 : vector<16xi32> to vector<1x16xi32>
    tpu.vector_store %arg9[%swap3A_429, %swap3A_430], %swap3A_433 {strides = array<i32>} : memref<3x128xi32, #tpu.memory_space<vmem>>, vector<1x16xi32>,
    %get3A_434 = arith.constant 32 : index
    %get3A_435 = tpu.vector_load %arg6[%get3A_434] {strides = array<i32>} : memref<128xi32, #tpu.memory_space<vmem>>, vector<16xi32>,
    %get3A_436 = vector.shape_cast %get3A_435 : vector<16xi32> to vector<16xi32>
    %add3A_437 = arith.constant 100000 : i32
    %add3A_438 = vector.broadcast %add3A_437 : i32 to vector<16xi32>
    %add3A_439 = arith.addi %get3A_436, %add3A_438 : vector<16xi32>
    %swap3A_440 = arith.constant 2 : i32
    %swap3A_441 = arith.index_cast %swap3A_440 : i32 to index
    %swap3A_442 = arith.constant 32 : index
    %swap3A_443 = tpu.vector_load %arg8[%swap3A_441, %swap3A_442] {strides = array<i32>} : memref<3x128xi32, #tpu.memory_space<vmem>>, vector<1x16xi32>,
    %swap3A_444 = vector.shape_cast %swap3A_443 : vector<1x16xi32> to vector<16xi32>
    %swap3A_445 = vector.shape_cast %add3A_439 : vector<16xi32> to vector<1x16xi32>
    tpu.vector_store %arg8[%swap3A_441, %swap3A_442], %swap3A_445 {strides = array<i32>} : memref<3x128xi32, #tpu.memory_space<vmem>>, vector<1x16xi32>,
    %add3A_446 = arith.constant 250000 : i32
    %add3A_447 = vector.broadcast %add3A_446 : i32 to vector<16xi32>
    %add3A_448 = arith.addi %get3A_436, %add3A_447 : vector<16xi32>
    %swap3A_449 = arith.constant 2 : i32
    %swap3A_450 = arith.index_cast %swap3A_449 : i32 to index
    %swap3A_451 = arith.constant 32 : index
    %swap3A_452 = tpu.vector_load %arg9[%swap3A_450, %swap3A_451] {strides = array<i32>} : memref<3x128xi32, #tpu.memory_space<vmem>>, vector<1x16xi32>,
    %swap3A_453 = vector.shape_cast %swap3A_452 : vector<1x16xi32> to vector<16xi32>
    %swap3A_454 = vector.shape_cast %add3A_448 : vector<16xi32> to vector<1x16xi32>
    tpu.vector_store %arg9[%swap3A_450, %swap3A_451], %swap3A_454 {strides = array<i32>} : memref<3x128xi32, #tpu.memory_space<vmem>>, vector<1x16xi32>,
    %get3A_455 = arith.constant 48 : index
    %get3A_456 = tpu.vector_load %arg6[%get3A_455] {strides = array<i32>} : memref<128xi32, #tpu.memory_space<vmem>>, vector<16xi32>,
    %get3A_457 = vector.shape_cast %get3A_456 : vector<16xi32> to vector<16xi32>
    %add3A_458 = arith.constant 100000 : i32
    %add3A_459 = vector.broadcast %add3A_458 : i32 to vector<16xi32>
    %add3A_460 = arith.addi %get3A_457, %add3A_459 : vector<16xi32>
    %swap3A_461 = arith.constant 2 : i32
    %swap3A_462 = arith.index_cast %swap3A_461 : i32 to index
    %swap3A_463 = arith.constant 48 : index
    %swap3A_464 = tpu.vector_load %arg8[%swap3A_462, %swap3A_463] {strides = array<i32>} : memref<3x128xi32, #tpu.memory_space<vmem>>, vector<1x16xi32>,
    %swap3A_465 = vector.shape_cast %swap3A_464 : vector<1x16xi32> to vector<16xi32>
    %swap3A_466 = vector.shape_cast %add3A_460 : vector<16xi32> to vector<1x16xi32>
    tpu.vector_store %arg8[%swap3A_462, %swap3A_463], %swap3A_466 {strides = array<i32>} : memref<3x128xi32, #tpu.memory_space<vmem>>, vector<1x16xi32>,
    %add3A_467 = arith.constant 250000 : i32
    %add3A_468 = vector.broadcast %add3A_467 : i32 to vector<16xi32>
    %add3A_469 = arith.addi %get3A_457, %add3A_468 : vector<16xi32>
    %swap3A_470 = arith.constant 2 : i32
    %swap3A_471 = arith.index_cast %swap3A_470 : i32 to index
    %swap3A_472 = arith.constant 48 : index
    %swap3A_473 = tpu.vector_load %arg9[%swap3A_471, %swap3A_472] {strides = array<i32>} : memref<3x128xi32, #tpu.memory_space<vmem>>, vector<1x16xi32>,
    %swap3A_474 = vector.shape_cast %swap3A_473 : vector<1x16xi32> to vector<16xi32>
    %swap3A_475 = vector.shape_cast %add3A_469 : vector<16xi32> to vector<1x16xi32>
    tpu.vector_store %arg9[%swap3A_471, %swap3A_472], %swap3A_475 {strides = array<i32>} : memref<3x128xi32, #tpu.memory_space<vmem>>, vector<1x16xi32>,
    %get3A_476 = arith.constant 64 : index
    %get3A_477 = tpu.vector_load %arg6[%get3A_476] {strides = array<i32>} : memref<128xi32, #tpu.memory_space<vmem>>, vector<16xi32>,
    %get3A_478 = vector.shape_cast %get3A_477 : vector<16xi32> to vector<16xi32>
    %add3A_479 = arith.constant 100000 : i32
    %add3A_480 = vector.broadcast %add3A_479 : i32 to vector<16xi32>
    %add3A_481 = arith.addi %get3A_478, %add3A_480 : vector<16xi32>
    %swap3A_482 = arith.constant 2 : i32
    %swap3A_483 = arith.index_cast %swap3A_482 : i32 to index
    %swap3A_484 = arith.constant 64 : index
    %swap3A_485 = tpu.vector_load %arg8[%swap3A_483, %swap3A_484] {strides = array<i32>} : memref<3x128xi32, #tpu.memory_space<vmem>>, vector<1x16xi32>,
    %swap3A_486 = vector.shape_cast %swap3A_485 : vector<1x16xi32> to vector<16xi32>
    %swap3A_487 = vector.shape_cast %add3A_481 : vector<16xi32> to vector<1x16xi32>
    tpu.vector_store %arg8[%swap3A_483, %swap3A_484], %swap3A_487 {strides = array<i32>} : memref<3x128xi32, #tpu.memory_space<vmem>>, vector<1x16xi32>,
    %add3A_488 = arith.constant 250000 : i32
    %add3A_489 = vector.broadcast %add3A_488 : i32 to vector<16xi32>
    %add3A_490 = arith.addi %get3A_478, %add3A_489 : vector<16xi32>
    %swap3A_491 = arith.constant 2 : i32
    %swap3A_492 = arith.index_cast %swap3A_491 : i32 to index
    %swap3A_493 = arith.constant 64 : index
    %swap3A_494 = tpu.vector_load %arg9[%swap3A_492, %swap3A_493] {strides = array<i32>} : memref<3x128xi32, #tpu.memory_space<vmem>>, vector<1x16xi32>,
    %swap3A_495 = vector.shape_cast %swap3A_494 : vector<1x16xi32> to vector<16xi32>
    %swap3A_496 = vector.shape_cast %add3A_490 : vector<16xi32> to vector<1x16xi32>
    tpu.vector_store %arg9[%swap3A_492, %swap3A_493], %swap3A_496 {strides = array<i32>} : memref<3x128xi32, #tpu.memory_space<vmem>>, vector<1x16xi32>,
    %get3A_497 = arith.constant 80 : index
    %get3A_498 = tpu.vector_load %arg6[%get3A_497] {strides = array<i32>} : memref<128xi32, #tpu.memory_space<vmem>>, vector<16xi32>,
    %get3A_499 = vector.shape_cast %get3A_498 : vector<16xi32> to vector<16xi32>
    %add3A_500 = arith.constant 100000 : i32
    %add3A_501 = vector.broadcast %add3A_500 : i32 to vector<16xi32>
    %add3A_502 = arith.addi %get3A_499, %add3A_501 : vector<16xi32>
    %swap3A_503 = arith.constant 2 : i32
    %swap3A_504 = arith.index_cast %swap3A_503 : i32 to index
    %swap3A_505 = arith.constant 80 : index
    %swap3A_506 = tpu.vector_load %arg8[%swap3A_504, %swap3A_505] {strides = array<i32>} : memref<3x128xi32, #tpu.memory_space<vmem>>, vector<1x16xi32>,
    %swap3A_507 = vector.shape_cast %swap3A_506 : vector<1x16xi32> to vector<16xi32>
    %swap3A_508 = vector.shape_cast %add3A_502 : vector<16xi32> to vector<1x16xi32>
    tpu.vector_store %arg8[%swap3A_504, %swap3A_505], %swap3A_508 {strides = array<i32>} : memref<3x128xi32, #tpu.memory_space<vmem>>, vector<1x16xi32>,
    %add3A_509 = arith.constant 250000 : i32
    %add3A_510 = vector.broadcast %add3A_509 : i32 to vector<16xi32>
    %add3A_511 = arith.addi %get3A_499, %add3A_510 : vector<16xi32>
    %swap3A_512 = arith.constant 2 : i32
    %swap3A_513 = arith.index_cast %swap3A_512 : i32 to index
    %swap3A_514 = arith.constant 80 : index
    %swap3A_515 = tpu.vector_load %arg9[%swap3A_513, %swap3A_514] {strides = array<i32>} : memref<3x128xi32, #tpu.memory_space<vmem>>, vector<1x16xi32>,
    %swap3A_516 = vector.shape_cast %swap3A_515 : vector<1x16xi32> to vector<16xi32>
    %swap3A_517 = vector.shape_cast %add3A_511 : vector<16xi32> to vector<1x16xi32>
    tpu.vector_store %arg9[%swap3A_513, %swap3A_514], %swap3A_517 {strides = array<i32>} : memref<3x128xi32, #tpu.memory_space<vmem>>, vector<1x16xi32>,
    %get3A_518 = arith.constant 96 : index
    %get3A_519 = tpu.vector_load %arg6[%get3A_518] {strides = array<i32>} : memref<128xi32, #tpu.memory_space<vmem>>, vector<16xi32>,
    %get3A_520 = vector.shape_cast %get3A_519 : vector<16xi32> to vector<16xi32>
    %add3A_521 = arith.constant 100000 : i32
    %add3A_522 = vector.broadcast %add3A_521 : i32 to vector<16xi32>
    %add3A_523 = arith.addi %get3A_520, %add3A_522 : vector<16xi32>
    %swap3A_524 = arith.constant 2 : i32
    %swap3A_525 = arith.index_cast %swap3A_524 : i32 to index
    %swap3A_526 = arith.constant 96 : index
    %swap3A_527 = tpu.vector_load %arg8[%swap3A_525, %swap3A_526] {strides = array<i32>} : memref<3x128xi32, #tpu.memory_space<vmem>>, vector<1x16xi32>,
    %swap3A_528 = vector.shape_cast %swap3A_527 : vector<1x16xi32> to vector<16xi32>
    %swap3A_529 = vector.shape_cast %add3A_523 : vector<16xi32> to vector<1x16xi32>
    tpu.vector_store %arg8[%swap3A_525, %swap3A_526], %swap3A_529 {strides = array<i32>} : memref<3x128xi32, #tpu.memory_space<vmem>>, vector<1x16xi32>,
    %add3A_530 = arith.constant 250000 : i32
    %add3A_531 = vector.broadcast %add3A_530 : i32 to vector<16xi32>
    %add3A_532 = arith.addi %get3A_520, %add3A_531 : vector<16xi32>
    %swap3A_533 = arith.constant 2 : i32
    %swap3A_534 = arith.index_cast %swap3A_533 : i32 to index
    %swap3A_535 = arith.constant 96 : index
    %swap3A_536 = tpu.vector_load %arg9[%swap3A_534, %swap3A_535] {strides = array<i32>} : memref<3x128xi32, #tpu.memory_space<vmem>>, vector<1x16xi32>,
    %swap3A_537 = vector.shape_cast %swap3A_536 : vector<1x16xi32> to vector<16xi32>
    %swap3A_538 = vector.shape_cast %add3A_532 : vector<16xi32> to vector<1x16xi32>
    tpu.vector_store %arg9[%swap3A_534, %swap3A_535], %swap3A_538 {strides = array<i32>} : memref<3x128xi32, #tpu.memory_space<vmem>>, vector<1x16xi32>,
    %get3A_539 = arith.constant 112 : index
    %get3A_540 = tpu.vector_load %arg6[%get3A_539] {strides = array<i32>} : memref<128xi32, #tpu.memory_space<vmem>>, vector<16xi32>,
    %get3A_541 = vector.shape_cast %get3A_540 : vector<16xi32> to vector<16xi32>
    %add3A_542 = arith.constant 100000 : i32
    %add3A_543 = vector.broadcast %add3A_542 : i32 to vector<16xi32>
    %add3A_544 = arith.addi %get3A_541, %add3A_543 : vector<16xi32>
    %swap3A_545 = arith.constant 2 : i32
    %swap3A_546 = arith.index_cast %swap3A_545 : i32 to index
    %swap3A_547 = arith.constant 112 : index
    %swap3A_548 = tpu.vector_load %arg8[%swap3A_546, %swap3A_547] {strides = array<i32>} : memref<3x128xi32, #tpu.memory_space<vmem>>, vector<1x16xi32>,
    %swap3A_549 = vector.shape_cast %swap3A_548 : vector<1x16xi32> to vector<16xi32>
    %swap3A_550 = vector.shape_cast %add3A_544 : vector<16xi32> to vector<1x16xi32>
    tpu.vector_store %arg8[%swap3A_546, %swap3A_547], %swap3A_550 {strides = array<i32>} : memref<3x128xi32, #tpu.memory_space<vmem>>, vector<1x16xi32>,
    %add3A_551 = arith.constant 250000 : i32
    %add3A_552 = vector.broadcast %add3A_551 : i32 to vector<16xi32>
    %add3A_553 = arith.addi %get3A_541, %add3A_552 : vector<16xi32>
    %swap3A_554 = arith.constant 2 : i32
    %swap3A_555 = arith.index_cast %swap3A_554 : i32 to index
    %swap3A_556 = arith.constant 112 : index
    %swap3A_557 = tpu.vector_load %arg9[%swap3A_555, %swap3A_556] {strides = array<i32>} : memref<3x128xi32, #tpu.memory_space<vmem>>, vector<1x16xi32>,
    %swap3A_558 = vector.shape_cast %swap3A_557 : vector<1x16xi32> to vector<16xi32>
    %swap3A_559 = vector.shape_cast %add3A_553 : vector<16xi32> to vector<1x16xi32>
    tpu.vector_store %arg9[%swap3A_555, %swap3A_556], %swap3A_559 {strides = array<i32>} : memref<3x128xi32, #tpu.memory_space<vmem>>, vector<1x16xi32>,
    %dma_start3A = arith.constant 0 : i32
    %dma_start3A_560 = arith.constant 0 : i32
    %dma_start3A_561 = arith.constant 0 : i32
    %dma_start3A_562 = arith.constant 0 : i32
    %dma_start3A_563 = tpu.memref_slice %arg10[%dma_start3A_560, %dma_start3A_561, %dma_start3A_562] : memref<3x128x128xf32, #tpu.memory_space<vmem>> -> memref<1x128x128xf32, #tpu.memory_space<vmem>>
    %dma_start3A_564 = tpu.memref_squeeze %dma_start3A_563 : memref<1x128x128xf32, #tpu.memory_space<vmem>> -> memref<128x128xf32, #tpu.memory_space<vmem>>
    %dma_start3A_565 = arith.constant 0 : i32
    %dma_start3A_566 = tpu.memref_slice %arg9[%dma_start3A, %dma_start3A_565] : memref<3x128xi32, #tpu.memory_space<vmem>> -> memref<1x128xi32, #tpu.memory_space<vmem>>
    %dma_start3A_567 = tpu.memref_squeeze %dma_start3A_566 : memref<1x128xi32, #tpu.memory_space<vmem>> -> memref<128xi32, #tpu.memory_space<vmem>>
    %dma_start3A_568 = arith.constant 0 : i32
    %dma_start3A_569 = arith.constant 0 : i32
    %dma_start3A_570 = tpu.memref_slice %arg3[%dma_start3A_568, %dma_start3A_569] : memref<300000x128xf32, #tpu.memory_space<hbm>> -> memref<300000x128xf32, #tpu.memory_space<hbm>>
    tpu.enqueue_indirect_dma source(%dma_start3A_570 : memref<300000x128xf32, #tpu.memory_space<hbm>>) target(%dma_start3A_564 : memref<128x128xf32, #tpu.memory_space<vmem>>) offsets(%dma_start3A_567 : memref<128xi32, #tpu.memory_space<vmem>>) semaphore(%arg11 : memref<!tpu.dma_semaphore, #tpu.memory_space<semaphore_mem>>)
    %dma_start3A_571 = arith.constant 1 : i32
    %dma_start3A_572 = arith.constant 1 : i32
    %dma_start3A_573 = arith.constant 0 : i32
    %dma_start3A_574 = arith.constant 0 : i32
    %dma_start3A_575 = tpu.memref_slice %arg10[%dma_start3A_572, %dma_start3A_573, %dma_start3A_574] : memref<3x128x128xf32, #tpu.memory_space<vmem>> -> memref<1x128x128xf32, #tpu.memory_space<vmem>>
    %dma_start3A_576 = tpu.memref_squeeze %dma_start3A_575 : memref<1x128x128xf32, #tpu.memory_space<vmem>> -> memref<128x128xf32, #tpu.memory_space<vmem>>
    %dma_start3A_577 = arith.constant 0 : i32
    %dma_start3A_578 = tpu.memref_slice %arg9[%dma_start3A_571, %dma_start3A_577] : memref<3x128xi32, #tpu.memory_space<vmem>> -> memref<1x128xi32, #tpu.memory_space<vmem>>
    %dma_start3A_579 = tpu.memref_squeeze %dma_start3A_578 : memref<1x128xi32, #tpu.memory_space<vmem>> -> memref<128xi32, #tpu.memory_space<vmem>>
    %dma_start3A_580 = arith.constant 0 : i32
    %dma_start3A_581 = arith.constant 0 : i32
    %dma_start3A_582 = tpu.memref_slice %arg3[%dma_start3A_580, %dma_start3A_581] : memref<300000x128xf32, #tpu.memory_space<hbm>> -> memref<300000x128xf32, #tpu.memory_space<hbm>>
    tpu.enqueue_indirect_dma source(%dma_start3A_582 : memref<300000x128xf32, #tpu.memory_space<hbm>>) target(%dma_start3A_576 : memref<128x128xf32, #tpu.memory_space<vmem>>) offsets(%dma_start3A_579 : memref<128xi32, #tpu.memory_space<vmem>>) semaphore(%arg11 : memref<!tpu.dma_semaphore, #tpu.memory_space<semaphore_mem>>)
    %dma_start3A_583 = arith.constant 2 : i32
    %dma_start3A_584 = arith.constant 2 : i32
    %dma_start3A_585 = arith.constant 0 : i32
    %dma_start3A_586 = arith.constant 0 : i32
    %dma_start3A_587 = tpu.memref_slice %arg10[%dma_start3A_584, %dma_start3A_585, %dma_start3A_586] : memref<3x128x128xf32, #tpu.memory_space<vmem>> -> memref<1x128x128xf32, #tpu.memory_space<vmem>>
    %dma_start3A_588 = tpu.memref_squeeze %dma_start3A_587 : memref<1x128x128xf32, #tpu.memory_space<vmem>> -> memref<128x128xf32, #tpu.memory_space<vmem>>
    %dma_start3A_589 = arith.constant 0 : i32
    %dma_start3A_590 = tpu.memref_slice %arg9[%dma_start3A_583, %dma_start3A_589] : memref<3x128xi32, #tpu.memory_space<vmem>> -> memref<1x128xi32, #tpu.memory_space<vmem>>
    %dma_start3A_591 = tpu.memref_squeeze %dma_start3A_590 : memref<1x128xi32, #tpu.memory_space<vmem>> -> memref<128xi32, #tpu.memory_space<vmem>>
    %dma_start3A_592 = arith.constant 0 : i32
    %dma_start3A_593 = arith.constant 0 : i32
    %dma_start3A_594 = tpu.memref_slice %arg3[%dma_start3A_592, %dma_start3A_593] : memref<300000x128xf32, #tpu.memory_space<hbm>> -> memref<300000x128xf32, #tpu.memory_space<hbm>>
    tpu.enqueue_indirect_dma source(%dma_start3A_594 : memref<300000x128xf32, #tpu.memory_space<hbm>>) target(%dma_start3A_588 : memref<128x128xf32, #tpu.memory_space<vmem>>) offsets(%dma_start3A_591 : memref<128xi32, #tpu.memory_space<vmem>>) semaphore(%arg11 : memref<!tpu.dma_semaphore, #tpu.memory_space<semaphore_mem>>)
    %dma_wait3A = arith.constant 0 : i32
    %dma_wait3A_595 = arith.constant 0 : i32
    %dma_wait3A_596 = arith.constant 0 : i32
    %dma_wait3A_597 = arith.constant 0 : i32
    %dma_wait3A_598 = tpu.memref_slice %arg10[%dma_wait3A_595, %dma_wait3A_596, %dma_wait3A_597] : memref<3x128x128xf32, #tpu.memory_space<vmem>> -> memref<1x128x128xf32, #tpu.memory_space<vmem>>
    %dma_wait3A_599 = tpu.memref_squeeze %dma_wait3A_598 : memref<1x128x128xf32, #tpu.memory_space<vmem>> -> memref<128x128xf32, #tpu.memory_space<vmem>>
    %dma_wait3A_600 = arith.constant 0 : i32
    %dma_wait3A_601 = tpu.memref_slice %arg9[%dma_wait3A, %dma_wait3A_600] : memref<3x128xi32, #tpu.memory_space<vmem>> -> memref<1x128xi32, #tpu.memory_space<vmem>>
    %dma_wait3A_602 = tpu.memref_squeeze %dma_wait3A_601 : memref<1x128xi32, #tpu.memory_space<vmem>> -> memref<128xi32, #tpu.memory_space<vmem>>
    %dma_wait3A_603 = arith.constant 0 : i32
    %dma_wait3A_604 = arith.constant 0 : i32
    %dma_wait3A_605 = tpu.memref_slice %arg3[%dma_wait3A_603, %dma_wait3A_604] : memref<300000x128xf32, #tpu.memory_space<hbm>> -> memref<300000x128xf32, #tpu.memory_space<hbm>>
    tpu.wait_indirect_dma semaphore(%arg11 : memref<!tpu.dma_semaphore, #tpu.memory_space<semaphore_mem>>) src(%dma_wait3A_605 : memref<300000x128xf32, #tpu.memory_space<hbm>>) dst(%dma_wait3A_599 : memref<128x128xf32, #tpu.memory_space<vmem>>)
    %parallel_loop3A = arith.constant 0 : i32
    %parallel_loop3A_606 = arith.constant 128 : i32
    %parallel_loop3A_607 = arith.constant 1 : i32
    scf.for %parallel_loop3A_812 = %parallel_loop3A to %parallel_loop3A_606 step %parallel_loop3A_607  : i32 {
      %parallel_loop3A_813 = arith.constant 0 : i32
      %parallel_loop3A_814 = arith.index_cast %parallel_loop3A_813 : i32 to index
      %parallel_loop3A_815 = arith.index_cast %parallel_loop3A_812 : i32 to index
      %parallel_loop3A_816 = arith.constant 0 : index
      %parallel_loop3A_817 = tpu.vector_load %arg10[%parallel_loop3A_814, %parallel_loop3A_815, %parallel_loop3A_816] {strides = array<i32>} : memref<3x128x128xf32, #tpu.memory_space<vmem>>, vector<1x1x16xf32>,
      %parallel_loop3A_818 = vector.shape_cast %parallel_loop3A_817 : vector<1x1x16xf32> to vector<16xf32>
      %parallel_loop3A_819 = arith.mulf %parallel_loop3A_818, %exp3A : vector<16xf32>
      %parallel_loop3A_820 = arith.constant 0 : i32
      %parallel_loop3A_821 = arith.index_cast %parallel_loop3A_820 : i32 to index
      %parallel_loop3A_822 = arith.index_cast %parallel_loop3A_812 : i32 to index
      %parallel_loop3A_823 = arith.constant 0 : index
      %parallel_loop3A_824 = tpu.vector_load %arg10[%parallel_loop3A_821, %parallel_loop3A_822, %parallel_loop3A_823] {strides = array<i32>} : memref<3x128x128xf32, #tpu.memory_space<vmem>>, vector<1x1x16xf32>,
      %parallel_loop3A_825 = vector.shape_cast %parallel_loop3A_824 : vector<1x1x16xf32> to vector<16xf32>
      %parallel_loop3A_826 = vector.shape_cast %parallel_loop3A_819 : vector<16xf32> to vector<1x1x16xf32>
      tpu.vector_store %arg10[%parallel_loop3A_821, %parallel_loop3A_822, %parallel_loop3A_823], %parallel_loop3A_826 {strides = array<i32>} : memref<3x128x128xf32, #tpu.memory_space<vmem>>, vector<1x1x16xf32>,
      %parallel_loop3A_827 = arith.constant 0 : i32
      %parallel_loop3A_828 = arith.index_cast %parallel_loop3A_827 : i32 to index
      %parallel_loop3A_829 = arith.index_cast %parallel_loop3A_812 : i32 to index
      %parallel_loop3A_830 = arith.constant 16 : index
      %parallel_loop3A_831 = tpu.vector_load %arg10[%parallel_loop3A_828, %parallel_loop3A_829, %parallel_loop3A_830] {strides = array<i32>} : memref<3x128x128xf32, #tpu.memory_space<vmem>>, vector<1x1x16xf32>,
      %parallel_loop3A_832 = vector.shape_cast %parallel_loop3A_831 : vector<1x1x16xf32> to vector<16xf32>
      %parallel_loop3A_833 = arith.mulf %parallel_loop3A_832, %exp3A : vector<16xf32>
      %parallel_loop3A_834 = arith.constant 0 : i32
      %parallel_loop3A_835 = arith.index_cast %parallel_loop3A_834 : i32 to index
      %parallel_loop3A_836 = arith.index_cast %parallel_loop3A_812 : i32 to index
      %parallel_loop3A_837 = arith.constant 16 : index
      %parallel_loop3A_838 = tpu.vector_load %arg10[%parallel_loop3A_835, %parallel_loop3A_836, %parallel_loop3A_837] {strides = array<i32>} : memref<3x128x128xf32, #tpu.memory_space<vmem>>, vector<1x1x16xf32>,
      %parallel_loop3A_839 = vector.shape_cast %parallel_loop3A_838 : vector<1x1x16xf32> to vector<16xf32>
      %parallel_loop3A_840 = vector.shape_cast %parallel_loop3A_833 : vector<16xf32> to vector<1x1x16xf32>
      tpu.vector_store %arg10[%parallel_loop3A_835, %parallel_loop3A_836, %parallel_loop3A_837], %parallel_loop3A_840 {strides = array<i32>} : memref<3x128x128xf32, #tpu.memory_space<vmem>>, vector<1x1x16xf32>,
      %parallel_loop3A_841 = arith.constant 0 : i32
      %parallel_loop3A_842 = arith.index_cast %parallel_loop3A_841 : i32 to index
      %parallel_loop3A_843 = arith.index_cast %parallel_loop3A_812 : i32 to index
      %parallel_loop3A_844 = arith.constant 32 : index
      %parallel_loop3A_845 = tpu.vector_load %arg10[%parallel_loop3A_842, %parallel_loop3A_843, %parallel_loop3A_844] {strides = array<i32>} : memref<3x128x128xf32, #tpu.memory_space<vmem>>, vector<1x1x16xf32>,
      %parallel_loop3A_846 = vector.shape_cast %parallel_loop3A_845 : vector<1x1x16xf32> to vector<16xf32>
      %parallel_loop3A_847 = arith.mulf %parallel_loop3A_846, %exp3A : vector<16xf32>
      %parallel_loop3A_848 = arith.constant 0 : i32
      %parallel_loop3A_849 = arith.index_cast %parallel_loop3A_848 : i32 to index
      %parallel_loop3A_850 = arith.index_cast %parallel_loop3A_812 : i32 to index
      %parallel_loop3A_851 = arith.constant 32 : index
      %parallel_loop3A_852 = tpu.vector_load %arg10[%parallel_loop3A_849, %parallel_loop3A_850, %parallel_loop3A_851] {strides = array<i32>} : memref<3x128x128xf32, #tpu.memory_space<vmem>>, vector<1x1x16xf32>,
      %parallel_loop3A_853 = vector.shape_cast %parallel_loop3A_852 : vector<1x1x16xf32> to vector<16xf32>
      %parallel_loop3A_854 = vector.shape_cast %parallel_loop3A_847 : vector<16xf32> to vector<1x1x16xf32>
      tpu.vector_store %arg10[%parallel_loop3A_849, %parallel_loop3A_850, %parallel_loop3A_851], %parallel_loop3A_854 {strides = array<i32>} : memref<3x128x128xf32, #tpu.memory_space<vmem>>, vector<1x1x16xf32>,
      %parallel_loop3A_855 = arith.constant 0 : i32
      %parallel_loop3A_856 = arith.index_cast %parallel_loop3A_855 : i32 to index
      %parallel_loop3A_857 = arith.index_cast %parallel_loop3A_812 : i32 to index
      %parallel_loop3A_858 = arith.constant 48 : index
      %parallel_loop3A_859 = tpu.vector_load %arg10[%parallel_loop3A_856, %parallel_loop3A_857, %parallel_loop3A_858] {strides = array<i32>} : memref<3x128x128xf32, #tpu.memory_space<vmem>>, vector<1x1x16xf32>,
      %parallel_loop3A_860 = vector.shape_cast %parallel_loop3A_859 : vector<1x1x16xf32> to vector<16xf32>
      %parallel_loop3A_861 = arith.mulf %parallel_loop3A_860, %exp3A : vector<16xf32>
      %parallel_loop3A_862 = arith.constant 0 : i32
      %parallel_loop3A_863 = arith.index_cast %parallel_loop3A_862 : i32 to index
      %parallel_loop3A_864 = arith.index_cast %parallel_loop3A_812 : i32 to index
      %parallel_loop3A_865 = arith.constant 48 : index
      %parallel_loop3A_866 = tpu.vector_load %arg10[%parallel_loop3A_863, %parallel_loop3A_864, %parallel_loop3A_865] {strides = array<i32>} : memref<3x128x128xf32, #tpu.memory_space<vmem>>, vector<1x1x16xf32>,
      %parallel_loop3A_867 = vector.shape_cast %parallel_loop3A_866 : vector<1x1x16xf32> to vector<16xf32>
      %parallel_loop3A_868 = vector.shape_cast %parallel_loop3A_861 : vector<16xf32> to vector<1x1x16xf32>
      tpu.vector_store %arg10[%parallel_loop3A_863, %parallel_loop3A_864, %parallel_loop3A_865], %parallel_loop3A_868 {strides = array<i32>} : memref<3x128x128xf32, #tpu.memory_space<vmem>>, vector<1x1x16xf32>,
      %parallel_loop3A_869 = arith.constant 0 : i32
      %parallel_loop3A_870 = arith.index_cast %parallel_loop3A_869 : i32 to index
      %parallel_loop3A_871 = arith.index_cast %parallel_loop3A_812 : i32 to index
      %parallel_loop3A_872 = arith.constant 64 : index
      %parallel_loop3A_873 = tpu.vector_load %arg10[%parallel_loop3A_870, %parallel_loop3A_871, %parallel_loop3A_872] {strides = array<i32>} : memref<3x128x128xf32, #tpu.memory_space<vmem>>, vector<1x1x16xf32>,
      %parallel_loop3A_874 = vector.shape_cast %parallel_loop3A_873 : vector<1x1x16xf32> to vector<16xf32>
      %parallel_loop3A_875 = arith.mulf %parallel_loop3A_874, %exp3A : vector<16xf32>
      %parallel_loop3A_876 = arith.constant 0 : i32
      %parallel_loop3A_877 = arith.index_cast %parallel_loop3A_876 : i32 to index
      %parallel_loop3A_878 = arith.index_cast %parallel_loop3A_812 : i32 to index
      %parallel_loop3A_879 = arith.constant 64 : index
      %parallel_loop3A_880 = tpu.vector_load %arg10[%parallel_loop3A_877, %parallel_loop3A_878, %parallel_loop3A_879] {strides = array<i32>} : memref<3x128x128xf32, #tpu.memory_space<vmem>>, vector<1x1x16xf32>,
      %parallel_loop3A_881 = vector.shape_cast %parallel_loop3A_880 : vector<1x1x16xf32> to vector<16xf32>
      %parallel_loop3A_882 = vector.shape_cast %parallel_loop3A_875 : vector<16xf32> to vector<1x1x16xf32>
      tpu.vector_store %arg10[%parallel_loop3A_877, %parallel_loop3A_878, %parallel_loop3A_879], %parallel_loop3A_882 {strides = array<i32>} : memref<3x128x128xf32, #tpu.memory_space<vmem>>, vector<1x1x16xf32>,
      %parallel_loop3A_883 = arith.constant 0 : i32
      %parallel_loop3A_884 = arith.index_cast %parallel_loop3A_883 : i32 to index
      %parallel_loop3A_885 = arith.index_cast %parallel_loop3A_812 : i32 to index
      %parallel_loop3A_886 = arith.constant 80 : index
      %parallel_loop3A_887 = tpu.vector_load %arg10[%parallel_loop3A_884, %parallel_loop3A_885, %parallel_loop3A_886] {strides = array<i32>} : memref<3x128x128xf32, #tpu.memory_space<vmem>>, vector<1x1x16xf32>,
      %parallel_loop3A_888 = vector.shape_cast %parallel_loop3A_887 : vector<1x1x16xf32> to vector<16xf32>
      %parallel_loop3A_889 = arith.mulf %parallel_loop3A_888, %exp3A : vector<16xf32>
      %parallel_loop3A_890 = arith.constant 0 : i32
      %parallel_loop3A_891 = arith.index_cast %parallel_loop3A_890 : i32 to index
      %parallel_loop3A_892 = arith.index_cast %parallel_loop3A_812 : i32 to index
      %parallel_loop3A_893 = arith.constant 80 : index
      %parallel_loop3A_894 = tpu.vector_load %arg10[%parallel_loop3A_891, %parallel_loop3A_892, %parallel_loop3A_893] {strides = array<i32>} : memref<3x128x128xf32, #tpu.memory_space<vmem>>, vector<1x1x16xf32>,
      %parallel_loop3A_895 = vector.shape_cast %parallel_loop3A_894 : vector<1x1x16xf32> to vector<16xf32>
      %parallel_loop3A_896 = vector.shape_cast %parallel_loop3A_889 : vector<16xf32> to vector<1x1x16xf32>
      tpu.vector_store %arg10[%parallel_loop3A_891, %parallel_loop3A_892, %parallel_loop3A_893], %parallel_loop3A_896 {strides = array<i32>} : memref<3x128x128xf32, #tpu.memory_space<vmem>>, vector<1x1x16xf32>,
      %parallel_loop3A_897 = arith.constant 0 : i32
      %parallel_loop3A_898 = arith.index_cast %parallel_loop3A_897 : i32 to index
      %parallel_loop3A_899 = arith.index_cast %parallel_loop3A_812 : i32 to index
      %parallel_loop3A_900 = arith.constant 96 : index
      %parallel_loop3A_901 = tpu.vector_load %arg10[%parallel_loop3A_898, %parallel_loop3A_899, %parallel_loop3A_900] {strides = array<i32>} : memref<3x128x128xf32, #tpu.memory_space<vmem>>, vector<1x1x16xf32>,
      %parallel_loop3A_902 = vector.shape_cast %parallel_loop3A_901 : vector<1x1x16xf32> to vector<16xf32>
      %parallel_loop3A_903 = arith.mulf %parallel_loop3A_902, %exp3A : vector<16xf32>
      %parallel_loop3A_904 = arith.constant 0 : i32
      %parallel_loop3A_905 = arith.index_cast %parallel_loop3A_904 : i32 to index
      %parallel_loop3A_906 = arith.index_cast %parallel_loop3A_812 : i32 to index
      %parallel_loop3A_907 = arith.constant 96 : index
      %parallel_loop3A_908 = tpu.vector_load %arg10[%parallel_loop3A_905, %parallel_loop3A_906, %parallel_loop3A_907] {strides = array<i32>} : memref<3x128x128xf32, #tpu.memory_space<vmem>>, vector<1x1x16xf32>,
      %parallel_loop3A_909 = vector.shape_cast %parallel_loop3A_908 : vector<1x1x16xf32> to vector<16xf32>
      %parallel_loop3A_910 = vector.shape_cast %parallel_loop3A_903 : vector<16xf32> to vector<1x1x16xf32>
      tpu.vector_store %arg10[%parallel_loop3A_905, %parallel_loop3A_906, %parallel_loop3A_907], %parallel_loop3A_910 {strides = array<i32>} : memref<3x128x128xf32, #tpu.memory_space<vmem>>, vector<1x1x16xf32>,
      %parallel_loop3A_911 = arith.constant 0 : i32
      %parallel_loop3A_912 = arith.index_cast %parallel_loop3A_911 : i32 to index
      %parallel_loop3A_913 = arith.index_cast %parallel_loop3A_812 : i32 to index
      %parallel_loop3A_914 = arith.constant 112 : index
      %parallel_loop3A_915 = tpu.vector_load %arg10[%parallel_loop3A_912, %parallel_loop3A_913, %parallel_loop3A_914] {strides = array<i32>} : memref<3x128x128xf32, #tpu.memory_space<vmem>>, vector<1x1x16xf32>,
      %parallel_loop3A_916 = vector.shape_cast %parallel_loop3A_915 : vector<1x1x16xf32> to vector<16xf32>
      %parallel_loop3A_917 = arith.mulf %parallel_loop3A_916, %exp3A : vector<16xf32>
      %parallel_loop3A_918 = arith.constant 0 : i32
      %parallel_loop3A_919 = arith.index_cast %parallel_loop3A_918 : i32 to index
      %parallel_loop3A_920 = arith.index_cast %parallel_loop3A_812 : i32 to index
      %parallel_loop3A_921 = arith.constant 112 : index
      %parallel_loop3A_922 = tpu.vector_load %arg10[%parallel_loop3A_919, %parallel_loop3A_920, %parallel_loop3A_921] {strides = array<i32>} : memref<3x128x128xf32, #tpu.memory_space<vmem>>, vector<1x1x16xf32>,
      %parallel_loop3A_923 = vector.shape_cast %parallel_loop3A_922 : vector<1x1x16xf32> to vector<16xf32>
      %parallel_loop3A_924 = vector.shape_cast %parallel_loop3A_917 : vector<16xf32> to vector<1x1x16xf32>
      tpu.vector_store %arg10[%parallel_loop3A_919, %parallel_loop3A_920, %parallel_loop3A_921], %parallel_loop3A_924 {strides = array<i32>} : memref<3x128x128xf32, #tpu.memory_space<vmem>>, vector<1x1x16xf32>,
    } {sc.loop_unroll_factor = 2 : i64, sc.parallel_access}
    %dma_start3A_608 = arith.constant 0 : i32
    %dma_start3A_609 = arith.constant 0 : i32
    %dma_start3A_610 = arith.constant 0 : i32
    %dma_start3A_611 = arith.constant 0 : i32
    %dma_start3A_612 = tpu.memref_slice %arg10[%dma_start3A_609, %dma_start3A_610, %dma_start3A_611] : memref<3x128x128xf32, #tpu.memory_space<vmem>> -> memref<1x128x128xf32, #tpu.memory_space<vmem>>
    %dma_start3A_613 = tpu.memref_squeeze %dma_start3A_612 : memref<1x128x128xf32, #tpu.memory_space<vmem>> -> memref<128x128xf32, #tpu.memory_space<vmem>>
    %dma_start3A_614 = arith.constant 0 : i32
    %dma_start3A_615 = tpu.memref_slice %arg8[%dma_start3A_608, %dma_start3A_614] : memref<3x128xi32, #tpu.memory_space<vmem>> -> memref<1x128xi32, #tpu.memory_space<vmem>>
    %dma_start3A_616 = tpu.memref_squeeze %dma_start3A_615 : memref<1x128xi32, #tpu.memory_space<vmem>> -> memref<128xi32, #tpu.memory_space<vmem>>
    %dma_start3A_617 = arith.constant 0 : i32
    %dma_start3A_618 = arith.constant 0 : i32
    %dma_start3A_619 = tpu.memref_slice %arg3[%dma_start3A_617, %dma_start3A_618] : memref<300000x128xf32, #tpu.memory_space<hbm>> -> memref<300000x128xf32, #tpu.memory_space<hbm>>
    tpu.enqueue_indirect_dma source(%dma_start3A_619 : memref<300000x128xf32, #tpu.memory_space<hbm>>) target(%dma_start3A_613 : memref<128x128xf32, #tpu.memory_space<vmem>>) offsets(%dma_start3A_616 : memref<128xi32, #tpu.memory_space<vmem>>) semaphore(%arg12 : memref<!tpu.dma_semaphore, #tpu.memory_space<semaphore_mem>>) {add = true}
    %dma_wait3A_620 = arith.constant 1 : i32
    %dma_wait3A_621 = arith.constant 1 : i32
    %dma_wait3A_622 = arith.constant 0 : i32
    %dma_wait3A_623 = arith.constant 0 : i32
    %dma_wait3A_624 = tpu.memref_slice %arg10[%dma_wait3A_621, %dma_wait3A_622, %dma_wait3A_623] : memref<3x128x128xf32, #tpu.memory_space<vmem>> -> memref<1x128x128xf32, #tpu.memory_space<vmem>>
    %dma_wait3A_625 = tpu.memref_squeeze %dma_wait3A_624 : memref<1x128x128xf32, #tpu.memory_space<vmem>> -> memref<128x128xf32, #tpu.memory_space<vmem>>
    %dma_wait3A_626 = arith.constant 0 : i32
    %dma_wait3A_627 = tpu.memref_slice %arg9[%dma_wait3A_620, %dma_wait3A_626] : memref<3x128xi32, #tpu.memory_space<vmem>> -> memref<1x128xi32, #tpu.memory_space<vmem>>
    %dma_wait3A_628 = tpu.memref_squeeze %dma_wait3A_627 : memref<1x128xi32, #tpu.memory_space<vmem>> -> memref<128xi32, #tpu.memory_space<vmem>>
    %dma_wait3A_629 = arith.constant 0 : i32
    %dma_wait3A_630 = arith.constant 0 : i32
    %dma_wait3A_631 = tpu.memref_slice %arg3[%dma_wait3A_629, %dma_wait3A_630] : memref<300000x128xf32, #tpu.memory_space<hbm>> -> memref<300000x128xf32, #tpu.memory_space<hbm>>
    tpu.wait_indirect_dma semaphore(%arg11 : memref<!tpu.dma_semaphore, #tpu.memory_space<semaphore_mem>>) src(%dma_wait3A_631 : memref<300000x128xf32, #tpu.memory_space<hbm>>) dst(%dma_wait3A_625 : memref<128x128xf32, #tpu.memory_space<vmem>>)
    %parallel_loop3A_632 = arith.constant 0 : i32
    %parallel_loop3A_633 = arith.constant 128 : i32
    %parallel_loop3A_634 = arith.constant 1 : i32
    scf.for %parallel_loop3A_812 = %parallel_loop3A_632 to %parallel_loop3A_633 step %parallel_loop3A_634  : i32 {
      %parallel_loop3A_813 = arith.constant 1 : i32
      %parallel_loop3A_814 = arith.index_cast %parallel_loop3A_813 : i32 to index
      %parallel_loop3A_815 = arith.index_cast %parallel_loop3A_812 : i32 to index
      %parallel_loop3A_816 = arith.constant 0 : index
      %parallel_loop3A_817 = tpu.vector_load %arg10[%parallel_loop3A_814, %parallel_loop3A_815, %parallel_loop3A_816] {strides = array<i32>} : memref<3x128x128xf32, #tpu.memory_space<vmem>>, vector<1x1x16xf32>,
      %parallel_loop3A_818 = vector.shape_cast %parallel_loop3A_817 : vector<1x1x16xf32> to vector<16xf32>
      %parallel_loop3A_819 = arith.mulf %parallel_loop3A_818, %exp3A_44 : vector<16xf32>
      %parallel_loop3A_820 = arith.constant 1 : i32
      %parallel_loop3A_821 = arith.index_cast %parallel_loop3A_820 : i32 to index
      %parallel_loop3A_822 = arith.index_cast %parallel_loop3A_812 : i32 to index
      %parallel_loop3A_823 = arith.constant 0 : index
      %parallel_loop3A_824 = tpu.vector_load %arg10[%parallel_loop3A_821, %parallel_loop3A_822, %parallel_loop3A_823] {strides = array<i32>} : memref<3x128x128xf32, #tpu.memory_space<vmem>>, vector<1x1x16xf32>,
      %parallel_loop3A_825 = vector.shape_cast %parallel_loop3A_824 : vector<1x1x16xf32> to vector<16xf32>
      %parallel_loop3A_826 = vector.shape_cast %parallel_loop3A_819 : vector<16xf32> to vector<1x1x16xf32>
      tpu.vector_store %arg10[%parallel_loop3A_821, %parallel_loop3A_822, %parallel_loop3A_823], %parallel_loop3A_826 {strides = array<i32>} : memref<3x128x128xf32, #tpu.memory_space<vmem>>, vector<1x1x16xf32>,
      %parallel_loop3A_827 = arith.constant 1 : i32
      %parallel_loop3A_828 = arith.index_cast %parallel_loop3A_827 : i32 to index
      %parallel_loop3A_829 = arith.index_cast %parallel_loop3A_812 : i32 to index
      %parallel_loop3A_830 = arith.constant 16 : index
      %parallel_loop3A_831 = tpu.vector_load %arg10[%parallel_loop3A_828, %parallel_loop3A_829, %parallel_loop3A_830] {strides = array<i32>} : memref<3x128x128xf32, #tpu.memory_space<vmem>>, vector<1x1x16xf32>,
      %parallel_loop3A_832 = vector.shape_cast %parallel_loop3A_831 : vector<1x1x16xf32> to vector<16xf32>
      %parallel_loop3A_833 = arith.mulf %parallel_loop3A_832, %exp3A_44 : vector<16xf32>
      %parallel_loop3A_834 = arith.constant 1 : i32
      %parallel_loop3A_835 = arith.index_cast %parallel_loop3A_834 : i32 to index
      %parallel_loop3A_836 = arith.index_cast %parallel_loop3A_812 : i32 to index
      %parallel_loop3A_837 = arith.constant 16 : index
      %parallel_loop3A_838 = tpu.vector_load %arg10[%parallel_loop3A_835, %parallel_loop3A_836, %parallel_loop3A_837] {strides = array<i32>} : memref<3x128x128xf32, #tpu.memory_space<vmem>>, vector<1x1x16xf32>,
      %parallel_loop3A_839 = vector.shape_cast %parallel_loop3A_838 : vector<1x1x16xf32> to vector<16xf32>
      %parallel_loop3A_840 = vector.shape_cast %parallel_loop3A_833 : vector<16xf32> to vector<1x1x16xf32>
      tpu.vector_store %arg10[%parallel_loop3A_835, %parallel_loop3A_836, %parallel_loop3A_837], %parallel_loop3A_840 {strides = array<i32>} : memref<3x128x128xf32, #tpu.memory_space<vmem>>, vector<1x1x16xf32>,
      %parallel_loop3A_841 = arith.constant 1 : i32
      %parallel_loop3A_842 = arith.index_cast %parallel_loop3A_841 : i32 to index
      %parallel_loop3A_843 = arith.index_cast %parallel_loop3A_812 : i32 to index
      %parallel_loop3A_844 = arith.constant 32 : index
      %parallel_loop3A_845 = tpu.vector_load %arg10[%parallel_loop3A_842, %parallel_loop3A_843, %parallel_loop3A_844] {strides = array<i32>} : memref<3x128x128xf32, #tpu.memory_space<vmem>>, vector<1x1x16xf32>,
      %parallel_loop3A_846 = vector.shape_cast %parallel_loop3A_845 : vector<1x1x16xf32> to vector<16xf32>
      %parallel_loop3A_847 = arith.mulf %parallel_loop3A_846, %exp3A_44 : vector<16xf32>
      %parallel_loop3A_848 = arith.constant 1 : i32
      %parallel_loop3A_849 = arith.index_cast %parallel_loop3A_848 : i32 to index
      %parallel_loop3A_850 = arith.index_cast %parallel_loop3A_812 : i32 to index
      %parallel_loop3A_851 = arith.constant 32 : index
      %parallel_loop3A_852 = tpu.vector_load %arg10[%parallel_loop3A_849, %parallel_loop3A_850, %parallel_loop3A_851] {strides = array<i32>} : memref<3x128x128xf32, #tpu.memory_space<vmem>>, vector<1x1x16xf32>,
      %parallel_loop3A_853 = vector.shape_cast %parallel_loop3A_852 : vector<1x1x16xf32> to vector<16xf32>
      %parallel_loop3A_854 = vector.shape_cast %parallel_loop3A_847 : vector<16xf32> to vector<1x1x16xf32>
      tpu.vector_store %arg10[%parallel_loop3A_849, %parallel_loop3A_850, %parallel_loop3A_851], %parallel_loop3A_854 {strides = array<i32>} : memref<3x128x128xf32, #tpu.memory_space<vmem>>, vector<1x1x16xf32>,
      %parallel_loop3A_855 = arith.constant 1 : i32
      %parallel_loop3A_856 = arith.index_cast %parallel_loop3A_855 : i32 to index
      %parallel_loop3A_857 = arith.index_cast %parallel_loop3A_812 : i32 to index
      %parallel_loop3A_858 = arith.constant 48 : index
      %parallel_loop3A_859 = tpu.vector_load %arg10[%parallel_loop3A_856, %parallel_loop3A_857, %parallel_loop3A_858] {strides = array<i32>} : memref<3x128x128xf32, #tpu.memory_space<vmem>>, vector<1x1x16xf32>,
      %parallel_loop3A_860 = vector.shape_cast %parallel_loop3A_859 : vector<1x1x16xf32> to vector<16xf32>
      %parallel_loop3A_861 = arith.mulf %parallel_loop3A_860, %exp3A_44 : vector<16xf32>
      %parallel_loop3A_862 = arith.constant 1 : i32
      %parallel_loop3A_863 = arith.index_cast %parallel_loop3A_862 : i32 to index
      %parallel_loop3A_864 = arith.index_cast %parallel_loop3A_812 : i32 to index
      %parallel_loop3A_865 = arith.constant 48 : index
      %parallel_loop3A_866 = tpu.vector_load %arg10[%parallel_loop3A_863, %parallel_loop3A_864, %parallel_loop3A_865] {strides = array<i32>} : memref<3x128x128xf32, #tpu.memory_space<vmem>>, vector<1x1x16xf32>,
      %parallel_loop3A_867 = vector.shape_cast %parallel_loop3A_866 : vector<1x1x16xf32> to vector<16xf32>
      %parallel_loop3A_868 = vector.shape_cast %parallel_loop3A_861 : vector<16xf32> to vector<1x1x16xf32>
      tpu.vector_store %arg10[%parallel_loop3A_863, %parallel_loop3A_864, %parallel_loop3A_865], %parallel_loop3A_868 {strides = array<i32>} : memref<3x128x128xf32, #tpu.memory_space<vmem>>, vector<1x1x16xf32>,
      %parallel_loop3A_869 = arith.constant 1 : i32
      %parallel_loop3A_870 = arith.index_cast %parallel_loop3A_869 : i32 to index
      %parallel_loop3A_871 = arith.index_cast %parallel_loop3A_812 : i32 to index
      %parallel_loop3A_872 = arith.constant 64 : index
      %parallel_loop3A_873 = tpu.vector_load %arg10[%parallel_loop3A_870, %parallel_loop3A_871, %parallel_loop3A_872] {strides = array<i32>} : memref<3x128x128xf32, #tpu.memory_space<vmem>>, vector<1x1x16xf32>,
      %parallel_loop3A_874 = vector.shape_cast %parallel_loop3A_873 : vector<1x1x16xf32> to vector<16xf32>
      %parallel_loop3A_875 = arith.mulf %parallel_loop3A_874, %exp3A_44 : vector<16xf32>
      %parallel_loop3A_876 = arith.constant 1 : i32
      %parallel_loop3A_877 = arith.index_cast %parallel_loop3A_876 : i32 to index
      %parallel_loop3A_878 = arith.index_cast %parallel_loop3A_812 : i32 to index
      %parallel_loop3A_879 = arith.constant 64 : index
      %parallel_loop3A_880 = tpu.vector_load %arg10[%parallel_loop3A_877, %parallel_loop3A_878, %parallel_loop3A_879] {strides = array<i32>} : memref<3x128x128xf32, #tpu.memory_space<vmem>>, vector<1x1x16xf32>,
      %parallel_loop3A_881 = vector.shape_cast %parallel_loop3A_880 : vector<1x1x16xf32> to vector<16xf32>
      %parallel_loop3A_882 = vector.shape_cast %parallel_loop3A_875 : vector<16xf32> to vector<1x1x16xf32>
      tpu.vector_store %arg10[%parallel_loop3A_877, %parallel_loop3A_878, %parallel_loop3A_879], %parallel_loop3A_882 {strides = array<i32>} : memref<3x128x128xf32, #tpu.memory_space<vmem>>, vector<1x1x16xf32>,
      %parallel_loop3A_883 = arith.constant 1 : i32
      %parallel_loop3A_884 = arith.index_cast %parallel_loop3A_883 : i32 to index
      %parallel_loop3A_885 = arith.index_cast %parallel_loop3A_812 : i32 to index
      %parallel_loop3A_886 = arith.constant 80 : index
      %parallel_loop3A_887 = tpu.vector_load %arg10[%parallel_loop3A_884, %parallel_loop3A_885, %parallel_loop3A_886] {strides = array<i32>} : memref<3x128x128xf32, #tpu.memory_space<vmem>>, vector<1x1x16xf32>,
      %parallel_loop3A_888 = vector.shape_cast %parallel_loop3A_887 : vector<1x1x16xf32> to vector<16xf32>
      %parallel_loop3A_889 = arith.mulf %parallel_loop3A_888, %exp3A_44 : vector<16xf32>
      %parallel_loop3A_890 = arith.constant 1 : i32
      %parallel_loop3A_891 = arith.index_cast %parallel_loop3A_890 : i32 to index
      %parallel_loop3A_892 = arith.index_cast %parallel_loop3A_812 : i32 to index
      %parallel_loop3A_893 = arith.constant 80 : index
      %parallel_loop3A_894 = tpu.vector_load %arg10[%parallel_loop3A_891, %parallel_loop3A_892, %parallel_loop3A_893] {strides = array<i32>} : memref<3x128x128xf32, #tpu.memory_space<vmem>>, vector<1x1x16xf32>,
      %parallel_loop3A_895 = vector.shape_cast %parallel_loop3A_894 : vector<1x1x16xf32> to vector<16xf32>
      %parallel_loop3A_896 = vector.shape_cast %parallel_loop3A_889 : vector<16xf32> to vector<1x1x16xf32>
      tpu.vector_store %arg10[%parallel_loop3A_891, %parallel_loop3A_892, %parallel_loop3A_893], %parallel_loop3A_896 {strides = array<i32>} : memref<3x128x128xf32, #tpu.memory_space<vmem>>, vector<1x1x16xf32>,
      %parallel_loop3A_897 = arith.constant 1 : i32
      %parallel_loop3A_898 = arith.index_cast %parallel_loop3A_897 : i32 to index
      %parallel_loop3A_899 = arith.index_cast %parallel_loop3A_812 : i32 to index
      %parallel_loop3A_900 = arith.constant 96 : index
      %parallel_loop3A_901 = tpu.vector_load %arg10[%parallel_loop3A_898, %parallel_loop3A_899, %parallel_loop3A_900] {strides = array<i32>} : memref<3x128x128xf32, #tpu.memory_space<vmem>>, vector<1x1x16xf32>,
      %parallel_loop3A_902 = vector.shape_cast %parallel_loop3A_901 : vector<1x1x16xf32> to vector<16xf32>
      %parallel_loop3A_903 = arith.mulf %parallel_loop3A_902, %exp3A_44 : vector<16xf32>
      %parallel_loop3A_904 = arith.constant 1 : i32
      %parallel_loop3A_905 = arith.index_cast %parallel_loop3A_904 : i32 to index
      %parallel_loop3A_906 = arith.index_cast %parallel_loop3A_812 : i32 to index
      %parallel_loop3A_907 = arith.constant 96 : index
      %parallel_loop3A_908 = tpu.vector_load %arg10[%parallel_loop3A_905, %parallel_loop3A_906, %parallel_loop3A_907] {strides = array<i32>} : memref<3x128x128xf32, #tpu.memory_space<vmem>>, vector<1x1x16xf32>,
      %parallel_loop3A_909 = vector.shape_cast %parallel_loop3A_908 : vector<1x1x16xf32> to vector<16xf32>
      %parallel_loop3A_910 = vector.shape_cast %parallel_loop3A_903 : vector<16xf32> to vector<1x1x16xf32>
      tpu.vector_store %arg10[%parallel_loop3A_905, %parallel_loop3A_906, %parallel_loop3A_907], %parallel_loop3A_910 {strides = array<i32>} : memref<3x128x128xf32, #tpu.memory_space<vmem>>, vector<1x1x16xf32>,
      %parallel_loop3A_911 = arith.constant 1 : i32
      %parallel_loop3A_912 = arith.index_cast %parallel_loop3A_911 : i32 to index
      %parallel_loop3A_913 = arith.index_cast %parallel_loop3A_812 : i32 to index
      %parallel_loop3A_914 = arith.constant 112 : index
      %parallel_loop3A_915 = tpu.vector_load %arg10[%parallel_loop3A_912, %parallel_loop3A_913, %parallel_loop3A_914] {strides = array<i32>} : memref<3x128x128xf32, #tpu.memory_space<vmem>>, vector<1x1x16xf32>,
      %parallel_loop3A_916 = vector.shape_cast %parallel_loop3A_915 : vector<1x1x16xf32> to vector<16xf32>
      %parallel_loop3A_917 = arith.mulf %parallel_loop3A_916, %exp3A_44 : vector<16xf32>
      %parallel_loop3A_918 = arith.constant 1 : i32
      %parallel_loop3A_919 = arith.index_cast %parallel_loop3A_918 : i32 to index
      %parallel_loop3A_920 = arith.index_cast %parallel_loop3A_812 : i32 to index
      %parallel_loop3A_921 = arith.constant 112 : index
      %parallel_loop3A_922 = tpu.vector_load %arg10[%parallel_loop3A_919, %parallel_loop3A_920, %parallel_loop3A_921] {strides = array<i32>} : memref<3x128x128xf32, #tpu.memory_space<vmem>>, vector<1x1x16xf32>,
      %parallel_loop3A_923 = vector.shape_cast %parallel_loop3A_922 : vector<1x1x16xf32> to vector<16xf32>
      %parallel_loop3A_924 = vector.shape_cast %parallel_loop3A_917 : vector<16xf32> to vector<1x1x16xf32>
      tpu.vector_store %arg10[%parallel_loop3A_919, %parallel_loop3A_920, %parallel_loop3A_921], %parallel_loop3A_924 {strides = array<i32>} : memref<3x128x128xf32, #tpu.memory_space<vmem>>, vector<1x1x16xf32>,
    } {sc.loop_unroll_factor = 2 : i64, sc.parallel_access}
    %dma_start3A_635 = arith.constant 1 : i32
    %dma_start3A_636 = arith.constant 1 : i32
    %dma_start3A_637 = arith.constant 0 : i32
    %dma_start3A_638 = arith.constant 0 : i32
    %dma_start3A_639 = tpu.memref_slice %arg10[%dma_start3A_636, %dma_start3A_637, %dma_start3A_638] : memref<3x128x128xf32, #tpu.memory_space<vmem>> -> memref<1x128x128xf32, #tpu.memory_space<vmem>>
    %dma_start3A_640 = tpu.memref_squeeze %dma_start3A_639 : memref<1x128x128xf32, #tpu.memory_space<vmem>> -> memref<128x128xf32, #tpu.memory_space<vmem>>
    %dma_start3A_641 = arith.constant 0 : i32
    %dma_start3A_642 = tpu.memref_slice %arg8[%dma_start3A_635, %dma_start3A_641] : memref<3x128xi32, #tpu.memory_space<vmem>> -> memref<1x128xi32, #tpu.memory_space<vmem>>
    %dma_start3A_643 = tpu.memref_squeeze %dma_start3A_642 : memref<1x128xi32, #tpu.memory_space<vmem>> -> memref<128xi32, #tpu.memory_space<vmem>>
    %dma_start3A_644 = arith.constant 0 : i32
    %dma_start3A_645 = arith.constant 0 : i32
    %dma_start3A_646 = tpu.memref_slice %arg3[%dma_start3A_644, %dma_start3A_645] : memref<300000x128xf32, #tpu.memory_space<hbm>> -> memref<300000x128xf32, #tpu.memory_space<hbm>>
    tpu.enqueue_indirect_dma source(%dma_start3A_646 : memref<300000x128xf32, #tpu.memory_space<hbm>>) target(%dma_start3A_640 : memref<128x128xf32, #tpu.memory_space<vmem>>) offsets(%dma_start3A_643 : memref<128xi32, #tpu.memory_space<vmem>>) semaphore(%arg12 : memref<!tpu.dma_semaphore, #tpu.memory_space<semaphore_mem>>) {add = true}
    %dma_wait3A_647 = arith.constant 2 : i32
    %dma_wait3A_648 = arith.constant 2 : i32
    %dma_wait3A_649 = arith.constant 0 : i32
    %dma_wait3A_650 = arith.constant 0 : i32
    %dma_wait3A_651 = tpu.memref_slice %arg10[%dma_wait3A_648, %dma_wait3A_649, %dma_wait3A_650] : memref<3x128x128xf32, #tpu.memory_space<vmem>> -> memref<1x128x128xf32, #tpu.memory_space<vmem>>
    %dma_wait3A_652 = tpu.memref_squeeze %dma_wait3A_651 : memref<1x128x128xf32, #tpu.memory_space<vmem>> -> memref<128x128xf32, #tpu.memory_space<vmem>>
    %dma_wait3A_653 = arith.constant 0 : i32
    %dma_wait3A_654 = tpu.memref_slice %arg9[%dma_wait3A_647, %dma_wait3A_653] : memref<3x128xi32, #tpu.memory_space<vmem>> -> memref<1x128xi32, #tpu.memory_space<vmem>>
    %dma_wait3A_655 = tpu.memref_squeeze %dma_wait3A_654 : memref<1x128xi32, #tpu.memory_space<vmem>> -> memref<128xi32, #tpu.memory_space<vmem>>
    %dma_wait3A_656 = arith.constant 0 : i32
    %dma_wait3A_657 = arith.constant 0 : i32
    %dma_wait3A_658 = tpu.memref_slice %arg3[%dma_wait3A_656, %dma_wait3A_657] : memref<300000x128xf32, #tpu.memory_space<hbm>> -> memref<300000x128xf32, #tpu.memory_space<hbm>>
    tpu.wait_indirect_dma semaphore(%arg11 : memref<!tpu.dma_semaphore, #tpu.memory_space<semaphore_mem>>) src(%dma_wait3A_658 : memref<300000x128xf32, #tpu.memory_space<hbm>>) dst(%dma_wait3A_652 : memref<128x128xf32, #tpu.memory_space<vmem>>)
    %parallel_loop3A_659 = arith.constant 0 : i32
    %parallel_loop3A_660 = arith.constant 128 : i32
    %parallel_loop3A_661 = arith.constant 1 : i32
    scf.for %parallel_loop3A_812 = %parallel_loop3A_659 to %parallel_loop3A_660 step %parallel_loop3A_661  : i32 {
      %parallel_loop3A_813 = arith.constant 2 : i32
      %parallel_loop3A_814 = arith.index_cast %parallel_loop3A_813 : i32 to index
      %parallel_loop3A_815 = arith.index_cast %parallel_loop3A_812 : i32 to index
      %parallel_loop3A_816 = arith.constant 0 : index
      %parallel_loop3A_817 = tpu.vector_load %arg10[%parallel_loop3A_814, %parallel_loop3A_815, %parallel_loop3A_816] {strides = array<i32>} : memref<3x128x128xf32, #tpu.memory_space<vmem>>, vector<1x1x16xf32>,
      %parallel_loop3A_818 = vector.shape_cast %parallel_loop3A_817 : vector<1x1x16xf32> to vector<16xf32>
      %parallel_loop3A_819 = arith.mulf %parallel_loop3A_818, %exp3A_56 : vector<16xf32>
      %parallel_loop3A_820 = arith.constant 2 : i32
      %parallel_loop3A_821 = arith.index_cast %parallel_loop3A_820 : i32 to index
      %parallel_loop3A_822 = arith.index_cast %parallel_loop3A_812 : i32 to index
      %parallel_loop3A_823 = arith.constant 0 : index
      %parallel_loop3A_824 = tpu.vector_load %arg10[%parallel_loop3A_821, %parallel_loop3A_822, %parallel_loop3A_823] {strides = array<i32>} : memref<3x128x128xf32, #tpu.memory_space<vmem>>, vector<1x1x16xf32>,
      %parallel_loop3A_825 = vector.shape_cast %parallel_loop3A_824 : vector<1x1x16xf32> to vector<16xf32>
      %parallel_loop3A_826 = vector.shape_cast %parallel_loop3A_819 : vector<16xf32> to vector<1x1x16xf32>
      tpu.vector_store %arg10[%parallel_loop3A_821, %parallel_loop3A_822, %parallel_loop3A_823], %parallel_loop3A_826 {strides = array<i32>} : memref<3x128x128xf32, #tpu.memory_space<vmem>>, vector<1x1x16xf32>,
      %parallel_loop3A_827 = arith.constant 2 : i32
      %parallel_loop3A_828 = arith.index_cast %parallel_loop3A_827 : i32 to index
      %parallel_loop3A_829 = arith.index_cast %parallel_loop3A_812 : i32 to index
      %parallel_loop3A_830 = arith.constant 16 : index
      %parallel_loop3A_831 = tpu.vector_load %arg10[%parallel_loop3A_828, %parallel_loop3A_829, %parallel_loop3A_830] {strides = array<i32>} : memref<3x128x128xf32, #tpu.memory_space<vmem>>, vector<1x1x16xf32>,
      %parallel_loop3A_832 = vector.shape_cast %parallel_loop3A_831 : vector<1x1x16xf32> to vector<16xf32>
      %parallel_loop3A_833 = arith.mulf %parallel_loop3A_832, %exp3A_56 : vector<16xf32>
      %parallel_loop3A_834 = arith.constant 2 : i32
      %parallel_loop3A_835 = arith.index_cast %parallel_loop3A_834 : i32 to index
      %parallel_loop3A_836 = arith.index_cast %parallel_loop3A_812 : i32 to index
      %parallel_loop3A_837 = arith.constant 16 : index
      %parallel_loop3A_838 = tpu.vector_load %arg10[%parallel_loop3A_835, %parallel_loop3A_836, %parallel_loop3A_837] {strides = array<i32>} : memref<3x128x128xf32, #tpu.memory_space<vmem>>, vector<1x1x16xf32>,
      %parallel_loop3A_839 = vector.shape_cast %parallel_loop3A_838 : vector<1x1x16xf32> to vector<16xf32>
      %parallel_loop3A_840 = vector.shape_cast %parallel_loop3A_833 : vector<16xf32> to vector<1x1x16xf32>
      tpu.vector_store %arg10[%parallel_loop3A_835, %parallel_loop3A_836, %parallel_loop3A_837], %parallel_loop3A_840 {strides = array<i32>} : memref<3x128x128xf32, #tpu.memory_space<vmem>>, vector<1x1x16xf32>,
      %parallel_loop3A_841 = arith.constant 2 : i32
      %parallel_loop3A_842 = arith.index_cast %parallel_loop3A_841 : i32 to index
      %parallel_loop3A_843 = arith.index_cast %parallel_loop3A_812 : i32 to index
      %parallel_loop3A_844 = arith.constant 32 : index
      %parallel_loop3A_845 = tpu.vector_load %arg10[%parallel_loop3A_842, %parallel_loop3A_843, %parallel_loop3A_844] {strides = array<i32>} : memref<3x128x128xf32, #tpu.memory_space<vmem>>, vector<1x1x16xf32>,
      %parallel_loop3A_846 = vector.shape_cast %parallel_loop3A_845 : vector<1x1x16xf32> to vector<16xf32>
      %parallel_loop3A_847 = arith.mulf %parallel_loop3A_846, %exp3A_56 : vector<16xf32>
      %parallel_loop3A_848 = arith.constant 2 : i32
      %parallel_loop3A_849 = arith.index_cast %parallel_loop3A_848 : i32 to index
      %parallel_loop3A_850 = arith.index_cast %parallel_loop3A_812 : i32 to index
      %parallel_loop3A_851 = arith.constant 32 : index
      %parallel_loop3A_852 = tpu.vector_load %arg10[%parallel_loop3A_849, %parallel_loop3A_850, %parallel_loop3A_851] {strides = array<i32>} : memref<3x128x128xf32, #tpu.memory_space<vmem>>, vector<1x1x16xf32>,
      %parallel_loop3A_853 = vector.shape_cast %parallel_loop3A_852 : vector<1x1x16xf32> to vector<16xf32>
      %parallel_loop3A_854 = vector.shape_cast %parallel_loop3A_847 : vector<16xf32> to vector<1x1x16xf32>
      tpu.vector_store %arg10[%parallel_loop3A_849, %parallel_loop3A_850, %parallel_loop3A_851], %parallel_loop3A_854 {strides = array<i32>} : memref<3x128x128xf32, #tpu.memory_space<vmem>>, vector<1x1x16xf32>,
      %parallel_loop3A_855 = arith.constant 2 : i32
      %parallel_loop3A_856 = arith.index_cast %parallel_loop3A_855 : i32 to index
      %parallel_loop3A_857 = arith.index_cast %parallel_loop3A_812 : i32 to index
      %parallel_loop3A_858 = arith.constant 48 : index
      %parallel_loop3A_859 = tpu.vector_load %arg10[%parallel_loop3A_856, %parallel_loop3A_857, %parallel_loop3A_858] {strides = array<i32>} : memref<3x128x128xf32, #tpu.memory_space<vmem>>, vector<1x1x16xf32>,
      %parallel_loop3A_860 = vector.shape_cast %parallel_loop3A_859 : vector<1x1x16xf32> to vector<16xf32>
      %parallel_loop3A_861 = arith.mulf %parallel_loop3A_860, %exp3A_56 : vector<16xf32>
      %parallel_loop3A_862 = arith.constant 2 : i32
      %parallel_loop3A_863 = arith.index_cast %parallel_loop3A_862 : i32 to index
      %parallel_loop3A_864 = arith.index_cast %parallel_loop3A_812 : i32 to index
      %parallel_loop3A_865 = arith.constant 48 : index
      %parallel_loop3A_866 = tpu.vector_load %arg10[%parallel_loop3A_863, %parallel_loop3A_864, %parallel_loop3A_865] {strides = array<i32>} : memref<3x128x128xf32, #tpu.memory_space<vmem>>, vector<1x1x16xf32>,
      %parallel_loop3A_867 = vector.shape_cast %parallel_loop3A_866 : vector<1x1x16xf32> to vector<16xf32>
      %parallel_loop3A_868 = vector.shape_cast %parallel_loop3A_861 : vector<16xf32> to vector<1x1x16xf32>
      tpu.vector_store %arg10[%parallel_loop3A_863, %parallel_loop3A_864, %parallel_loop3A_865], %parallel_loop3A_868 {strides = array<i32>} : memref<3x128x128xf32, #tpu.memory_space<vmem>>, vector<1x1x16xf32>,
      %parallel_loop3A_869 = arith.constant 2 : i32
      %parallel_loop3A_870 = arith.index_cast %parallel_loop3A_869 : i32 to index
      %parallel_loop3A_871 = arith.index_cast %parallel_loop3A_812 : i32 to index
      %parallel_loop3A_872 = arith.constant 64 : index
      %parallel_loop3A_873 = tpu.vector_load %arg10[%parallel_loop3A_870, %parallel_loop3A_871, %parallel_loop3A_872] {strides = array<i32>} : memref<3x128x128xf32, #tpu.memory_space<vmem>>, vector<1x1x16xf32>,
      %parallel_loop3A_874 = vector.shape_cast %parallel_loop3A_873 : vector<1x1x16xf32> to vector<16xf32>
      %parallel_loop3A_875 = arith.mulf %parallel_loop3A_874, %exp3A_56 : vector<16xf32>
      %parallel_loop3A_876 = arith.constant 2 : i32
      %parallel_loop3A_877 = arith.index_cast %parallel_loop3A_876 : i32 to index
      %parallel_loop3A_878 = arith.index_cast %parallel_loop3A_812 : i32 to index
      %parallel_loop3A_879 = arith.constant 64 : index
      %parallel_loop3A_880 = tpu.vector_load %arg10[%parallel_loop3A_877, %parallel_loop3A_878, %parallel_loop3A_879] {strides = array<i32>} : memref<3x128x128xf32, #tpu.memory_space<vmem>>, vector<1x1x16xf32>,
      %parallel_loop3A_881 = vector.shape_cast %parallel_loop3A_880 : vector<1x1x16xf32> to vector<16xf32>
      %parallel_loop3A_882 = vector.shape_cast %parallel_loop3A_875 : vector<16xf32> to vector<1x1x16xf32>
      tpu.vector_store %arg10[%parallel_loop3A_877, %parallel_loop3A_878, %parallel_loop3A_879], %parallel_loop3A_882 {strides = array<i32>} : memref<3x128x128xf32, #tpu.memory_space<vmem>>, vector<1x1x16xf32>,
      %parallel_loop3A_883 = arith.constant 2 : i32
      %parallel_loop3A_884 = arith.index_cast %parallel_loop3A_883 : i32 to index
      %parallel_loop3A_885 = arith.index_cast %parallel_loop3A_812 : i32 to index
      %parallel_loop3A_886 = arith.constant 80 : index
      %parallel_loop3A_887 = tpu.vector_load %arg10[%parallel_loop3A_884, %parallel_loop3A_885, %parallel_loop3A_886] {strides = array<i32>} : memref<3x128x128xf32, #tpu.memory_space<vmem>>, vector<1x1x16xf32>,
      %parallel_loop3A_888 = vector.shape_cast %parallel_loop3A_887 : vector<1x1x16xf32> to vector<16xf32>
      %parallel_loop3A_889 = arith.mulf %parallel_loop3A_888, %exp3A_56 : vector<16xf32>
      %parallel_loop3A_890 = arith.constant 2 : i32
      %parallel_loop3A_891 = arith.index_cast %parallel_loop3A_890 : i32 to index
      %parallel_loop3A_892 = arith.index_cast %parallel_loop3A_812 : i32 to index
      %parallel_loop3A_893 = arith.constant 80 : index
      %parallel_loop3A_894 = tpu.vector_load %arg10[%parallel_loop3A_891, %parallel_loop3A_892, %parallel_loop3A_893] {strides = array<i32>} : memref<3x128x128xf32, #tpu.memory_space<vmem>>, vector<1x1x16xf32>,
      %parallel_loop3A_895 = vector.shape_cast %parallel_loop3A_894 : vector<1x1x16xf32> to vector<16xf32>
      %parallel_loop3A_896 = vector.shape_cast %parallel_loop3A_889 : vector<16xf32> to vector<1x1x16xf32>
      tpu.vector_store %arg10[%parallel_loop3A_891, %parallel_loop3A_892, %parallel_loop3A_893], %parallel_loop3A_896 {strides = array<i32>} : memref<3x128x128xf32, #tpu.memory_space<vmem>>, vector<1x1x16xf32>,
      %parallel_loop3A_897 = arith.constant 2 : i32
      %parallel_loop3A_898 = arith.index_cast %parallel_loop3A_897 : i32 to index
      %parallel_loop3A_899 = arith.index_cast %parallel_loop3A_812 : i32 to index
      %parallel_loop3A_900 = arith.constant 96 : index
      %parallel_loop3A_901 = tpu.vector_load %arg10[%parallel_loop3A_898, %parallel_loop3A_899, %parallel_loop3A_900] {strides = array<i32>} : memref<3x128x128xf32, #tpu.memory_space<vmem>>, vector<1x1x16xf32>,
      %parallel_loop3A_902 = vector.shape_cast %parallel_loop3A_901 : vector<1x1x16xf32> to vector<16xf32>
      %parallel_loop3A_903 = arith.mulf %parallel_loop3A_902, %exp3A_56 : vector<16xf32>
      %parallel_loop3A_904 = arith.constant 2 : i32
      %parallel_loop3A_905 = arith.index_cast %parallel_loop3A_904 : i32 to index
      %parallel_loop3A_906 = arith.index_cast %parallel_loop3A_812 : i32 to index
      %parallel_loop3A_907 = arith.constant 96 : index
      %parallel_loop3A_908 = tpu.vector_load %arg10[%parallel_loop3A_905, %parallel_loop3A_906, %parallel_loop3A_907] {strides = array<i32>} : memref<3x128x128xf32, #tpu.memory_space<vmem>>, vector<1x1x16xf32>,
      %parallel_loop3A_909 = vector.shape_cast %parallel_loop3A_908 : vector<1x1x16xf32> to vector<16xf32>
      %parallel_loop3A_910 = vector.shape_cast %parallel_loop3A_903 : vector<16xf32> to vector<1x1x16xf32>
      tpu.vector_store %arg10[%parallel_loop3A_905, %parallel_loop3A_906, %parallel_loop3A_907], %parallel_loop3A_910 {strides = array<i32>} : memref<3x128x128xf32, #tpu.memory_space<vmem>>, vector<1x1x16xf32>,
      %parallel_loop3A_911 = arith.constant 2 : i32
      %parallel_loop3A_912 = arith.index_cast %parallel_loop3A_911 : i32 to index
      %parallel_loop3A_913 = arith.index_cast %parallel_loop3A_812 : i32 to index
      %parallel_loop3A_914 = arith.constant 112 : index
      %parallel_loop3A_915 = tpu.vector_load %arg10[%parallel_loop3A_912, %parallel_loop3A_913, %parallel_loop3A_914] {strides = array<i32>} : memref<3x128x128xf32, #tpu.memory_space<vmem>>, vector<1x1x16xf32>,
      %parallel_loop3A_916 = vector.shape_cast %parallel_loop3A_915 : vector<1x1x16xf32> to vector<16xf32>
      %parallel_loop3A_917 = arith.mulf %parallel_loop3A_916, %exp3A_56 : vector<16xf32>
      %parallel_loop3A_918 = arith.constant 2 : i32
      %parallel_loop3A_919 = arith.index_cast %parallel_loop3A_918 : i32 to index
      %parallel_loop3A_920 = arith.index_cast %parallel_loop3A_812 : i32 to index
      %parallel_loop3A_921 = arith.constant 112 : index
      %parallel_loop3A_922 = tpu.vector_load %arg10[%parallel_loop3A_919, %parallel_loop3A_920, %parallel_loop3A_921] {strides = array<i32>} : memref<3x128x128xf32, #tpu.memory_space<vmem>>, vector<1x1x16xf32>,
      %parallel_loop3A_923 = vector.shape_cast %parallel_loop3A_922 : vector<1x1x16xf32> to vector<16xf32>
      %parallel_loop3A_924 = vector.shape_cast %parallel_loop3A_917 : vector<16xf32> to vector<1x1x16xf32>
      tpu.vector_store %arg10[%parallel_loop3A_919, %parallel_loop3A_920, %parallel_loop3A_921], %parallel_loop3A_924 {strides = array<i32>} : memref<3x128x128xf32, #tpu.memory_space<vmem>>, vector<1x1x16xf32>,
    } {sc.loop_unroll_factor = 2 : i64, sc.parallel_access}
    %dma_start3A_662 = arith.constant 2 : i32
    %dma_start3A_663 = arith.constant 2 : i32
    %dma_start3A_664 = arith.constant 0 : i32
    %dma_start3A_665 = arith.constant 0 : i32
    %dma_start3A_666 = tpu.memref_slice %arg10[%dma_start3A_663, %dma_start3A_664, %dma_start3A_665] : memref<3x128x128xf32, #tpu.memory_space<vmem>> -> memref<1x128x128xf32, #tpu.memory_space<vmem>>
    %dma_start3A_667 = tpu.memref_squeeze %dma_start3A_666 : memref<1x128x128xf32, #tpu.memory_space<vmem>> -> memref<128x128xf32, #tpu.memory_space<vmem>>
    %dma_start3A_668 = arith.constant 0 : i32
    %dma_start3A_669 = tpu.memref_slice %arg8[%dma_start3A_662, %dma_start3A_668] : memref<3x128xi32, #tpu.memory_space<vmem>> -> memref<1x128xi32, #tpu.memory_space<vmem>>
    %dma_start3A_670 = tpu.memref_squeeze %dma_start3A_669 : memref<1x128xi32, #tpu.memory_space<vmem>> -> memref<128xi32, #tpu.memory_space<vmem>>
    %dma_start3A_671 = arith.constant 0 : i32
    %dma_start3A_672 = arith.constant 0 : i32
    %dma_start3A_673 = tpu.memref_slice %arg3[%dma_start3A_671, %dma_start3A_672] : memref<300000x128xf32, #tpu.memory_space<hbm>> -> memref<300000x128xf32, #tpu.memory_space<hbm>>
    tpu.enqueue_indirect_dma source(%dma_start3A_673 : memref<300000x128xf32, #tpu.memory_space<hbm>>) target(%dma_start3A_667 : memref<128x128xf32, #tpu.memory_space<vmem>>) offsets(%dma_start3A_670 : memref<128xi32, #tpu.memory_space<vmem>>) semaphore(%arg12 : memref<!tpu.dma_semaphore, #tpu.memory_space<semaphore_mem>>) {add = true}
    %dma_wait3A_674 = arith.constant 0 : i32
    %dma_wait3A_675 = arith.constant 0 : i32
    %dma_wait3A_676 = arith.constant 0 : i32
    %dma_wait3A_677 = arith.constant 0 : i32
    %dma_wait3A_678 = tpu.memref_slice %arg10[%dma_wait3A_675, %dma_wait3A_676, %dma_wait3A_677] : memref<3x128x128xf32, #tpu.memory_space<vmem>> -> memref<1x128x128xf32, #tpu.memory_space<vmem>>
    %dma_wait3A_679 = tpu.memref_squeeze %dma_wait3A_678 : memref<1x128x128xf32, #tpu.memory_space<vmem>> -> memref<128x128xf32, #tpu.memory_space<vmem>>
    %dma_wait3A_680 = arith.constant 0 : i32
    %dma_wait3A_681 = tpu.memref_slice %arg8[%dma_wait3A_674, %dma_wait3A_680] : memref<3x128xi32, #tpu.memory_space<vmem>> -> memref<1x128xi32, #tpu.memory_space<vmem>>
    %dma_wait3A_682 = tpu.memref_squeeze %dma_wait3A_681 : memref<1x128xi32, #tpu.memory_space<vmem>> -> memref<128xi32, #tpu.memory_space<vmem>>
    %dma_wait3A_683 = arith.constant 0 : i32
    %dma_wait3A_684 = arith.constant 0 : i32
    %dma_wait3A_685 = tpu.memref_slice %arg3[%dma_wait3A_683, %dma_wait3A_684] : memref<300000x128xf32, #tpu.memory_space<hbm>> -> memref<300000x128xf32, #tpu.memory_space<hbm>>
    tpu.wait_indirect_dma semaphore(%arg12 : memref<!tpu.dma_semaphore, #tpu.memory_space<semaphore_mem>>) src(%dma_wait3A_685 : memref<300000x128xf32, #tpu.memory_space<hbm>>) dst(%dma_wait3A_679 : memref<128x128xf32, #tpu.memory_space<vmem>>)
    %mul3A_686 = arith.constant 3 : i32
    %mul3A_687 = arith.muli %select_n3A, %mul3A_686 : i32
    %add3A_688 = arith.constant 0 : i32
    %add3A_689 = arith.addi %mul3A_687, %add3A_688 : i32
    %dma_start3A_690 = arith.constant 0 : i32
    %dma_start3A_691 = arith.constant 0 : i32
    %dma_start3A_692 = arith.constant 0 : i32
    %dma_start3A_693 = tpu.memref_slice %arg10[%dma_start3A_690, %dma_start3A_691, %dma_start3A_692] : memref<3x128x128xf32, #tpu.memory_space<vmem>> -> memref<1x128x128xf32, #tpu.memory_space<vmem>>
    %dma_start3A_694 = tpu.memref_squeeze %dma_start3A_693 : memref<1x128x128xf32, #tpu.memory_space<vmem>> -> memref<128x128xf32, #tpu.memory_space<vmem>>
    %dma_start3A_695 = arith.constant 0 : i32
    %dma_start3A_696 = tpu.memref_slice %arg5[%add3A_689, %sub3A_21, %dma_start3A_695] : memref<6x2048x128xf32, #tpu.memory_space<hbm>> -> memref<1x128x128xf32, #tpu.memory_space<hbm>>
    %dma_start3A_697 = tpu.memref_squeeze %dma_start3A_696 : memref<1x128x128xf32, #tpu.memory_space<hbm>> -> memref<128x128xf32, #tpu.memory_space<hbm>>
    %dma_start3A_698 = arith.constant 0 : i32
    %dma_start3A_699 = tpu.memref_slice %arg5[%add3A_689, %sub3A_21, %dma_start3A_698] : memref<6x2048x128xf32, #tpu.memory_space<hbm>> -> memref<1x128x128xf32, #tpu.memory_space<hbm>>
    %dma_start3A_700 = tpu.memref_squeeze %dma_start3A_699 : memref<1x128x128xf32, #tpu.memory_space<hbm>> -> memref<128x128xf32, #tpu.memory_space<hbm>>
    %dma_start3A_701 = arith.constant 0 : i32
    %dma_start3A_702 = arith.constant 0 : i32
    %dma_start3A_703 = tpu.memref_slice %arg10[%dma_start3A_690, %dma_start3A_701, %dma_start3A_702] : memref<3x128x128xf32, #tpu.memory_space<vmem>> -> memref<1x128x128xf32, #tpu.memory_space<vmem>>
    %dma_start3A_704 = tpu.memref_squeeze %dma_start3A_703 : memref<1x128x128xf32, #tpu.memory_space<vmem>> -> memref<128x128xf32, #tpu.memory_space<vmem>>
    tpu.enqueue_dma source(%dma_start3A_704 : memref<128x128xf32, #tpu.memory_space<vmem>>) target(%dma_start3A_700 : memref<128x128xf32, #tpu.memory_space<hbm>>) target_semaphore(%arg13 : memref<!tpu.dma_semaphore, #tpu.memory_space<semaphore_mem>>)
    %dma_wait3A_705 = arith.constant 1 : i32
    %dma_wait3A_706 = arith.constant 1 : i32
    %dma_wait3A_707 = arith.constant 0 : i32
    %dma_wait3A_708 = arith.constant 0 : i32
    %dma_wait3A_709 = tpu.memref_slice %arg10[%dma_wait3A_706, %dma_wait3A_707, %dma_wait3A_708] : memref<3x128x128xf32, #tpu.memory_space<vmem>> -> memref<1x128x128xf32, #tpu.memory_space<vmem>>
    %dma_wait3A_710 = tpu.memref_squeeze %dma_wait3A_709 : memref<1x128x128xf32, #tpu.memory_space<vmem>> -> memref<128x128xf32, #tpu.memory_space<vmem>>
    %dma_wait3A_711 = arith.constant 0 : i32
    %dma_wait3A_712 = tpu.memref_slice %arg8[%dma_wait3A_705, %dma_wait3A_711] : memref<3x128xi32, #tpu.memory_space<vmem>> -> memref<1x128xi32, #tpu.memory_space<vmem>>
    %dma_wait3A_713 = tpu.memref_squeeze %dma_wait3A_712 : memref<1x128xi32, #tpu.memory_space<vmem>> -> memref<128xi32, #tpu.memory_space<vmem>>
    %dma_wait3A_714 = arith.constant 0 : i32
    %dma_wait3A_715 = arith.constant 0 : i32
    %dma_wait3A_716 = tpu.memref_slice %arg3[%dma_wait3A_714, %dma_wait3A_715] : memref<300000x128xf32, #tpu.memory_space<hbm>> -> memref<300000x128xf32, #tpu.memory_space<hbm>>
    tpu.wait_indirect_dma semaphore(%arg12 : memref<!tpu.dma_semaphore, #tpu.memory_space<semaphore_mem>>) src(%dma_wait3A_716 : memref<300000x128xf32, #tpu.memory_space<hbm>>) dst(%dma_wait3A_710 : memref<128x128xf32, #tpu.memory_space<vmem>>)
    %mul3A_717 = arith.constant 3 : i32
    %mul3A_718 = arith.muli %select_n3A, %mul3A_717 : i32
    %add3A_719 = arith.constant 1 : i32
    %add3A_720 = arith.addi %mul3A_718, %add3A_719 : i32
    %dma_start3A_721 = arith.constant 1 : i32
    %dma_start3A_722 = arith.constant 0 : i32
    %dma_start3A_723 = arith.constant 0 : i32
    %dma_start3A_724 = tpu.memref_slice %arg10[%dma_start3A_721, %dma_start3A_722, %dma_start3A_723] : memref<3x128x128xf32, #tpu.memory_space<vmem>> -> memref<1x128x128xf32, #tpu.memory_space<vmem>>
    %dma_start3A_725 = tpu.memref_squeeze %dma_start3A_724 : memref<1x128x128xf32, #tpu.memory_space<vmem>> -> memref<128x128xf32, #tpu.memory_space<vmem>>
    %dma_start3A_726 = arith.constant 0 : i32
    %dma_start3A_727 = tpu.memref_slice %arg5[%add3A_720, %sub3A_21, %dma_start3A_726] : memref<6x2048x128xf32, #tpu.memory_space<hbm>> -> memref<1x128x128xf32, #tpu.memory_space<hbm>>
    %dma_start3A_728 = tpu.memref_squeeze %dma_start3A_727 : memref<1x128x128xf32, #tpu.memory_space<hbm>> -> memref<128x128xf32, #tpu.memory_space<hbm>>
    %dma_start3A_729 = arith.constant 0 : i32
    %dma_start3A_730 = tpu.memref_slice %arg5[%add3A_720, %sub3A_21, %dma_start3A_729] : memref<6x2048x128xf32, #tpu.memory_space<hbm>> -> memref<1x128x128xf32, #tpu.memory_space<hbm>>
    %dma_start3A_731 = tpu.memref_squeeze %dma_start3A_730 : memref<1x128x128xf32, #tpu.memory_space<hbm>> -> memref<128x128xf32, #tpu.memory_space<hbm>>
    %dma_start3A_732 = arith.constant 0 : i32
    %dma_start3A_733 = arith.constant 0 : i32
    %dma_start3A_734 = tpu.memref_slice %arg10[%dma_start3A_721, %dma_start3A_732, %dma_start3A_733] : memref<3x128x128xf32, #tpu.memory_space<vmem>> -> memref<1x128x128xf32, #tpu.memory_space<vmem>>
    %dma_start3A_735 = tpu.memref_squeeze %dma_start3A_734 : memref<1x128x128xf32, #tpu.memory_space<vmem>> -> memref<128x128xf32, #tpu.memory_space<vmem>>
    tpu.enqueue_dma source(%dma_start3A_735 : memref<128x128xf32, #tpu.memory_space<vmem>>) target(%dma_start3A_731 : memref<128x128xf32, #tpu.memory_space<hbm>>) target_semaphore(%arg13 : memref<!tpu.dma_semaphore, #tpu.memory_space<semaphore_mem>>)
    %dma_wait3A_736 = arith.constant 2 : i32
    %dma_wait3A_737 = arith.constant 2 : i32
    %dma_wait3A_738 = arith.constant 0 : i32
    %dma_wait3A_739 = arith.constant 0 : i32
    %dma_wait3A_740 = tpu.memref_slice %arg10[%dma_wait3A_737, %dma_wait3A_738, %dma_wait3A_739] : memref<3x128x128xf32, #tpu.memory_space<vmem>> -> memref<1x128x128xf32, #tpu.memory_space<vmem>>
    %dma_wait3A_741 = tpu.memref_squeeze %dma_wait3A_740 : memref<1x128x128xf32, #tpu.memory_space<vmem>> -> memref<128x128xf32, #tpu.memory_space<vmem>>
    %dma_wait3A_742 = arith.constant 0 : i32
    %dma_wait3A_743 = tpu.memref_slice %arg8[%dma_wait3A_736, %dma_wait3A_742] : memref<3x128xi32, #tpu.memory_space<vmem>> -> memref<1x128xi32, #tpu.memory_space<vmem>>
    %dma_wait3A_744 = tpu.memref_squeeze %dma_wait3A_743 : memref<1x128xi32, #tpu.memory_space<vmem>> -> memref<128xi32, #tpu.memory_space<vmem>>
    %dma_wait3A_745 = arith.constant 0 : i32
    %dma_wait3A_746 = arith.constant 0 : i32
    %dma_wait3A_747 = tpu.memref_slice %arg3[%dma_wait3A_745, %dma_wait3A_746] : memref<300000x128xf32, #tpu.memory_space<hbm>> -> memref<300000x128xf32, #tpu.memory_space<hbm>>
    tpu.wait_indirect_dma semaphore(%arg12 : memref<!tpu.dma_semaphore, #tpu.memory_space<semaphore_mem>>) src(%dma_wait3A_747 : memref<300000x128xf32, #tpu.memory_space<hbm>>) dst(%dma_wait3A_741 : memref<128x128xf32, #tpu.memory_space<vmem>>)
    %mul3A_748 = arith.constant 3 : i32
    %mul3A_749 = arith.muli %select_n3A, %mul3A_748 : i32
    %add3A_750 = arith.constant 2 : i32
    %add3A_751 = arith.addi %mul3A_749, %add3A_750 : i32
    %dma_start3A_752 = arith.constant 2 : i32
    %dma_start3A_753 = arith.constant 0 : i32
    %dma_start3A_754 = arith.constant 0 : i32
    %dma_start3A_755 = tpu.memref_slice %arg10[%dma_start3A_752, %dma_start3A_753, %dma_start3A_754] : memref<3x128x128xf32, #tpu.memory_space<vmem>> -> memref<1x128x128xf32, #tpu.memory_space<vmem>>
    %dma_start3A_756 = tpu.memref_squeeze %dma_start3A_755 : memref<1x128x128xf32, #tpu.memory_space<vmem>> -> memref<128x128xf32, #tpu.memory_space<vmem>>
    %dma_start3A_757 = arith.constant 0 : i32
    %dma_start3A_758 = tpu.memref_slice %arg5[%add3A_751, %sub3A_21, %dma_start3A_757] : memref<6x2048x128xf32, #tpu.memory_space<hbm>> -> memref<1x128x128xf32, #tpu.memory_space<hbm>>
    %dma_start3A_759 = tpu.memref_squeeze %dma_start3A_758 : memref<1x128x128xf32, #tpu.memory_space<hbm>> -> memref<128x128xf32, #tpu.memory_space<hbm>>
    %dma_start3A_760 = arith.constant 0 : i32
    %dma_start3A_761 = tpu.memref_slice %arg5[%add3A_751, %sub3A_21, %dma_start3A_760] : memref<6x2048x128xf32, #tpu.memory_space<hbm>> -> memref<1x128x128xf32, #tpu.memory_space<hbm>>
    %dma_start3A_762 = tpu.memref_squeeze %dma_start3A_761 : memref<1x128x128xf32, #tpu.memory_space<hbm>> -> memref<128x128xf32, #tpu.memory_space<hbm>>
    %dma_start3A_763 = arith.constant 0 : i32
    %dma_start3A_764 = arith.constant 0 : i32
    %dma_start3A_765 = tpu.memref_slice %arg10[%dma_start3A_752, %dma_start3A_763, %dma_start3A_764] : memref<3x128x128xf32, #tpu.memory_space<vmem>> -> memref<1x128x128xf32, #tpu.memory_space<vmem>>
    %dma_start3A_766 = tpu.memref_squeeze %dma_start3A_765 : memref<1x128x128xf32, #tpu.memory_space<vmem>> -> memref<128x128xf32, #tpu.memory_space<vmem>>
    tpu.enqueue_dma source(%dma_start3A_766 : memref<128x128xf32, #tpu.memory_space<vmem>>) target(%dma_start3A_762 : memref<128x128xf32, #tpu.memory_space<hbm>>) target_semaphore(%arg13 : memref<!tpu.dma_semaphore, #tpu.memory_space<semaphore_mem>>)
    %dma_wait3A_767 = arith.constant 0 : i32
    %dma_wait3A_768 = arith.constant 0 : i32
    %dma_wait3A_769 = arith.constant 0 : i32
    %dma_wait3A_770 = tpu.memref_slice %arg10[%dma_wait3A_767, %dma_wait3A_768, %dma_wait3A_769] : memref<3x128x128xf32, #tpu.memory_space<vmem>> -> memref<1x128x128xf32, #tpu.memory_space<vmem>>
    %dma_wait3A_771 = tpu.memref_squeeze %dma_wait3A_770 : memref<1x128x128xf32, #tpu.memory_space<vmem>> -> memref<128x128xf32, #tpu.memory_space<vmem>>
    %dma_wait3A_772 = arith.constant 0 : i32
    %dma_wait3A_773 = tpu.memref_slice %arg5[%add3A_689, %sub3A_21, %dma_wait3A_772] : memref<6x2048x128xf32, #tpu.memory_space<hbm>> -> memref<1x128x128xf32, #tpu.memory_space<hbm>>
    %dma_wait3A_774 = tpu.memref_squeeze %dma_wait3A_773 : memref<1x128x128xf32, #tpu.memory_space<hbm>> -> memref<128x128xf32, #tpu.memory_space<hbm>>
    %dma_wait3A_775 = arith.constant 0 : i32
    %dma_wait3A_776 = tpu.memref_slice %arg5[%add3A_689, %sub3A_21, %dma_wait3A_775] : memref<6x2048x128xf32, #tpu.memory_space<hbm>> -> memref<1x128x128xf32, #tpu.memory_space<hbm>>
    %dma_wait3A_777 = tpu.memref_squeeze %dma_wait3A_776 : memref<1x128x128xf32, #tpu.memory_space<hbm>> -> memref<128x128xf32, #tpu.memory_space<hbm>>
    %dma_wait3A_778 = arith.constant 0 : i32
    %dma_wait3A_779 = arith.constant 0 : i32
    %dma_wait3A_780 = tpu.memref_slice %arg10[%dma_wait3A_767, %dma_wait3A_778, %dma_wait3A_779] : memref<3x128x128xf32, #tpu.memory_space<vmem>> -> memref<1x128x128xf32, #tpu.memory_space<vmem>>
    %dma_wait3A_781 = tpu.memref_squeeze %dma_wait3A_780 : memref<1x128x128xf32, #tpu.memory_space<vmem>> -> memref<128x128xf32, #tpu.memory_space<vmem>>
    tpu.wait_dma2 semaphore(%arg13 : memref<!tpu.dma_semaphore, #tpu.memory_space<semaphore_mem>>) src(%dma_wait3A_781 : memref<128x128xf32, #tpu.memory_space<vmem>>) dst(%dma_wait3A_777 : memref<128x128xf32, #tpu.memory_space<hbm>>)
    %dma_wait3A_782 = arith.constant 1 : i32
    %dma_wait3A_783 = arith.constant 0 : i32
    %dma_wait3A_784 = arith.constant 0 : i32
    %dma_wait3A_785 = tpu.memref_slice %arg10[%dma_wait3A_782, %dma_wait3A_783, %dma_wait3A_784] : memref<3x128x128xf32, #tpu.memory_space<vmem>> -> memref<1x128x128xf32, #tpu.memory_space<vmem>>
    %dma_wait3A_786 = tpu.memref_squeeze %dma_wait3A_785 : memref<1x128x128xf32, #tpu.memory_space<vmem>> -> memref<128x128xf32, #tpu.memory_space<vmem>>
    %dma_wait3A_787 = arith.constant 0 : i32
    %dma_wait3A_788 = tpu.memref_slice %arg5[%add3A_720, %sub3A_21, %dma_wait3A_787] : memref<6x2048x128xf32, #tpu.memory_space<hbm>> -> memref<1x128x128xf32, #tpu.memory_space<hbm>>
    %dma_wait3A_789 = tpu.memref_squeeze %dma_wait3A_788 : memref<1x128x128xf32, #tpu.memory_space<hbm>> -> memref<128x128xf32, #tpu.memory_space<hbm>>
    %dma_wait3A_790 = arith.constant 0 : i32
    %dma_wait3A_791 = tpu.memref_slice %arg5[%add3A_720, %sub3A_21, %dma_wait3A_790] : memref<6x2048x128xf32, #tpu.memory_space<hbm>> -> memref<1x128x128xf32, #tpu.memory_space<hbm>>
    %dma_wait3A_792 = tpu.memref_squeeze %dma_wait3A_791 : memref<1x128x128xf32, #tpu.memory_space<hbm>> -> memref<128x128xf32, #tpu.memory_space<hbm>>
    %dma_wait3A_793 = arith.constant 0 : i32
    %dma_wait3A_794 = arith.constant 0 : i32
    %dma_wait3A_795 = tpu.memref_slice %arg10[%dma_wait3A_782, %dma_wait3A_793, %dma_wait3A_794] : memref<3x128x128xf32, #tpu.memory_space<vmem>> -> memref<1x128x128xf32, #tpu.memory_space<vmem>>
    %dma_wait3A_796 = tpu.memref_squeeze %dma_wait3A_795 : memref<1x128x128xf32, #tpu.memory_space<vmem>> -> memref<128x128xf32, #tpu.memory_space<vmem>>
    tpu.wait_dma2 semaphore(%arg13 : memref<!tpu.dma_semaphore, #tpu.memory_space<semaphore_mem>>) src(%dma_wait3A_796 : memref<128x128xf32, #tpu.memory_space<vmem>>) dst(%dma_wait3A_792 : memref<128x128xf32, #tpu.memory_space<hbm>>)
    %dma_wait3A_797 = arith.constant 2 : i32
    %dma_wait3A_798 = arith.constant 0 : i32
    %dma_wait3A_799 = arith.constant 0 : i32
    %dma_wait3A_800 = tpu.memref_slice %arg10[%dma_wait3A_797, %dma_wait3A_798, %dma_wait3A_799] : memref<3x128x128xf32, #tpu.memory_space<vmem>> -> memref<1x128x128xf32, #tpu.memory_space<vmem>>
    %dma_wait3A_801 = tpu.memref_squeeze %dma_wait3A_800 : memref<1x128x128xf32, #tpu.memory_space<vmem>> -> memref<128x128xf32, #tpu.memory_space<vmem>>
    %dma_wait3A_802 = arith.constant 0 : i32
    %dma_wait3A_803 = tpu.memref_slice %arg5[%add3A_751, %sub3A_21, %dma_wait3A_802] : memref<6x2048x128xf32, #tpu.memory_space<hbm>> -> memref<1x128x128xf32, #tpu.memory_space<hbm>>
    %dma_wait3A_804 = tpu.memref_squeeze %dma_wait3A_803 : memref<1x128x128xf32, #tpu.memory_space<hbm>> -> memref<128x128xf32, #tpu.memory_space<hbm>>
    %dma_wait3A_805 = arith.constant 0 : i32
    %dma_wait3A_806 = tpu.memref_slice %arg5[%add3A_751, %sub3A_21, %dma_wait3A_805] : memref<6x2048x128xf32, #tpu.memory_space<hbm>> -> memref<1x128x128xf32, #tpu.memory_space<hbm>>
    %dma_wait3A_807 = tpu.memref_squeeze %dma_wait3A_806 : memref<1x128x128xf32, #tpu.memory_space<hbm>> -> memref<128x128xf32, #tpu.memory_space<hbm>>
    %dma_wait3A_808 = arith.constant 0 : i32
    %dma_wait3A_809 = arith.constant 0 : i32
    %dma_wait3A_810 = tpu.memref_slice %arg10[%dma_wait3A_797, %dma_wait3A_808, %dma_wait3A_809] : memref<3x128x128xf32, #tpu.memory_space<vmem>> -> memref<1x128x128xf32, #tpu.memory_space<vmem>>
    %dma_wait3A_811 = tpu.memref_squeeze %dma_wait3A_810 : memref<1x128x128xf32, #tpu.memory_space<vmem>> -> memref<128x128xf32, #tpu.memory_space<vmem>>
    tpu.wait_dma2 semaphore(%arg13 : memref<!tpu.dma_semaphore, #tpu.memory_space<semaphore_mem>>) src(%dma_wait3A_811 : memref<128x128xf32, #tpu.memory_space<vmem>>) dst(%dma_wait3A_807 : memref<128x128xf32, #tpu.memory_space<hbm>>)
    return
  }
}

#map = affine_map<(d0, d1) -> (0)>
#map1 = affine_map<(d0, d1) -> (0, 0)>
#map2 = affine_map<(d0, d1) -> (0, 0, 0)>
module attributes {stable_mosaic.version = 14 : i64} {
  func.func @_sc_fused_gather(%arg0: i32, %arg1: i32, %arg2: memref<4096xi32, #tpu.memory_space<hbm>>, %arg3: memref<300000x128xf32, #tpu.memory_space<hbm>>, %arg4: memref<6xf32, #tpu.memory_space<hbm>>, %arg5: memref<6x2048x128xf32, #tpu.memory_space<hbm>>, %arg6: memref<128xi32, #tpu.memory_space<vmem>>, %arg7: memref<16xf32, #tpu.memory_space<vmem>>, %arg8: memref<3x128xi32, #tpu.memory_space<vmem>>, %arg9: memref<3x128xi32, #tpu.memory_space<vmem>>, %arg10: memref<3x128x128xf32, #tpu.memory_space<vmem>>, %arg11: memref<!tpu.dma_semaphore, #tpu.memory_space<semaphore_mem>>, %arg12: memref<!tpu.dma_semaphore, #tpu.memory_space<semaphore_mem>>, %arg13: memref<!tpu.dma_semaphore, #tpu.memory_space<semaphore_mem>>) attributes {dimension_semantics = [#tpu.dimension_semantics<core_parallel>, #tpu.dimension_semantics<subcore_parallel>], iteration_bounds = array<i64: 2, 16>, scalar_prefetch = 0 : i64, scratch_operands = 8 : i64, tpu.core_type = #tpu.core_type<sc_vector_subcore>, window_params = [{transform_indices = #map}, {transform_indices = #map1}, {transform_indices = #map}, {transform_indices = #map2}]} {
    %mul3A = arith.constant 2 : i32
    %mul3A_0 = arith.muli %arg1, %mul3A : i32
    %add3A = arith.addi %mul3A_0, %arg0 : i32
    %mul3A_1 = arith.constant 128 : i32
    %mul3A_2 = arith.muli %add3A, %mul3A_1 : i32
    %jit3A = arith.constant 2048 : i32
    %div3A = arith.divsi %mul3A_2, %jit3A : i32
    %sign3A = arith.constant 0 : i32
    %sign3A_3 = arith.cmpi sgt, %mul3A_2, %sign3A : i32
    %sign3A_4 = arith.extui %sign3A_3 : i1 to i32
    %sign3A_5 = arith.constant 0 : i32
    %sign3A_6 = arith.cmpi slt, %mul3A_2, %sign3A_5 : i32
    %sign3A_7 = arith.extui %sign3A_6 : i1 to i32
    %sign3A_8 = arith.subi %sign3A_4, %sign3A_7 : i32
    %sign3A_9 = arith.constant 0 : i32
    %sign3A_10 = arith.cmpi sgt, %jit3A, %sign3A_9 : i32
    %sign3A_11 = arith.extui %sign3A_10 : i1 to i32
    %sign3A_12 = arith.constant 0 : i32
    %sign3A_13 = arith.cmpi slt, %jit3A, %sign3A_12 : i32
    %sign3A_14 = arith.extui %sign3A_13 : i1 to i32
    %sign3A_15 = arith.subi %sign3A_11, %sign3A_14 : i32
    %ne3A = arith.cmpi ne, %sign3A_8, %sign3A_15 : i32
    %rem3A = arith.remsi %mul3A_2, %jit3A : i32
    %ne3A_16 = arith.constant 0 : i32
    %ne3A_17 = arith.cmpi ne, %rem3A, %ne3A_16 : i32
    %and3A = arith.andi %ne3A, %ne3A_17 : i1
    %sub3A = arith.constant 1 : i32
    %sub3A_18 = arith.subi %div3A, %sub3A : i32
    %select_n3A = arith.select %and3A, %sub3A_18, %div3A : i32
    %mul3A_19 = arith.constant 2048 : i32
    %mul3A_20 = arith.muli %select_n3A, %mul3A_19 : i32
    %sub3A_21 = arith.subi %mul3A_2, %mul3A_20 : i32
    "tpu.region"() ({
      %run_scoped3A = tpu.sem_alloc : memref<!tpu.dma_semaphore, #tpu.memory_space<semaphore_mem>>
      %dma_start3A_812 = tpu.memref_slice %arg2[%mul3A_2] : memref<4096xi32, #tpu.memory_space<hbm>> -> memref<128xi32, #tpu.memory_space<hbm>>
      %dma_start3A_813 = tpu.memref_slice %arg2[%mul3A_2] : memref<4096xi32, #tpu.memory_space<hbm>> -> memref<128xi32, #tpu.memory_space<hbm>>
      tpu.enqueue_dma source(%dma_start3A_813 : memref<128xi32, #tpu.memory_space<hbm>>) target(%arg6 : memref<128xi32, #tpu.memory_space<vmem>>) target_semaphore(%run_scoped3A : memref<!tpu.dma_semaphore, #tpu.memory_space<semaphore_mem>>)
      %dma_wait3A_814 = tpu.memref_slice %arg2[%mul3A_2] : memref<4096xi32, #tpu.memory_space<hbm>> -> memref<128xi32, #tpu.memory_space<hbm>>
      %dma_wait3A_815 = tpu.memref_slice %arg2[%mul3A_2] : memref<4096xi32, #tpu.memory_space<hbm>> -> memref<128xi32, #tpu.memory_space<hbm>>
      tpu.wait_dma2 semaphore(%run_scoped3A : memref<!tpu.dma_semaphore, #tpu.memory_space<semaphore_mem>>) src(%dma_wait3A_815 : memref<128xi32, #tpu.memory_space<hbm>>) dst(%arg6 : memref<128xi32, #tpu.memory_space<vmem>>)
      tpu.yield
    }) : () -> ()
    "tpu.region"() ({
      %run_scoped3A = tpu.sem_alloc : memref<!tpu.dma_semaphore, #tpu.memory_space<semaphore_mem>>
      %dma_start3A_812 = arith.constant 0 : i32
      %dma_start3A_813 = tpu.memref_slice %arg7[%dma_start3A_812] : memref<16xf32, #tpu.memory_space<vmem>> -> memref<6xf32, #tpu.memory_space<vmem>>
      %dma_start3A_814 = arith.constant 0 : i32
      %dma_start3A_815 = tpu.memref_slice %arg7[%dma_start3A_814] : memref<16xf32, #tpu.memory_space<vmem>> -> memref<6xf32, #tpu.memory_space<vmem>>
      tpu.enqueue_dma source(%arg4 : memref<6xf32, #tpu.memory_space<hbm>>) target(%dma_start3A_815 : memref<6xf32, #tpu.memory_space<vmem>>) target_semaphore(%run_scoped3A : memref<!tpu.dma_semaphore, #tpu.memory_space<semaphore_mem>>)
      %dma_wait3A_816 = arith.constant 0 : i32
      %dma_wait3A_817 = tpu.memref_slice %arg7[%dma_wait3A_816] : memref<16xf32, #tpu.memory_space<vmem>> -> memref<6xf32, #tpu.memory_space<vmem>>
      %dma_wait3A_818 = arith.constant 0 : i32
      %dma_wait3A_819 = tpu.memref_slice %arg7[%dma_wait3A_818] : memref<16xf32, #tpu.memory_space<vmem>> -> memref<6xf32, #tpu.memory_space<vmem>>
      tpu.wait_dma2 semaphore(%run_scoped3A : memref<!tpu.dma_semaphore, #tpu.memory_space<semaphore_mem>>) src(%arg4 : memref<6xf32, #tpu.memory_space<hbm>>) dst(%dma_wait3A_819 : memref<6xf32, #tpu.memory_space<vmem>>)
      tpu.yield
    }) : () -> ()
    %get3A = arith.constant 0 : index
    %get3A_22 = tpu.vector_load %arg7[%get3A] {strides = array<i32>} : memref<16xf32, #tpu.memory_space<vmem>>, vector<16xf32>,
    %get3A_23 = vector.shape_cast %get3A_22 : vector<16xf32> to vector<16xf32>
    %broadcast_in_dim3A = arith.constant 0 : i32
    %broadcast_in_dim3A_24 = vector.broadcast %broadcast_in_dim3A : i32 to vector<16xi32>
    %broadcast_in_dim3A_25 = vector.shape_cast %broadcast_in_dim3A_24 : vector<16xi32> to vector<16x1xi32>
    %gather3A = vector.shape_cast %broadcast_in_dim3A_25 : vector<16x1xi32> to vector<16xi32>
    %gather3A_26 = tpu.dynamic_gather %get3A_23[%gather3A] in [0] : vector<16xf32>, vector<16xi32> -> vector<16xf32>
    %broadcast_in_dim3A_27 = arith.constant 1 : i32
    %broadcast_in_dim3A_28 = vector.broadcast %broadcast_in_dim3A_27 : i32 to vector<16xi32>
    %broadcast_in_dim3A_29 = vector.shape_cast %broadcast_in_dim3A_28 : vector<16xi32> to vector<16x1xi32>
    %gather3A_30 = vector.shape_cast %broadcast_in_dim3A_29 : vector<16x1xi32> to vector<16xi32>
    %gather3A_31 = tpu.dynamic_gather %get3A_23[%gather3A_30] in [0] : vector<16xf32>, vector<16xi32> -> vector<16xf32>
    %sub3A_32 = arith.subf %gather3A_31, %gather3A_26 : vector<16xf32>
    %exp3A = math.exp %sub3A_32 : vector<16xf32>
    %broadcast_in_dim3A_33 = arith.constant 2 : i32
    %broadcast_in_dim3A_34 = vector.broadcast %broadcast_in_dim3A_33 : i32 to vector<16xi32>
    %broadcast_in_dim3A_35 = vector.shape_cast %broadcast_in_dim3A_34 : vector<16xi32> to vector<16x1xi32>
    %gather3A_36 = vector.shape_cast %broadcast_in_dim3A_35 : vector<16x1xi32> to vector<16xi32>
    %gather3A_37 = tpu.dynamic_gather %get3A_23[%gather3A_36] in [0] : vector<16xf32>, vector<16xi32> -> vector<16xf32>
    %broadcast_in_dim3A_38 = arith.constant 3 : i32
    %broadcast_in_dim3A_39 = vector.broadcast %broadcast_in_dim3A_38 : i32 to vector<16xi32>
    %broadcast_in_dim3A_40 = vector.shape_cast %broadcast_in_dim3A_39 : vector<16xi32> to vector<16x1xi32>
    %gather3A_41 = vector.shape_cast %broadcast_in_dim3A_40 : vector<16x1xi32> to vector<16xi32>
    %gather3A_42 = tpu.dynamic_gather %get3A_23[%gather3A_41] in [0] : vector<16xf32>, vector<16xi32> -> vector<16xf32>
    %sub3A_43 = arith.subf %gather3A_42, %gather3A_37 : vector<16xf32>
    %exp3A_44 = math.exp %sub3A_43 : vector<16xf32>
    %broadcast_in_dim3A_45 = arith.constant 4 : i32
    %broadcast_in_dim3A_46 = vector.broadcast %broadcast_in_dim3A_45 : i32 to vector<16xi32>
    %broadcast_in_dim3A_47 = vector.shape_cast %broadcast_in_dim3A_46 : vector<16xi32> to vector<16x1xi32>
    %gather3A_48 = vector.shape_cast %broadcast_in_dim3A_47 : vector<16x1xi32> to vector<16xi32>
    %gather3A_49 = tpu.dynamic_gather %get3A_23[%gather3A_48] in [0] : vector<16xf32>, vector<16xi32> -> vector<16xf32>
    %broadcast_in_dim3A_50 = arith.constant 5 : i32
    %broadcast_in_dim3A_51 = vector.broadcast %broadcast_in_dim3A_50 : i32 to vector<16xi32>
    %broadcast_in_dim3A_52 = vector.shape_cast %broadcast_in_dim3A_51 : vector<16xi32> to vector<16x1xi32>
    %gather3A_53 = vector.shape_cast %broadcast_in_dim3A_52 : vector<16x1xi32> to vector<16xi32>
    %gather3A_54 = tpu.dynamic_gather %get3A_23[%gather3A_53] in [0] : vector<16xf32>, vector<16xi32> -> vector<16xf32>
    %sub3A_55 = arith.subf %gather3A_54, %gather3A_49 : vector<16xf32>
    %exp3A_56 = math.exp %sub3A_55 : vector<16xf32>
    %get3A_57 = arith.constant 0 : index
    %get3A_58 = tpu.vector_load %arg6[%get3A_57] {strides = array<i32>} : memref<128xi32, #tpu.memory_space<vmem>>, vector<16xi32>,
    %get3A_59 = vector.shape_cast %get3A_58 : vector<16xi32> to vector<16xi32>
    %add3A_60 = arith.constant 0 : i32
    %add3A_61 = vector.broadcast %add3A_60 : i32 to vector<16xi32>
    %add3A_62 = arith.addi %get3A_59, %add3A_61 : vector<16xi32>
    %swap3A = arith.constant 0 : i32
    %swap3A_63 = arith.index_cast %swap3A : i32 to index
    %swap3A_64 = arith.constant 0 : index
    %swap3A_65 = tpu.vector_load %arg8[%swap3A_63, %swap3A_64] {strides = array<i32>} : memref<3x128xi32, #tpu.memory_space<vmem>>, vector<1x16xi32>,
    %swap3A_66 = vector.shape_cast %swap3A_65 : vector<1x16xi32> to vector<16xi32>
    %swap3A_67 = vector.shape_cast %add3A_62 : vector<16xi32> to vector<1x16xi32>
    tpu.vector_store %arg8[%swap3A_63, %swap3A_64], %swap3A_67 {strides = array<i32>} : memref<3x128xi32, #tpu.memory_space<vmem>>, vector<1x16xi32>,
    %add3A_68 = arith.constant 150000 : i32
    %add3A_69 = vector.broadcast %add3A_68 : i32 to vector<16xi32>
    %add3A_70 = arith.addi %get3A_59, %add3A_69 : vector<16xi32>
    %swap3A_71 = arith.constant 0 : i32
    %swap3A_72 = arith.index_cast %swap3A_71 : i32 to index
    %swap3A_73 = arith.constant 0 : index
    %swap3A_74 = tpu.vector_load %arg9[%swap3A_72, %swap3A_73] {strides = array<i32>} : memref<3x128xi32, #tpu.memory_space<vmem>>, vector<1x16xi32>,
    %swap3A_75 = vector.shape_cast %swap3A_74 : vector<1x16xi32> to vector<16xi32>
    %swap3A_76 = vector.shape_cast %add3A_70 : vector<16xi32> to vector<1x16xi32>
    tpu.vector_store %arg9[%swap3A_72, %swap3A_73], %swap3A_76 {strides = array<i32>} : memref<3x128xi32, #tpu.memory_space<vmem>>, vector<1x16xi32>,
    %get3A_77 = arith.constant 16 : index
    %get3A_78 = tpu.vector_load %arg6[%get3A_77] {strides = array<i32>} : memref<128xi32, #tpu.memory_space<vmem>>, vector<16xi32>,
    %get3A_79 = vector.shape_cast %get3A_78 : vector<16xi32> to vector<16xi32>
    %add3A_80 = arith.constant 0 : i32
    %add3A_81 = vector.broadcast %add3A_80 : i32 to vector<16xi32>
    %add3A_82 = arith.addi %get3A_79, %add3A_81 : vector<16xi32>
    %swap3A_83 = arith.constant 0 : i32
    %swap3A_84 = arith.index_cast %swap3A_83 : i32 to index
    %swap3A_85 = arith.constant 16 : index
    %swap3A_86 = tpu.vector_load %arg8[%swap3A_84, %swap3A_85] {strides = array<i32>} : memref<3x128xi32, #tpu.memory_space<vmem>>, vector<1x16xi32>,
    %swap3A_87 = vector.shape_cast %swap3A_86 : vector<1x16xi32> to vector<16xi32>
    %swap3A_88 = vector.shape_cast %add3A_82 : vector<16xi32> to vector<1x16xi32>
    tpu.vector_store %arg8[%swap3A_84, %swap3A_85], %swap3A_88 {strides = array<i32>} : memref<3x128xi32, #tpu.memory_space<vmem>>, vector<1x16xi32>,
    %add3A_89 = arith.constant 150000 : i32
    %add3A_90 = vector.broadcast %add3A_89 : i32 to vector<16xi32>
    %add3A_91 = arith.addi %get3A_79, %add3A_90 : vector<16xi32>
    %swap3A_92 = arith.constant 0 : i32
    %swap3A_93 = arith.index_cast %swap3A_92 : i32 to index
    %swap3A_94 = arith.constant 16 : index
    %swap3A_95 = tpu.vector_load %arg9[%swap3A_93, %swap3A_94] {strides = array<i32>} : memref<3x128xi32, #tpu.memory_space<vmem>>, vector<1x16xi32>,
    %swap3A_96 = vector.shape_cast %swap3A_95 : vector<1x16xi32> to vector<16xi32>
    %swap3A_97 = vector.shape_cast %add3A_91 : vector<16xi32> to vector<1x16xi32>
    tpu.vector_store %arg9[%swap3A_93, %swap3A_94], %swap3A_97 {strides = array<i32>} : memref<3x128xi32, #tpu.memory_space<vmem>>, vector<1x16xi32>,
    %get3A_98 = arith.constant 32 : index
    %get3A_99 = tpu.vector_load %arg6[%get3A_98] {strides = array<i32>} : memref<128xi32, #tpu.memory_space<vmem>>, vector<16xi32>,
    %get3A_100 = vector.shape_cast %get3A_99 : vector<16xi32> to vector<16xi32>
    %add3A_101 = arith.constant 0 : i32
    %add3A_102 = vector.broadcast %add3A_101 : i32 to vector<16xi32>
    %add3A_103 = arith.addi %get3A_100, %add3A_102 : vector<16xi32>
    %swap3A_104 = arith.constant 0 : i32
    %swap3A_105 = arith.index_cast %swap3A_104 : i32 to index
    %swap3A_106 = arith.constant 32 : index
    %swap3A_107 = tpu.vector_load %arg8[%swap3A_105, %swap3A_106] {strides = array<i32>} : memref<3x128xi32, #tpu.memory_space<vmem>>, vector<1x16xi32>,
    %swap3A_108 = vector.shape_cast %swap3A_107 : vector<1x16xi32> to vector<16xi32>
    %swap3A_109 = vector.shape_cast %add3A_103 : vector<16xi32> to vector<1x16xi32>
    tpu.vector_store %arg8[%swap3A_105, %swap3A_106], %swap3A_109 {strides = array<i32>} : memref<3x128xi32, #tpu.memory_space<vmem>>, vector<1x16xi32>,
    %add3A_110 = arith.constant 150000 : i32
    %add3A_111 = vector.broadcast %add3A_110 : i32 to vector<16xi32>
    %add3A_112 = arith.addi %get3A_100, %add3A_111 : vector<16xi32>
    %swap3A_113 = arith.constant 0 : i32
    %swap3A_114 = arith.index_cast %swap3A_113 : i32 to index
    %swap3A_115 = arith.constant 32 : index
    %swap3A_116 = tpu.vector_load %arg9[%swap3A_114, %swap3A_115] {strides = array<i32>} : memref<3x128xi32, #tpu.memory_space<vmem>>, vector<1x16xi32>,
    %swap3A_117 = vector.shape_cast %swap3A_116 : vector<1x16xi32> to vector<16xi32>
    %swap3A_118 = vector.shape_cast %add3A_112 : vector<16xi32> to vector<1x16xi32>
    tpu.vector_store %arg9[%swap3A_114, %swap3A_115], %swap3A_118 {strides = array<i32>} : memref<3x128xi32, #tpu.memory_space<vmem>>, vector<1x16xi32>,
    %get3A_119 = arith.constant 48 : index
    %get3A_120 = tpu.vector_load %arg6[%get3A_119] {strides = array<i32>} : memref<128xi32, #tpu.memory_space<vmem>>, vector<16xi32>,
    %get3A_121 = vector.shape_cast %get3A_120 : vector<16xi32> to vector<16xi32>
    %add3A_122 = arith.constant 0 : i32
    %add3A_123 = vector.broadcast %add3A_122 : i32 to vector<16xi32>
    %add3A_124 = arith.addi %get3A_121, %add3A_123 : vector<16xi32>
    %swap3A_125 = arith.constant 0 : i32
    %swap3A_126 = arith.index_cast %swap3A_125 : i32 to index
    %swap3A_127 = arith.constant 48 : index
    %swap3A_128 = tpu.vector_load %arg8[%swap3A_126, %swap3A_127] {strides = array<i32>} : memref<3x128xi32, #tpu.memory_space<vmem>>, vector<1x16xi32>,
    %swap3A_129 = vector.shape_cast %swap3A_128 : vector<1x16xi32> to vector<16xi32>
    %swap3A_130 = vector.shape_cast %add3A_124 : vector<16xi32> to vector<1x16xi32>
    tpu.vector_store %arg8[%swap3A_126, %swap3A_127], %swap3A_130 {strides = array<i32>} : memref<3x128xi32, #tpu.memory_space<vmem>>, vector<1x16xi32>,
    %add3A_131 = arith.constant 150000 : i32
    %add3A_132 = vector.broadcast %add3A_131 : i32 to vector<16xi32>
    %add3A_133 = arith.addi %get3A_121, %add3A_132 : vector<16xi32>
    %swap3A_134 = arith.constant 0 : i32
    %swap3A_135 = arith.index_cast %swap3A_134 : i32 to index
    %swap3A_136 = arith.constant 48 : index
    %swap3A_137 = tpu.vector_load %arg9[%swap3A_135, %swap3A_136] {strides = array<i32>} : memref<3x128xi32, #tpu.memory_space<vmem>>, vector<1x16xi32>,
    %swap3A_138 = vector.shape_cast %swap3A_137 : vector<1x16xi32> to vector<16xi32>
    %swap3A_139 = vector.shape_cast %add3A_133 : vector<16xi32> to vector<1x16xi32>
    tpu.vector_store %arg9[%swap3A_135, %swap3A_136], %swap3A_139 {strides = array<i32>} : memref<3x128xi32, #tpu.memory_space<vmem>>, vector<1x16xi32>,
    %get3A_140 = arith.constant 64 : index
    %get3A_141 = tpu.vector_load %arg6[%get3A_140] {strides = array<i32>} : memref<128xi32, #tpu.memory_space<vmem>>, vector<16xi32>,
    %get3A_142 = vector.shape_cast %get3A_141 : vector<16xi32> to vector<16xi32>
    %add3A_143 = arith.constant 0 : i32
    %add3A_144 = vector.broadcast %add3A_143 : i32 to vector<16xi32>
    %add3A_145 = arith.addi %get3A_142, %add3A_144 : vector<16xi32>
    %swap3A_146 = arith.constant 0 : i32
    %swap3A_147 = arith.index_cast %swap3A_146 : i32 to index
    %swap3A_148 = arith.constant 64 : index
    %swap3A_149 = tpu.vector_load %arg8[%swap3A_147, %swap3A_148] {strides = array<i32>} : memref<3x128xi32, #tpu.memory_space<vmem>>, vector<1x16xi32>,
    %swap3A_150 = vector.shape_cast %swap3A_149 : vector<1x16xi32> to vector<16xi32>
    %swap3A_151 = vector.shape_cast %add3A_145 : vector<16xi32> to vector<1x16xi32>
    tpu.vector_store %arg8[%swap3A_147, %swap3A_148], %swap3A_151 {strides = array<i32>} : memref<3x128xi32, #tpu.memory_space<vmem>>, vector<1x16xi32>,
    %add3A_152 = arith.constant 150000 : i32
    %add3A_153 = vector.broadcast %add3A_152 : i32 to vector<16xi32>
    %add3A_154 = arith.addi %get3A_142, %add3A_153 : vector<16xi32>
    %swap3A_155 = arith.constant 0 : i32
    %swap3A_156 = arith.index_cast %swap3A_155 : i32 to index
    %swap3A_157 = arith.constant 64 : index
    %swap3A_158 = tpu.vector_load %arg9[%swap3A_156, %swap3A_157] {strides = array<i32>} : memref<3x128xi32, #tpu.memory_space<vmem>>, vector<1x16xi32>,
    %swap3A_159 = vector.shape_cast %swap3A_158 : vector<1x16xi32> to vector<16xi32>
    %swap3A_160 = vector.shape_cast %add3A_154 : vector<16xi32> to vector<1x16xi32>
    tpu.vector_store %arg9[%swap3A_156, %swap3A_157], %swap3A_160 {strides = array<i32>} : memref<3x128xi32, #tpu.memory_space<vmem>>, vector<1x16xi32>,
    %get3A_161 = arith.constant 80 : index
    %get3A_162 = tpu.vector_load %arg6[%get3A_161] {strides = array<i32>} : memref<128xi32, #tpu.memory_space<vmem>>, vector<16xi32>,
    %get3A_163 = vector.shape_cast %get3A_162 : vector<16xi32> to vector<16xi32>
    %add3A_164 = arith.constant 0 : i32
    %add3A_165 = vector.broadcast %add3A_164 : i32 to vector<16xi32>
    %add3A_166 = arith.addi %get3A_163, %add3A_165 : vector<16xi32>
    %swap3A_167 = arith.constant 0 : i32
    %swap3A_168 = arith.index_cast %swap3A_167 : i32 to index
    %swap3A_169 = arith.constant 80 : index
    %swap3A_170 = tpu.vector_load %arg8[%swap3A_168, %swap3A_169] {strides = array<i32>} : memref<3x128xi32, #tpu.memory_space<vmem>>, vector<1x16xi32>,
    %swap3A_171 = vector.shape_cast %swap3A_170 : vector<1x16xi32> to vector<16xi32>
    %swap3A_172 = vector.shape_cast %add3A_166 : vector<16xi32> to vector<1x16xi32>
    tpu.vector_store %arg8[%swap3A_168, %swap3A_169], %swap3A_172 {strides = array<i32>} : memref<3x128xi32, #tpu.memory_space<vmem>>, vector<1x16xi32>,
    %add3A_173 = arith.constant 150000 : i32
    %add3A_174 = vector.broadcast %add3A_173 : i32 to vector<16xi32>
    %add3A_175 = arith.addi %get3A_163, %add3A_174 : vector<16xi32>
    %swap3A_176 = arith.constant 0 : i32
    %swap3A_177 = arith.index_cast %swap3A_176 : i32 to index
    %swap3A_178 = arith.constant 80 : index
    %swap3A_179 = tpu.vector_load %arg9[%swap3A_177, %swap3A_178] {strides = array<i32>} : memref<3x128xi32, #tpu.memory_space<vmem>>, vector<1x16xi32>,
    %swap3A_180 = vector.shape_cast %swap3A_179 : vector<1x16xi32> to vector<16xi32>
    %swap3A_181 = vector.shape_cast %add3A_175 : vector<16xi32> to vector<1x16xi32>
    tpu.vector_store %arg9[%swap3A_177, %swap3A_178], %swap3A_181 {strides = array<i32>} : memref<3x128xi32, #tpu.memory_space<vmem>>, vector<1x16xi32>,
    %get3A_182 = arith.constant 96 : index
    %get3A_183 = tpu.vector_load %arg6[%get3A_182] {strides = array<i32>} : memref<128xi32, #tpu.memory_space<vmem>>, vector<16xi32>,
    %get3A_184 = vector.shape_cast %get3A_183 : vector<16xi32> to vector<16xi32>
    %add3A_185 = arith.constant 0 : i32
    %add3A_186 = vector.broadcast %add3A_185 : i32 to vector<16xi32>
    %add3A_187 = arith.addi %get3A_184, %add3A_186 : vector<16xi32>
    %swap3A_188 = arith.constant 0 : i32
    %swap3A_189 = arith.index_cast %swap3A_188 : i32 to index
    %swap3A_190 = arith.constant 96 : index
    %swap3A_191 = tpu.vector_load %arg8[%swap3A_189, %swap3A_190] {strides = array<i32>} : memref<3x128xi32, #tpu.memory_space<vmem>>, vector<1x16xi32>,
    %swap3A_192 = vector.shape_cast %swap3A_191 : vector<1x16xi32> to vector<16xi32>
    %swap3A_193 = vector.shape_cast %add3A_187 : vector<16xi32> to vector<1x16xi32>
    tpu.vector_store %arg8[%swap3A_189, %swap3A_190], %swap3A_193 {strides = array<i32>} : memref<3x128xi32, #tpu.memory_space<vmem>>, vector<1x16xi32>,
    %add3A_194 = arith.constant 150000 : i32
    %add3A_195 = vector.broadcast %add3A_194 : i32 to vector<16xi32>
    %add3A_196 = arith.addi %get3A_184, %add3A_195 : vector<16xi32>
    %swap3A_197 = arith.constant 0 : i32
    %swap3A_198 = arith.index_cast %swap3A_197 : i32 to index
    %swap3A_199 = arith.constant 96 : index
    %swap3A_200 = tpu.vector_load %arg9[%swap3A_198, %swap3A_199] {strides = array<i32>} : memref<3x128xi32, #tpu.memory_space<vmem>>, vector<1x16xi32>,
    %swap3A_201 = vector.shape_cast %swap3A_200 : vector<1x16xi32> to vector<16xi32>
    %swap3A_202 = vector.shape_cast %add3A_196 : vector<16xi32> to vector<1x16xi32>
    tpu.vector_store %arg9[%swap3A_198, %swap3A_199], %swap3A_202 {strides = array<i32>} : memref<3x128xi32, #tpu.memory_space<vmem>>, vector<1x16xi32>,
    %get3A_203 = arith.constant 112 : index
    %get3A_204 = tpu.vector_load %arg6[%get3A_203] {strides = array<i32>} : memref<128xi32, #tpu.memory_space<vmem>>, vector<16xi32>,
    %get3A_205 = vector.shape_cast %get3A_204 : vector<16xi32> to vector<16xi32>
    %add3A_206 = arith.constant 0 : i32
    %add3A_207 = vector.broadcast %add3A_206 : i32 to vector<16xi32>
    %add3A_208 = arith.addi %get3A_205, %add3A_207 : vector<16xi32>
    %swap3A_209 = arith.constant 0 : i32
    %swap3A_210 = arith.index_cast %swap3A_209 : i32 to index
    %swap3A_211 = arith.constant 112 : index
    %swap3A_212 = tpu.vector_load %arg8[%swap3A_210, %swap3A_211] {strides = array<i32>} : memref<3x128xi32, #tpu.memory_space<vmem>>, vector<1x16xi32>,
    %swap3A_213 = vector.shape_cast %swap3A_212 : vector<1x16xi32> to vector<16xi32>
    %swap3A_214 = vector.shape_cast %add3A_208 : vector<16xi32> to vector<1x16xi32>
    tpu.vector_store %arg8[%swap3A_210, %swap3A_211], %swap3A_214 {strides = array<i32>} : memref<3x128xi32, #tpu.memory_space<vmem>>, vector<1x16xi32>,
    %add3A_215 = arith.constant 150000 : i32
    %add3A_216 = vector.broadcast %add3A_215 : i32 to vector<16xi32>
    %add3A_217 = arith.addi %get3A_205, %add3A_216 : vector<16xi32>
    %swap3A_218 = arith.constant 0 : i32
    %swap3A_219 = arith.index_cast %swap3A_218 : i32 to index
    %swap3A_220 = arith.constant 112 : index
    %swap3A_221 = tpu.vector_load %arg9[%swap3A_219, %swap3A_220] {strides = array<i32>} : memref<3x128xi32, #tpu.memory_space<vmem>>, vector<1x16xi32>,
    %swap3A_222 = vector.shape_cast %swap3A_221 : vector<1x16xi32> to vector<16xi32>
    %swap3A_223 = vector.shape_cast %add3A_217 : vector<16xi32> to vector<1x16xi32>
    tpu.vector_store %arg9[%swap3A_219, %swap3A_220], %swap3A_223 {strides = array<i32>} : memref<3x128xi32, #tpu.memory_space<vmem>>, vector<1x16xi32>,
    %get3A_224 = arith.constant 0 : index
    %get3A_225 = tpu.vector_load %arg6[%get3A_224] {strides = array<i32>} : memref<128xi32, #tpu.memory_space<vmem>>, vector<16xi32>,
    %get3A_226 = vector.shape_cast %get3A_225 : vector<16xi32> to vector<16xi32>
    %add3A_227 = arith.constant 50000 : i32
    %add3A_228 = vector.broadcast %add3A_227 : i32 to vector<16xi32>
    %add3A_229 = arith.addi %get3A_226, %add3A_228 : vector<16xi32>
    %swap3A_230 = arith.constant 1 : i32
    %swap3A_231 = arith.index_cast %swap3A_230 : i32 to index
    %swap3A_232 = arith.constant 0 : index
    %swap3A_233 = tpu.vector_load %arg8[%swap3A_231, %swap3A_232] {strides = array<i32>} : memref<3x128xi32, #tpu.memory_space<vmem>>, vector<1x16xi32>,
    %swap3A_234 = vector.shape_cast %swap3A_233 : vector<1x16xi32> to vector<16xi32>
    %swap3A_235 = vector.shape_cast %add3A_229 : vector<16xi32> to vector<1x16xi32>
    tpu.vector_store %arg8[%swap3A_231, %swap3A_232], %swap3A_235 {strides = array<i32>} : memref<3x128xi32, #tpu.memory_space<vmem>>, vector<1x16xi32>,
    %add3A_236 = arith.constant 200000 : i32
    %add3A_237 = vector.broadcast %add3A_236 : i32 to vector<16xi32>
    %add3A_238 = arith.addi %get3A_226, %add3A_237 : vector<16xi32>
    %swap3A_239 = arith.constant 1 : i32
    %swap3A_240 = arith.index_cast %swap3A_239 : i32 to index
    %swap3A_241 = arith.constant 0 : index
    %swap3A_242 = tpu.vector_load %arg9[%swap3A_240, %swap3A_241] {strides = array<i32>} : memref<3x128xi32, #tpu.memory_space<vmem>>, vector<1x16xi32>,
    %swap3A_243 = vector.shape_cast %swap3A_242 : vector<1x16xi32> to vector<16xi32>
    %swap3A_244 = vector.shape_cast %add3A_238 : vector<16xi32> to vector<1x16xi32>
    tpu.vector_store %arg9[%swap3A_240, %swap3A_241], %swap3A_244 {strides = array<i32>} : memref<3x128xi32, #tpu.memory_space<vmem>>, vector<1x16xi32>,
    %get3A_245 = arith.constant 16 : index
    %get3A_246 = tpu.vector_load %arg6[%get3A_245] {strides = array<i32>} : memref<128xi32, #tpu.memory_space<vmem>>, vector<16xi32>,
    %get3A_247 = vector.shape_cast %get3A_246 : vector<16xi32> to vector<16xi32>
    %add3A_248 = arith.constant 50000 : i32
    %add3A_249 = vector.broadcast %add3A_248 : i32 to vector<16xi32>
    %add3A_250 = arith.addi %get3A_247, %add3A_249 : vector<16xi32>
    %swap3A_251 = arith.constant 1 : i32
    %swap3A_252 = arith.index_cast %swap3A_251 : i32 to index
    %swap3A_253 = arith.constant 16 : index
    %swap3A_254 = tpu.vector_load %arg8[%swap3A_252, %swap3A_253] {strides = array<i32>} : memref<3x128xi32, #tpu.memory_space<vmem>>, vector<1x16xi32>,
    %swap3A_255 = vector.shape_cast %swap3A_254 : vector<1x16xi32> to vector<16xi32>
    %swap3A_256 = vector.shape_cast %add3A_250 : vector<16xi32> to vector<1x16xi32>
    tpu.vector_store %arg8[%swap3A_252, %swap3A_253], %swap3A_256 {strides = array<i32>} : memref<3x128xi32, #tpu.memory_space<vmem>>, vector<1x16xi32>,
    %add3A_257 = arith.constant 200000 : i32
    %add3A_258 = vector.broadcast %add3A_257 : i32 to vector<16xi32>
    %add3A_259 = arith.addi %get3A_247, %add3A_258 : vector<16xi32>
    %swap3A_260 = arith.constant 1 : i32
    %swap3A_261 = arith.index_cast %swap3A_260 : i32 to index
    %swap3A_262 = arith.constant 16 : index
    %swap3A_263 = tpu.vector_load %arg9[%swap3A_261, %swap3A_262] {strides = array<i32>} : memref<3x128xi32, #tpu.memory_space<vmem>>, vector<1x16xi32>,
    %swap3A_264 = vector.shape_cast %swap3A_263 : vector<1x16xi32> to vector<16xi32>
    %swap3A_265 = vector.shape_cast %add3A_259 : vector<16xi32> to vector<1x16xi32>
    tpu.vector_store %arg9[%swap3A_261, %swap3A_262], %swap3A_265 {strides = array<i32>} : memref<3x128xi32, #tpu.memory_space<vmem>>, vector<1x16xi32>,
    %get3A_266 = arith.constant 32 : index
    %get3A_267 = tpu.vector_load %arg6[%get3A_266] {strides = array<i32>} : memref<128xi32, #tpu.memory_space<vmem>>, vector<16xi32>,
    %get3A_268 = vector.shape_cast %get3A_267 : vector<16xi32> to vector<16xi32>
    %add3A_269 = arith.constant 50000 : i32
    %add3A_270 = vector.broadcast %add3A_269 : i32 to vector<16xi32>
    %add3A_271 = arith.addi %get3A_268, %add3A_270 : vector<16xi32>
    %swap3A_272 = arith.constant 1 : i32
    %swap3A_273 = arith.index_cast %swap3A_272 : i32 to index
    %swap3A_274 = arith.constant 32 : index
    %swap3A_275 = tpu.vector_load %arg8[%swap3A_273, %swap3A_274] {strides = array<i32>} : memref<3x128xi32, #tpu.memory_space<vmem>>, vector<1x16xi32>,
    %swap3A_276 = vector.shape_cast %swap3A_275 : vector<1x16xi32> to vector<16xi32>
    %swap3A_277 = vector.shape_cast %add3A_271 : vector<16xi32> to vector<1x16xi32>
    tpu.vector_store %arg8[%swap3A_273, %swap3A_274], %swap3A_277 {strides = array<i32>} : memref<3x128xi32, #tpu.memory_space<vmem>>, vector<1x16xi32>,
    %add3A_278 = arith.constant 200000 : i32
    %add3A_279 = vector.broadcast %add3A_278 : i32 to vector<16xi32>
    %add3A_280 = arith.addi %get3A_268, %add3A_279 : vector<16xi32>
    %swap3A_281 = arith.constant 1 : i32
    %swap3A_282 = arith.index_cast %swap3A_281 : i32 to index
    %swap3A_283 = arith.constant 32 : index
    %swap3A_284 = tpu.vector_load %arg9[%swap3A_282, %swap3A_283] {strides = array<i32>} : memref<3x128xi32, #tpu.memory_space<vmem>>, vector<1x16xi32>,
    %swap3A_285 = vector.shape_cast %swap3A_284 : vector<1x16xi32> to vector<16xi32>
    %swap3A_286 = vector.shape_cast %add3A_280 : vector<16xi32> to vector<1x16xi32>
    tpu.vector_store %arg9[%swap3A_282, %swap3A_283], %swap3A_286 {strides = array<i32>} : memref<3x128xi32, #tpu.memory_space<vmem>>, vector<1x16xi32>,
    %get3A_287 = arith.constant 48 : index
    %get3A_288 = tpu.vector_load %arg6[%get3A_287] {strides = array<i32>} : memref<128xi32, #tpu.memory_space<vmem>>, vector<16xi32>,
    %get3A_289 = vector.shape_cast %get3A_288 : vector<16xi32> to vector<16xi32>
    %add3A_290 = arith.constant 50000 : i32
    %add3A_291 = vector.broadcast %add3A_290 : i32 to vector<16xi32>
    %add3A_292 = arith.addi %get3A_289, %add3A_291 : vector<16xi32>
    %swap3A_293 = arith.constant 1 : i32
    %swap3A_294 = arith.index_cast %swap3A_293 : i32 to index
    %swap3A_295 = arith.constant 48 : index
    %swap3A_296 = tpu.vector_load %arg8[%swap3A_294, %swap3A_295] {strides = array<i32>} : memref<3x128xi32, #tpu.memory_space<vmem>>, vector<1x16xi32>,
    %swap3A_297 = vector.shape_cast %swap3A_296 : vector<1x16xi32> to vector<16xi32>
    %swap3A_298 = vector.shape_cast %add3A_292 : vector<16xi32> to vector<1x16xi32>
    tpu.vector_store %arg8[%swap3A_294, %swap3A_295], %swap3A_298 {strides = array<i32>} : memref<3x128xi32, #tpu.memory_space<vmem>>, vector<1x16xi32>,
    %add3A_299 = arith.constant 200000 : i32
    %add3A_300 = vector.broadcast %add3A_299 : i32 to vector<16xi32>
    %add3A_301 = arith.addi %get3A_289, %add3A_300 : vector<16xi32>
    %swap3A_302 = arith.constant 1 : i32
    %swap3A_303 = arith.index_cast %swap3A_302 : i32 to index
    %swap3A_304 = arith.constant 48 : index
    %swap3A_305 = tpu.vector_load %arg9[%swap3A_303, %swap3A_304] {strides = array<i32>} : memref<3x128xi32, #tpu.memory_space<vmem>>, vector<1x16xi32>,
    %swap3A_306 = vector.shape_cast %swap3A_305 : vector<1x16xi32> to vector<16xi32>
    %swap3A_307 = vector.shape_cast %add3A_301 : vector<16xi32> to vector<1x16xi32>
    tpu.vector_store %arg9[%swap3A_303, %swap3A_304], %swap3A_307 {strides = array<i32>} : memref<3x128xi32, #tpu.memory_space<vmem>>, vector<1x16xi32>,
    %get3A_308 = arith.constant 64 : index
    %get3A_309 = tpu.vector_load %arg6[%get3A_308] {strides = array<i32>} : memref<128xi32, #tpu.memory_space<vmem>>, vector<16xi32>,
    %get3A_310 = vector.shape_cast %get3A_309 : vector<16xi32> to vector<16xi32>
    %add3A_311 = arith.constant 50000 : i32
    %add3A_312 = vector.broadcast %add3A_311 : i32 to vector<16xi32>
    %add3A_313 = arith.addi %get3A_310, %add3A_312 : vector<16xi32>
    %swap3A_314 = arith.constant 1 : i32
    %swap3A_315 = arith.index_cast %swap3A_314 : i32 to index
    %swap3A_316 = arith.constant 64 : index
    %swap3A_317 = tpu.vector_load %arg8[%swap3A_315, %swap3A_316] {strides = array<i32>} : memref<3x128xi32, #tpu.memory_space<vmem>>, vector<1x16xi32>,
    %swap3A_318 = vector.shape_cast %swap3A_317 : vector<1x16xi32> to vector<16xi32>
    %swap3A_319 = vector.shape_cast %add3A_313 : vector<16xi32> to vector<1x16xi32>
    tpu.vector_store %arg8[%swap3A_315, %swap3A_316], %swap3A_319 {strides = array<i32>} : memref<3x128xi32, #tpu.memory_space<vmem>>, vector<1x16xi32>,
    %add3A_320 = arith.constant 200000 : i32
    %add3A_321 = vector.broadcast %add3A_320 : i32 to vector<16xi32>
    %add3A_322 = arith.addi %get3A_310, %add3A_321 : vector<16xi32>
    %swap3A_323 = arith.constant 1 : i32
    %swap3A_324 = arith.index_cast %swap3A_323 : i32 to index
    %swap3A_325 = arith.constant 64 : index
    %swap3A_326 = tpu.vector_load %arg9[%swap3A_324, %swap3A_325] {strides = array<i32>} : memref<3x128xi32, #tpu.memory_space<vmem>>, vector<1x16xi32>,
    %swap3A_327 = vector.shape_cast %swap3A_326 : vector<1x16xi32> to vector<16xi32>
    %swap3A_328 = vector.shape_cast %add3A_322 : vector<16xi32> to vector<1x16xi32>
    tpu.vector_store %arg9[%swap3A_324, %swap3A_325], %swap3A_328 {strides = array<i32>} : memref<3x128xi32, #tpu.memory_space<vmem>>, vector<1x16xi32>,
    %get3A_329 = arith.constant 80 : index
    %get3A_330 = tpu.vector_load %arg6[%get3A_329] {strides = array<i32>} : memref<128xi32, #tpu.memory_space<vmem>>, vector<16xi32>,
    %get3A_331 = vector.shape_cast %get3A_330 : vector<16xi32> to vector<16xi32>
    %add3A_332 = arith.constant 50000 : i32
    %add3A_333 = vector.broadcast %add3A_332 : i32 to vector<16xi32>
    %add3A_334 = arith.addi %get3A_331, %add3A_333 : vector<16xi32>
    %swap3A_335 = arith.constant 1 : i32
    %swap3A_336 = arith.index_cast %swap3A_335 : i32 to index
    %swap3A_337 = arith.constant 80 : index
    %swap3A_338 = tpu.vector_load %arg8[%swap3A_336, %swap3A_337] {strides = array<i32>} : memref<3x128xi32, #tpu.memory_space<vmem>>, vector<1x16xi32>,
    %swap3A_339 = vector.shape_cast %swap3A_338 : vector<1x16xi32> to vector<16xi32>
    %swap3A_340 = vector.shape_cast %add3A_334 : vector<16xi32> to vector<1x16xi32>
    tpu.vector_store %arg8[%swap3A_336, %swap3A_337], %swap3A_340 {strides = array<i32>} : memref<3x128xi32, #tpu.memory_space<vmem>>, vector<1x16xi32>,
    %add3A_341 = arith.constant 200000 : i32
    %add3A_342 = vector.broadcast %add3A_341 : i32 to vector<16xi32>
    %add3A_343 = arith.addi %get3A_331, %add3A_342 : vector<16xi32>
    %swap3A_344 = arith.constant 1 : i32
    %swap3A_345 = arith.index_cast %swap3A_344 : i32 to index
    %swap3A_346 = arith.constant 80 : index
    %swap3A_347 = tpu.vector_load %arg9[%swap3A_345, %swap3A_346] {strides = array<i32>} : memref<3x128xi32, #tpu.memory_space<vmem>>, vector<1x16xi32>,
    %swap3A_348 = vector.shape_cast %swap3A_347 : vector<1x16xi32> to vector<16xi32>
    %swap3A_349 = vector.shape_cast %add3A_343 : vector<16xi32> to vector<1x16xi32>
    tpu.vector_store %arg9[%swap3A_345, %swap3A_346], %swap3A_349 {strides = array<i32>} : memref<3x128xi32, #tpu.memory_space<vmem>>, vector<1x16xi32>,
    %get3A_350 = arith.constant 96 : index
    %get3A_351 = tpu.vector_load %arg6[%get3A_350] {strides = array<i32>} : memref<128xi32, #tpu.memory_space<vmem>>, vector<16xi32>,
    %get3A_352 = vector.shape_cast %get3A_351 : vector<16xi32> to vector<16xi32>
    %add3A_353 = arith.constant 50000 : i32
    %add3A_354 = vector.broadcast %add3A_353 : i32 to vector<16xi32>
    %add3A_355 = arith.addi %get3A_352, %add3A_354 : vector<16xi32>
    %swap3A_356 = arith.constant 1 : i32
    %swap3A_357 = arith.index_cast %swap3A_356 : i32 to index
    %swap3A_358 = arith.constant 96 : index
    %swap3A_359 = tpu.vector_load %arg8[%swap3A_357, %swap3A_358] {strides = array<i32>} : memref<3x128xi32, #tpu.memory_space<vmem>>, vector<1x16xi32>,
    %swap3A_360 = vector.shape_cast %swap3A_359 : vector<1x16xi32> to vector<16xi32>
    %swap3A_361 = vector.shape_cast %add3A_355 : vector<16xi32> to vector<1x16xi32>
    tpu.vector_store %arg8[%swap3A_357, %swap3A_358], %swap3A_361 {strides = array<i32>} : memref<3x128xi32, #tpu.memory_space<vmem>>, vector<1x16xi32>,
    %add3A_362 = arith.constant 200000 : i32
    %add3A_363 = vector.broadcast %add3A_362 : i32 to vector<16xi32>
    %add3A_364 = arith.addi %get3A_352, %add3A_363 : vector<16xi32>
    %swap3A_365 = arith.constant 1 : i32
    %swap3A_366 = arith.index_cast %swap3A_365 : i32 to index
    %swap3A_367 = arith.constant 96 : index
    %swap3A_368 = tpu.vector_load %arg9[%swap3A_366, %swap3A_367] {strides = array<i32>} : memref<3x128xi32, #tpu.memory_space<vmem>>, vector<1x16xi32>,
    %swap3A_369 = vector.shape_cast %swap3A_368 : vector<1x16xi32> to vector<16xi32>
    %swap3A_370 = vector.shape_cast %add3A_364 : vector<16xi32> to vector<1x16xi32>
    tpu.vector_store %arg9[%swap3A_366, %swap3A_367], %swap3A_370 {strides = array<i32>} : memref<3x128xi32, #tpu.memory_space<vmem>>, vector<1x16xi32>,
    %get3A_371 = arith.constant 112 : index
    %get3A_372 = tpu.vector_load %arg6[%get3A_371] {strides = array<i32>} : memref<128xi32, #tpu.memory_space<vmem>>, vector<16xi32>,
    %get3A_373 = vector.shape_cast %get3A_372 : vector<16xi32> to vector<16xi32>
    %add3A_374 = arith.constant 50000 : i32
    %add3A_375 = vector.broadcast %add3A_374 : i32 to vector<16xi32>
    %add3A_376 = arith.addi %get3A_373, %add3A_375 : vector<16xi32>
    %swap3A_377 = arith.constant 1 : i32
    %swap3A_378 = arith.index_cast %swap3A_377 : i32 to index
    %swap3A_379 = arith.constant 112 : index
    %swap3A_380 = tpu.vector_load %arg8[%swap3A_378, %swap3A_379] {strides = array<i32>} : memref<3x128xi32, #tpu.memory_space<vmem>>, vector<1x16xi32>,
    %swap3A_381 = vector.shape_cast %swap3A_380 : vector<1x16xi32> to vector<16xi32>
    %swap3A_382 = vector.shape_cast %add3A_376 : vector<16xi32> to vector<1x16xi32>
    tpu.vector_store %arg8[%swap3A_378, %swap3A_379], %swap3A_382 {strides = array<i32>} : memref<3x128xi32, #tpu.memory_space<vmem>>, vector<1x16xi32>,
    %add3A_383 = arith.constant 200000 : i32
    %add3A_384 = vector.broadcast %add3A_383 : i32 to vector<16xi32>
    %add3A_385 = arith.addi %get3A_373, %add3A_384 : vector<16xi32>
    %swap3A_386 = arith.constant 1 : i32
    %swap3A_387 = arith.index_cast %swap3A_386 : i32 to index
    %swap3A_388 = arith.constant 112 : index
    %swap3A_389 = tpu.vector_load %arg9[%swap3A_387, %swap3A_388] {strides = array<i32>} : memref<3x128xi32, #tpu.memory_space<vmem>>, vector<1x16xi32>,
    %swap3A_390 = vector.shape_cast %swap3A_389 : vector<1x16xi32> to vector<16xi32>
    %swap3A_391 = vector.shape_cast %add3A_385 : vector<16xi32> to vector<1x16xi32>
    tpu.vector_store %arg9[%swap3A_387, %swap3A_388], %swap3A_391 {strides = array<i32>} : memref<3x128xi32, #tpu.memory_space<vmem>>, vector<1x16xi32>,
    %get3A_392 = arith.constant 0 : index
    %get3A_393 = tpu.vector_load %arg6[%get3A_392] {strides = array<i32>} : memref<128xi32, #tpu.memory_space<vmem>>, vector<16xi32>,
    %get3A_394 = vector.shape_cast %get3A_393 : vector<16xi32> to vector<16xi32>
    %add3A_395 = arith.constant 100000 : i32
    %add3A_396 = vector.broadcast %add3A_395 : i32 to vector<16xi32>
    %add3A_397 = arith.addi %get3A_394, %add3A_396 : vector<16xi32>
    %swap3A_398 = arith.constant 2 : i32
    %swap3A_399 = arith.index_cast %swap3A_398 : i32 to index
    %swap3A_400 = arith.constant 0 : index
    %swap3A_401 = tpu.vector_load %arg8[%swap3A_399, %swap3A_400] {strides = array<i32>} : memref<3x128xi32, #tpu.memory_space<vmem>>, vector<1x16xi32>,
    %swap3A_402 = vector.shape_cast %swap3A_401 : vector<1x16xi32> to vector<16xi32>
    %swap3A_403 = vector.shape_cast %add3A_397 : vector<16xi32> to vector<1x16xi32>
    tpu.vector_store %arg8[%swap3A_399, %swap3A_400], %swap3A_403 {strides = array<i32>} : memref<3x128xi32, #tpu.memory_space<vmem>>, vector<1x16xi32>,
    %add3A_404 = arith.constant 250000 : i32
    %add3A_405 = vector.broadcast %add3A_404 : i32 to vector<16xi32>
    %add3A_406 = arith.addi %get3A_394, %add3A_405 : vector<16xi32>
    %swap3A_407 = arith.constant 2 : i32
    %swap3A_408 = arith.index_cast %swap3A_407 : i32 to index
    %swap3A_409 = arith.constant 0 : index
    %swap3A_410 = tpu.vector_load %arg9[%swap3A_408, %swap3A_409] {strides = array<i32>} : memref<3x128xi32, #tpu.memory_space<vmem>>, vector<1x16xi32>,
    %swap3A_411 = vector.shape_cast %swap3A_410 : vector<1x16xi32> to vector<16xi32>
    %swap3A_412 = vector.shape_cast %add3A_406 : vector<16xi32> to vector<1x16xi32>
    tpu.vector_store %arg9[%swap3A_408, %swap3A_409], %swap3A_412 {strides = array<i32>} : memref<3x128xi32, #tpu.memory_space<vmem>>, vector<1x16xi32>,
    %get3A_413 = arith.constant 16 : index
    %get3A_414 = tpu.vector_load %arg6[%get3A_413] {strides = array<i32>} : memref<128xi32, #tpu.memory_space<vmem>>, vector<16xi32>,
    %get3A_415 = vector.shape_cast %get3A_414 : vector<16xi32> to vector<16xi32>
    %add3A_416 = arith.constant 100000 : i32
    %add3A_417 = vector.broadcast %add3A_416 : i32 to vector<16xi32>
    %add3A_418 = arith.addi %get3A_415, %add3A_417 : vector<16xi32>
    %swap3A_419 = arith.constant 2 : i32
    %swap3A_420 = arith.index_cast %swap3A_419 : i32 to index
    %swap3A_421 = arith.constant 16 : index
    %swap3A_422 = tpu.vector_load %arg8[%swap3A_420, %swap3A_421] {strides = array<i32>} : memref<3x128xi32, #tpu.memory_space<vmem>>, vector<1x16xi32>,
    %swap3A_423 = vector.shape_cast %swap3A_422 : vector<1x16xi32> to vector<16xi32>
    %swap3A_424 = vector.shape_cast %add3A_418 : vector<16xi32> to vector<1x16xi32>
    tpu.vector_store %arg8[%swap3A_420, %swap3A_421], %swap3A_424 {strides = array<i32>} : memref<3x128xi32, #tpu.memory_space<vmem>>, vector<1x16xi32>,
    %add3A_425 = arith.constant 250000 : i32
    %add3A_426 = vector.broadcast %add3A_425 : i32 to vector<16xi32>
    %add3A_427 = arith.addi %get3A_415, %add3A_426 : vector<16xi32>
    %swap3A_428 = arith.constant 2 : i32
    %swap3A_429 = arith.index_cast %swap3A_428 : i32 to index
    %swap3A_430 = arith.constant 16 : index
    %swap3A_431 = tpu.vector_load %arg9[%swap3A_429, %swap3A_430] {strides = array<i32>} : memref<3x128xi32, #tpu.memory_space<vmem>>, vector<1x16xi32>,
    %swap3A_432 = vector.shape_cast %swap3A_431 : vector<1x16xi32> to vector<16xi32>
    %swap3A_433 = vector.shape_cast %add3A_427 : vector<16xi32> to vector<1x16xi32>
    tpu.vector_store %arg9[%swap3A_429, %swap3A_430], %swap3A_433 {strides = array<i32>} : memref<3x128xi32, #tpu.memory_space<vmem>>, vector<1x16xi32>,
    %get3A_434 = arith.constant 32 : index
    %get3A_435 = tpu.vector_load %arg6[%get3A_434] {strides = array<i32>} : memref<128xi32, #tpu.memory_space<vmem>>, vector<16xi32>,
    %get3A_436 = vector.shape_cast %get3A_435 : vector<16xi32> to vector<16xi32>
    %add3A_437 = arith.constant 100000 : i32
    %add3A_438 = vector.broadcast %add3A_437 : i32 to vector<16xi32>
    %add3A_439 = arith.addi %get3A_436, %add3A_438 : vector<16xi32>
    %swap3A_440 = arith.constant 2 : i32
    %swap3A_441 = arith.index_cast %swap3A_440 : i32 to index
    %swap3A_442 = arith.constant 32 : index
    %swap3A_443 = tpu.vector_load %arg8[%swap3A_441, %swap3A_442] {strides = array<i32>} : memref<3x128xi32, #tpu.memory_space<vmem>>, vector<1x16xi32>,
    %swap3A_444 = vector.shape_cast %swap3A_443 : vector<1x16xi32> to vector<16xi32>
    %swap3A_445 = vector.shape_cast %add3A_439 : vector<16xi32> to vector<1x16xi32>
    tpu.vector_store %arg8[%swap3A_441, %swap3A_442], %swap3A_445 {strides = array<i32>} : memref<3x128xi32, #tpu.memory_space<vmem>>, vector<1x16xi32>,
    %add3A_446 = arith.constant 250000 : i32
    %add3A_447 = vector.broadcast %add3A_446 : i32 to vector<16xi32>
    %add3A_448 = arith.addi %get3A_436, %add3A_447 : vector<16xi32>
    %swap3A_449 = arith.constant 2 : i32
    %swap3A_450 = arith.index_cast %swap3A_449 : i32 to index
    %swap3A_451 = arith.constant 32 : index
    %swap3A_452 = tpu.vector_load %arg9[%swap3A_450, %swap3A_451] {strides = array<i32>} : memref<3x128xi32, #tpu.memory_space<vmem>>, vector<1x16xi32>,
    %swap3A_453 = vector.shape_cast %swap3A_452 : vector<1x16xi32> to vector<16xi32>
    %swap3A_454 = vector.shape_cast %add3A_448 : vector<16xi32> to vector<1x16xi32>
    tpu.vector_store %arg9[%swap3A_450, %swap3A_451], %swap3A_454 {strides = array<i32>} : memref<3x128xi32, #tpu.memory_space<vmem>>, vector<1x16xi32>,
    %get3A_455 = arith.constant 48 : index
    %get3A_456 = tpu.vector_load %arg6[%get3A_455] {strides = array<i32>} : memref<128xi32, #tpu.memory_space<vmem>>, vector<16xi32>,
    %get3A_457 = vector.shape_cast %get3A_456 : vector<16xi32> to vector<16xi32>
    %add3A_458 = arith.constant 100000 : i32
    %add3A_459 = vector.broadcast %add3A_458 : i32 to vector<16xi32>
    %add3A_460 = arith.addi %get3A_457, %add3A_459 : vector<16xi32>
    %swap3A_461 = arith.constant 2 : i32
    %swap3A_462 = arith.index_cast %swap3A_461 : i32 to index
    %swap3A_463 = arith.constant 48 : index
    %swap3A_464 = tpu.vector_load %arg8[%swap3A_462, %swap3A_463] {strides = array<i32>} : memref<3x128xi32, #tpu.memory_space<vmem>>, vector<1x16xi32>,
    %swap3A_465 = vector.shape_cast %swap3A_464 : vector<1x16xi32> to vector<16xi32>
    %swap3A_466 = vector.shape_cast %add3A_460 : vector<16xi32> to vector<1x16xi32>
    tpu.vector_store %arg8[%swap3A_462, %swap3A_463], %swap3A_466 {strides = array<i32>} : memref<3x128xi32, #tpu.memory_space<vmem>>, vector<1x16xi32>,
    %add3A_467 = arith.constant 250000 : i32
    %add3A_468 = vector.broadcast %add3A_467 : i32 to vector<16xi32>
    %add3A_469 = arith.addi %get3A_457, %add3A_468 : vector<16xi32>
    %swap3A_470 = arith.constant 2 : i32
    %swap3A_471 = arith.index_cast %swap3A_470 : i32 to index
    %swap3A_472 = arith.constant 48 : index
    %swap3A_473 = tpu.vector_load %arg9[%swap3A_471, %swap3A_472] {strides = array<i32>} : memref<3x128xi32, #tpu.memory_space<vmem>>, vector<1x16xi32>,
    %swap3A_474 = vector.shape_cast %swap3A_473 : vector<1x16xi32> to vector<16xi32>
    %swap3A_475 = vector.shape_cast %add3A_469 : vector<16xi32> to vector<1x16xi32>
    tpu.vector_store %arg9[%swap3A_471, %swap3A_472], %swap3A_475 {strides = array<i32>} : memref<3x128xi32, #tpu.memory_space<vmem>>, vector<1x16xi32>,
    %get3A_476 = arith.constant 64 : index
    %get3A_477 = tpu.vector_load %arg6[%get3A_476] {strides = array<i32>} : memref<128xi32, #tpu.memory_space<vmem>>, vector<16xi32>,
    %get3A_478 = vector.shape_cast %get3A_477 : vector<16xi32> to vector<16xi32>
    %add3A_479 = arith.constant 100000 : i32
    %add3A_480 = vector.broadcast %add3A_479 : i32 to vector<16xi32>
    %add3A_481 = arith.addi %get3A_478, %add3A_480 : vector<16xi32>
    %swap3A_482 = arith.constant 2 : i32
    %swap3A_483 = arith.index_cast %swap3A_482 : i32 to index
    %swap3A_484 = arith.constant 64 : index
    %swap3A_485 = tpu.vector_load %arg8[%swap3A_483, %swap3A_484] {strides = array<i32>} : memref<3x128xi32, #tpu.memory_space<vmem>>, vector<1x16xi32>,
    %swap3A_486 = vector.shape_cast %swap3A_485 : vector<1x16xi32> to vector<16xi32>
    %swap3A_487 = vector.shape_cast %add3A_481 : vector<16xi32> to vector<1x16xi32>
    tpu.vector_store %arg8[%swap3A_483, %swap3A_484], %swap3A_487 {strides = array<i32>} : memref<3x128xi32, #tpu.memory_space<vmem>>, vector<1x16xi32>,
    %add3A_488 = arith.constant 250000 : i32
    %add3A_489 = vector.broadcast %add3A_488 : i32 to vector<16xi32>
    %add3A_490 = arith.addi %get3A_478, %add3A_489 : vector<16xi32>
    %swap3A_491 = arith.constant 2 : i32
    %swap3A_492 = arith.index_cast %swap3A_491 : i32 to index
    %swap3A_493 = arith.constant 64 : index
    %swap3A_494 = tpu.vector_load %arg9[%swap3A_492, %swap3A_493] {strides = array<i32>} : memref<3x128xi32, #tpu.memory_space<vmem>>, vector<1x16xi32>,
    %swap3A_495 = vector.shape_cast %swap3A_494 : vector<1x16xi32> to vector<16xi32>
    %swap3A_496 = vector.shape_cast %add3A_490 : vector<16xi32> to vector<1x16xi32>
    tpu.vector_store %arg9[%swap3A_492, %swap3A_493], %swap3A_496 {strides = array<i32>} : memref<3x128xi32, #tpu.memory_space<vmem>>, vector<1x16xi32>,
    %get3A_497 = arith.constant 80 : index
    %get3A_498 = tpu.vector_load %arg6[%get3A_497] {strides = array<i32>} : memref<128xi32, #tpu.memory_space<vmem>>, vector<16xi32>,
    %get3A_499 = vector.shape_cast %get3A_498 : vector<16xi32> to vector<16xi32>
    %add3A_500 = arith.constant 100000 : i32
    %add3A_501 = vector.broadcast %add3A_500 : i32 to vector<16xi32>
    %add3A_502 = arith.addi %get3A_499, %add3A_501 : vector<16xi32>
    %swap3A_503 = arith.constant 2 : i32
    %swap3A_504 = arith.index_cast %swap3A_503 : i32 to index
    %swap3A_505 = arith.constant 80 : index
    %swap3A_506 = tpu.vector_load %arg8[%swap3A_504, %swap3A_505] {strides = array<i32>} : memref<3x128xi32, #tpu.memory_space<vmem>>, vector<1x16xi32>,
    %swap3A_507 = vector.shape_cast %swap3A_506 : vector<1x16xi32> to vector<16xi32>
    %swap3A_508 = vector.shape_cast %add3A_502 : vector<16xi32> to vector<1x16xi32>
    tpu.vector_store %arg8[%swap3A_504, %swap3A_505], %swap3A_508 {strides = array<i32>} : memref<3x128xi32, #tpu.memory_space<vmem>>, vector<1x16xi32>,
    %add3A_509 = arith.constant 250000 : i32
    %add3A_510 = vector.broadcast %add3A_509 : i32 to vector<16xi32>
    %add3A_511 = arith.addi %get3A_499, %add3A_510 : vector<16xi32>
    %swap3A_512 = arith.constant 2 : i32
    %swap3A_513 = arith.index_cast %swap3A_512 : i32 to index
    %swap3A_514 = arith.constant 80 : index
    %swap3A_515 = tpu.vector_load %arg9[%swap3A_513, %swap3A_514] {strides = array<i32>} : memref<3x128xi32, #tpu.memory_space<vmem>>, vector<1x16xi32>,
    %swap3A_516 = vector.shape_cast %swap3A_515 : vector<1x16xi32> to vector<16xi32>
    %swap3A_517 = vector.shape_cast %add3A_511 : vector<16xi32> to vector<1x16xi32>
    tpu.vector_store %arg9[%swap3A_513, %swap3A_514], %swap3A_517 {strides = array<i32>} : memref<3x128xi32, #tpu.memory_space<vmem>>, vector<1x16xi32>,
    %get3A_518 = arith.constant 96 : index
    %get3A_519 = tpu.vector_load %arg6[%get3A_518] {strides = array<i32>} : memref<128xi32, #tpu.memory_space<vmem>>, vector<16xi32>,
    %get3A_520 = vector.shape_cast %get3A_519 : vector<16xi32> to vector<16xi32>
    %add3A_521 = arith.constant 100000 : i32
    %add3A_522 = vector.broadcast %add3A_521 : i32 to vector<16xi32>
    %add3A_523 = arith.addi %get3A_520, %add3A_522 : vector<16xi32>
    %swap3A_524 = arith.constant 2 : i32
    %swap3A_525 = arith.index_cast %swap3A_524 : i32 to index
    %swap3A_526 = arith.constant 96 : index
    %swap3A_527 = tpu.vector_load %arg8[%swap3A_525, %swap3A_526] {strides = array<i32>} : memref<3x128xi32, #tpu.memory_space<vmem>>, vector<1x16xi32>,
    %swap3A_528 = vector.shape_cast %swap3A_527 : vector<1x16xi32> to vector<16xi32>
    %swap3A_529 = vector.shape_cast %add3A_523 : vector<16xi32> to vector<1x16xi32>
    tpu.vector_store %arg8[%swap3A_525, %swap3A_526], %swap3A_529 {strides = array<i32>} : memref<3x128xi32, #tpu.memory_space<vmem>>, vector<1x16xi32>,
    %add3A_530 = arith.constant 250000 : i32
    %add3A_531 = vector.broadcast %add3A_530 : i32 to vector<16xi32>
    %add3A_532 = arith.addi %get3A_520, %add3A_531 : vector<16xi32>
    %swap3A_533 = arith.constant 2 : i32
    %swap3A_534 = arith.index_cast %swap3A_533 : i32 to index
    %swap3A_535 = arith.constant 96 : index
    %swap3A_536 = tpu.vector_load %arg9[%swap3A_534, %swap3A_535] {strides = array<i32>} : memref<3x128xi32, #tpu.memory_space<vmem>>, vector<1x16xi32>,
    %swap3A_537 = vector.shape_cast %swap3A_536 : vector<1x16xi32> to vector<16xi32>
    %swap3A_538 = vector.shape_cast %add3A_532 : vector<16xi32> to vector<1x16xi32>
    tpu.vector_store %arg9[%swap3A_534, %swap3A_535], %swap3A_538 {strides = array<i32>} : memref<3x128xi32, #tpu.memory_space<vmem>>, vector<1x16xi32>,
    %get3A_539 = arith.constant 112 : index
    %get3A_540 = tpu.vector_load %arg6[%get3A_539] {strides = array<i32>} : memref<128xi32, #tpu.memory_space<vmem>>, vector<16xi32>,
    %get3A_541 = vector.shape_cast %get3A_540 : vector<16xi32> to vector<16xi32>
    %add3A_542 = arith.constant 100000 : i32
    %add3A_543 = vector.broadcast %add3A_542 : i32 to vector<16xi32>
    %add3A_544 = arith.addi %get3A_541, %add3A_543 : vector<16xi32>
    %swap3A_545 = arith.constant 2 : i32
    %swap3A_546 = arith.index_cast %swap3A_545 : i32 to index
    %swap3A_547 = arith.constant 112 : index
    %swap3A_548 = tpu.vector_load %arg8[%swap3A_546, %swap3A_547] {strides = array<i32>} : memref<3x128xi32, #tpu.memory_space<vmem>>, vector<1x16xi32>,
    %swap3A_549 = vector.shape_cast %swap3A_548 : vector<1x16xi32> to vector<16xi32>
    %swap3A_550 = vector.shape_cast %add3A_544 : vector<16xi32> to vector<1x16xi32>
    tpu.vector_store %arg8[%swap3A_546, %swap3A_547], %swap3A_550 {strides = array<i32>} : memref<3x128xi32, #tpu.memory_space<vmem>>, vector<1x16xi32>,
    %add3A_551 = arith.constant 250000 : i32
    %add3A_552 = vector.broadcast %add3A_551 : i32 to vector<16xi32>
    %add3A_553 = arith.addi %get3A_541, %add3A_552 : vector<16xi32>
    %swap3A_554 = arith.constant 2 : i32
    %swap3A_555 = arith.index_cast %swap3A_554 : i32 to index
    %swap3A_556 = arith.constant 112 : index
    %swap3A_557 = tpu.vector_load %arg9[%swap3A_555, %swap3A_556] {strides = array<i32>} : memref<3x128xi32, #tpu.memory_space<vmem>>, vector<1x16xi32>,
    %swap3A_558 = vector.shape_cast %swap3A_557 : vector<1x16xi32> to vector<16xi32>
    %swap3A_559 = vector.shape_cast %add3A_553 : vector<16xi32> to vector<1x16xi32>
    tpu.vector_store %arg9[%swap3A_555, %swap3A_556], %swap3A_559 {strides = array<i32>} : memref<3x128xi32, #tpu.memory_space<vmem>>, vector<1x16xi32>,
    %dma_start3A = arith.constant 0 : i32
    %dma_start3A_560 = arith.constant 0 : i32
    %dma_start3A_561 = arith.constant 0 : i32
    %dma_start3A_562 = arith.constant 0 : i32
    %dma_start3A_563 = tpu.memref_slice %arg10[%dma_start3A_560, %dma_start3A_561, %dma_start3A_562] : memref<3x128x128xf32, #tpu.memory_space<vmem>> -> memref<1x128x128xf32, #tpu.memory_space<vmem>>
    %dma_start3A_564 = tpu.memref_squeeze %dma_start3A_563 : memref<1x128x128xf32, #tpu.memory_space<vmem>> -> memref<128x128xf32, #tpu.memory_space<vmem>>
    %dma_start3A_565 = arith.constant 0 : i32
    %dma_start3A_566 = tpu.memref_slice %arg9[%dma_start3A, %dma_start3A_565] : memref<3x128xi32, #tpu.memory_space<vmem>> -> memref<1x128xi32, #tpu.memory_space<vmem>>
    %dma_start3A_567 = tpu.memref_squeeze %dma_start3A_566 : memref<1x128xi32, #tpu.memory_space<vmem>> -> memref<128xi32, #tpu.memory_space<vmem>>
    %dma_start3A_568 = arith.constant 0 : i32
    %dma_start3A_569 = arith.constant 0 : i32
    %dma_start3A_570 = tpu.memref_slice %arg3[%dma_start3A_568, %dma_start3A_569] : memref<300000x128xf32, #tpu.memory_space<hbm>> -> memref<300000x128xf32, #tpu.memory_space<hbm>>
    tpu.enqueue_indirect_dma source(%dma_start3A_570 : memref<300000x128xf32, #tpu.memory_space<hbm>>) target(%dma_start3A_564 : memref<128x128xf32, #tpu.memory_space<vmem>>) offsets(%dma_start3A_567 : memref<128xi32, #tpu.memory_space<vmem>>) semaphore(%arg11 : memref<!tpu.dma_semaphore, #tpu.memory_space<semaphore_mem>>)
    %dma_start3A_571 = arith.constant 1 : i32
    %dma_start3A_572 = arith.constant 1 : i32
    %dma_start3A_573 = arith.constant 0 : i32
    %dma_start3A_574 = arith.constant 0 : i32
    %dma_start3A_575 = tpu.memref_slice %arg10[%dma_start3A_572, %dma_start3A_573, %dma_start3A_574] : memref<3x128x128xf32, #tpu.memory_space<vmem>> -> memref<1x128x128xf32, #tpu.memory_space<vmem>>
    %dma_start3A_576 = tpu.memref_squeeze %dma_start3A_575 : memref<1x128x128xf32, #tpu.memory_space<vmem>> -> memref<128x128xf32, #tpu.memory_space<vmem>>
    %dma_start3A_577 = arith.constant 0 : i32
    %dma_start3A_578 = tpu.memref_slice %arg9[%dma_start3A_571, %dma_start3A_577] : memref<3x128xi32, #tpu.memory_space<vmem>> -> memref<1x128xi32, #tpu.memory_space<vmem>>
    %dma_start3A_579 = tpu.memref_squeeze %dma_start3A_578 : memref<1x128xi32, #tpu.memory_space<vmem>> -> memref<128xi32, #tpu.memory_space<vmem>>
    %dma_start3A_580 = arith.constant 0 : i32
    %dma_start3A_581 = arith.constant 0 : i32
    %dma_start3A_582 = tpu.memref_slice %arg3[%dma_start3A_580, %dma_start3A_581] : memref<300000x128xf32, #tpu.memory_space<hbm>> -> memref<300000x128xf32, #tpu.memory_space<hbm>>
    tpu.enqueue_indirect_dma source(%dma_start3A_582 : memref<300000x128xf32, #tpu.memory_space<hbm>>) target(%dma_start3A_576 : memref<128x128xf32, #tpu.memory_space<vmem>>) offsets(%dma_start3A_579 : memref<128xi32, #tpu.memory_space<vmem>>) semaphore(%arg11 : memref<!tpu.dma_semaphore, #tpu.memory_space<semaphore_mem>>)
    %dma_start3A_583 = arith.constant 2 : i32
    %dma_start3A_584 = arith.constant 2 : i32
    %dma_start3A_585 = arith.constant 0 : i32
    %dma_start3A_586 = arith.constant 0 : i32
    %dma_start3A_587 = tpu.memref_slice %arg10[%dma_start3A_584, %dma_start3A_585, %dma_start3A_586] : memref<3x128x128xf32, #tpu.memory_space<vmem>> -> memref<1x128x128xf32, #tpu.memory_space<vmem>>
    %dma_start3A_588 = tpu.memref_squeeze %dma_start3A_587 : memref<1x128x128xf32, #tpu.memory_space<vmem>> -> memref<128x128xf32, #tpu.memory_space<vmem>>
    %dma_start3A_589 = arith.constant 0 : i32
    %dma_start3A_590 = tpu.memref_slice %arg9[%dma_start3A_583, %dma_start3A_589] : memref<3x128xi32, #tpu.memory_space<vmem>> -> memref<1x128xi32, #tpu.memory_space<vmem>>
    %dma_start3A_591 = tpu.memref_squeeze %dma_start3A_590 : memref<1x128xi32, #tpu.memory_space<vmem>> -> memref<128xi32, #tpu.memory_space<vmem>>
    %dma_start3A_592 = arith.constant 0 : i32
    %dma_start3A_593 = arith.constant 0 : i32
    %dma_start3A_594 = tpu.memref_slice %arg3[%dma_start3A_592, %dma_start3A_593] : memref<300000x128xf32, #tpu.memory_space<hbm>> -> memref<300000x128xf32, #tpu.memory_space<hbm>>
    tpu.enqueue_indirect_dma source(%dma_start3A_594 : memref<300000x128xf32, #tpu.memory_space<hbm>>) target(%dma_start3A_588 : memref<128x128xf32, #tpu.memory_space<vmem>>) offsets(%dma_start3A_591 : memref<128xi32, #tpu.memory_space<vmem>>) semaphore(%arg11 : memref<!tpu.dma_semaphore, #tpu.memory_space<semaphore_mem>>)
    %dma_wait3A = arith.constant 0 : i32
    %dma_wait3A_595 = arith.constant 0 : i32
    %dma_wait3A_596 = arith.constant 0 : i32
    %dma_wait3A_597 = arith.constant 0 : i32
    %dma_wait3A_598 = tpu.memref_slice %arg10[%dma_wait3A_595, %dma_wait3A_596, %dma_wait3A_597] : memref<3x128x128xf32, #tpu.memory_space<vmem>> -> memref<1x128x128xf32, #tpu.memory_space<vmem>>
    %dma_wait3A_599 = tpu.memref_squeeze %dma_wait3A_598 : memref<1x128x128xf32, #tpu.memory_space<vmem>> -> memref<128x128xf32, #tpu.memory_space<vmem>>
    %dma_wait3A_600 = arith.constant 0 : i32
    %dma_wait3A_601 = tpu.memref_slice %arg9[%dma_wait3A, %dma_wait3A_600] : memref<3x128xi32, #tpu.memory_space<vmem>> -> memref<1x128xi32, #tpu.memory_space<vmem>>
    %dma_wait3A_602 = tpu.memref_squeeze %dma_wait3A_601 : memref<1x128xi32, #tpu.memory_space<vmem>> -> memref<128xi32, #tpu.memory_space<vmem>>
    %dma_wait3A_603 = arith.constant 0 : i32
    %dma_wait3A_604 = arith.constant 0 : i32
    %dma_wait3A_605 = tpu.memref_slice %arg3[%dma_wait3A_603, %dma_wait3A_604] : memref<300000x128xf32, #tpu.memory_space<hbm>> -> memref<300000x128xf32, #tpu.memory_space<hbm>>
    tpu.wait_indirect_dma semaphore(%arg11 : memref<!tpu.dma_semaphore, #tpu.memory_space<semaphore_mem>>) src(%dma_wait3A_605 : memref<300000x128xf32, #tpu.memory_space<hbm>>) dst(%dma_wait3A_599 : memref<128x128xf32, #tpu.memory_space<vmem>>)
    %parallel_loop3A = arith.constant 0 : i32
    %parallel_loop3A_606 = arith.constant 128 : i32
    %parallel_loop3A_607 = arith.constant 1 : i32
    scf.for %parallel_loop3A_812 = %parallel_loop3A to %parallel_loop3A_606 step %parallel_loop3A_607  : i32 {
      %parallel_loop3A_813 = arith.constant 0 : i32
      %parallel_loop3A_814 = arith.index_cast %parallel_loop3A_813 : i32 to index
      %parallel_loop3A_815 = arith.index_cast %parallel_loop3A_812 : i32 to index
      %parallel_loop3A_816 = arith.constant 0 : index
      %parallel_loop3A_817 = tpu.vector_load %arg10[%parallel_loop3A_814, %parallel_loop3A_815, %parallel_loop3A_816] {strides = array<i32>} : memref<3x128x128xf32, #tpu.memory_space<vmem>>, vector<1x1x16xf32>,
      %parallel_loop3A_818 = vector.shape_cast %parallel_loop3A_817 : vector<1x1x16xf32> to vector<16xf32>
      %parallel_loop3A_819 = arith.mulf %parallel_loop3A_818, %exp3A : vector<16xf32>
      %parallel_loop3A_820 = arith.constant 0 : i32
      %parallel_loop3A_821 = arith.index_cast %parallel_loop3A_820 : i32 to index
      %parallel_loop3A_822 = arith.index_cast %parallel_loop3A_812 : i32 to index
      %parallel_loop3A_823 = arith.constant 0 : index
      %parallel_loop3A_824 = tpu.vector_load %arg10[%parallel_loop3A_821, %parallel_loop3A_822, %parallel_loop3A_823] {strides = array<i32>} : memref<3x128x128xf32, #tpu.memory_space<vmem>>, vector<1x1x16xf32>,
      %parallel_loop3A_825 = vector.shape_cast %parallel_loop3A_824 : vector<1x1x16xf32> to vector<16xf32>
      %parallel_loop3A_826 = vector.shape_cast %parallel_loop3A_819 : vector<16xf32> to vector<1x1x16xf32>
      tpu.vector_store %arg10[%parallel_loop3A_821, %parallel_loop3A_822, %parallel_loop3A_823], %parallel_loop3A_826 {strides = array<i32>} : memref<3x128x128xf32, #tpu.memory_space<vmem>>, vector<1x1x16xf32>,
      %parallel_loop3A_827 = arith.constant 0 : i32
      %parallel_loop3A_828 = arith.index_cast %parallel_loop3A_827 : i32 to index
      %parallel_loop3A_829 = arith.index_cast %parallel_loop3A_812 : i32 to index
      %parallel_loop3A_830 = arith.constant 16 : index
      %parallel_loop3A_831 = tpu.vector_load %arg10[%parallel_loop3A_828, %parallel_loop3A_829, %parallel_loop3A_830] {strides = array<i32>} : memref<3x128x128xf32, #tpu.memory_space<vmem>>, vector<1x1x16xf32>,
      %parallel_loop3A_832 = vector.shape_cast %parallel_loop3A_831 : vector<1x1x16xf32> to vector<16xf32>
      %parallel_loop3A_833 = arith.mulf %parallel_loop3A_832, %exp3A : vector<16xf32>
      %parallel_loop3A_834 = arith.constant 0 : i32
      %parallel_loop3A_835 = arith.index_cast %parallel_loop3A_834 : i32 to index
      %parallel_loop3A_836 = arith.index_cast %parallel_loop3A_812 : i32 to index
      %parallel_loop3A_837 = arith.constant 16 : index
      %parallel_loop3A_838 = tpu.vector_load %arg10[%parallel_loop3A_835, %parallel_loop3A_836, %parallel_loop3A_837] {strides = array<i32>} : memref<3x128x128xf32, #tpu.memory_space<vmem>>, vector<1x1x16xf32>,
      %parallel_loop3A_839 = vector.shape_cast %parallel_loop3A_838 : vector<1x1x16xf32> to vector<16xf32>
      %parallel_loop3A_840 = vector.shape_cast %parallel_loop3A_833 : vector<16xf32> to vector<1x1x16xf32>
      tpu.vector_store %arg10[%parallel_loop3A_835, %parallel_loop3A_836, %parallel_loop3A_837], %parallel_loop3A_840 {strides = array<i32>} : memref<3x128x128xf32, #tpu.memory_space<vmem>>, vector<1x1x16xf32>,
      %parallel_loop3A_841 = arith.constant 0 : i32
      %parallel_loop3A_842 = arith.index_cast %parallel_loop3A_841 : i32 to index
      %parallel_loop3A_843 = arith.index_cast %parallel_loop3A_812 : i32 to index
      %parallel_loop3A_844 = arith.constant 32 : index
      %parallel_loop3A_845 = tpu.vector_load %arg10[%parallel_loop3A_842, %parallel_loop3A_843, %parallel_loop3A_844] {strides = array<i32>} : memref<3x128x128xf32, #tpu.memory_space<vmem>>, vector<1x1x16xf32>,
      %parallel_loop3A_846 = vector.shape_cast %parallel_loop3A_845 : vector<1x1x16xf32> to vector<16xf32>
      %parallel_loop3A_847 = arith.mulf %parallel_loop3A_846, %exp3A : vector<16xf32>
      %parallel_loop3A_848 = arith.constant 0 : i32
      %parallel_loop3A_849 = arith.index_cast %parallel_loop3A_848 : i32 to index
      %parallel_loop3A_850 = arith.index_cast %parallel_loop3A_812 : i32 to index
      %parallel_loop3A_851 = arith.constant 32 : index
      %parallel_loop3A_852 = tpu.vector_load %arg10[%parallel_loop3A_849, %parallel_loop3A_850, %parallel_loop3A_851] {strides = array<i32>} : memref<3x128x128xf32, #tpu.memory_space<vmem>>, vector<1x1x16xf32>,
      %parallel_loop3A_853 = vector.shape_cast %parallel_loop3A_852 : vector<1x1x16xf32> to vector<16xf32>
      %parallel_loop3A_854 = vector.shape_cast %parallel_loop3A_847 : vector<16xf32> to vector<1x1x16xf32>
      tpu.vector_store %arg10[%parallel_loop3A_849, %parallel_loop3A_850, %parallel_loop3A_851], %parallel_loop3A_854 {strides = array<i32>} : memref<3x128x128xf32, #tpu.memory_space<vmem>>, vector<1x1x16xf32>,
      %parallel_loop3A_855 = arith.constant 0 : i32
      %parallel_loop3A_856 = arith.index_cast %parallel_loop3A_855 : i32 to index
      %parallel_loop3A_857 = arith.index_cast %parallel_loop3A_812 : i32 to index
      %parallel_loop3A_858 = arith.constant 48 : index
      %parallel_loop3A_859 = tpu.vector_load %arg10[%parallel_loop3A_856, %parallel_loop3A_857, %parallel_loop3A_858] {strides = array<i32>} : memref<3x128x128xf32, #tpu.memory_space<vmem>>, vector<1x1x16xf32>,
      %parallel_loop3A_860 = vector.shape_cast %parallel_loop3A_859 : vector<1x1x16xf32> to vector<16xf32>
      %parallel_loop3A_861 = arith.mulf %parallel_loop3A_860, %exp3A : vector<16xf32>
      %parallel_loop3A_862 = arith.constant 0 : i32
      %parallel_loop3A_863 = arith.index_cast %parallel_loop3A_862 : i32 to index
      %parallel_loop3A_864 = arith.index_cast %parallel_loop3A_812 : i32 to index
      %parallel_loop3A_865 = arith.constant 48 : index
      %parallel_loop3A_866 = tpu.vector_load %arg10[%parallel_loop3A_863, %parallel_loop3A_864, %parallel_loop3A_865] {strides = array<i32>} : memref<3x128x128xf32, #tpu.memory_space<vmem>>, vector<1x1x16xf32>,
      %parallel_loop3A_867 = vector.shape_cast %parallel_loop3A_866 : vector<1x1x16xf32> to vector<16xf32>
      %parallel_loop3A_868 = vector.shape_cast %parallel_loop3A_861 : vector<16xf32> to vector<1x1x16xf32>
      tpu.vector_store %arg10[%parallel_loop3A_863, %parallel_loop3A_864, %parallel_loop3A_865], %parallel_loop3A_868 {strides = array<i32>} : memref<3x128x128xf32, #tpu.memory_space<vmem>>, vector<1x1x16xf32>,
      %parallel_loop3A_869 = arith.constant 0 : i32
      %parallel_loop3A_870 = arith.index_cast %parallel_loop3A_869 : i32 to index
      %parallel_loop3A_871 = arith.index_cast %parallel_loop3A_812 : i32 to index
      %parallel_loop3A_872 = arith.constant 64 : index
      %parallel_loop3A_873 = tpu.vector_load %arg10[%parallel_loop3A_870, %parallel_loop3A_871, %parallel_loop3A_872] {strides = array<i32>} : memref<3x128x128xf32, #tpu.memory_space<vmem>>, vector<1x1x16xf32>,
      %parallel_loop3A_874 = vector.shape_cast %parallel_loop3A_873 : vector<1x1x16xf32> to vector<16xf32>
      %parallel_loop3A_875 = arith.mulf %parallel_loop3A_874, %exp3A : vector<16xf32>
      %parallel_loop3A_876 = arith.constant 0 : i32
      %parallel_loop3A_877 = arith.index_cast %parallel_loop3A_876 : i32 to index
      %parallel_loop3A_878 = arith.index_cast %parallel_loop3A_812 : i32 to index
      %parallel_loop3A_879 = arith.constant 64 : index
      %parallel_loop3A_880 = tpu.vector_load %arg10[%parallel_loop3A_877, %parallel_loop3A_878, %parallel_loop3A_879] {strides = array<i32>} : memref<3x128x128xf32, #tpu.memory_space<vmem>>, vector<1x1x16xf32>,
      %parallel_loop3A_881 = vector.shape_cast %parallel_loop3A_880 : vector<1x1x16xf32> to vector<16xf32>
      %parallel_loop3A_882 = vector.shape_cast %parallel_loop3A_875 : vector<16xf32> to vector<1x1x16xf32>
      tpu.vector_store %arg10[%parallel_loop3A_877, %parallel_loop3A_878, %parallel_loop3A_879], %parallel_loop3A_882 {strides = array<i32>} : memref<3x128x128xf32, #tpu.memory_space<vmem>>, vector<1x1x16xf32>,
      %parallel_loop3A_883 = arith.constant 0 : i32
      %parallel_loop3A_884 = arith.index_cast %parallel_loop3A_883 : i32 to index
      %parallel_loop3A_885 = arith.index_cast %parallel_loop3A_812 : i32 to index
      %parallel_loop3A_886 = arith.constant 80 : index
      %parallel_loop3A_887 = tpu.vector_load %arg10[%parallel_loop3A_884, %parallel_loop3A_885, %parallel_loop3A_886] {strides = array<i32>} : memref<3x128x128xf32, #tpu.memory_space<vmem>>, vector<1x1x16xf32>,
      %parallel_loop3A_888 = vector.shape_cast %parallel_loop3A_887 : vector<1x1x16xf32> to vector<16xf32>
      %parallel_loop3A_889 = arith.mulf %parallel_loop3A_888, %exp3A : vector<16xf32>
      %parallel_loop3A_890 = arith.constant 0 : i32
      %parallel_loop3A_891 = arith.index_cast %parallel_loop3A_890 : i32 to index
      %parallel_loop3A_892 = arith.index_cast %parallel_loop3A_812 : i32 to index
      %parallel_loop3A_893 = arith.constant 80 : index
      %parallel_loop3A_894 = tpu.vector_load %arg10[%parallel_loop3A_891, %parallel_loop3A_892, %parallel_loop3A_893] {strides = array<i32>} : memref<3x128x128xf32, #tpu.memory_space<vmem>>, vector<1x1x16xf32>,
      %parallel_loop3A_895 = vector.shape_cast %parallel_loop3A_894 : vector<1x1x16xf32> to vector<16xf32>
      %parallel_loop3A_896 = vector.shape_cast %parallel_loop3A_889 : vector<16xf32> to vector<1x1x16xf32>
      tpu.vector_store %arg10[%parallel_loop3A_891, %parallel_loop3A_892, %parallel_loop3A_893], %parallel_loop3A_896 {strides = array<i32>} : memref<3x128x128xf32, #tpu.memory_space<vmem>>, vector<1x1x16xf32>,
      %parallel_loop3A_897 = arith.constant 0 : i32
      %parallel_loop3A_898 = arith.index_cast %parallel_loop3A_897 : i32 to index
      %parallel_loop3A_899 = arith.index_cast %parallel_loop3A_812 : i32 to index
      %parallel_loop3A_900 = arith.constant 96 : index
      %parallel_loop3A_901 = tpu.vector_load %arg10[%parallel_loop3A_898, %parallel_loop3A_899, %parallel_loop3A_900] {strides = array<i32>} : memref<3x128x128xf32, #tpu.memory_space<vmem>>, vector<1x1x16xf32>,
      %parallel_loop3A_902 = vector.shape_cast %parallel_loop3A_901 : vector<1x1x16xf32> to vector<16xf32>
      %parallel_loop3A_903 = arith.mulf %parallel_loop3A_902, %exp3A : vector<16xf32>
      %parallel_loop3A_904 = arith.constant 0 : i32
      %parallel_loop3A_905 = arith.index_cast %parallel_loop3A_904 : i32 to index
      %parallel_loop3A_906 = arith.index_cast %parallel_loop3A_812 : i32 to index
      %parallel_loop3A_907 = arith.constant 96 : index
      %parallel_loop3A_908 = tpu.vector_load %arg10[%parallel_loop3A_905, %parallel_loop3A_906, %parallel_loop3A_907] {strides = array<i32>} : memref<3x128x128xf32, #tpu.memory_space<vmem>>, vector<1x1x16xf32>,
      %parallel_loop3A_909 = vector.shape_cast %parallel_loop3A_908 : vector<1x1x16xf32> to vector<16xf32>
      %parallel_loop3A_910 = vector.shape_cast %parallel_loop3A_903 : vector<16xf32> to vector<1x1x16xf32>
      tpu.vector_store %arg10[%parallel_loop3A_905, %parallel_loop3A_906, %parallel_loop3A_907], %parallel_loop3A_910 {strides = array<i32>} : memref<3x128x128xf32, #tpu.memory_space<vmem>>, vector<1x1x16xf32>,
      %parallel_loop3A_911 = arith.constant 0 : i32
      %parallel_loop3A_912 = arith.index_cast %parallel_loop3A_911 : i32 to index
      %parallel_loop3A_913 = arith.index_cast %parallel_loop3A_812 : i32 to index
      %parallel_loop3A_914 = arith.constant 112 : index
      %parallel_loop3A_915 = tpu.vector_load %arg10[%parallel_loop3A_912, %parallel_loop3A_913, %parallel_loop3A_914] {strides = array<i32>} : memref<3x128x128xf32, #tpu.memory_space<vmem>>, vector<1x1x16xf32>,
      %parallel_loop3A_916 = vector.shape_cast %parallel_loop3A_915 : vector<1x1x16xf32> to vector<16xf32>
      %parallel_loop3A_917 = arith.mulf %parallel_loop3A_916, %exp3A : vector<16xf32>
      %parallel_loop3A_918 = arith.constant 0 : i32
      %parallel_loop3A_919 = arith.index_cast %parallel_loop3A_918 : i32 to index
      %parallel_loop3A_920 = arith.index_cast %parallel_loop3A_812 : i32 to index
      %parallel_loop3A_921 = arith.constant 112 : index
      %parallel_loop3A_922 = tpu.vector_load %arg10[%parallel_loop3A_919, %parallel_loop3A_920, %parallel_loop3A_921] {strides = array<i32>} : memref<3x128x128xf32, #tpu.memory_space<vmem>>, vector<1x1x16xf32>,
      %parallel_loop3A_923 = vector.shape_cast %parallel_loop3A_922 : vector<1x1x16xf32> to vector<16xf32>
      %parallel_loop3A_924 = vector.shape_cast %parallel_loop3A_917 : vector<16xf32> to vector<1x1x16xf32>
      tpu.vector_store %arg10[%parallel_loop3A_919, %parallel_loop3A_920, %parallel_loop3A_921], %parallel_loop3A_924 {strides = array<i32>} : memref<3x128x128xf32, #tpu.memory_space<vmem>>, vector<1x1x16xf32>,
    } {sc.loop_unroll_factor = 2 : i64, sc.parallel_access}
    %dma_start3A_608 = arith.constant 0 : i32
    %dma_start3A_609 = arith.constant 0 : i32
    %dma_start3A_610 = arith.constant 0 : i32
    %dma_start3A_611 = arith.constant 0 : i32
    %dma_start3A_612 = tpu.memref_slice %arg10[%dma_start3A_609, %dma_start3A_610, %dma_start3A_611] : memref<3x128x128xf32, #tpu.memory_space<vmem>> -> memref<1x128x128xf32, #tpu.memory_space<vmem>>
    %dma_start3A_613 = tpu.memref_squeeze %dma_start3A_612 : memref<1x128x128xf32, #tpu.memory_space<vmem>> -> memref<128x128xf32, #tpu.memory_space<vmem>>
    %dma_start3A_614 = arith.constant 0 : i32
    %dma_start3A_615 = tpu.memref_slice %arg8[%dma_start3A_608, %dma_start3A_614] : memref<3x128xi32, #tpu.memory_space<vmem>> -> memref<1x128xi32, #tpu.memory_space<vmem>>
    %dma_start3A_616 = tpu.memref_squeeze %dma_start3A_615 : memref<1x128xi32, #tpu.memory_space<vmem>> -> memref<128xi32, #tpu.memory_space<vmem>>
    %dma_start3A_617 = arith.constant 0 : i32
    %dma_start3A_618 = arith.constant 0 : i32
    %dma_start3A_619 = tpu.memref_slice %arg3[%dma_start3A_617, %dma_start3A_618] : memref<300000x128xf32, #tpu.memory_space<hbm>> -> memref<300000x128xf32, #tpu.memory_space<hbm>>
    tpu.enqueue_indirect_dma source(%dma_start3A_619 : memref<300000x128xf32, #tpu.memory_space<hbm>>) target(%dma_start3A_613 : memref<128x128xf32, #tpu.memory_space<vmem>>) offsets(%dma_start3A_616 : memref<128xi32, #tpu.memory_space<vmem>>) semaphore(%arg12 : memref<!tpu.dma_semaphore, #tpu.memory_space<semaphore_mem>>) {add = true}
    %dma_wait3A_620 = arith.constant 1 : i32
    %dma_wait3A_621 = arith.constant 1 : i32
    %dma_wait3A_622 = arith.constant 0 : i32
    %dma_wait3A_623 = arith.constant 0 : i32
    %dma_wait3A_624 = tpu.memref_slice %arg10[%dma_wait3A_621, %dma_wait3A_622, %dma_wait3A_623] : memref<3x128x128xf32, #tpu.memory_space<vmem>> -> memref<1x128x128xf32, #tpu.memory_space<vmem>>
    %dma_wait3A_625 = tpu.memref_squeeze %dma_wait3A_624 : memref<1x128x128xf32, #tpu.memory_space<vmem>> -> memref<128x128xf32, #tpu.memory_space<vmem>>
    %dma_wait3A_626 = arith.constant 0 : i32
    %dma_wait3A_627 = tpu.memref_slice %arg9[%dma_wait3A_620, %dma_wait3A_626] : memref<3x128xi32, #tpu.memory_space<vmem>> -> memref<1x128xi32, #tpu.memory_space<vmem>>
    %dma_wait3A_628 = tpu.memref_squeeze %dma_wait3A_627 : memref<1x128xi32, #tpu.memory_space<vmem>> -> memref<128xi32, #tpu.memory_space<vmem>>
    %dma_wait3A_629 = arith.constant 0 : i32
    %dma_wait3A_630 = arith.constant 0 : i32
    %dma_wait3A_631 = tpu.memref_slice %arg3[%dma_wait3A_629, %dma_wait3A_630] : memref<300000x128xf32, #tpu.memory_space<hbm>> -> memref<300000x128xf32, #tpu.memory_space<hbm>>
    tpu.wait_indirect_dma semaphore(%arg11 : memref<!tpu.dma_semaphore, #tpu.memory_space<semaphore_mem>>) src(%dma_wait3A_631 : memref<300000x128xf32, #tpu.memory_space<hbm>>) dst(%dma_wait3A_625 : memref<128x128xf32, #tpu.memory_space<vmem>>)
    %parallel_loop3A_632 = arith.constant 0 : i32
    %parallel_loop3A_633 = arith.constant 128 : i32
    %parallel_loop3A_634 = arith.constant 1 : i32
    scf.for %parallel_loop3A_812 = %parallel_loop3A_632 to %parallel_loop3A_633 step %parallel_loop3A_634  : i32 {
      %parallel_loop3A_813 = arith.constant 1 : i32
      %parallel_loop3A_814 = arith.index_cast %parallel_loop3A_813 : i32 to index
      %parallel_loop3A_815 = arith.index_cast %parallel_loop3A_812 : i32 to index
      %parallel_loop3A_816 = arith.constant 0 : index
      %parallel_loop3A_817 = tpu.vector_load %arg10[%parallel_loop3A_814, %parallel_loop3A_815, %parallel_loop3A_816] {strides = array<i32>} : memref<3x128x128xf32, #tpu.memory_space<vmem>>, vector<1x1x16xf32>,
      %parallel_loop3A_818 = vector.shape_cast %parallel_loop3A_817 : vector<1x1x16xf32> to vector<16xf32>
      %parallel_loop3A_819 = arith.mulf %parallel_loop3A_818, %exp3A_44 : vector<16xf32>
      %parallel_loop3A_820 = arith.constant 1 : i32
      %parallel_loop3A_821 = arith.index_cast %parallel_loop3A_820 : i32 to index
      %parallel_loop3A_822 = arith.index_cast %parallel_loop3A_812 : i32 to index
      %parallel_loop3A_823 = arith.constant 0 : index
      %parallel_loop3A_824 = tpu.vector_load %arg10[%parallel_loop3A_821, %parallel_loop3A_822, %parallel_loop3A_823] {strides = array<i32>} : memref<3x128x128xf32, #tpu.memory_space<vmem>>, vector<1x1x16xf32>,
      %parallel_loop3A_825 = vector.shape_cast %parallel_loop3A_824 : vector<1x1x16xf32> to vector<16xf32>
      %parallel_loop3A_826 = vector.shape_cast %parallel_loop3A_819 : vector<16xf32> to vector<1x1x16xf32>
      tpu.vector_store %arg10[%parallel_loop3A_821, %parallel_loop3A_822, %parallel_loop3A_823], %parallel_loop3A_826 {strides = array<i32>} : memref<3x128x128xf32, #tpu.memory_space<vmem>>, vector<1x1x16xf32>,
      %parallel_loop3A_827 = arith.constant 1 : i32
      %parallel_loop3A_828 = arith.index_cast %parallel_loop3A_827 : i32 to index
      %parallel_loop3A_829 = arith.index_cast %parallel_loop3A_812 : i32 to index
      %parallel_loop3A_830 = arith.constant 16 : index
      %parallel_loop3A_831 = tpu.vector_load %arg10[%parallel_loop3A_828, %parallel_loop3A_829, %parallel_loop3A_830] {strides = array<i32>} : memref<3x128x128xf32, #tpu.memory_space<vmem>>, vector<1x1x16xf32>,
      %parallel_loop3A_832 = vector.shape_cast %parallel_loop3A_831 : vector<1x1x16xf32> to vector<16xf32>
      %parallel_loop3A_833 = arith.mulf %parallel_loop3A_832, %exp3A_44 : vector<16xf32>
      %parallel_loop3A_834 = arith.constant 1 : i32
      %parallel_loop3A_835 = arith.index_cast %parallel_loop3A_834 : i32 to index
      %parallel_loop3A_836 = arith.index_cast %parallel_loop3A_812 : i32 to index
      %parallel_loop3A_837 = arith.constant 16 : index
      %parallel_loop3A_838 = tpu.vector_load %arg10[%parallel_loop3A_835, %parallel_loop3A_836, %parallel_loop3A_837] {strides = array<i32>} : memref<3x128x128xf32, #tpu.memory_space<vmem>>, vector<1x1x16xf32>,
      %parallel_loop3A_839 = vector.shape_cast %parallel_loop3A_838 : vector<1x1x16xf32> to vector<16xf32>
      %parallel_loop3A_840 = vector.shape_cast %parallel_loop3A_833 : vector<16xf32> to vector<1x1x16xf32>
      tpu.vector_store %arg10[%parallel_loop3A_835, %parallel_loop3A_836, %parallel_loop3A_837], %parallel_loop3A_840 {strides = array<i32>} : memref<3x128x128xf32, #tpu.memory_space<vmem>>, vector<1x1x16xf32>,
      %parallel_loop3A_841 = arith.constant 1 : i32
      %parallel_loop3A_842 = arith.index_cast %parallel_loop3A_841 : i32 to index
      %parallel_loop3A_843 = arith.index_cast %parallel_loop3A_812 : i32 to index
      %parallel_loop3A_844 = arith.constant 32 : index
      %parallel_loop3A_845 = tpu.vector_load %arg10[%parallel_loop3A_842, %parallel_loop3A_843, %parallel_loop3A_844] {strides = array<i32>} : memref<3x128x128xf32, #tpu.memory_space<vmem>>, vector<1x1x16xf32>,
      %parallel_loop3A_846 = vector.shape_cast %parallel_loop3A_845 : vector<1x1x16xf32> to vector<16xf32>
      %parallel_loop3A_847 = arith.mulf %parallel_loop3A_846, %exp3A_44 : vector<16xf32>
      %parallel_loop3A_848 = arith.constant 1 : i32
      %parallel_loop3A_849 = arith.index_cast %parallel_loop3A_848 : i32 to index
      %parallel_loop3A_850 = arith.index_cast %parallel_loop3A_812 : i32 to index
      %parallel_loop3A_851 = arith.constant 32 : index
      %parallel_loop3A_852 = tpu.vector_load %arg10[%parallel_loop3A_849, %parallel_loop3A_850, %parallel_loop3A_851] {strides = array<i32>} : memref<3x128x128xf32, #tpu.memory_space<vmem>>, vector<1x1x16xf32>,
      %parallel_loop3A_853 = vector.shape_cast %parallel_loop3A_852 : vector<1x1x16xf32> to vector<16xf32>
      %parallel_loop3A_854 = vector.shape_cast %parallel_loop3A_847 : vector<16xf32> to vector<1x1x16xf32>
      tpu.vector_store %arg10[%parallel_loop3A_849, %parallel_loop3A_850, %parallel_loop3A_851], %parallel_loop3A_854 {strides = array<i32>} : memref<3x128x128xf32, #tpu.memory_space<vmem>>, vector<1x1x16xf32>,
      %parallel_loop3A_855 = arith.constant 1 : i32
      %parallel_loop3A_856 = arith.index_cast %parallel_loop3A_855 : i32 to index
      %parallel_loop3A_857 = arith.index_cast %parallel_loop3A_812 : i32 to index
      %parallel_loop3A_858 = arith.constant 48 : index
      %parallel_loop3A_859 = tpu.vector_load %arg10[%parallel_loop3A_856, %parallel_loop3A_857, %parallel_loop3A_858] {strides = array<i32>} : memref<3x128x128xf32, #tpu.memory_space<vmem>>, vector<1x1x16xf32>,
      %parallel_loop3A_860 = vector.shape_cast %parallel_loop3A_859 : vector<1x1x16xf32> to vector<16xf32>
      %parallel_loop3A_861 = arith.mulf %parallel_loop3A_860, %exp3A_44 : vector<16xf32>
      %parallel_loop3A_862 = arith.constant 1 : i32
      %parallel_loop3A_863 = arith.index_cast %parallel_loop3A_862 : i32 to index
      %parallel_loop3A_864 = arith.index_cast %parallel_loop3A_812 : i32 to index
      %parallel_loop3A_865 = arith.constant 48 : index
      %parallel_loop3A_866 = tpu.vector_load %arg10[%parallel_loop3A_863, %parallel_loop3A_864, %parallel_loop3A_865] {strides = array<i32>} : memref<3x128x128xf32, #tpu.memory_space<vmem>>, vector<1x1x16xf32>,
      %parallel_loop3A_867 = vector.shape_cast %parallel_loop3A_866 : vector<1x1x16xf32> to vector<16xf32>
      %parallel_loop3A_868 = vector.shape_cast %parallel_loop3A_861 : vector<16xf32> to vector<1x1x16xf32>
      tpu.vector_store %arg10[%parallel_loop3A_863, %parallel_loop3A_864, %parallel_loop3A_865], %parallel_loop3A_868 {strides = array<i32>} : memref<3x128x128xf32, #tpu.memory_space<vmem>>, vector<1x1x16xf32>,
      %parallel_loop3A_869 = arith.constant 1 : i32
      %parallel_loop3A_870 = arith.index_cast %parallel_loop3A_869 : i32 to index
      %parallel_loop3A_871 = arith.index_cast %parallel_loop3A_812 : i32 to index
      %parallel_loop3A_872 = arith.constant 64 : index
      %parallel_loop3A_873 = tpu.vector_load %arg10[%parallel_loop3A_870, %parallel_loop3A_871, %parallel_loop3A_872] {strides = array<i32>} : memref<3x128x128xf32, #tpu.memory_space<vmem>>, vector<1x1x16xf32>,
      %parallel_loop3A_874 = vector.shape_cast %parallel_loop3A_873 : vector<1x1x16xf32> to vector<16xf32>
      %parallel_loop3A_875 = arith.mulf %parallel_loop3A_874, %exp3A_44 : vector<16xf32>
      %parallel_loop3A_876 = arith.constant 1 : i32
      %parallel_loop3A_877 = arith.index_cast %parallel_loop3A_876 : i32 to index
      %parallel_loop3A_878 = arith.index_cast %parallel_loop3A_812 : i32 to index
      %parallel_loop3A_879 = arith.constant 64 : index
      %parallel_loop3A_880 = tpu.vector_load %arg10[%parallel_loop3A_877, %parallel_loop3A_878, %parallel_loop3A_879] {strides = array<i32>} : memref<3x128x128xf32, #tpu.memory_space<vmem>>, vector<1x1x16xf32>,
      %parallel_loop3A_881 = vector.shape_cast %parallel_loop3A_880 : vector<1x1x16xf32> to vector<16xf32>
      %parallel_loop3A_882 = vector.shape_cast %parallel_loop3A_875 : vector<16xf32> to vector<1x1x16xf32>
      tpu.vector_store %arg10[%parallel_loop3A_877, %parallel_loop3A_878, %parallel_loop3A_879], %parallel_loop3A_882 {strides = array<i32>} : memref<3x128x128xf32, #tpu.memory_space<vmem>>, vector<1x1x16xf32>,
      %parallel_loop3A_883 = arith.constant 1 : i32
      %parallel_loop3A_884 = arith.index_cast %parallel_loop3A_883 : i32 to index
      %parallel_loop3A_885 = arith.index_cast %parallel_loop3A_812 : i32 to index
      %parallel_loop3A_886 = arith.constant 80 : index
      %parallel_loop3A_887 = tpu.vector_load %arg10[%parallel_loop3A_884, %parallel_loop3A_885, %parallel_loop3A_886] {strides = array<i32>} : memref<3x128x128xf32, #tpu.memory_space<vmem>>, vector<1x1x16xf32>,
      %parallel_loop3A_888 = vector.shape_cast %parallel_loop3A_887 : vector<1x1x16xf32> to vector<16xf32>
      %parallel_loop3A_889 = arith.mulf %parallel_loop3A_888, %exp3A_44 : vector<16xf32>
      %parallel_loop3A_890 = arith.constant 1 : i32
      %parallel_loop3A_891 = arith.index_cast %parallel_loop3A_890 : i32 to index
      %parallel_loop3A_892 = arith.index_cast %parallel_loop3A_812 : i32 to index
      %parallel_loop3A_893 = arith.constant 80 : index
      %parallel_loop3A_894 = tpu.vector_load %arg10[%parallel_loop3A_891, %parallel_loop3A_892, %parallel_loop3A_893] {strides = array<i32>} : memref<3x128x128xf32, #tpu.memory_space<vmem>>, vector<1x1x16xf32>,
      %parallel_loop3A_895 = vector.shape_cast %parallel_loop3A_894 : vector<1x1x16xf32> to vector<16xf32>
      %parallel_loop3A_896 = vector.shape_cast %parallel_loop3A_889 : vector<16xf32> to vector<1x1x16xf32>
      tpu.vector_store %arg10[%parallel_loop3A_891, %parallel_loop3A_892, %parallel_loop3A_893], %parallel_loop3A_896 {strides = array<i32>} : memref<3x128x128xf32, #tpu.memory_space<vmem>>, vector<1x1x16xf32>,
      %parallel_loop3A_897 = arith.constant 1 : i32
      %parallel_loop3A_898 = arith.index_cast %parallel_loop3A_897 : i32 to index
      %parallel_loop3A_899 = arith.index_cast %parallel_loop3A_812 : i32 to index
      %parallel_loop3A_900 = arith.constant 96 : index
      %parallel_loop3A_901 = tpu.vector_load %arg10[%parallel_loop3A_898, %parallel_loop3A_899, %parallel_loop3A_900] {strides = array<i32>} : memref<3x128x128xf32, #tpu.memory_space<vmem>>, vector<1x1x16xf32>,
      %parallel_loop3A_902 = vector.shape_cast %parallel_loop3A_901 : vector<1x1x16xf32> to vector<16xf32>
      %parallel_loop3A_903 = arith.mulf %parallel_loop3A_902, %exp3A_44 : vector<16xf32>
      %parallel_loop3A_904 = arith.constant 1 : i32
      %parallel_loop3A_905 = arith.index_cast %parallel_loop3A_904 : i32 to index
      %parallel_loop3A_906 = arith.index_cast %parallel_loop3A_812 : i32 to index
      %parallel_loop3A_907 = arith.constant 96 : index
      %parallel_loop3A_908 = tpu.vector_load %arg10[%parallel_loop3A_905, %parallel_loop3A_906, %parallel_loop3A_907] {strides = array<i32>} : memref<3x128x128xf32, #tpu.memory_space<vmem>>, vector<1x1x16xf32>,
      %parallel_loop3A_909 = vector.shape_cast %parallel_loop3A_908 : vector<1x1x16xf32> to vector<16xf32>
      %parallel_loop3A_910 = vector.shape_cast %parallel_loop3A_903 : vector<16xf32> to vector<1x1x16xf32>
      tpu.vector_store %arg10[%parallel_loop3A_905, %parallel_loop3A_906, %parallel_loop3A_907], %parallel_loop3A_910 {strides = array<i32>} : memref<3x128x128xf32, #tpu.memory_space<vmem>>, vector<1x1x16xf32>,
      %parallel_loop3A_911 = arith.constant 1 : i32
      %parallel_loop3A_912 = arith.index_cast %parallel_loop3A_911 : i32 to index
      %parallel_loop3A_913 = arith.index_cast %parallel_loop3A_812 : i32 to index
      %parallel_loop3A_914 = arith.constant 112 : index
      %parallel_loop3A_915 = tpu.vector_load %arg10[%parallel_loop3A_912, %parallel_loop3A_913, %parallel_loop3A_914] {strides = array<i32>} : memref<3x128x128xf32, #tpu.memory_space<vmem>>, vector<1x1x16xf32>,
      %parallel_loop3A_916 = vector.shape_cast %parallel_loop3A_915 : vector<1x1x16xf32> to vector<16xf32>
      %parallel_loop3A_917 = arith.mulf %parallel_loop3A_916, %exp3A_44 : vector<16xf32>
      %parallel_loop3A_918 = arith.constant 1 : i32
      %parallel_loop3A_919 = arith.index_cast %parallel_loop3A_918 : i32 to index
      %parallel_loop3A_920 = arith.index_cast %parallel_loop3A_812 : i32 to index
      %parallel_loop3A_921 = arith.constant 112 : index
      %parallel_loop3A_922 = tpu.vector_load %arg10[%parallel_loop3A_919, %parallel_loop3A_920, %parallel_loop3A_921] {strides = array<i32>} : memref<3x128x128xf32, #tpu.memory_space<vmem>>, vector<1x1x16xf32>,
      %parallel_loop3A_923 = vector.shape_cast %parallel_loop3A_922 : vector<1x1x16xf32> to vector<16xf32>
      %parallel_loop3A_924 = vector.shape_cast %parallel_loop3A_917 : vector<16xf32> to vector<1x1x16xf32>
      tpu.vector_store %arg10[%parallel_loop3A_919, %parallel_loop3A_920, %parallel_loop3A_921], %parallel_loop3A_924 {strides = array<i32>} : memref<3x128x128xf32, #tpu.memory_space<vmem>>, vector<1x1x16xf32>,
    } {sc.loop_unroll_factor = 2 : i64, sc.parallel_access}
    %dma_start3A_635 = arith.constant 1 : i32
    %dma_start3A_636 = arith.constant 1 : i32
    %dma_start3A_637 = arith.constant 0 : i32
    %dma_start3A_638 = arith.constant 0 : i32
    %dma_start3A_639 = tpu.memref_slice %arg10[%dma_start3A_636, %dma_start3A_637, %dma_start3A_638] : memref<3x128x128xf32, #tpu.memory_space<vmem>> -> memref<1x128x128xf32, #tpu.memory_space<vmem>>
    %dma_start3A_640 = tpu.memref_squeeze %dma_start3A_639 : memref<1x128x128xf32, #tpu.memory_space<vmem>> -> memref<128x128xf32, #tpu.memory_space<vmem>>
    %dma_start3A_641 = arith.constant 0 : i32
    %dma_start3A_642 = tpu.memref_slice %arg8[%dma_start3A_635, %dma_start3A_641] : memref<3x128xi32, #tpu.memory_space<vmem>> -> memref<1x128xi32, #tpu.memory_space<vmem>>
    %dma_start3A_643 = tpu.memref_squeeze %dma_start3A_642 : memref<1x128xi32, #tpu.memory_space<vmem>> -> memref<128xi32, #tpu.memory_space<vmem>>
    %dma_start3A_644 = arith.constant 0 : i32
    %dma_start3A_645 = arith.constant 0 : i32
    %dma_start3A_646 = tpu.memref_slice %arg3[%dma_start3A_644, %dma_start3A_645] : memref<300000x128xf32, #tpu.memory_space<hbm>> -> memref<300000x128xf32, #tpu.memory_space<hbm>>
    tpu.enqueue_indirect_dma source(%dma_start3A_646 : memref<300000x128xf32, #tpu.memory_space<hbm>>) target(%dma_start3A_640 : memref<128x128xf32, #tpu.memory_space<vmem>>) offsets(%dma_start3A_643 : memref<128xi32, #tpu.memory_space<vmem>>) semaphore(%arg12 : memref<!tpu.dma_semaphore, #tpu.memory_space<semaphore_mem>>) {add = true}
    %dma_wait3A_647 = arith.constant 2 : i32
    %dma_wait3A_648 = arith.constant 2 : i32
    %dma_wait3A_649 = arith.constant 0 : i32
    %dma_wait3A_650 = arith.constant 0 : i32
    %dma_wait3A_651 = tpu.memref_slice %arg10[%dma_wait3A_648, %dma_wait3A_649, %dma_wait3A_650] : memref<3x128x128xf32, #tpu.memory_space<vmem>> -> memref<1x128x128xf32, #tpu.memory_space<vmem>>
    %dma_wait3A_652 = tpu.memref_squeeze %dma_wait3A_651 : memref<1x128x128xf32, #tpu.memory_space<vmem>> -> memref<128x128xf32, #tpu.memory_space<vmem>>
    %dma_wait3A_653 = arith.constant 0 : i32
    %dma_wait3A_654 = tpu.memref_slice %arg9[%dma_wait3A_647, %dma_wait3A_653] : memref<3x128xi32, #tpu.memory_space<vmem>> -> memref<1x128xi32, #tpu.memory_space<vmem>>
    %dma_wait3A_655 = tpu.memref_squeeze %dma_wait3A_654 : memref<1x128xi32, #tpu.memory_space<vmem>> -> memref<128xi32, #tpu.memory_space<vmem>>
    %dma_wait3A_656 = arith.constant 0 : i32
    %dma_wait3A_657 = arith.constant 0 : i32
    %dma_wait3A_658 = tpu.memref_slice %arg3[%dma_wait3A_656, %dma_wait3A_657] : memref<300000x128xf32, #tpu.memory_space<hbm>> -> memref<300000x128xf32, #tpu.memory_space<hbm>>
    tpu.wait_indirect_dma semaphore(%arg11 : memref<!tpu.dma_semaphore, #tpu.memory_space<semaphore_mem>>) src(%dma_wait3A_658 : memref<300000x128xf32, #tpu.memory_space<hbm>>) dst(%dma_wait3A_652 : memref<128x128xf32, #tpu.memory_space<vmem>>)
    %parallel_loop3A_659 = arith.constant 0 : i32
    %parallel_loop3A_660 = arith.constant 128 : i32
    %parallel_loop3A_661 = arith.constant 1 : i32
    scf.for %parallel_loop3A_812 = %parallel_loop3A_659 to %parallel_loop3A_660 step %parallel_loop3A_661  : i32 {
      %parallel_loop3A_813 = arith.constant 2 : i32
      %parallel_loop3A_814 = arith.index_cast %parallel_loop3A_813 : i32 to index
      %parallel_loop3A_815 = arith.index_cast %parallel_loop3A_812 : i32 to index
      %parallel_loop3A_816 = arith.constant 0 : index
      %parallel_loop3A_817 = tpu.vector_load %arg10[%parallel_loop3A_814, %parallel_loop3A_815, %parallel_loop3A_816] {strides = array<i32>} : memref<3x128x128xf32, #tpu.memory_space<vmem>>, vector<1x1x16xf32>,
      %parallel_loop3A_818 = vector.shape_cast %parallel_loop3A_817 : vector<1x1x16xf32> to vector<16xf32>
      %parallel_loop3A_819 = arith.mulf %parallel_loop3A_818, %exp3A_56 : vector<16xf32>
      %parallel_loop3A_820 = arith.constant 2 : i32
      %parallel_loop3A_821 = arith.index_cast %parallel_loop3A_820 : i32 to index
      %parallel_loop3A_822 = arith.index_cast %parallel_loop3A_812 : i32 to index
      %parallel_loop3A_823 = arith.constant 0 : index
      %parallel_loop3A_824 = tpu.vector_load %arg10[%parallel_loop3A_821, %parallel_loop3A_822, %parallel_loop3A_823] {strides = array<i32>} : memref<3x128x128xf32, #tpu.memory_space<vmem>>, vector<1x1x16xf32>,
      %parallel_loop3A_825 = vector.shape_cast %parallel_loop3A_824 : vector<1x1x16xf32> to vector<16xf32>
      %parallel_loop3A_826 = vector.shape_cast %parallel_loop3A_819 : vector<16xf32> to vector<1x1x16xf32>
      tpu.vector_store %arg10[%parallel_loop3A_821, %parallel_loop3A_822, %parallel_loop3A_823], %parallel_loop3A_826 {strides = array<i32>} : memref<3x128x128xf32, #tpu.memory_space<vmem>>, vector<1x1x16xf32>,
      %parallel_loop3A_827 = arith.constant 2 : i32
      %parallel_loop3A_828 = arith.index_cast %parallel_loop3A_827 : i32 to index
      %parallel_loop3A_829 = arith.index_cast %parallel_loop3A_812 : i32 to index
      %parallel_loop3A_830 = arith.constant 16 : index
      %parallel_loop3A_831 = tpu.vector_load %arg10[%parallel_loop3A_828, %parallel_loop3A_829, %parallel_loop3A_830] {strides = array<i32>} : memref<3x128x128xf32, #tpu.memory_space<vmem>>, vector<1x1x16xf32>,
      %parallel_loop3A_832 = vector.shape_cast %parallel_loop3A_831 : vector<1x1x16xf32> to vector<16xf32>
      %parallel_loop3A_833 = arith.mulf %parallel_loop3A_832, %exp3A_56 : vector<16xf32>
      %parallel_loop3A_834 = arith.constant 2 : i32
      %parallel_loop3A_835 = arith.index_cast %parallel_loop3A_834 : i32 to index
      %parallel_loop3A_836 = arith.index_cast %parallel_loop3A_812 : i32 to index
      %parallel_loop3A_837 = arith.constant 16 : index
      %parallel_loop3A_838 = tpu.vector_load %arg10[%parallel_loop3A_835, %parallel_loop3A_836, %parallel_loop3A_837] {strides = array<i32>} : memref<3x128x128xf32, #tpu.memory_space<vmem>>, vector<1x1x16xf32>,
      %parallel_loop3A_839 = vector.shape_cast %parallel_loop3A_838 : vector<1x1x16xf32> to vector<16xf32>
      %parallel_loop3A_840 = vector.shape_cast %parallel_loop3A_833 : vector<16xf32> to vector<1x1x16xf32>
      tpu.vector_store %arg10[%parallel_loop3A_835, %parallel_loop3A_836, %parallel_loop3A_837], %parallel_loop3A_840 {strides = array<i32>} : memref<3x128x128xf32, #tpu.memory_space<vmem>>, vector<1x1x16xf32>,
      %parallel_loop3A_841 = arith.constant 2 : i32
      %parallel_loop3A_842 = arith.index_cast %parallel_loop3A_841 : i32 to index
      %parallel_loop3A_843 = arith.index_cast %parallel_loop3A_812 : i32 to index
      %parallel_loop3A_844 = arith.constant 32 : index
      %parallel_loop3A_845 = tpu.vector_load %arg10[%parallel_loop3A_842, %parallel_loop3A_843, %parallel_loop3A_844] {strides = array<i32>} : memref<3x128x128xf32, #tpu.memory_space<vmem>>, vector<1x1x16xf32>,
      %parallel_loop3A_846 = vector.shape_cast %parallel_loop3A_845 : vector<1x1x16xf32> to vector<16xf32>
      %parallel_loop3A_847 = arith.mulf %parallel_loop3A_846, %exp3A_56 : vector<16xf32>
      %parallel_loop3A_848 = arith.constant 2 : i32
      %parallel_loop3A_849 = arith.index_cast %parallel_loop3A_848 : i32 to index
      %parallel_loop3A_850 = arith.index_cast %parallel_loop3A_812 : i32 to index
      %parallel_loop3A_851 = arith.constant 32 : index
      %parallel_loop3A_852 = tpu.vector_load %arg10[%parallel_loop3A_849, %parallel_loop3A_850, %parallel_loop3A_851] {strides = array<i32>} : memref<3x128x128xf32, #tpu.memory_space<vmem>>, vector<1x1x16xf32>,
      %parallel_loop3A_853 = vector.shape_cast %parallel_loop3A_852 : vector<1x1x16xf32> to vector<16xf32>
      %parallel_loop3A_854 = vector.shape_cast %parallel_loop3A_847 : vector<16xf32> to vector<1x1x16xf32>
      tpu.vector_store %arg10[%parallel_loop3A_849, %parallel_loop3A_850, %parallel_loop3A_851], %parallel_loop3A_854 {strides = array<i32>} : memref<3x128x128xf32, #tpu.memory_space<vmem>>, vector<1x1x16xf32>,
      %parallel_loop3A_855 = arith.constant 2 : i32
      %parallel_loop3A_856 = arith.index_cast %parallel_loop3A_855 : i32 to index
      %parallel_loop3A_857 = arith.index_cast %parallel_loop3A_812 : i32 to index
      %parallel_loop3A_858 = arith.constant 48 : index
      %parallel_loop3A_859 = tpu.vector_load %arg10[%parallel_loop3A_856, %parallel_loop3A_857, %parallel_loop3A_858] {strides = array<i32>} : memref<3x128x128xf32, #tpu.memory_space<vmem>>, vector<1x1x16xf32>,
      %parallel_loop3A_860 = vector.shape_cast %parallel_loop3A_859 : vector<1x1x16xf32> to vector<16xf32>
      %parallel_loop3A_861 = arith.mulf %parallel_loop3A_860, %exp3A_56 : vector<16xf32>
      %parallel_loop3A_862 = arith.constant 2 : i32
      %parallel_loop3A_863 = arith.index_cast %parallel_loop3A_862 : i32 to index
      %parallel_loop3A_864 = arith.index_cast %parallel_loop3A_812 : i32 to index
      %parallel_loop3A_865 = arith.constant 48 : index
      %parallel_loop3A_866 = tpu.vector_load %arg10[%parallel_loop3A_863, %parallel_loop3A_864, %parallel_loop3A_865] {strides = array<i32>} : memref<3x128x128xf32, #tpu.memory_space<vmem>>, vector<1x1x16xf32>,
      %parallel_loop3A_867 = vector.shape_cast %parallel_loop3A_866 : vector<1x1x16xf32> to vector<16xf32>
      %parallel_loop3A_868 = vector.shape_cast %parallel_loop3A_861 : vector<16xf32> to vector<1x1x16xf32>
      tpu.vector_store %arg10[%parallel_loop3A_863, %parallel_loop3A_864, %parallel_loop3A_865], %parallel_loop3A_868 {strides = array<i32>} : memref<3x128x128xf32, #tpu.memory_space<vmem>>, vector<1x1x16xf32>,
      %parallel_loop3A_869 = arith.constant 2 : i32
      %parallel_loop3A_870 = arith.index_cast %parallel_loop3A_869 : i32 to index
      %parallel_loop3A_871 = arith.index_cast %parallel_loop3A_812 : i32 to index
      %parallel_loop3A_872 = arith.constant 64 : index
      %parallel_loop3A_873 = tpu.vector_load %arg10[%parallel_loop3A_870, %parallel_loop3A_871, %parallel_loop3A_872] {strides = array<i32>} : memref<3x128x128xf32, #tpu.memory_space<vmem>>, vector<1x1x16xf32>,
      %parallel_loop3A_874 = vector.shape_cast %parallel_loop3A_873 : vector<1x1x16xf32> to vector<16xf32>
      %parallel_loop3A_875 = arith.mulf %parallel_loop3A_874, %exp3A_56 : vector<16xf32>
      %parallel_loop3A_876 = arith.constant 2 : i32
      %parallel_loop3A_877 = arith.index_cast %parallel_loop3A_876 : i32 to index
      %parallel_loop3A_878 = arith.index_cast %parallel_loop3A_812 : i32 to index
      %parallel_loop3A_879 = arith.constant 64 : index
      %parallel_loop3A_880 = tpu.vector_load %arg10[%parallel_loop3A_877, %parallel_loop3A_878, %parallel_loop3A_879] {strides = array<i32>} : memref<3x128x128xf32, #tpu.memory_space<vmem>>, vector<1x1x16xf32>,
      %parallel_loop3A_881 = vector.shape_cast %parallel_loop3A_880 : vector<1x1x16xf32> to vector<16xf32>
      %parallel_loop3A_882 = vector.shape_cast %parallel_loop3A_875 : vector<16xf32> to vector<1x1x16xf32>
      tpu.vector_store %arg10[%parallel_loop3A_877, %parallel_loop3A_878, %parallel_loop3A_879], %parallel_loop3A_882 {strides = array<i32>} : memref<3x128x128xf32, #tpu.memory_space<vmem>>, vector<1x1x16xf32>,
      %parallel_loop3A_883 = arith.constant 2 : i32
      %parallel_loop3A_884 = arith.index_cast %parallel_loop3A_883 : i32 to index
      %parallel_loop3A_885 = arith.index_cast %parallel_loop3A_812 : i32 to index
      %parallel_loop3A_886 = arith.constant 80 : index
      %parallel_loop3A_887 = tpu.vector_load %arg10[%parallel_loop3A_884, %parallel_loop3A_885, %parallel_loop3A_886] {strides = array<i32>} : memref<3x128x128xf32, #tpu.memory_space<vmem>>, vector<1x1x16xf32>,
      %parallel_loop3A_888 = vector.shape_cast %parallel_loop3A_887 : vector<1x1x16xf32> to vector<16xf32>
      %parallel_loop3A_889 = arith.mulf %parallel_loop3A_888, %exp3A_56 : vector<16xf32>
      %parallel_loop3A_890 = arith.constant 2 : i32
      %parallel_loop3A_891 = arith.index_cast %parallel_loop3A_890 : i32 to index
      %parallel_loop3A_892 = arith.index_cast %parallel_loop3A_812 : i32 to index
      %parallel_loop3A_893 = arith.constant 80 : index
      %parallel_loop3A_894 = tpu.vector_load %arg10[%parallel_loop3A_891, %parallel_loop3A_892, %parallel_loop3A_893] {strides = array<i32>} : memref<3x128x128xf32, #tpu.memory_space<vmem>>, vector<1x1x16xf32>,
      %parallel_loop3A_895 = vector.shape_cast %parallel_loop3A_894 : vector<1x1x16xf32> to vector<16xf32>
      %parallel_loop3A_896 = vector.shape_cast %parallel_loop3A_889 : vector<16xf32> to vector<1x1x16xf32>
      tpu.vector_store %arg10[%parallel_loop3A_891, %parallel_loop3A_892, %parallel_loop3A_893], %parallel_loop3A_896 {strides = array<i32>} : memref<3x128x128xf32, #tpu.memory_space<vmem>>, vector<1x1x16xf32>,
      %parallel_loop3A_897 = arith.constant 2 : i32
      %parallel_loop3A_898 = arith.index_cast %parallel_loop3A_897 : i32 to index
      %parallel_loop3A_899 = arith.index_cast %parallel_loop3A_812 : i32 to index
      %parallel_loop3A_900 = arith.constant 96 : index
      %parallel_loop3A_901 = tpu.vector_load %arg10[%parallel_loop3A_898, %parallel_loop3A_899, %parallel_loop3A_900] {strides = array<i32>} : memref<3x128x128xf32, #tpu.memory_space<vmem>>, vector<1x1x16xf32>,
      %parallel_loop3A_902 = vector.shape_cast %parallel_loop3A_901 : vector<1x1x16xf32> to vector<16xf32>
      %parallel_loop3A_903 = arith.mulf %parallel_loop3A_902, %exp3A_56 : vector<16xf32>
      %parallel_loop3A_904 = arith.constant 2 : i32
      %parallel_loop3A_905 = arith.index_cast %parallel_loop3A_904 : i32 to index
      %parallel_loop3A_906 = arith.index_cast %parallel_loop3A_812 : i32 to index
      %parallel_loop3A_907 = arith.constant 96 : index
      %parallel_loop3A_908 = tpu.vector_load %arg10[%parallel_loop3A_905, %parallel_loop3A_906, %parallel_loop3A_907] {strides = array<i32>} : memref<3x128x128xf32, #tpu.memory_space<vmem>>, vector<1x1x16xf32>,
      %parallel_loop3A_909 = vector.shape_cast %parallel_loop3A_908 : vector<1x1x16xf32> to vector<16xf32>
      %parallel_loop3A_910 = vector.shape_cast %parallel_loop3A_903 : vector<16xf32> to vector<1x1x16xf32>
      tpu.vector_store %arg10[%parallel_loop3A_905, %parallel_loop3A_906, %parallel_loop3A_907], %parallel_loop3A_910 {strides = array<i32>} : memref<3x128x128xf32, #tpu.memory_space<vmem>>, vector<1x1x16xf32>,
      %parallel_loop3A_911 = arith.constant 2 : i32
      %parallel_loop3A_912 = arith.index_cast %parallel_loop3A_911 : i32 to index
      %parallel_loop3A_913 = arith.index_cast %parallel_loop3A_812 : i32 to index
      %parallel_loop3A_914 = arith.constant 112 : index
      %parallel_loop3A_915 = tpu.vector_load %arg10[%parallel_loop3A_912, %parallel_loop3A_913, %parallel_loop3A_914] {strides = array<i32>} : memref<3x128x128xf32, #tpu.memory_space<vmem>>, vector<1x1x16xf32>,
      %parallel_loop3A_916 = vector.shape_cast %parallel_loop3A_915 : vector<1x1x16xf32> to vector<16xf32>
      %parallel_loop3A_917 = arith.mulf %parallel_loop3A_916, %exp3A_56 : vector<16xf32>
      %parallel_loop3A_918 = arith.constant 2 : i32
      %parallel_loop3A_919 = arith.index_cast %parallel_loop3A_918 : i32 to index
      %parallel_loop3A_920 = arith.index_cast %parallel_loop3A_812 : i32 to index
      %parallel_loop3A_921 = arith.constant 112 : index
      %parallel_loop3A_922 = tpu.vector_load %arg10[%parallel_loop3A_919, %parallel_loop3A_920, %parallel_loop3A_921] {strides = array<i32>} : memref<3x128x128xf32, #tpu.memory_space<vmem>>, vector<1x1x16xf32>,
      %parallel_loop3A_923 = vector.shape_cast %parallel_loop3A_922 : vector<1x1x16xf32> to vector<16xf32>
      %parallel_loop3A_924 = vector.shape_cast %parallel_loop3A_917 : vector<16xf32> to vector<1x1x16xf32>
      tpu.vector_store %arg10[%parallel_loop3A_919, %parallel_loop3A_920, %parallel_loop3A_921], %parallel_loop3A_924 {strides = array<i32>} : memref<3x128x128xf32, #tpu.memory_space<vmem>>, vector<1x1x16xf32>,
    } {sc.loop_unroll_factor = 2 : i64, sc.parallel_access}
    %dma_start3A_662 = arith.constant 2 : i32
    %dma_start3A_663 = arith.constant 2 : i32
    %dma_start3A_664 = arith.constant 0 : i32
    %dma_start3A_665 = arith.constant 0 : i32
    %dma_start3A_666 = tpu.memref_slice %arg10[%dma_start3A_663, %dma_start3A_664, %dma_start3A_665] : memref<3x128x128xf32, #tpu.memory_space<vmem>> -> memref<1x128x128xf32, #tpu.memory_space<vmem>>
    %dma_start3A_667 = tpu.memref_squeeze %dma_start3A_666 : memref<1x128x128xf32, #tpu.memory_space<vmem>> -> memref<128x128xf32, #tpu.memory_space<vmem>>
    %dma_start3A_668 = arith.constant 0 : i32
    %dma_start3A_669 = tpu.memref_slice %arg8[%dma_start3A_662, %dma_start3A_668] : memref<3x128xi32, #tpu.memory_space<vmem>> -> memref<1x128xi32, #tpu.memory_space<vmem>>
    %dma_start3A_670 = tpu.memref_squeeze %dma_start3A_669 : memref<1x128xi32, #tpu.memory_space<vmem>> -> memref<128xi32, #tpu.memory_space<vmem>>
    %dma_start3A_671 = arith.constant 0 : i32
    %dma_start3A_672 = arith.constant 0 : i32
    %dma_start3A_673 = tpu.memref_slice %arg3[%dma_start3A_671, %dma_start3A_672] : memref<300000x128xf32, #tpu.memory_space<hbm>> -> memref<300000x128xf32, #tpu.memory_space<hbm>>
    tpu.enqueue_indirect_dma source(%dma_start3A_673 : memref<300000x128xf32, #tpu.memory_space<hbm>>) target(%dma_start3A_667 : memref<128x128xf32, #tpu.memory_space<vmem>>) offsets(%dma_start3A_670 : memref<128xi32, #tpu.memory_space<vmem>>) semaphore(%arg12 : memref<!tpu.dma_semaphore, #tpu.memory_space<semaphore_mem>>) {add = true}
    %dma_wait3A_674 = arith.constant 0 : i32
    %dma_wait3A_675 = arith.constant 0 : i32
    %dma_wait3A_676 = arith.constant 0 : i32
    %dma_wait3A_677 = arith.constant 0 : i32
    %dma_wait3A_678 = tpu.memref_slice %arg10[%dma_wait3A_675, %dma_wait3A_676, %dma_wait3A_677] : memref<3x128x128xf32, #tpu.memory_space<vmem>> -> memref<1x128x128xf32, #tpu.memory_space<vmem>>
    %dma_wait3A_679 = tpu.memref_squeeze %dma_wait3A_678 : memref<1x128x128xf32, #tpu.memory_space<vmem>> -> memref<128x128xf32, #tpu.memory_space<vmem>>
    %dma_wait3A_680 = arith.constant 0 : i32
    %dma_wait3A_681 = tpu.memref_slice %arg8[%dma_wait3A_674, %dma_wait3A_680] : memref<3x128xi32, #tpu.memory_space<vmem>> -> memref<1x128xi32, #tpu.memory_space<vmem>>
    %dma_wait3A_682 = tpu.memref_squeeze %dma_wait3A_681 : memref<1x128xi32, #tpu.memory_space<vmem>> -> memref<128xi32, #tpu.memory_space<vmem>>
    %dma_wait3A_683 = arith.constant 0 : i32
    %dma_wait3A_684 = arith.constant 0 : i32
    %dma_wait3A_685 = tpu.memref_slice %arg3[%dma_wait3A_683, %dma_wait3A_684] : memref<300000x128xf32, #tpu.memory_space<hbm>> -> memref<300000x128xf32, #tpu.memory_space<hbm>>
    tpu.wait_indirect_dma semaphore(%arg12 : memref<!tpu.dma_semaphore, #tpu.memory_space<semaphore_mem>>) src(%dma_wait3A_685 : memref<300000x128xf32, #tpu.memory_space<hbm>>) dst(%dma_wait3A_679 : memref<128x128xf32, #tpu.memory_space<vmem>>)
    %mul3A_686 = arith.constant 3 : i32
    %mul3A_687 = arith.muli %select_n3A, %mul3A_686 : i32
    %add3A_688 = arith.constant 0 : i32
    %add3A_689 = arith.addi %mul3A_687, %add3A_688 : i32
    %dma_start3A_690 = arith.constant 0 : i32
    %dma_start3A_691 = arith.constant 0 : i32
    %dma_start3A_692 = arith.constant 0 : i32
    %dma_start3A_693 = tpu.memref_slice %arg10[%dma_start3A_690, %dma_start3A_691, %dma_start3A_692] : memref<3x128x128xf32, #tpu.memory_space<vmem>> -> memref<1x128x128xf32, #tpu.memory_space<vmem>>
    %dma_start3A_694 = tpu.memref_squeeze %dma_start3A_693 : memref<1x128x128xf32, #tpu.memory_space<vmem>> -> memref<128x128xf32, #tpu.memory_space<vmem>>
    %dma_start3A_695 = arith.constant 0 : i32
    %dma_start3A_696 = tpu.memref_slice %arg5[%add3A_689, %sub3A_21, %dma_start3A_695] : memref<6x2048x128xf32, #tpu.memory_space<hbm>> -> memref<1x128x128xf32, #tpu.memory_space<hbm>>
    %dma_start3A_697 = tpu.memref_squeeze %dma_start3A_696 : memref<1x128x128xf32, #tpu.memory_space<hbm>> -> memref<128x128xf32, #tpu.memory_space<hbm>>
    %dma_start3A_698 = arith.constant 0 : i32
    %dma_start3A_699 = tpu.memref_slice %arg5[%add3A_689, %sub3A_21, %dma_start3A_698] : memref<6x2048x128xf32, #tpu.memory_space<hbm>> -> memref<1x128x128xf32, #tpu.memory_space<hbm>>
    %dma_start3A_700 = tpu.memref_squeeze %dma_start3A_699 : memref<1x128x128xf32, #tpu.memory_space<hbm>> -> memref<128x128xf32, #tpu.memory_space<hbm>>
    %dma_start3A_701 = arith.constant 0 : i32
    %dma_start3A_702 = arith.constant 0 : i32
    %dma_start3A_703 = tpu.memref_slice %arg10[%dma_start3A_690, %dma_start3A_701, %dma_start3A_702] : memref<3x128x128xf32, #tpu.memory_space<vmem>> -> memref<1x128x128xf32, #tpu.memory_space<vmem>>
    %dma_start3A_704 = tpu.memref_squeeze %dma_start3A_703 : memref<1x128x128xf32, #tpu.memory_space<vmem>> -> memref<128x128xf32, #tpu.memory_space<vmem>>
    tpu.enqueue_dma source(%dma_start3A_704 : memref<128x128xf32, #tpu.memory_space<vmem>>) target(%dma_start3A_700 : memref<128x128xf32, #tpu.memory_space<hbm>>) target_semaphore(%arg13 : memref<!tpu.dma_semaphore, #tpu.memory_space<semaphore_mem>>)
    %dma_wait3A_705 = arith.constant 1 : i32
    %dma_wait3A_706 = arith.constant 1 : i32
    %dma_wait3A_707 = arith.constant 0 : i32
    %dma_wait3A_708 = arith.constant 0 : i32
    %dma_wait3A_709 = tpu.memref_slice %arg10[%dma_wait3A_706, %dma_wait3A_707, %dma_wait3A_708] : memref<3x128x128xf32, #tpu.memory_space<vmem>> -> memref<1x128x128xf32, #tpu.memory_space<vmem>>
    %dma_wait3A_710 = tpu.memref_squeeze %dma_wait3A_709 : memref<1x128x128xf32, #tpu.memory_space<vmem>> -> memref<128x128xf32, #tpu.memory_space<vmem>>
    %dma_wait3A_711 = arith.constant 0 : i32
    %dma_wait3A_712 = tpu.memref_slice %arg8[%dma_wait3A_705, %dma_wait3A_711] : memref<3x128xi32, #tpu.memory_space<vmem>> -> memref<1x128xi32, #tpu.memory_space<vmem>>
    %dma_wait3A_713 = tpu.memref_squeeze %dma_wait3A_712 : memref<1x128xi32, #tpu.memory_space<vmem>> -> memref<128xi32, #tpu.memory_space<vmem>>
    %dma_wait3A_714 = arith.constant 0 : i32
    %dma_wait3A_715 = arith.constant 0 : i32
    %dma_wait3A_716 = tpu.memref_slice %arg3[%dma_wait3A_714, %dma_wait3A_715] : memref<300000x128xf32, #tpu.memory_space<hbm>> -> memref<300000x128xf32, #tpu.memory_space<hbm>>
    tpu.wait_indirect_dma semaphore(%arg12 : memref<!tpu.dma_semaphore, #tpu.memory_space<semaphore_mem>>) src(%dma_wait3A_716 : memref<300000x128xf32, #tpu.memory_space<hbm>>) dst(%dma_wait3A_710 : memref<128x128xf32, #tpu.memory_space<vmem>>)
    %mul3A_717 = arith.constant 3 : i32
    %mul3A_718 = arith.muli %select_n3A, %mul3A_717 : i32
    %add3A_719 = arith.constant 1 : i32
    %add3A_720 = arith.addi %mul3A_718, %add3A_719 : i32
    %dma_start3A_721 = arith.constant 1 : i32
    %dma_start3A_722 = arith.constant 0 : i32
    %dma_start3A_723 = arith.constant 0 : i32
    %dma_start3A_724 = tpu.memref_slice %arg10[%dma_start3A_721, %dma_start3A_722, %dma_start3A_723] : memref<3x128x128xf32, #tpu.memory_space<vmem>> -> memref<1x128x128xf32, #tpu.memory_space<vmem>>
    %dma_start3A_725 = tpu.memref_squeeze %dma_start3A_724 : memref<1x128x128xf32, #tpu.memory_space<vmem>> -> memref<128x128xf32, #tpu.memory_space<vmem>>
    %dma_start3A_726 = arith.constant 0 : i32
    %dma_start3A_727 = tpu.memref_slice %arg5[%add3A_720, %sub3A_21, %dma_start3A_726] : memref<6x2048x128xf32, #tpu.memory_space<hbm>> -> memref<1x128x128xf32, #tpu.memory_space<hbm>>
    %dma_start3A_728 = tpu.memref_squeeze %dma_start3A_727 : memref<1x128x128xf32, #tpu.memory_space<hbm>> -> memref<128x128xf32, #tpu.memory_space<hbm>>
    %dma_start3A_729 = arith.constant 0 : i32
    %dma_start3A_730 = tpu.memref_slice %arg5[%add3A_720, %sub3A_21, %dma_start3A_729] : memref<6x2048x128xf32, #tpu.memory_space<hbm>> -> memref<1x128x128xf32, #tpu.memory_space<hbm>>
    %dma_start3A_731 = tpu.memref_squeeze %dma_start3A_730 : memref<1x128x128xf32, #tpu.memory_space<hbm>> -> memref<128x128xf32, #tpu.memory_space<hbm>>
    %dma_start3A_732 = arith.constant 0 : i32
    %dma_start3A_733 = arith.constant 0 : i32
    %dma_start3A_734 = tpu.memref_slice %arg10[%dma_start3A_721, %dma_start3A_732, %dma_start3A_733] : memref<3x128x128xf32, #tpu.memory_space<vmem>> -> memref<1x128x128xf32, #tpu.memory_space<vmem>>
    %dma_start3A_735 = tpu.memref_squeeze %dma_start3A_734 : memref<1x128x128xf32, #tpu.memory_space<vmem>> -> memref<128x128xf32, #tpu.memory_space<vmem>>
    tpu.enqueue_dma source(%dma_start3A_735 : memref<128x128xf32, #tpu.memory_space<vmem>>) target(%dma_start3A_731 : memref<128x128xf32, #tpu.memory_space<hbm>>) target_semaphore(%arg13 : memref<!tpu.dma_semaphore, #tpu.memory_space<semaphore_mem>>)
    %dma_wait3A_736 = arith.constant 2 : i32
    %dma_wait3A_737 = arith.constant 2 : i32
    %dma_wait3A_738 = arith.constant 0 : i32
    %dma_wait3A_739 = arith.constant 0 : i32
    %dma_wait3A_740 = tpu.memref_slice %arg10[%dma_wait3A_737, %dma_wait3A_738, %dma_wait3A_739] : memref<3x128x128xf32, #tpu.memory_space<vmem>> -> memref<1x128x128xf32, #tpu.memory_space<vmem>>
    %dma_wait3A_741 = tpu.memref_squeeze %dma_wait3A_740 : memref<1x128x128xf32, #tpu.memory_space<vmem>> -> memref<128x128xf32, #tpu.memory_space<vmem>>
    %dma_wait3A_742 = arith.constant 0 : i32
    %dma_wait3A_743 = tpu.memref_slice %arg8[%dma_wait3A_736, %dma_wait3A_742] : memref<3x128xi32, #tpu.memory_space<vmem>> -> memref<1x128xi32, #tpu.memory_space<vmem>>
    %dma_wait3A_744 = tpu.memref_squeeze %dma_wait3A_743 : memref<1x128xi32, #tpu.memory_space<vmem>> -> memref<128xi32, #tpu.memory_space<vmem>>
    %dma_wait3A_745 = arith.constant 0 : i32
    %dma_wait3A_746 = arith.constant 0 : i32
    %dma_wait3A_747 = tpu.memref_slice %arg3[%dma_wait3A_745, %dma_wait3A_746] : memref<300000x128xf32, #tpu.memory_space<hbm>> -> memref<300000x128xf32, #tpu.memory_space<hbm>>
    tpu.wait_indirect_dma semaphore(%arg12 : memref<!tpu.dma_semaphore, #tpu.memory_space<semaphore_mem>>) src(%dma_wait3A_747 : memref<300000x128xf32, #tpu.memory_space<hbm>>) dst(%dma_wait3A_741 : memref<128x128xf32, #tpu.memory_space<vmem>>)
    %mul3A_748 = arith.constant 3 : i32
    %mul3A_749 = arith.muli %select_n3A, %mul3A_748 : i32
    %add3A_750 = arith.constant 2 : i32
    %add3A_751 = arith.addi %mul3A_749, %add3A_750 : i32
    %dma_start3A_752 = arith.constant 2 : i32
    %dma_start3A_753 = arith.constant 0 : i32
    %dma_start3A_754 = arith.constant 0 : i32
    %dma_start3A_755 = tpu.memref_slice %arg10[%dma_start3A_752, %dma_start3A_753, %dma_start3A_754] : memref<3x128x128xf32, #tpu.memory_space<vmem>> -> memref<1x128x128xf32, #tpu.memory_space<vmem>>
    %dma_start3A_756 = tpu.memref_squeeze %dma_start3A_755 : memref<1x128x128xf32, #tpu.memory_space<vmem>> -> memref<128x128xf32, #tpu.memory_space<vmem>>
    %dma_start3A_757 = arith.constant 0 : i32
    %dma_start3A_758 = tpu.memref_slice %arg5[%add3A_751, %sub3A_21, %dma_start3A_757] : memref<6x2048x128xf32, #tpu.memory_space<hbm>> -> memref<1x128x128xf32, #tpu.memory_space<hbm>>
    %dma_start3A_759 = tpu.memref_squeeze %dma_start3A_758 : memref<1x128x128xf32, #tpu.memory_space<hbm>> -> memref<128x128xf32, #tpu.memory_space<hbm>>
    %dma_start3A_760 = arith.constant 0 : i32
    %dma_start3A_761 = tpu.memref_slice %arg5[%add3A_751, %sub3A_21, %dma_start3A_760] : memref<6x2048x128xf32, #tpu.memory_space<hbm>> -> memref<1x128x128xf32, #tpu.memory_space<hbm>>
    %dma_start3A_762 = tpu.memref_squeeze %dma_start3A_761 : memref<1x128x128xf32, #tpu.memory_space<hbm>> -> memref<128x128xf32, #tpu.memory_space<hbm>>
    %dma_start3A_763 = arith.constant 0 : i32
    %dma_start3A_764 = arith.constant 0 : i32
    %dma_start3A_765 = tpu.memref_slice %arg10[%dma_start3A_752, %dma_start3A_763, %dma_start3A_764] : memref<3x128x128xf32, #tpu.memory_space<vmem>> -> memref<1x128x128xf32, #tpu.memory_space<vmem>>
    %dma_start3A_766 = tpu.memref_squeeze %dma_start3A_765 : memref<1x128x128xf32, #tpu.memory_space<vmem>> -> memref<128x128xf32, #tpu.memory_space<vmem>>
    tpu.enqueue_dma source(%dma_start3A_766 : memref<128x128xf32, #tpu.memory_space<vmem>>) target(%dma_start3A_762 : memref<128x128xf32, #tpu.memory_space<hbm>>) target_semaphore(%arg13 : memref<!tpu.dma_semaphore, #tpu.memory_space<semaphore_mem>>)
    %dma_wait3A_767 = arith.constant 0 : i32
    %dma_wait3A_768 = arith.constant 0 : i32
    %dma_wait3A_769 = arith.constant 0 : i32
    %dma_wait3A_770 = tpu.memref_slice %arg10[%dma_wait3A_767, %dma_wait3A_768, %dma_wait3A_769] : memref<3x128x128xf32, #tpu.memory_space<vmem>> -> memref<1x128x128xf32, #tpu.memory_space<vmem>>
    %dma_wait3A_771 = tpu.memref_squeeze %dma_wait3A_770 : memref<1x128x128xf32, #tpu.memory_space<vmem>> -> memref<128x128xf32, #tpu.memory_space<vmem>>
    %dma_wait3A_772 = arith.constant 0 : i32
    %dma_wait3A_773 = tpu.memref_slice %arg5[%add3A_689, %sub3A_21, %dma_wait3A_772] : memref<6x2048x128xf32, #tpu.memory_space<hbm>> -> memref<1x128x128xf32, #tpu.memory_space<hbm>>
    %dma_wait3A_774 = tpu.memref_squeeze %dma_wait3A_773 : memref<1x128x128xf32, #tpu.memory_space<hbm>> -> memref<128x128xf32, #tpu.memory_space<hbm>>
    %dma_wait3A_775 = arith.constant 0 : i32
    %dma_wait3A_776 = tpu.memref_slice %arg5[%add3A_689, %sub3A_21, %dma_wait3A_775] : memref<6x2048x128xf32, #tpu.memory_space<hbm>> -> memref<1x128x128xf32, #tpu.memory_space<hbm>>
    %dma_wait3A_777 = tpu.memref_squeeze %dma_wait3A_776 : memref<1x128x128xf32, #tpu.memory_space<hbm>> -> memref<128x128xf32, #tpu.memory_space<hbm>>
    %dma_wait3A_778 = arith.constant 0 : i32
    %dma_wait3A_779 = arith.constant 0 : i32
    %dma_wait3A_780 = tpu.memref_slice %arg10[%dma_wait3A_767, %dma_wait3A_778, %dma_wait3A_779] : memref<3x128x128xf32, #tpu.memory_space<vmem>> -> memref<1x128x128xf32, #tpu.memory_space<vmem>>
    %dma_wait3A_781 = tpu.memref_squeeze %dma_wait3A_780 : memref<1x128x128xf32, #tpu.memory_space<vmem>> -> memref<128x128xf32, #tpu.memory_space<vmem>>
    tpu.wait_dma2 semaphore(%arg13 : memref<!tpu.dma_semaphore, #tpu.memory_space<semaphore_mem>>) src(%dma_wait3A_781 : memref<128x128xf32, #tpu.memory_space<vmem>>) dst(%dma_wait3A_777 : memref<128x128xf32, #tpu.memory_space<hbm>>)
    %dma_wait3A_782 = arith.constant 1 : i32
    %dma_wait3A_783 = arith.constant 0 : i32
    %dma_wait3A_784 = arith.constant 0 : i32
    %dma_wait3A_785 = tpu.memref_slice %arg10[%dma_wait3A_782, %dma_wait3A_783, %dma_wait3A_784] : memref<3x128x128xf32, #tpu.memory_space<vmem>> -> memref<1x128x128xf32, #tpu.memory_space<vmem>>
    %dma_wait3A_786 = tpu.memref_squeeze %dma_wait3A_785 : memref<1x128x128xf32, #tpu.memory_space<vmem>> -> memref<128x128xf32, #tpu.memory_space<vmem>>
    %dma_wait3A_787 = arith.constant 0 : i32
    %dma_wait3A_788 = tpu.memref_slice %arg5[%add3A_720, %sub3A_21, %dma_wait3A_787] : memref<6x2048x128xf32, #tpu.memory_space<hbm>> -> memref<1x128x128xf32, #tpu.memory_space<hbm>>
    %dma_wait3A_789 = tpu.memref_squeeze %dma_wait3A_788 : memref<1x128x128xf32, #tpu.memory_space<hbm>> -> memref<128x128xf32, #tpu.memory_space<hbm>>
    %dma_wait3A_790 = arith.constant 0 : i32
    %dma_wait3A_791 = tpu.memref_slice %arg5[%add3A_720, %sub3A_21, %dma_wait3A_790] : memref<6x2048x128xf32, #tpu.memory_space<hbm>> -> memref<1x128x128xf32, #tpu.memory_space<hbm>>
    %dma_wait3A_792 = tpu.memref_squeeze %dma_wait3A_791 : memref<1x128x128xf32, #tpu.memory_space<hbm>> -> memref<128x128xf32, #tpu.memory_space<hbm>>
    %dma_wait3A_793 = arith.constant 0 : i32
    %dma_wait3A_794 = arith.constant 0 : i32
    %dma_wait3A_795 = tpu.memref_slice %arg10[%dma_wait3A_782, %dma_wait3A_793, %dma_wait3A_794] : memref<3x128x128xf32, #tpu.memory_space<vmem>> -> memref<1x128x128xf32, #tpu.memory_space<vmem>>
    %dma_wait3A_796 = tpu.memref_squeeze %dma_wait3A_795 : memref<1x128x128xf32, #tpu.memory_space<vmem>> -> memref<128x128xf32, #tpu.memory_space<vmem>>
    tpu.wait_dma2 semaphore(%arg13 : memref<!tpu.dma_semaphore, #tpu.memory_space<semaphore_mem>>) src(%dma_wait3A_796 : memref<128x128xf32, #tpu.memory_space<vmem>>) dst(%dma_wait3A_792 : memref<128x128xf32, #tpu.memory_space<hbm>>)
    %dma_wait3A_797 = arith.constant 2 : i32
    %dma_wait3A_798 = arith.constant 0 : i32
    %dma_wait3A_799 = arith.constant 0 : i32
    %dma_wait3A_800 = tpu.memref_slice %arg10[%dma_wait3A_797, %dma_wait3A_798, %dma_wait3A_799] : memref<3x128x128xf32, #tpu.memory_space<vmem>> -> memref<1x128x128xf32, #tpu.memory_space<vmem>>
    %dma_wait3A_801 = tpu.memref_squeeze %dma_wait3A_800 : memref<1x128x128xf32, #tpu.memory_space<vmem>> -> memref<128x128xf32, #tpu.memory_space<vmem>>
    %dma_wait3A_802 = arith.constant 0 : i32
    %dma_wait3A_803 = tpu.memref_slice %arg5[%add3A_751, %sub3A_21, %dma_wait3A_802] : memref<6x2048x128xf32, #tpu.memory_space<hbm>> -> memref<1x128x128xf32, #tpu.memory_space<hbm>>
    %dma_wait3A_804 = tpu.memref_squeeze %dma_wait3A_803 : memref<1x128x128xf32, #tpu.memory_space<hbm>> -> memref<128x128xf32, #tpu.memory_space<hbm>>
    %dma_wait3A_805 = arith.constant 0 : i32
    %dma_wait3A_806 = tpu.memref_slice %arg5[%add3A_751, %sub3A_21, %dma_wait3A_805] : memref<6x2048x128xf32, #tpu.memory_space<hbm>> -> memref<1x128x128xf32, #tpu.memory_space<hbm>>
    %dma_wait3A_807 = tpu.memref_squeeze %dma_wait3A_806 : memref<1x128x128xf32, #tpu.memory_space<hbm>> -> memref<128x128xf32, #tpu.memory_space<hbm>>
    %dma_wait3A_808 = arith.constant 0 : i32
    %dma_wait3A_809 = arith.constant 0 : i32
    %dma_wait3A_810 = tpu.memref_slice %arg10[%dma_wait3A_797, %dma_wait3A_808, %dma_wait3A_809] : memref<3x128x128xf32, #tpu.memory_space<vmem>> -> memref<1x128x128xf32, #tpu.memory_space<vmem>>
    %dma_wait3A_811 = tpu.memref_squeeze %dma_wait3A_810 : memref<1x128x128xf32, #tpu.memory_space<vmem>> -> memref<128x128xf32, #tpu.memory_space<vmem>>
    tpu.wait_dma2 semaphore(%arg13 : memref<!tpu.dma_semaphore, #tpu.memory_space<semaphore_mem>>) src(%dma_wait3A_811 : memref<128x128xf32, #tpu.memory_space<vmem>>) dst(%dma_wait3A_807 : memref<128x128xf32, #tpu.memory_space<hbm>>)
    return
  }
}

module attributes {stable_mosaic.version = 14 : i64} {
  func.func @_tc_gram_mlp(%arg0: i32, %arg1: memref<6x512x128xf32, #tpu.memory_space<vmem>>, %arg2: memref<1x6xf32, #tpu.memory_space<vmem>>, %arg3: memref<36x144xf32, #tpu.memory_space<vmem>>, %arg4: memref<1x144xf32, #tpu.memory_space<vmem>>, %arg5: memref<144x36xf32, #tpu.memory_space<vmem>>, %arg6: memref<1x36xf32, #tpu.memory_space<vmem>>, %arg7: memref<512x36xf32, #tpu.memory_space<vmem>>) attributes {dimension_semantics = [#tpu.dimension_semantics<arbitrary>], iteration_bounds = array<i64: 4>, scalar_prefetch = 0 : i64, scratch_operands = 0 : i64, tpu.core_type = #tpu.core_type<tc>, window_params = [{transform_indices = @transform_0, window_bounds = array<i64: 6, 512, 128>}, {pipeline_mode = #tpu.pipeline_mode<synchronous>, transform_indices = @transform_1, window_bounds = array<i64: 1, 6>}, {pipeline_mode = #tpu.pipeline_mode<synchronous>, transform_indices = @transform_2, window_bounds = array<i64: 36, 144>}, {pipeline_mode = #tpu.pipeline_mode<synchronous>, transform_indices = @transform_3, window_bounds = array<i64: 1, 144>}, {pipeline_mode = #tpu.pipeline_mode<synchronous>, transform_indices = @transform_4, window_bounds = array<i64: 144, 36>}, {pipeline_mode = #tpu.pipeline_mode<synchronous>, transform_indices = @transform_5, window_bounds = array<i64: 1, 36>}, {transform_indices = @transform_6, window_bounds = array<i64: 512, 36>}]} {
    %get3A = arith.constant 0 : index
    %get3A_0 = arith.constant 0 : index
    %get3A_1 = vector.load %arg2[%get3A, %get3A_0] : memref<1x6xf32, #tpu.memory_space<vmem>>, vector<1x6xf32>
    %exp3A = math.exp %get3A_1 : vector<1x6xf32>
    %slice3A = vector.extract_strided_slice %exp3A {offsets = [0, 0], sizes = [1, 1], strides = [1, 1]} : vector<1x6xf32> to vector<1x1xf32>
    %slice3A_2 = vector.extract_strided_slice %exp3A {offsets = [0, 1], sizes = [1, 1], strides = [1, 1]} : vector<1x6xf32> to vector<1x1xf32>
    %add3A = arith.addf %slice3A, %slice3A_2 : vector<1x1xf32>
    %div3A = arith.divf %slice3A, %add3A : vector<1x1xf32>
    %slice3A_3 = vector.extract_strided_slice %exp3A {offsets = [0, 2], sizes = [1, 1], strides = [1, 1]} : vector<1x6xf32> to vector<1x1xf32>
    %slice3A_4 = vector.extract_strided_slice %exp3A {offsets = [0, 3], sizes = [1, 1], strides = [1, 1]} : vector<1x6xf32> to vector<1x1xf32>
    %add3A_5 = arith.addf %slice3A_3, %slice3A_4 : vector<1x1xf32>
    %div3A_6 = arith.divf %slice3A_3, %add3A_5 : vector<1x1xf32>
    %slice3A_7 = vector.extract_strided_slice %exp3A {offsets = [0, 4], sizes = [1, 1], strides = [1, 1]} : vector<1x6xf32> to vector<1x1xf32>
    %slice3A_8 = vector.extract_strided_slice %exp3A {offsets = [0, 5], sizes = [1, 1], strides = [1, 1]} : vector<1x6xf32> to vector<1x1xf32>
    %add3A_9 = arith.addf %slice3A_7, %slice3A_8 : vector<1x1xf32>
    %div3A_10 = arith.divf %slice3A_7, %add3A_9 : vector<1x1xf32>
    %get3A_11 = arith.constant 0 : index
    %get3A_12 = arith.constant 0 : index
    %get3A_13 = arith.constant 0 : index
    %get3A_14 = vector.load %arg1[%get3A_11, %get3A_12, %get3A_13] : memref<6x512x128xf32, #tpu.memory_space<vmem>>, vector<1x512x128xf32>
    %get3A_15 = vector.shape_cast %get3A_14 : vector<1x512x128xf32> to vector<512x128xf32>
    %mul3A = vector.broadcast %div3A : vector<1x1xf32> to vector<512x128xf32>
    %mul3A_16 = arith.mulf %get3A_15, %mul3A : vector<512x128xf32>
    %get3A_17 = arith.constant 1 : index
    %get3A_18 = arith.constant 0 : index
    %get3A_19 = arith.constant 0 : index
    %get3A_20 = vector.load %arg1[%get3A_17, %get3A_18, %get3A_19] : memref<6x512x128xf32, #tpu.memory_space<vmem>>, vector<1x512x128xf32>
    %get3A_21 = vector.shape_cast %get3A_20 : vector<1x512x128xf32> to vector<512x128xf32>
    %mul3A_22 = vector.broadcast %div3A_6 : vector<1x1xf32> to vector<512x128xf32>
    %mul3A_23 = arith.mulf %get3A_21, %mul3A_22 : vector<512x128xf32>
    %get3A_24 = arith.constant 2 : index
    %get3A_25 = arith.constant 0 : index
    %get3A_26 = arith.constant 0 : index
    %get3A_27 = vector.load %arg1[%get3A_24, %get3A_25, %get3A_26] : memref<6x512x128xf32, #tpu.memory_space<vmem>>, vector<1x512x128xf32>
    %get3A_28 = vector.shape_cast %get3A_27 : vector<1x512x128xf32> to vector<512x128xf32>
    %mul3A_29 = vector.broadcast %div3A_10 : vector<1x1xf32> to vector<512x128xf32>
    %mul3A_30 = arith.mulf %get3A_28, %mul3A_29 : vector<512x128xf32>
    %get3A_31 = arith.constant 3 : index
    %get3A_32 = arith.constant 0 : index
    %get3A_33 = arith.constant 0 : index
    %get3A_34 = vector.load %arg1[%get3A_31, %get3A_32, %get3A_33] : memref<6x512x128xf32, #tpu.memory_space<vmem>>, vector<1x512x128xf32>
    %get3A_35 = vector.shape_cast %get3A_34 : vector<1x512x128xf32> to vector<512x128xf32>
    %mul3A_36 = vector.broadcast %div3A : vector<1x1xf32> to vector<512x128xf32>
    %mul3A_37 = arith.mulf %get3A_35, %mul3A_36 : vector<512x128xf32>
    %get3A_38 = arith.constant 4 : index
    %get3A_39 = arith.constant 0 : index
    %get3A_40 = arith.constant 0 : index
    %get3A_41 = vector.load %arg1[%get3A_38, %get3A_39, %get3A_40] : memref<6x512x128xf32, #tpu.memory_space<vmem>>, vector<1x512x128xf32>
    %get3A_42 = vector.shape_cast %get3A_41 : vector<1x512x128xf32> to vector<512x128xf32>
    %mul3A_43 = vector.broadcast %div3A_6 : vector<1x1xf32> to vector<512x128xf32>
    %mul3A_44 = arith.mulf %get3A_42, %mul3A_43 : vector<512x128xf32>
    %get3A_45 = arith.constant 5 : index
    %get3A_46 = arith.constant 0 : index
    %get3A_47 = arith.constant 0 : index
    %get3A_48 = vector.load %arg1[%get3A_45, %get3A_46, %get3A_47] : memref<6x512x128xf32, #tpu.memory_space<vmem>>, vector<1x512x128xf32>
    %get3A_49 = vector.shape_cast %get3A_48 : vector<1x512x128xf32> to vector<512x128xf32>
    %mul3A_50 = vector.broadcast %div3A_10 : vector<1x1xf32> to vector<512x128xf32>
    %mul3A_51 = arith.mulf %get3A_49, %mul3A_50 : vector<512x128xf32>
    %mul3A_52 = arith.mulf %mul3A_16, %mul3A_16 : vector<512x128xf32>
    %reduce_sum3A = arith.constant dense<0.000000e+00> : vector<512xf32>
    %reduce_sum3A_53 = vector.multi_reduction <add>, %mul3A_52, %reduce_sum3A [1] : vector<512x128xf32> to vector<512xf32>
    %broadcast_in_dim3A = vector.shape_cast %reduce_sum3A_53 : vector<512xf32> to vector<512x1xf32>
    %mul3A_54 = arith.mulf %mul3A_16, %mul3A_23 : vector<512x128xf32>
    %reduce_sum3A_55 = arith.constant dense<0.000000e+00> : vector<512xf32>
    %reduce_sum3A_56 = vector.multi_reduction <add>, %mul3A_54, %reduce_sum3A_55 [1] : vector<512x128xf32> to vector<512xf32>
    %broadcast_in_dim3A_57 = vector.shape_cast %reduce_sum3A_56 : vector<512xf32> to vector<512x1xf32>
    %mul3A_58 = arith.mulf %mul3A_16, %mul3A_30 : vector<512x128xf32>
    %reduce_sum3A_59 = arith.constant dense<0.000000e+00> : vector<512xf32>
    %reduce_sum3A_60 = vector.multi_reduction <add>, %mul3A_58, %reduce_sum3A_59 [1] : vector<512x128xf32> to vector<512xf32>
    %broadcast_in_dim3A_61 = vector.shape_cast %reduce_sum3A_60 : vector<512xf32> to vector<512x1xf32>
    %mul3A_62 = arith.mulf %mul3A_16, %mul3A_37 : vector<512x128xf32>
    %reduce_sum3A_63 = arith.constant dense<0.000000e+00> : vector<512xf32>
    %reduce_sum3A_64 = vector.multi_reduction <add>, %mul3A_62, %reduce_sum3A_63 [1] : vector<512x128xf32> to vector<512xf32>
    %broadcast_in_dim3A_65 = vector.shape_cast %reduce_sum3A_64 : vector<512xf32> to vector<512x1xf32>
    %mul3A_66 = arith.mulf %mul3A_16, %mul3A_44 : vector<512x128xf32>
    %reduce_sum3A_67 = arith.constant dense<0.000000e+00> : vector<512xf32>
    %reduce_sum3A_68 = vector.multi_reduction <add>, %mul3A_66, %reduce_sum3A_67 [1] : vector<512x128xf32> to vector<512xf32>
    %broadcast_in_dim3A_69 = vector.shape_cast %reduce_sum3A_68 : vector<512xf32> to vector<512x1xf32>
    %mul3A_70 = arith.mulf %mul3A_16, %mul3A_51 : vector<512x128xf32>
    %reduce_sum3A_71 = arith.constant dense<0.000000e+00> : vector<512xf32>
    %reduce_sum3A_72 = vector.multi_reduction <add>, %mul3A_70, %reduce_sum3A_71 [1] : vector<512x128xf32> to vector<512xf32>
    %broadcast_in_dim3A_73 = vector.shape_cast %reduce_sum3A_72 : vector<512xf32> to vector<512x1xf32>
    %mul3A_74 = arith.mulf %mul3A_23, %mul3A_23 : vector<512x128xf32>
    %reduce_sum3A_75 = arith.constant dense<0.000000e+00> : vector<512xf32>
    %reduce_sum3A_76 = vector.multi_reduction <add>, %mul3A_74, %reduce_sum3A_75 [1] : vector<512x128xf32> to vector<512xf32>
    %broadcast_in_dim3A_77 = vector.shape_cast %reduce_sum3A_76 : vector<512xf32> to vector<512x1xf32>
    %mul3A_78 = arith.mulf %mul3A_23, %mul3A_30 : vector<512x128xf32>
    %reduce_sum3A_79 = arith.constant dense<0.000000e+00> : vector<512xf32>
    %reduce_sum3A_80 = vector.multi_reduction <add>, %mul3A_78, %reduce_sum3A_79 [1] : vector<512x128xf32> to vector<512xf32>
    %broadcast_in_dim3A_81 = vector.shape_cast %reduce_sum3A_80 : vector<512xf32> to vector<512x1xf32>
    %mul3A_82 = arith.mulf %mul3A_23, %mul3A_37 : vector<512x128xf32>
    %reduce_sum3A_83 = arith.constant dense<0.000000e+00> : vector<512xf32>
    %reduce_sum3A_84 = vector.multi_reduction <add>, %mul3A_82, %reduce_sum3A_83 [1] : vector<512x128xf32> to vector<512xf32>
    %broadcast_in_dim3A_85 = vector.shape_cast %reduce_sum3A_84 : vector<512xf32> to vector<512x1xf32>
    %mul3A_86 = arith.mulf %mul3A_23, %mul3A_44 : vector<512x128xf32>
    %reduce_sum3A_87 = arith.constant dense<0.000000e+00> : vector<512xf32>
    %reduce_sum3A_88 = vector.multi_reduction <add>, %mul3A_86, %reduce_sum3A_87 [1] : vector<512x128xf32> to vector<512xf32>
    %broadcast_in_dim3A_89 = vector.shape_cast %reduce_sum3A_88 : vector<512xf32> to vector<512x1xf32>
    %mul3A_90 = arith.mulf %mul3A_23, %mul3A_51 : vector<512x128xf32>
    %reduce_sum3A_91 = arith.constant dense<0.000000e+00> : vector<512xf32>
    %reduce_sum3A_92 = vector.multi_reduction <add>, %mul3A_90, %reduce_sum3A_91 [1] : vector<512x128xf32> to vector<512xf32>
    %broadcast_in_dim3A_93 = vector.shape_cast %reduce_sum3A_92 : vector<512xf32> to vector<512x1xf32>
    %mul3A_94 = arith.mulf %mul3A_30, %mul3A_30 : vector<512x128xf32>
    %reduce_sum3A_95 = arith.constant dense<0.000000e+00> : vector<512xf32>
    %reduce_sum3A_96 = vector.multi_reduction <add>, %mul3A_94, %reduce_sum3A_95 [1] : vector<512x128xf32> to vector<512xf32>
    %broadcast_in_dim3A_97 = vector.shape_cast %reduce_sum3A_96 : vector<512xf32> to vector<512x1xf32>
    %mul3A_98 = arith.mulf %mul3A_30, %mul3A_37 : vector<512x128xf32>
    %reduce_sum3A_99 = arith.constant dense<0.000000e+00> : vector<512xf32>
    %reduce_sum3A_100 = vector.multi_reduction <add>, %mul3A_98, %reduce_sum3A_99 [1] : vector<512x128xf32> to vector<512xf32>
    %broadcast_in_dim3A_101 = vector.shape_cast %reduce_sum3A_100 : vector<512xf32> to vector<512x1xf32>
    %mul3A_102 = arith.mulf %mul3A_30, %mul3A_44 : vector<512x128xf32>
    %reduce_sum3A_103 = arith.constant dense<0.000000e+00> : vector<512xf32>
    %reduce_sum3A_104 = vector.multi_reduction <add>, %mul3A_102, %reduce_sum3A_103 [1] : vector<512x128xf32> to vector<512xf32>
    %broadcast_in_dim3A_105 = vector.shape_cast %reduce_sum3A_104 : vector<512xf32> to vector<512x1xf32>
    %mul3A_106 = arith.mulf %mul3A_30, %mul3A_51 : vector<512x128xf32>
    %reduce_sum3A_107 = arith.constant dense<0.000000e+00> : vector<512xf32>
    %reduce_sum3A_108 = vector.multi_reduction <add>, %mul3A_106, %reduce_sum3A_107 [1] : vector<512x128xf32> to vector<512xf32>
    %broadcast_in_dim3A_109 = vector.shape_cast %reduce_sum3A_108 : vector<512xf32> to vector<512x1xf32>
    %mul3A_110 = arith.mulf %mul3A_37, %mul3A_37 : vector<512x128xf32>
    %reduce_sum3A_111 = arith.constant dense<0.000000e+00> : vector<512xf32>
    %reduce_sum3A_112 = vector.multi_reduction <add>, %mul3A_110, %reduce_sum3A_111 [1] : vector<512x128xf32> to vector<512xf32>
    %broadcast_in_dim3A_113 = vector.shape_cast %reduce_sum3A_112 : vector<512xf32> to vector<512x1xf32>
    %mul3A_114 = arith.mulf %mul3A_37, %mul3A_44 : vector<512x128xf32>
    %reduce_sum3A_115 = arith.constant dense<0.000000e+00> : vector<512xf32>
    %reduce_sum3A_116 = vector.multi_reduction <add>, %mul3A_114, %reduce_sum3A_115 [1] : vector<512x128xf32> to vector<512xf32>
    %broadcast_in_dim3A_117 = vector.shape_cast %reduce_sum3A_116 : vector<512xf32> to vector<512x1xf32>
    %mul3A_118 = arith.mulf %mul3A_37, %mul3A_51 : vector<512x128xf32>
    %reduce_sum3A_119 = arith.constant dense<0.000000e+00> : vector<512xf32>
    %reduce_sum3A_120 = vector.multi_reduction <add>, %mul3A_118, %reduce_sum3A_119 [1] : vector<512x128xf32> to vector<512xf32>
    %broadcast_in_dim3A_121 = vector.shape_cast %reduce_sum3A_120 : vector<512xf32> to vector<512x1xf32>
    %mul3A_122 = arith.mulf %mul3A_44, %mul3A_44 : vector<512x128xf32>
    %reduce_sum3A_123 = arith.constant dense<0.000000e+00> : vector<512xf32>
    %reduce_sum3A_124 = vector.multi_reduction <add>, %mul3A_122, %reduce_sum3A_123 [1] : vector<512x128xf32> to vector<512xf32>
    %broadcast_in_dim3A_125 = vector.shape_cast %reduce_sum3A_124 : vector<512xf32> to vector<512x1xf32>
    %mul3A_126 = arith.mulf %mul3A_44, %mul3A_51 : vector<512x128xf32>
    %reduce_sum3A_127 = arith.constant dense<0.000000e+00> : vector<512xf32>
    %reduce_sum3A_128 = vector.multi_reduction <add>, %mul3A_126, %reduce_sum3A_127 [1] : vector<512x128xf32> to vector<512xf32>
    %broadcast_in_dim3A_129 = vector.shape_cast %reduce_sum3A_128 : vector<512xf32> to vector<512x1xf32>
    %mul3A_130 = arith.mulf %mul3A_51, %mul3A_51 : vector<512x128xf32>
    %reduce_sum3A_131 = arith.constant dense<0.000000e+00> : vector<512xf32>
    %reduce_sum3A_132 = vector.multi_reduction <add>, %mul3A_130, %reduce_sum3A_131 [1] : vector<512x128xf32> to vector<512xf32>
    %broadcast_in_dim3A_133 = vector.shape_cast %reduce_sum3A_132 : vector<512xf32> to vector<512x1xf32>
    %concatenate3A = tpu.concatenate %broadcast_in_dim3A, %broadcast_in_dim3A_57, %broadcast_in_dim3A_61, %broadcast_in_dim3A_65, %broadcast_in_dim3A_69, %broadcast_in_dim3A_73, %broadcast_in_dim3A_57, %broadcast_in_dim3A_77, %broadcast_in_dim3A_81, %broadcast_in_dim3A_85, %broadcast_in_dim3A_89, %broadcast_in_dim3A_93, %broadcast_in_dim3A_61, %broadcast_in_dim3A_81, %broadcast_in_dim3A_97, %broadcast_in_dim3A_101, %broadcast_in_dim3A_105, %broadcast_in_dim3A_109, %broadcast_in_dim3A_65, %broadcast_in_dim3A_85, %broadcast_in_dim3A_101, %broadcast_in_dim3A_113, %broadcast_in_dim3A_117, %broadcast_in_dim3A_121, %broadcast_in_dim3A_69, %broadcast_in_dim3A_89, %broadcast_in_dim3A_105, %broadcast_in_dim3A_117, %broadcast_in_dim3A_125, %broadcast_in_dim3A_129, %broadcast_in_dim3A_73, %broadcast_in_dim3A_93, %broadcast_in_dim3A_109, %broadcast_in_dim3A_121, %broadcast_in_dim3A_129, %broadcast_in_dim3A_133 in 1 : vector<512x1xf32>, vector<512x1xf32>, vector<512x1xf32>, vector<512x1xf32>, vector<512x1xf32>, vector<512x1xf32>, vector<512x1xf32>, vector<512x1xf32>, vector<512x1xf32>, vector<512x1xf32>, vector<512x1xf32>, vector<512x1xf32>, vector<512x1xf32>, vector<512x1xf32>, vector<512x1xf32>, vector<512x1xf32>, vector<512x1xf32>, vector<512x1xf32>, vector<512x1xf32>, vector<512x1xf32>, vector<512x1xf32>, vector<512x1xf32>, vector<512x1xf32>, vector<512x1xf32>, vector<512x1xf32>, vector<512x1xf32>, vector<512x1xf32>, vector<512x1xf32>, vector<512x1xf32>, vector<512x1xf32>, vector<512x1xf32>, vector<512x1xf32>, vector<512x1xf32>, vector<512x1xf32>, vector<512x1xf32>, vector<512x1xf32> -> vector<512x36xf32>
    %lt3A = arith.constant 0.000000e+00 : f32
    %lt3A_134 = vector.broadcast %lt3A : f32 to vector<512x36xf32>
    %lt3A_135 = arith.cmpf olt, %concatenate3A, %lt3A_134 : vector<512x36xf32>
    %jit3A = arith.constant 0.000000e+00 : f32
    %broadcast_in_dim3A_136 = vector.broadcast %jit3A : f32 to vector<512x36xf32>
    %select_n3A = arith.select %lt3A_135, %broadcast_in_dim3A_136, %concatenate3A : vector<512x36xi1>, vector<512x36xf32>
    %add3A_137 = arith.constant 1.000000e+00 : f32
    %add3A_138 = vector.broadcast %add3A_137 : f32 to vector<512x36xf32>
    %add3A_139 = arith.addf %select_n3A, %add3A_138 : vector<512x36xf32>
    %log3A = math.log %add3A_139 : vector<512x36xf32>
    %get3A_140 = arith.constant 0 : index
    %get3A_141 = arith.constant 0 : index
    %get3A_142 = vector.load %arg3[%get3A_140, %get3A_141] : memref<36x144xf32, #tpu.memory_space<vmem>>, vector<36x144xf32>
    %dot_general3A = arith.constant dense<0.000000e+00> : vector<512x144xf32>
    %dot_general3A_143 = tpu.matmul %log3A, %get3A_142, %dot_general3A {dimension_numbers = #tpu.dot_dimension_numbers<[1], [0], [0], [1], [0, 0, 1, 1], [], []>, transpose_lhs_hint = false} : vector<512x36xf32>, vector<36x144xf32>, vector<512x144xf32> -> vector<512x144xf32>
    %get3A_144 = arith.constant 0 : index
    %get3A_145 = arith.constant 0 : index
    %get3A_146 = vector.load %arg4[%get3A_144, %get3A_145] : memref<1x144xf32, #tpu.memory_space<vmem>>, vector<1x144xf32>
    %add3A_147 = vector.broadcast %get3A_146 : vector<1x144xf32> to vector<512x144xf32>
    %add3A_148 = arith.addf %dot_general3A_143, %add3A_147 : vector<512x144xf32>
    %max3A = arith.constant 0.000000e+00 : f32
    %max3A_149 = vector.broadcast %max3A : f32 to vector<512x144xf32>
    %max3A_150 = arith.maximumf %add3A_148, %max3A_149 : vector<512x144xf32>
    %get3A_151 = arith.constant 0 : index
    %get3A_152 = arith.constant 0 : index
    %get3A_153 = vector.load %arg5[%get3A_151, %get3A_152] : memref<144x36xf32, #tpu.memory_space<vmem>>, vector<144x36xf32>
    %dot_general3A_154 = arith.constant dense<0.000000e+00> : vector<512x36xf32>
    %dot_general3A_155 = tpu.matmul %max3A_150, %get3A_153, %dot_general3A_154 {dimension_numbers = #tpu.dot_dimension_numbers<[1], [0], [0], [1], [0, 0, 1, 1], [], []>, transpose_lhs_hint = false} : vector<512x144xf32>, vector<144x36xf32>, vector<512x36xf32> -> vector<512x36xf32>
    %get3A_156 = arith.constant 0 : index
    %get3A_157 = arith.constant 0 : index
    %get3A_158 = vector.load %arg6[%get3A_156, %get3A_157] : memref<1x36xf32, #tpu.memory_space<vmem>>, vector<1x36xf32>
    %add3A_159 = vector.broadcast %get3A_158 : vector<1x36xf32> to vector<512x36xf32>
    %add3A_160 = arith.addf %dot_general3A_155, %add3A_159 : vector<512x36xf32>
    %swap3A = arith.constant 0 : index
    %swap3A_161 = arith.constant 0 : index
    %swap3A_162 = vector.load %arg7[%swap3A, %swap3A_161] : memref<512x36xf32, #tpu.memory_space<vmem>>, vector<512x36xf32>
    tpu.vector_store %arg7[%swap3A, %swap3A_161], %add3A_160 {strides = array<i32>} : memref<512x36xf32, #tpu.memory_space<vmem>>, vector<512x36xf32>,
    return
  }
  func.func @transform_0(%arg0: i32) -> (i32, i32, i32) {
    %c0_i32 = arith.constant 0 : i32
    %c0_i32_0 = arith.constant 0 : i32
    %c0_i32_1 = arith.constant 0 : i32
    return %c0_i32, %arg0, %c0_i32_0 : i32, i32, i32
  }
  func.func @transform_1(%arg0: i32) -> (i32, i32) {
    %c0_i32 = arith.constant 0 : i32
    %c0_i32_0 = arith.constant 0 : i32
    %c0_i32_1 = arith.constant 0 : i32
    return %c0_i32, %c0_i32_0 : i32, i32
  }
  func.func @transform_2(%arg0: i32) -> (i32, i32) {
    %c0_i32 = arith.constant 0 : i32
    %c0_i32_0 = arith.constant 0 : i32
    %c0_i32_1 = arith.constant 0 : i32
    return %c0_i32, %c0_i32_0 : i32, i32
  }
  func.func @transform_3(%arg0: i32) -> (i32, i32) {
    %c0_i32 = arith.constant 0 : i32
    %c0_i32_0 = arith.constant 0 : i32
    %c0_i32_1 = arith.constant 0 : i32
    return %c0_i32, %c0_i32_0 : i32, i32
  }
  func.func @transform_4(%arg0: i32) -> (i32, i32) {
    %c0_i32 = arith.constant 0 : i32
    %c0_i32_0 = arith.constant 0 : i32
    %c0_i32_1 = arith.constant 0 : i32
    return %c0_i32, %c0_i32_0 : i32, i32
  }
  func.func @transform_5(%arg0: i32) -> (i32, i32) {
    %c0_i32 = arith.constant 0 : i32
    %c0_i32_0 = arith.constant 0 : i32
    %c0_i32_1 = arith.constant 0 : i32
    return %c0_i32, %c0_i32_0 : i32, i32
  }
  func.func @transform_6(%arg0: i32) -> (i32, i32) {
    %c0_i32 = arith.constant 0 : i32
    %c0_i32_0 = arith.constant 0 : i32
    return %arg0, %c0_i32 : i32, i32
  }
}

</mosaic_0001>

<sc_bundles>
// kernel: kernel.6.cloned.1.call-start
scs
__scs_entry_jumppad:
0x0: {  	(pc) =	sbr.rel $0x88, $3  }
0x1: {  	(tag) =	ssettag $0x0;
	lr =	simm.s32 $0x1  }
0x2: {  	[smem:$0x3F99] =	sst lr;
	_ =	strace $0xD0000000  }
0x3: {  	_ = 	snop  }
0x4: {  	_ = 	snop  }
0x5: {  	_ = 	snop  }
0x6: {  	_ = 	snop  }
0x7: {  	_ = 	snop  }
__scs_overlays_trampoline_lowered:
0x8: {  	[smem:$0x3FA8] =	sst s0  }
0x9: {  	[smem:$0x3FA9] =	sst s1  }
0xa: {  	[smem:$0x3FAA] =	sst s2  }
0xb: {  	[smem:$0x3FAB] =	sst s3  }
0xc: {  	[smem:$0x3FAC] =	sst s4  }
0xd: {  	[smem:$0x3FAD] =	sst s5  }
0xe: {  	[smem:$0x3FAE] =	sst s6  }
0xf: {  	[smem:$0x3FAF] =	sst s7  }
0x10: {  	[smem:$0x3FB0] =	sst s8  }
0x11: {  	[smem:$0x3FB1] =	sst s9;
	s0 =	simm.s32 @!p0 $0x0  }
0x12: {  	s1 =	sld [smem:$0x3F97];
	s0 =	simm.s32 @p0 $0x1  }
0x13: {  	[smem:$0x3FB2] =	sst s0;
	s0 =	simm.s32 @!p1 $0x0  }
0x14: {  	s2 =	sld [smem:$0x3F96];
	s0 =	simm.s32 @p1 $0x1  }
0x15: {  	[smem:$0x3FB3] =	sst s0;
	s0 =	simm.s32 @!p2 $0x0  }
0x16: {  	s3 =	sld [smem:$0x3FDB];
	s0 =	simm.s32 @p2 $0x1  }
0x17: {  	s4 =	simm.s32 $0x1BF5;
	[smem:$0x3FB5] =	sst s0  }
0x18: {  	s0 =	sld [smem:$0x3F98];
	_ =	swait.ge [sflag:s4], $0x0  }
0x19: {  	s7 =	sld [smem:$0x3F99]  }
0x1a: {  	s8 =	sadd.s32 $0xFFFFE003, lr  }
0x1b: {  	s9 =	sadd.s32 $0xFFFFFEF7, lr;
	s5 =	simm.s32 $0xFFFFFFFF;
	p2 =	slt.u32 s8, $0xFFFFF086  }
0x1c: {  	p1 =	slt.u32 s9, $0xF7A;
	s5 =	simm.s32 @!p2 $0x0  }
0x1d: {  	s5 =	simm.s32 @p1 $0x1;
	p0 =	seq.s32 s7, s2  }
0x1e: {  	s7 =	smul.u32 @!p0 $0xF7A, s2;
	p2 =	seq.s32 @!p0 s5, $0x0  }
0x1f: {  	s9 =	smul.u32 $0xF7A, s1;
	s8 =	simm.s32 @!p0 $0x1BF5;
	p2 =	por !p2, p0  }
0x20: {  	[sflag:s8] =	ssyncset.s32 @!p0 $0xFFFFF086;
	s6 =	sadd.s32 @!p0 s3, s7;
	s7 =	simm.s32 @!p0 $0x108  }
0x21: {  	s3 =	sadd.s32 s3, s9;
	s6 =	sadd.s32 @!p0 $0x88, s6;
	s7 =	simm.s32 @p2 $0x1082  }
0x22: {  	[simem:s7], [sflag:s8] =	dma.local @!p0 [hbm:s6], $0xF7A  }
0x23: {  	s9 =	sor.u32 $0xD0000000, s2;
	s6 =	simm.s32 $0x108;
	_ =	swait.ge @!p0 [sflag:s8], $0x0  }
0x24: {  	s3 =	sadd.s32 $0x88, s3;
	s6 =	simm.s32 @!p1 $0x1082;
	[sflag:s4] =	ssyncset.s32 $0xFFFFF086  }
0x25: {  	[simem:s6], [sflag:s4] =	dma.local [hbm:s3], $0xF7A  }
0x26: {  	[smem:$0x3F99] =	sst s1;
	(tag) =	ssettag s2;
	_ =	strace s9  }
0x27: {  	s1 =	sld [smem:$0x3FA9]  }
0x28: {  	s2 =	sld [smem:$0x3FAA]  }
0x29: {  	s4 =	sld [smem:$0x3FAC]  }
0x2a: {  	p0 =	seq.s32 s5, $0x0;
	s5 =	sld [smem:$0x3FAD]  }
0x2b: {  	s6 =	sld [smem:$0x3FAE]  }
0x2c: {  	s7 =	sld [smem:$0x3FAF]  }
0x2d: {  	s3 =	simm.s32 $0x108;
	s8 =	sld [smem:$0x3FB0]  }
0x2e: {  	s3 =	simm.s32 @!p0 $0x1082;
	s9 =	sld [smem:$0x3FB1]  }
0x2f: {  	lr =	sadd.s32 s0, s3;
	s0 =	sld [smem:$0x3FA8]  }
0x30: {  	s3 =	sld [smem:$0x3FAB]  }
0x31: {  	[smem:$0x3FB4] =	sst s10  }
0x32: {  	s10 =	sld [smem:$0x3FB2];
	_ =	sdelay $0x3  }
0x33: {  	p0 =	seq.s32 s10, $0x1;
	s10 =	sld [smem:$0x3FB4];
	_ =	sdelay $0x3  }
0x34: {  	[smem:$0x3FB4] =	sst s10  }
0x35: {  	s10 =	sld [smem:$0x3FB3];
	_ =	sdelay $0x3  }
0x36: {  	p1 =	seq.s32 s10, $0x1;
	s10 =	sld [smem:$0x3FB4];
	_ =	sdelay $0x3  }
0x37: {  	[smem:$0x3FB4] =	sst s10  }
0x38: {  	s10 =	sld [smem:$0x3FB5]  }
0x39: {  	_ = 	snop;
	(pc) =	sbr.ind lr, $3  }
0x3a: {  	_ = 	snop  }
0x3b: {  	_ = 	snop  }
0x3c: {  	p2 =	seq.s32 s10, $0x1;
	s10 =	sld [smem:$0x3FB4]  }
0x3d: {  	_ =	shalt  }
0x3e: {  	_ =	shalt  }
0x3f: {  	_ =	shalt  }
0x40: {  	_ =	shalt  }
0x41: {  	_ =	shalt  }
0x42: {  	_ =	shalt  }
0x43: {  	_ =	shalt  }
0x44: {  	_ =	shalt  }
0x45: {  	_ =	shalt  }
0x46: {  	_ =	shalt  }
0x47: {  	_ =	shalt  }
0x48: {  	_ =	shalt  }
0x49: {  	_ =	shalt  }
0x4a: {  	_ =	shalt  }
0x4b: {  	_ =	shalt  }
0x4c: {  	_ =	shalt  }
0x4d: {  	_ =	shalt  }
0x4e: {  	_ =	shalt  }
0x4f: {  	_ =	shalt  }
0x50: {  	_ =	shalt  }
0x51: {  	_ =	shalt  }
0x52: {  	_ =	shalt  }
0x53: {  	_ =	shalt  }
0x54: {  	_ =	shalt  }
0x55: {  	_ =	shalt  }
0x56: {  	_ =	shalt  }
0x57: {  	_ =	shalt  }
0x58: {  	_ =	shalt  }
0x59: {  	_ =	shalt  }
0x5a: {  	_ =	shalt  }
0x5b: {  	_ =	shalt  }
0x5c: {  	_ =	shalt  }
0x5d: {  	_ =	shalt  }
0x5e: {  	_ =	shalt  }
0x5f: {  	_ =	shalt  }
0x60: {  	_ =	shalt  }
0x61: {  	_ =	shalt  }
0x62: {  	_ =	shalt  }
0x63: {  	_ =	shalt  }
0x64: {  	_ =	shalt  }
0x65: {  	_ =	shalt  }
0x66: {  	_ =	shalt  }
0x67: {  	_ =	shalt  }
0x68: {  	_ =	shalt  }
0x69: {  	_ =	shalt  }
0x6a: {  	_ =	shalt  }
0x6b: {  	_ =	shalt  }
0x6c: {  	_ =	shalt  }
0x6d: {  	_ =	shalt  }
0x6e: {  	_ =	shalt  }
0x6f: {  	_ =	shalt  }
0x70: {  	_ =	shalt  }
0x71: {  	_ =	shalt  }
0x72: {  	_ =	shalt  }
0x73: {  	_ =	shalt  }
0x74: {  	_ =	shalt  }
0x75: {  	_ =	shalt  }
0x76: {  	_ =	shalt  }
0x77: {  	_ =	shalt  }
0x78: {  	_ =	shalt  }
0x79: {  	_ =	shalt  }
0x7a: {  	_ =	shalt  }
0x7b: {  	_ =	shalt  }
0x7c: {  	_ =	shalt  }
0x7d: {  	_ =	shalt  }
0x7e: {  	_ =	shalt  }
0x7f: {  	_ =	shalt  }
0x80: {  	_ =	shalt  }
0x81: {  	_ =	shalt  }
0x82: {  	_ =	shalt  }
0x83: {  	_ =	shalt  }
0x84: {  	_ =	shalt  }
0x85: {  	_ =	shalt  }
0x86: {  	_ =	shalt  }
0x87: {  	_ =	shalt  }
.Lfunc_end0:
.L_simem_size_0:
called_computation_lowered:
.L_overlay_start_0:
0x88: {  	s2 =	sld [smem:$0x3FD9]  }
0x89: {  	s3 =	sld [smem:$0x3FFE];
	_ =	sdelay $0x1  }
0x8a: {  	s1 =	srdreg.scid  }
0x8b: {  	s0 =	sand.u32 $0x1, s1  }
0x8c: {  	s17 =	sshll.u32 s0, $0xA;
	s2 =	sadd.s32 s3, s2  }
0x8d: {  	s2 =	sadd.s32 s2, s17  }
0x8e: {  	[smem:$0x3FC0] =	sst s2  }
0x8f: {  	_ = 	snop  }
0x90: {  	s2 =	sld [smem:$0x3FC7]  }
0x91: {  	s18 =	sld [smem:$0x3FD0];
	(tm) =	ssettm $0x1  }
0x92: {  	s4 =	sld [smem:$0x3FFB];
	_ =	sdelay $0x3  }
0x93: {  	_ =	strace s4  }
0x94: {  	s4 =	sld [smem:$0x3FFC];
	_ =	sdelay $0x3  }
0x95: {  	_ =	strace s4  }
0x96: {  	s4 =	sld [smem:$0x3FFD];
	_ =	sdelay $0x3  }
0x97: {  	_ =	strace s4  }
0x98: {  	_ =	strace $0x8FFFFFFF  }
0x99: {  	s19 =	sld [smem:$0x3FDB];
	_ =	sdelay $0x1  }
0x9a: {  	s5 =	simm.s32 $_scs_section_size  }
0x9b: {  	s6 =	simm.s32 $_size__tile_overlayer_lowered;
	s7 =	simm.s32 $_tile_overlayer_lowered  }
0x9c: {  	s22 =	simm.s32 $0x1BFF;
	s21 =	sshll.u32 s7, $0x1;
	s4 =	sadd.s32 s5, s19  }
0x9d: {  	s8 =	simm.s32 $0x0;
	s20 =	sshll.u32 s6, $0x1;
	s6 =	sadd.s32 s21, s4  }
0x9e: {  	[timem:s8], [sflag:s22] =	dma.local [hbm:s6], s20  }
0x9f: {  	_ =	swait.ge [sflag:s22], s20  }
0xa0: {  	s5 =	ssub.s32 $0x0, s20;
	[sflag:s22] =	ssyncset.done $0x0  }
0xa1: {  	[sflag:s22] =	ssyncadd.s32 s5;
	_ =	sdelay $0x1  }
0xa2: {  	s23 =	simm.s32 $0x1B8B  }
0xa3: {  	_ =	swait.ge [sflag:s23], $0x1  }
0xa4: {  	[sflag:s23] =	ssyncset.done $0x0  }
0xa5: {  	s25 =	simm.s32 $0x1B8E;
	s24 =	sld [smem:$0x3FFE];
	[sflag:s23] =	ssyncadd.s32 $0xFFFFFFFF  }
0xa6: {  	s26 =	simm.s32 $execute0_lowered;
	[smem:$0x3FD2] =	sst s25  }
0xa7: {  	s6 =	sshll.u32 s26, $0x1;
	_ =	strace $0x80000046;
	[dreg:$0x1] =	wrdreg $0xFFFFFFFF  }
0xa8: {  	s28 =	simm.s32 $_size_execute0_lowered;
	s4 =	sadd.s32 s4, s6;
	[dreg:$0x0] =	wrdreg $0x0  }
0xa9: {  	s6 =	sshll.u32 s28, $0x1;
	[dreg:$0x2] =	wrdreg s4  }
0xaa: {  	[dreg:$0x3] =	wrdreg s6  }
0xab: {  	[dreg:$0x4] =	wrdreg $0xC0  }
0xac: {  	_ =	task [dreg:s8], $0x5FFFF  }
0xad: {  	[dreg:$0x1] =	wrdreg $0xFFFFFFFF  }
0xae: {  	[dreg:$0x0] =	wrdreg $0x60  }
0xaf: {  	[dreg:$0x2] =	wrdreg s18  }
0xb0: {  	[dreg:$0x3] =	wrdreg s2  }
0xb1: {  	[dreg:$0x4] =	wrdreg s24  }
0xb2: {  	[dreg:$0x5] =	wrdreg $0x9  }
0xb3: {  	_ =	task.clear_ibuf [dreg:s8], $0x6FFFF;
	_ =	strace $0x90000046  }
0xb4: {  	s29 =	simm.s32 $0x9;
	_ =	strace $0x80000048  }
0xb5: {  	_ =	swait.ge [sflag:s29], $0x1  }
0xb6: {  	[sflag:s29] =	ssyncadd.s32 $0xFFFFFFFF  }
0xb7: {  	_ =	strace $0x90000048  }
0xb8: {  	_ =	sfence  }
0xb9: {  	s30 =	sld [smem:$0x0];
	_ =	sdelay $0x2  }
0xba: {  	s31 =	sshll.u32 s1, $0xD;
	s1 =	sshrl.u32 s1, $0x2  }
0xbb: {  	s3 =	sand.u32 $0x4000, s31;
	s1 =	sadd.s32 s1, s30  }
0xbc: {  	s0 =	sor.u32 s3, s0;
	s1 =	sshll.u32 s1, $0x11  }
0xbd: {  	s0 =	sor.u32 s1, s0  }
0xbe: {  	s0 =	sadd.s32 $0x8F2B, s0  }
0xbf: {  	[sflag:s0] =	ssyncadd.remote.s32 $0x1  }
0xc0: {  	_ =	sfence.sel $0xFFFF  }
0xc1: {  	[dreg:$0x0] =	wrdreg $0xFFFFFFFF;
	(pc) =	sbr.abs _section_cstart, $3  }
0xc2: {  	[dreg:$0x1] =	wrdreg $0xFFFFFFFF  }
0xc3: {  	_ =	task.clear_ibuf [dreg:s8], $0x2FFFF;
	_ =	strace $0x9FFFFFFF  }
0xc4: {  	(tm) =	ssettm $0x7FFFFFFF  }
0xc5: {  	_ =	shalt  }
tec
execute0_lowered:
.L_overlay_start_1:
0x0: {  	(tag) =	ssettag $0x1  }
0x1: {  	s5 =	rddreg [dreg:$0x0]  }
0x2: {  	s1 =	rddreg [dreg:$0x1]  }
0x3: {  	s6 =	rddreg [dreg:$0x2]  }
0x4: {  	s0 =	rddreg [dreg:$0x3];
	s2 =	simm.s32 $0x0  }
0x5: {  	s7 =	srdreg.scid;
	s3 =	stileid.u32;
	s13 =	simm.s32 $0x500  }
0x6: {  	s14 =	simm.s32 $0x380;
	s15 =	simm.s32 $0x4500;
	s16 =	simm.s32 $0x400  }
0x7: {  	s17 =	simm.s32 $0x8500;
	s18 =	simm.s32 $0x1;
	s19 =	simm.s32 $0x100  }
0x8: {  	s20 =	simm.s32 $0x180;
	s21 =	simm.s32 $0x200;
	s22 =	simm.s32 $0x2  }
0x9: {  	s23 =	simm.s32 $0x3;
	[smem:$0x7FF] =	sst s2;
	s4 =	sadd.s32 $0x2000, s6  }
0xa: {  	s7 =	sand.u32 $0x1, s7;
	s8 =	sadd.s32 $0x2400, s6;
	s24 =	sshll.u32 s3, $0x8  }
0xb: {  	s25 =	sshrl.u32 s3, $0x3;
	_ =	strace $0x80000047;
	s9 =	sshll.u32 s7, $0x7  }
0xc: {  	s7 =	ssub.s32 $0x2, s7;
	s10 =	sshll.u32 s25, $0x12;
	s6 =	sor.u32 s9, s24  }
0xd: {  	s9 =	smul.u32 $0xC0000, s25;
	s12 =	sshrl.u32 s7, $0x1;
	s11 =	sshll.u32 s6, $0x7  }
0xe: {  	s24 =	simm.s32 $0x0;
	s6 =	sshrl.u32 s6, $0x3;
	s10 =	ssub.s32 s11, s10  }
0xf: {  	s26 =	ssub.s32 s7, s12;
	s12 =	simm.s32 $0x300;
	s28 =	sadd.s32 s9, s10  }
0x10: {  	s5 =	sadd.s32 s5, s6;
	s11 =	simm.s32 $0x80;
	s29 =	sshrl.u32 s28, $0x3  }
0x11: {  	s9 =	sadd.s32 $0x40000, s28;
	s10 =	sadd.s32 $0x80000, s28;
	s6 =	sadd.s32 s8, s29  }
0x12: {  	v0 =	vimm.s32 $0x0;
	v1 =	vimm.s32 $0x1;
	v2 =	vimm.s32 $0x2;
	s30 =	sshrl.u32 s9, $0x3;
	s31 =	sshrl.u32 s10, $0x3;
	s9 =	smax.u32 s26, $0x1  }
0x13: {  	v3 =	vimm.s32 $0x3;
	v4 =	vimm.s32 $0x4;
	v5 =	vimm.s32 $0x5;
	s10 =	simm.s32 $0x4;
	s7 =	sadd.s32 s8, s30;
	s8 =	sadd.s32 s8, s31  }
.LBB2_1:
0x14: {  	[tilespmem:s2], [sflag:$0x4] =	stream.linear.gather [hbm4b:s5+s2], $0x80, $0x38;
	[tilespmem:$0xC500] =	vst v63  }
0x15: {  	_ =	swait.ge [sflag:s10], $0x80  }
0x16: {  	[sflag:s10] =	ssyncset.done $0x0  }
0x17: {  	[sflag:s10] =	ssyncadd.s32 $0xFFFFFF80  }
0x18: {  	[tilespmem:s11], [sflag:$0x4] =	stream.linear.gather [hbm4b:s4+s2], $0x6, $0x38;
	[tilespmem:$0xC500] =	vst v63  }
0x19: {  	_ =	swait.ge [sflag:s10], $0x6  }
0x1a: {  	[sflag:s10] =	ssyncset.done $0x0  }
0x1b: {  	[sflag:s10] =	ssyncadd.s32 $0xFFFFFFFA  }
0x1c: {  	v6 =	vld [tilespmem:$0x0]  }
0x1d: {  	v7 =	vld [tilespmem:$0x10];
	_ =	sdelay $0x3  }
0x1e: {  	v8 =	vld [tilespmem:$0x20];
	[tilespmem:$0x100] =	vst v6  }
0x1f: {  	v6 =	vadd.s32 $0x249F0, v6;
	[tilespmem:$0x110] =	vst v7  }
0x20: {  	v7 =	vadd.s32 $0x249F0, v7;
	[tilespmem:$0x300] =	vst v6;
	v6 =	vld [tilespmem:$0x30]  }
0x21: {  	[tilespmem:$0x310] =	vst v7;
	v7 =	vld [tilespmem:$0x40];
	_ =	sdelay $0x1  }
0x22: {  	[tilespmem:$0x120] =	vst v8;
	v8 =	vadd.s32 $0x249F0, v8  }
0x23: {  	[tilespmem:$0x320] =	vst v8  }
0x24: {  	v8 =	vld [tilespmem:$0x50];
	[tilespmem:$0x130] =	vst v6  }
0x25: {  	v6 =	vadd.s32 $0x249F0, v6;
	[tilespmem:$0x140] =	vst v7  }
0x26: {  	v7 =	vadd.s32 $0x249F0, v7;
	[tilespmem:$0x330] =	vst v6;
	v6 =	vld [tilespmem:$0x60]  }
0x27: {  	[tilespmem:$0x340] =	vst v7;
	v7 =	vld [tilespmem:$0x70];
	_ =	sdelay $0x1  }
0x28: {  	v9 =	vld [tilespmem:$0x0];
	[tilespmem:$0x150] =	vst v8;
	v8 =	vadd.s32 $0x249F0, v8  }
0x29: {  	[tilespmem:$0x350] =	vst v8  }
0x2a: {  	v8 =	vld [tilespmem:$0x10];
	[tilespmem:$0x160] =	vst v6  }
0x2b: {  	v6 =	vadd.s32 $0x249F0, v6;
	[tilespmem:$0x170] =	vst v7  }
0x2c: {  	[tilespmem:$0x360] =	vst v6;
	v6 =	vadd.s32 $0x249F0, v7;
	v7 =	vld [tilespmem:$0x20]  }
0x2d: {  	[tilespmem:$0x370] =	vst v6;
	v6 =	vadd.s32 $0xC350, v9  }
0x2e: {  	[tilespmem:$0x180] =	vst v6;
	v6 =	vadd.s32 $0x30D40, v9;
	v9 =	vld [tilespmem:$0x30]  }
0x2f: {  	[tilespmem:$0x380] =	vst v6;
	v6 =	vadd.s32 $0xC350, v8  }
0x30: {  	[tilespmem:$0x190] =	vst v6;
	v6 =	vadd.s32 $0x30D40, v8;
	v8 =	vld [tilespmem:$0x40]  }
0x31: {  	[tilespmem:$0x390] =	vst v6;
	v6 =	vadd.s32 $0xC350, v7  }
0x32: {  	[tilespmem:$0x1A0] =	vst v6;
	v6 =	vadd.s32 $0x30D40, v7;
	v7 =	vld [tilespmem:$0x50]  }
0x33: {  	[tilespmem:$0x3A0] =	vst v6;
	v6 =	vadd.s32 $0xC350, v9  }
0x34: {  	[tilespmem:$0x1B0] =	vst v6;
	v6 =	vadd.s32 $0x30D40, v9;
	v9 =	vld [tilespmem:$0x60]  }
0x35: {  	[tilespmem:$0x3B0] =	vst v6;
	v6 =	vadd.s32 $0xC350, v8  }
0x36: {  	[tilespmem:$0x1C0] =	vst v6;
	v6 =	vadd.s32 $0x30D40, v8;
	v8 =	vld [tilespmem:$0x70]  }
0x37: {  	[tilespmem:$0x3C0] =	vst v6;
	v6 =	vadd.s32 $0xC350, v7  }
0x38: {  	[tilespmem:$0x1D0] =	vst v6;
	v6 =	vadd.s32 $0x30D40, v7;
	v7 =	vld [tilespmem:$0x0]  }
0x39: {  	[tilespmem:$0x3D0] =	vst v6;
	v6 =	vadd.s32 $0xC350, v9  }
0x3a: {  	[tilespmem:$0x1E0] =	vst v6;
	v6 =	vadd.s32 $0x30D40, v9;
	v9 =	vld [tilespmem:$0x10]  }
0x3b: {  	[tilespmem:$0x3E0] =	vst v6;
	v6 =	vadd.s32 $0xC350, v8  }
0x3c: {  	[tilespmem:$0x1F0] =	vst v6;
	v6 =	vadd.s32 $0x30D40, v8;
	v8 =	vld [tilespmem:$0x20]  }
0x3d: {  	v14 =	vld [tilespmem:$0x80];
	[tilespmem:$0x3F0] =	vst v6;
	v6 =	vadd.s32 $0x186A0, v7  }
0x3e: {  	[tilespmem:$0x200] =	vst v6;
	v6 =	vadd.s32 $0x3D090, v7;
	v7 =	vld [tilespmem:$0x30]  }
0x3f: {  	[tilespmem:$0x400] =	vst v6;
	v6 =	vadd.s32 $0x186A0, v9  }
0x40: {  	[tilespmem:$0x210] =	vst v6;
	v6 =	vadd.s32 $0x3D090, v9;
	v9 =	vld [tilespmem:$0x40]  }
0x41: {  	[tilespmem:$0x410] =	vst v6;
	v6 =	vadd.s32 $0x186A0, v8  }
0x42: {  	[tilespmem:$0x220] =	vst v6;
	v6 =	vadd.s32 $0x3D090, v8;
	v8 =	vld [tilespmem:$0x50]  }
0x43: {  	v10 =	vperm.xlane v14, v0;
	v11 =	vperm.xlane v14, v1;
	[tilespmem:$0x420] =	vst v6;
	v6 =	vadd.s32 $0x186A0, v7  }
0x44: {  	[tilespmem:$0x230] =	vst v6;
	v6 =	vadd.s32 $0x3D090, v7;
	v7 =	vld [tilespmem:$0x60]  }
0x45: {  	v10 =	vsub.f32 v11, v10;
	[tilespmem:$0x430] =	vst v6;
	v6 =	vadd.s32 $0x186A0, v9  }
0x46: {  	[tilespmem:$0x240] =	vst v6;
	v6 =	vadd.s32 $0x3D090, v9;
	v9 =	vld [tilespmem:$0x70]  }
0x47: {  	v10 =	vmul.f32 $1.442695020e+00, v10;
	[tilespmem:$0x440] =	vst v6;
	v6 =	vadd.s32 $0x186A0, v8  }
0x48: {  	[tilespmem:$0x250] =	vst v6;
	v6 =	vadd.s32 $0x3D090, v8  }
0x49: {  	(erf) = vpow2.f32 v10;
	[tilespmem:$0x450] =	vst v6;
	v6 =	vadd.s32 $0x186A0, v7  }
0x4a: {  	[tilespmem:$0x260] =	vst v6;
	v6 =	vadd.s32 $0x3D090, v7  }
0x4b: {  	[tilespmem:$0x460] =	vst v6;
	v6 =	vadd.s32 $0x186A0, v9  }
0x4c: {  	[tilespmem:$0x270] =	vst v6;
	v6 =	vadd.s32 $0x3D090, v9  }
0x4d: {  	[tilespmem:$0x470] =	vst v6  }
0x4e: {  	[tilespmem:s13], [sflag:$0x1] =	stream.indirect.gather [hbm4b:s1+s11], $0x80, s12, s11, $0xb8;
	[tilespmem:$0xC500] =	vst v63  }
0x4f: {  	_ = 	snop  }
0x50: {  	[tilespmem:s15], [sflag:$0x1] =	stream.indirect.gather [hbm4b:s1+s11], $0x80, s14, s11, $0xb8;
	[tilespmem:$0xC500] =	vst v63  }
0x51: {  	_ = 	snop  }
0x52: {  	v8 =	vpop (erf);
	[tilespmem:s17], [sflag:$0x1] =	stream.indirect.gather [hbm4b:s1+s11], $0x80, s16, s11, $0xb8;
	[tilespmem:$0xC500] =	vst v63  }
0x53: {  	_ =	swait.ge [sflag:s18], $0x4000  }
0x54: {  	[sflag:s18] =	ssyncset.done $0x0  }
0x55: {  	s25 =	simm.s32 $0x580;
	[sflag:s18] =	ssyncadd.s32 $0xFFFFC000  }
0x56: {  	v6 =	vld [tilespmem:s25+$0x70]  }
0x57: {  	v7 =	vld [tilespmem:s25+$0xFFFFFF90]  }
0x58: {  	v9 =	vld [tilespmem:s25+$0xFFFFFFA0]  }
0x59: {  	v10 =	vld [tilespmem:s25+$0xFFFFFFB0]  }
0x5a: {  	v13 =	vld [tilespmem:s25+$0xFFFFFFE0]  }
0x5b: {  	v15 =	vld [tilespmem:s25+$0xFFFFFFF0]  }
0x5c: {  	v11 =	vld [tilespmem:s25+$0xFFFFFFC0];
	v6 =	vmul.f32 v6, v8  }
0x5d: {  	v16 =	vld [tilespmem:s25+$0x10];
	v7 =	vmul.f32 v7, v8  }
0x5e: {  	v12 =	vld [tilespmem:s25+$0xFFFFFFD0];
	v9 =	vmul.f32 v9, v8;
	[tilespmem:s25+$0x70] =	vst v6  }
0x5f: {  	v13 =	vmul.f32 v13, v8;
	[tilespmem:s25+$0xFFFFFF90] =	vst v7;
	v7 =	vld [tilespmem:s25+$0x0]  }
0x60: {  	v15 =	vmul.f32 v15, v8;
	[tilespmem:s25+$0xFFFFFFA0] =	vst v9  }
0x61: {  	v17 =	vld [tilespmem:s25+$0x20];
	v6 =	vmul.f32 v10, v8;
	[tilespmem:s25+$0xFFFFFFE0] =	vst v13  }
0x62: {  	v16 =	vmul.f32 v16, v8;
	v9 =	vmul.f32 v11, v8;
	v11 =	vld [tilespmem:s25+$0x30];
	[tilespmem:s25+$0xFFFFFFF0] =	vst v15  }
0x63: {  	v10 =	vperm.xlane v14, v3;
	[tilespmem:s25+$0xFFFFFFB0] =	vst v6;
	v6 =	vmul.f32 v12, v8;
	v12 =	vld [tilespmem:s25+$0x40]  }
0x64: {  	v13 =	vld [tilespmem:s25+$0x50];
	[tilespmem:s25+$0xFFFFFFC0] =	vst v9;
	v9 =	vperm.xlane v14, v2;
	v18 =	vmul.f32 v7, v8  }
0x65: {  	[tilespmem:s25+$0xFFFFFFD0] =	vst v6;
	v6 =	vperm.xlane v14, v4;
	v7 =	vperm.xlane v14, v5;
	v14 =	vld [tilespmem:s25+$0x60]  }
0x66: {  	s26 =	simm.s32 $0x0;
	s28 =	simm.s32 $0x680;
	v17 =	vmul.f32 v17, v8;
	v15 =	vld [tilespmem:s25+$0xFFFFFF80];
	[tilespmem:s25+$0x0] =	vst v18  }
.LBB2_2:
0x67: {  	v18 =	vld [tilespmem:s28+$0x70];
	s26 =	sadd.s32 $0x2, s26;
	[tilespmem:s25+$0x10] =	vst v16;
	v11 =	vmul.f32 v11, v8  }
0x68: {  	v16 =	vld [tilespmem:s28+$0xFFFFFF90];
	p0 =	slt.u32 s26, $0x7E;
	[tilespmem:s25+$0x20] =	vst v17;
	v12 =	vmul.f32 v12, v8  }
0x69: {  	v17 =	vld [tilespmem:s28+$0xFFFFFFA0];
	[tilespmem:s25+$0x30] =	vst v11;
	v11 =	vmul.f32 v13, v8  }
0x6a: {  	v13 =	vld [tilespmem:s28+$0xFFFFFFB0];
	[tilespmem:s25+$0x40] =	vst v12;
	v12 =	vmul.f32 v14, v8  }
0x6b: {  	v14 =	vld [tilespmem:s28+$0xFFFFFFC0];
	v15 =	vmul.f32 v15, v8;
	[tilespmem:s25+$0x50] =	vst v11  }
0x6c: {  	v11 =	vld [tilespmem:s28+$0xFFFFFFD0];
	v18 =	vmul.f32 v18, v8;
	[tilespmem:s25+$0x60] =	vst v12  }
0x6d: {  	v12 =	vmul.f32 v16, v8;
	v16 =	vld [tilespmem:s28+$0xFFFFFFE0];
	[tilespmem:s25+$0xFFFFFF80] =	vst v15;
	s25 =	smov.u32 s28  }
0x6e: {  	v15 =	vmul.f32 v17, v8;
	v17 =	vld [tilespmem:s28+$0xFFFFFFF0];
	[tilespmem:s28+$0x70] =	vst v18  }
0x6f: {  	[tilespmem:s28+$0xFFFFFF90] =	vst v12;
	v12 =	vmul.f32 v13, v8;
	v13 =	vld [tilespmem:s28+$0x0]  }
0x70: {  	[tilespmem:s28+$0xFFFFFFA0] =	vst v15;
	v14 =	vmul.f32 v14, v8;
	v15 =	vld [tilespmem:s28+$0x10]  }
0x71: {  	[tilespmem:s28+$0xFFFFFFB0] =	vst v12;
	v12 =	vmul.f32 v11, v8;
	v18 =	vld [tilespmem:s28+$0x20]  }
.Ltmp0:
0x72: {  	[tilespmem:s28+$0xFFFFFFC0] =	vst v14;
	v14 =	vmul.f32 v16, v8;
	v11 =	vld [tilespmem:s28+$0x30];
	(pc) =	sbr.rel @p0 .LBB2_2-.Ltmp0, $4  }
0x73: {  	[tilespmem:s28+$0xFFFFFFD0] =	vst v12;
	v16 =	vmul.f32 v17, v8;
	v12 =	vld [tilespmem:s28+$0x40]  }
0x74: {  	[tilespmem:s28+$0xFFFFFFE0] =	vst v14;
	v17 =	vmul.f32 v13, v8;
	v13 =	vld [tilespmem:s28+$0x50]  }
0x75: {  	[tilespmem:s28+$0xFFFFFFF0] =	vst v16;
	v16 =	vmul.f32 v15, v8;
	v14 =	vld [tilespmem:s28+$0x60]  }
0x76: {  	s28 =	sadd.s32 $0x100, s28;
	v15 =	vld [tilespmem:s25+$0xFFFFFF80];
	[tilespmem:s25+$0x0] =	vst v17;
	v17 =	vmul.f32 v18, v8  }
0x77: {  	v9 =	vsub.f32 v10, v9;
	_ =	sdelay $0x1  }
0x78: {  	v9 =	vmul.f32 $1.442695020e+00, v9;
	_ =	sdelay $0x1  }
0x79: {  	(erf) = vpow2.f32 v9;
	_ =	sdelay $0x1  }
0x7a: {  	[tilespmem:s25+$0x10] =	vst v16;
	v10 =	vmul.f32 v12, v8  }
0x7b: {  	[tilespmem:s25+$0x20] =	vst v17;
	v9 =	vmul.f32 v11, v8  }
0x7c: {  	[tilespmem:s25+$0x40] =	vst v10;
	v10 =	vmul.f32 v14, v8  }
0x7d: {  	[tilespmem:s25+$0x30] =	vst v9;
	v9 =	vmul.f32 v13, v8;
	v8 =	vmul.f32 v15, v8  }
0x7e: {  	[tilespmem:s25+$0x60] =	vst v10  }
0x7f: {  	[tilespmem:s25+$0x50] =	vst v9  }
0x80: {  	[tilespmem:s25+$0xFFFFFF80] =	vst v8  }
0x81: {  	[tilespmem:s13], [sflag:$0x2] =	stream.indirect.gather.add.f32 [hbm:s1], $0x80, s19, s11, $0xb8;
	v8 =	vpop (erf);
	[tilespmem:$0xC500] =	vst v63  }
0x82: {  	_ =	swait.ge [sflag:s18], $0x4000  }
0x83: {  	[sflag:s18] =	ssyncset.done $0x0  }
0x84: {  	s25 =	simm.s32 $0x4500;
	[sflag:s18] =	ssyncadd.s32 $0xFFFFC000  }
0x85: {  	v9 =	vld [tilespmem:s25+$0xF0]  }
0x86: {  	v10 =	vld [tilespmem:s25+$0x10]  }
0x87: {  	v11 =	vld [tilespmem:s25+$0x20]  }
0x88: {  	v12 =	vld [tilespmem:s25+$0x30]  }
0x89: {  	v13 =	vld [tilespmem:s25+$0x40]  }
0x8a: {  	v14 =	vld [tilespmem:s25+$0x50];
	v9 =	vmul.f32 v9, v8  }
0x8b: {  	v15 =	vld [tilespmem:s25+$0x60];
	v10 =	vmul.f32 v10, v8  }
0x8c: {  	v16 =	vld [tilespmem:s25+$0x70];
	v11 =	vmul.f32 v11, v8;
	[tilespmem:s25+$0xF0] =	vst v9  }
0x8d: {  	[tilespmem:s25+$0x10] =	vst v10;
	v9 =	vmul.f32 v12, v8;
	v12 =	vld [tilespmem:s25+$0x80]  }
0x8e: {  	[tilespmem:s25+$0x20] =	vst v11;
	v10 =	vmul.f32 v13, v8;
	v13 =	vld [tilespmem:s25+$0x90]  }
0x8f: {  	v17 =	vld [tilespmem:s25+$0xA0];
	v11 =	vmul.f32 v14, v8;
	[tilespmem:s25+$0x30] =	vst v9  }
0x90: {  	v14 =	vmul.f32 v15, v8;
	[tilespmem:s25+$0x40] =	vst v10;
	v9 =	vld [tilespmem:s25+$0xB0]  }
0x91: {  	v15 =	vmul.f32 v16, v8;
	[tilespmem:s25+$0x50] =	vst v11;
	v10 =	vld [tilespmem:s25+$0xC0]  }
0x92: {  	[tilespmem:s25+$0x60] =	vst v14;
	v11 =	vld [tilespmem:s25+$0xD0];
	v16 =	vmul.f32 v12, v8  }
0x93: {  	[tilespmem:s25+$0x70] =	vst v15;
	v12 =	vld [tilespmem:s25+$0xE0];
	v14 =	vmul.f32 v13, v8  }
0x94: {  	s26 =	simm.s32 $0x0;
	s28 =	simm.s32 $0x4600;
	v15 =	vmul.f32 v17, v8;
	v13 =	vld [tilespmem:s25+$0x0];
	[tilespmem:s25+$0x80] =	vst v16  }
.LBB2_4:
0x95: {  	v16 =	vld [tilespmem:s28+$0xF0];
	s26 =	sadd.s32 $0x2, s26;
	[tilespmem:s25+$0x90] =	vst v14;
	v9 =	vmul.f32 v9, v8  }
0x96: {  	v14 =	vld [tilespmem:s28+$0x10];
	p0 =	slt.u32 s26, $0x7E;
	[tilespmem:s25+$0xA0] =	vst v15;
	v10 =	vmul.f32 v10, v8  }
0x97: {  	v15 =	vld [tilespmem:s28+$0x20];
	[tilespmem:s25+$0xB0] =	vst v9;
	v9 =	vmul.f32 v11, v8  }
0x98: {  	v11 =	vld [tilespmem:s28+$0x30];
	[tilespmem:s25+$0xC0] =	vst v10;
	v10 =	vmul.f32 v12, v8  }
0x99: {  	v12 =	vld [tilespmem:s28+$0x40];
	v13 =	vmul.f32 v13, v8;
	[tilespmem:s25+$0xD0] =	vst v9  }
0x9a: {  	v9 =	vld [tilespmem:s28+$0x50];
	v16 =	vmul.f32 v16, v8;
	[tilespmem:s25+$0xE0] =	vst v10  }
0x9b: {  	v10 =	vmul.f32 v14, v8;
	v14 =	vld [tilespmem:s28+$0x60];
	[tilespmem:s25+$0x0] =	vst v13;
	s25 =	smov.u32 s28  }
0x9c: {  	v13 =	vmul.f32 v15, v8;
	v15 =	vld [tilespmem:s28+$0x70];
	[tilespmem:s28+$0xF0] =	vst v16  }
0x9d: {  	[tilespmem:s28+$0x10] =	vst v10;
	v10 =	vmul.f32 v11, v8;
	v11 =	vld [tilespmem:s28+$0x80]  }
0x9e: {  	[tilespmem:s28+$0x20] =	vst v13;
	v12 =	vmul.f32 v12, v8;
	v13 =	vld [tilespmem:s28+$0x90]  }
0x9f: {  	[tilespmem:s28+$0x30] =	vst v10;
	v10 =	vmul.f32 v9, v8;
	v16 =	vld [tilespmem:s28+$0xA0]  }
.Ltmp1:
0xa0: {  	[tilespmem:s28+$0x40] =	vst v12;
	v12 =	vmul.f32 v14, v8;
	v9 =	vld [tilespmem:s28+$0xB0];
	(pc) =	sbr.rel @p0 .LBB2_4-.Ltmp1, $4  }
0xa1: {  	[tilespmem:s28+$0x50] =	vst v10;
	v14 =	vmul.f32 v15, v8;
	v10 =	vld [tilespmem:s28+$0xC0]  }
0xa2: {  	[tilespmem:s28+$0x60] =	vst v12;
	v15 =	vmul.f32 v11, v8;
	v11 =	vld [tilespmem:s28+$0xD0]  }
0xa3: {  	[tilespmem:s28+$0x70] =	vst v14;
	v14 =	vmul.f32 v13, v8;
	v12 =	vld [tilespmem:s28+$0xE0]  }
0xa4: {  	s28 =	sadd.s32 $0x100, s28;
	v13 =	vld [tilespmem:s25+$0x0];
	[tilespmem:s25+$0x80] =	vst v15;
	v15 =	vmul.f32 v16, v8  }
0xa5: {  	v6 =	vsub.f32 v7, v6;
	_ =	sdelay $0x1  }
0xa6: {  	v6 =	vmul.f32 $1.442695020e+00, v6;
	_ =	sdelay $0x1  }
0xa7: {  	(erf) = vpow2.f32 v6;
	_ =	sdelay $0x1  }
0xa8: {  	[tilespmem:s25+$0x90] =	vst v14;
	v7 =	vmul.f32 v10, v8  }
0xa9: {  	[tilespmem:s25+$0xA0] =	vst v15;
	v6 =	vmul.f32 v9, v8  }
0xaa: {  	[tilespmem:s25+$0xC0] =	vst v7;
	v7 =	vmul.f32 v12, v8  }
0xab: {  	[tilespmem:s25+$0xB0] =	vst v6;
	v6 =	vmul.f32 v11, v8  }
0xac: {  	[tilespmem:s25+$0xE0] =	vst v7;
	v8 =	vmul.f32 v13, v8  }
0xad: {  	[tilespmem:s25+$0xD0] =	vst v6  }
0xae: {  	[tilespmem:s25+$0x0] =	vst v8  }
0xaf: {  	[tilespmem:s15], [sflag:$0x2] =	stream.indirect.gather.add.f32 [hbm:s1], $0x80, s20, s11, $0xb8;
	v6 =	vpop (erf);
	[tilespmem:$0xC500] =	vst v63  }
0xb0: {  	_ =	swait.ge [sflag:s18], $0x4000  }
0xb1: {  	[sflag:s18] =	ssyncset.done $0x0  }
0xb2: {  	s25 =	simm.s32 $0x8500;
	[sflag:s18] =	ssyncadd.s32 $0xFFFFC000  }
0xb3: {  	v7 =	vld [tilespmem:s25+$0xF0]  }
0xb4: {  	v8 =	vld [tilespmem:s25+$0x10]  }
0xb5: {  	v9 =	vld [tilespmem:s25+$0x20]  }
0xb6: {  	v10 =	vld [tilespmem:s25+$0x30]  }
0xb7: {  	v11 =	vld [tilespmem:s25+$0x40]  }
0xb8: {  	v12 =	vld [tilespmem:s25+$0x50];
	v7 =	vmul.f32 v7, v6  }
0xb9: {  	v13 =	vld [tilespmem:s25+$0x60];
	v8 =	vmul.f32 v8, v6  }
0xba: {  	v14 =	vld [tilespmem:s25+$0x70];
	v9 =	vmul.f32 v9, v6;
	[tilespmem:s25+$0xF0] =	vst v7  }
0xbb: {  	[tilespmem:s25+$0x10] =	vst v8;
	v7 =	vmul.f32 v10, v6;
	v10 =	vld [tilespmem:s25+$0x80]  }
0xbc: {  	[tilespmem:s25+$0x20] =	vst v9;
	v8 =	vmul.f32 v11, v6;
	v11 =	vld [tilespmem:s25+$0x90]  }
0xbd: {  	v15 =	vld [tilespmem:s25+$0xA0];
	v9 =	vmul.f32 v12, v6;
	[tilespmem:s25+$0x30] =	vst v7  }
0xbe: {  	v12 =	vmul.f32 v13, v6;
	[tilespmem:s25+$0x40] =	vst v8;
	v7 =	vld [tilespmem:s25+$0xB0]  }
0xbf: {  	v13 =	vmul.f32 v14, v6;
	[tilespmem:s25+$0x50] =	vst v9;
	v8 =	vld [tilespmem:s25+$0xC0]  }
0xc0: {  	[tilespmem:s25+$0x60] =	vst v12;
	v9 =	vld [tilespmem:s25+$0xD0];
	v14 =	vmul.f32 v10, v6  }
0xc1: {  	[tilespmem:s25+$0x70] =	vst v13;
	v10 =	vld [tilespmem:s25+$0xE0];
	v12 =	vmul.f32 v11, v6  }
0xc2: {  	s26 =	simm.s32 $0x0;
	s28 =	simm.s32 $0x8600;
	v13 =	vmul.f32 v15, v6;
	v11 =	vld [tilespmem:s25+$0x0];
	[tilespmem:s25+$0x80] =	vst v14  }
.LBB2_6:
0xc3: {  	v14 =	vld [tilespmem:s28+$0xF0];
	s26 =	sadd.s32 $0x2, s26;
	[tilespmem:s25+$0x90] =	vst v12;
	v7 =	vmul.f32 v7, v6  }
0xc4: {  	v12 =	vld [tilespmem:s28+$0x10];
	p0 =	slt.u32 s26, $0x7E;
	[tilespmem:s25+$0xA0] =	vst v13;
	v8 =	vmul.f32 v8, v6  }
0xc5: {  	v13 =	vld [tilespmem:s28+$0x20];
	[tilespmem:s25+$0xB0] =	vst v7;
	v7 =	vmul.f32 v9, v6  }
0xc6: {  	v9 =	vld [tilespmem:s28+$0x30];
	[tilespmem:s25+$0xC0] =	vst v8;
	v8 =	vmul.f32 v10, v6  }
0xc7: {  	v10 =	vld [tilespmem:s28+$0x40];
	v11 =	vmul.f32 v11, v6;
	[tilespmem:s25+$0xD0] =	vst v7  }
0xc8: {  	v7 =	vld [tilespmem:s28+$0x50];
	v14 =	vmul.f32 v14, v6;
	[tilespmem:s25+$0xE0] =	vst v8  }
0xc9: {  	v8 =	vmul.f32 v12, v6;
	v12 =	vld [tilespmem:s28+$0x60];
	[tilespmem:s25+$0x0] =	vst v11;
	s25 =	smov.u32 s28  }
0xca: {  	v11 =	vmul.f32 v13, v6;
	v13 =	vld [tilespmem:s28+$0x70];
	[tilespmem:s28+$0xF0] =	vst v14  }
0xcb: {  	[tilespmem:s28+$0x10] =	vst v8;
	v8 =	vmul.f32 v9, v6;
	v9 =	vld [tilespmem:s28+$0x80]  }
0xcc: {  	[tilespmem:s28+$0x20] =	vst v11;
	v10 =	vmul.f32 v10, v6;
	v11 =	vld [tilespmem:s28+$0x90]  }
0xcd: {  	[tilespmem:s28+$0x30] =	vst v8;
	v8 =	vmul.f32 v7, v6;
	v14 =	vld [tilespmem:s28+$0xA0]  }
.Ltmp2:
0xce: {  	[tilespmem:s28+$0x40] =	vst v10;
	v10 =	vmul.f32 v12, v6;
	v7 =	vld [tilespmem:s28+$0xB0];
	(pc) =	sbr.rel @p0 .LBB2_6-.Ltmp2, $4  }
0xcf: {  	[tilespmem:s28+$0x50] =	vst v8;
	v12 =	vmul.f32 v13, v6;
	v8 =	vld [tilespmem:s28+$0xC0]  }
0xd0: {  	[tilespmem:s28+$0x60] =	vst v10;
	v13 =	vmul.f32 v9, v6;
	v9 =	vld [tilespmem:s28+$0xD0]  }
0xd1: {  	[tilespmem:s28+$0x70] =	vst v12;
	v12 =	vmul.f32 v11, v6;
	v10 =	vld [tilespmem:s28+$0xE0]  }
0xd2: {  	s28 =	sadd.s32 $0x100, s28;
	v11 =	vld [tilespmem:s25+$0x0];
	[tilespmem:s25+$0x80] =	vst v13;
	v13 =	vmul.f32 v14, v6  }
0xd3: {  	[tilespmem:s25+$0x90] =	vst v12;
	v7 =	vmul.f32 v7, v6  }
0xd4: {  	[tilespmem:s25+$0xA0] =	vst v13;
	v8 =	vmul.f32 v8, v6  }
0xd5: {  	[tilespmem:s25+$0xB0] =	vst v7;
	v7 =	vmul.f32 v9, v6  }
0xd6: {  	[tilespmem:s25+$0xC0] =	vst v8;
	v63 =	vmul.f32 v10, v6  }
0xd7: {  	v6 =	vmul.f32 v11, v6;
	[tilespmem:s25+$0xD0] =	vst v7  }
0xd8: {  	[tilespmem:s25+$0xE0] =	vst v63  }
0xd9: {  	[tilespmem:s25+$0x0] =	vst v6  }
0xda: {  	[tilespmem:s17], [sflag:$0x2] =	stream.indirect.gather.add.f32 [hbm:s1], $0x80, s21, s11, $0xb8;
	[tilespmem:$0xC500] =	vst v63  }
0xdb: {  	_ =	swait.ge [sflag:s22], $0x4000  }
0xdc: {  	[sflag:s22] =	ssyncset.done $0x0  }
0xdd: {  	[sflag:s22] =	ssyncadd.s32 $0xFFFFC000  }
0xde: {  	[hbm4b:s6+s2] =	stream.linear.scatter [tilespmem:s13], [sflag:$0x3], $0x4000, $0x38;
	[tilespmem:$0xC500] =	vst v63  }
0xdf: {  	_ =	swait.ge [sflag:s22], $0x4000  }
0xe0: {  	[sflag:s22] =	ssyncset.done $0x0  }
0xe1: {  	[sflag:s22] =	ssyncadd.s32 $0xFFFFC000  }
0xe2: {  	[hbm4b:s7+s2] =	stream.linear.scatter [tilespmem:s15], [sflag:$0x3], $0x4000, $0x38;
	[tilespmem:$0xC500] =	vst v63  }
0xe3: {  	_ =	swait.ge [sflag:s22], $0x4000  }
0xe4: {  	[sflag:s22] =	ssyncset.done $0x0  }
0xe5: {  	[sflag:s22] =	ssyncadd.s32 $0xFFFFC000  }
0xe6: {  	[hbm4b:s8+s2] =	stream.linear.scatter [tilespmem:s17], [sflag:$0x3], $0x4000, $0x38;
	[tilespmem:$0xC500] =	vst v63  }
0xe7: {  	_ =	swait.ge [sflag:s23], $0x4000  }
0xe8: {  	[sflag:s23] =	ssyncset.done $0x0  }
0xe9: {  	s24 =	sadd.s32 $0x1, s24;
	[sflag:s23] =	ssyncadd.s32 $0xFFFFC000  }
0xea: {  	p0 =	sne.s32 s24, s9;
	_ =	swait.ge [sflag:s23], $0x4000  }
.Ltmp3:
0xeb: {  	[sflag:s23] =	ssyncset.done $0x0;
	(pc) =	sbr.rel @p0 .LBB2_1-.Ltmp3, $4  }
0xec: {  	[sflag:s23] =	ssyncadd.s32 $0xFFFFC000  }
0xed: {  	_ =	swait.ge [sflag:s23], $0x4000  }
0xee: {  	[sflag:s23] =	ssyncset.done $0x0  }
0xef: {  	[sflag:s23] =	ssyncadd.s32 $0xFFFFC000  }
0xf0: {  	_ =	sfence.sel $0x180000  }
0xf1: {  	[bflag:$0x0] =	sbarrier.arrive $0xFFFF  }
0xf2: {  	p0 =	sne.s32 s3, $0x0;
	_ =	strace $0x90000047  }
0xf3: {  	s0 =	sadd.s32 @!p0 $0x100000, s0;
	[bflag:$0x2] =	sbarrier.arrive $0xFFFF  }
0xf4: {  	[sflag:s0] =	ssyncadd.tile.s32 @!p0 $0x1;
	_ =	shalt  }
.Lfunc_end2:
_tile_overlayer_lowered:
.L_overlay_start_2:
0xf5: {  	(tag) =	ssettag $0x2  }
0xf6: {  	s0 =	rddreg [dreg:$0x0];
	s2 =	stileid.u32  }
0xf7: {  	s1 =	rddreg [dreg:$0x1];
	p0 =	sne.s32 s2, $0x0  }
0xf8: {  	s3 =	rddreg [dreg:$0x2];
	[bflag:$0x3] =	sbarrier.arrive $0xFFFF;
	s2 =	simm.s32 @!p0 $0x1C04  }
0xf9: {  	[timem:s3], [sflag:s2] =	dma.local @!p0 [hbm:s0], s1  }
0xfa: {  	s0 =	simm.s32 @!p0 $0x4  }
0xfb: {  	_ =	swait.ge @!p0 [sflag:s0], s1  }
0xfc: {  	s1 =	ssub.s32 @!p0 $0x0, s1;
	[sflag:s0] =	ssyncset.done @!p0 $0x0  }
0xfd: {  	[sflag:s0] =	ssyncadd.s32 @!p0 s1  }
0xfe: {  	[bflag:$0x3] =	sbarrier.arrive $0xFFFF  }
0xff: {  	_ =	shalt  }

// kernel: kernel.9.cloned.1.call-start
scs
__scs_entry_jumppad:
0x0: {  	(pc) =	sbr.rel $0x88, $3  }
0x1: {  	(tag) =	ssettag $0x0;
	lr =	simm.s32 $0x1  }
0x2: {  	[smem:$0x3F99] =	sst lr;
	_ =	strace $0xD0000000  }
0x3: {  	_ = 	snop  }
0x4: {  	_ = 	snop  }
0x5: {  	_ = 	snop  }
0x6: {  	_ = 	snop  }
0x7: {  	_ = 	snop  }
__scs_overlays_trampoline_lowered:
0x8: {  	[smem:$0x3FA8] =	sst s0  }
0x9: {  	[smem:$0x3FA9] =	sst s1  }
0xa: {  	[smem:$0x3FAA] =	sst s2  }
0xb: {  	[smem:$0x3FAB] =	sst s3  }
0xc: {  	[smem:$0x3FAC] =	sst s4  }
0xd: {  	[smem:$0x3FAD] =	sst s5  }
0xe: {  	[smem:$0x3FAE] =	sst s6  }
0xf: {  	[smem:$0x3FAF] =	sst s7  }
0x10: {  	[smem:$0x3FB0] =	sst s8  }
0x11: {  	[smem:$0x3FB1] =	sst s9;
	s0 =	simm.s32 @!p0 $0x0  }
0x12: {  	s1 =	sld [smem:$0x3F97];
	s0 =	simm.s32 @p0 $0x1  }
0x13: {  	[smem:$0x3FB2] =	sst s0;
	s0 =	simm.s32 @!p1 $0x0  }
0x14: {  	s2 =	sld [smem:$0x3F96];
	s0 =	simm.s32 @p1 $0x1  }
0x15: {  	[smem:$0x3FB3] =	sst s0;
	s0 =	simm.s32 @!p2 $0x0  }
0x16: {  	s3 =	sld [smem:$0x3FDB];
	s0 =	simm.s32 @p2 $0x1  }
0x17: {  	s4 =	simm.s32 $0x1BF5;
	[smem:$0x3FB5] =	sst s0  }
0x18: {  	s0 =	sld [smem:$0x3F98];
	_ =	swait.ge [sflag:s4], $0x0  }
0x19: {  	s7 =	sld [smem:$0x3F99]  }
0x1a: {  	s8 =	sadd.s32 $0xFFFFE003, lr  }
0x1b: {  	s9 =	sadd.s32 $0xFFFFFEF7, lr;
	s5 =	simm.s32 $0xFFFFFFFF;
	p2 =	slt.u32 s8, $0xFFFFF086  }
0x1c: {  	p1 =	slt.u32 s9, $0xF7A;
	s5 =	simm.s32 @!p2 $0x0  }
0x1d: {  	s5 =	simm.s32 @p1 $0x1;
	p0 =	seq.s32 s7, s2  }
0x1e: {  	s7 =	smul.u32 @!p0 $0xF7A, s2;
	p2 =	seq.s32 @!p0 s5, $0x0  }
0x1f: {  	s9 =	smul.u32 $0xF7A, s1;
	s8 =	simm.s32 @!p0 $0x1BF5;
	p2 =	por !p2, p0  }
0x20: {  	[sflag:s8] =	ssyncset.s32 @!p0 $0xFFFFF086;
	s6 =	sadd.s32 @!p0 s3, s7;
	s7 =	simm.s32 @!p0 $0x108  }
0x21: {  	s3 =	sadd.s32 s3, s9;
	s6 =	sadd.s32 @!p0 $0x88, s6;
	s7 =	simm.s32 @p2 $0x1082  }
0x22: {  	[simem:s7], [sflag:s8] =	dma.local @!p0 [hbm:s6], $0xF7A  }
0x23: {  	s9 =	sor.u32 $0xD0000000, s2;
	s6 =	simm.s32 $0x108;
	_ =	swait.ge @!p0 [sflag:s8], $0x0  }
0x24: {  	s3 =	sadd.s32 $0x88, s3;
	s6 =	simm.s32 @!p1 $0x1082;
	[sflag:s4] =	ssyncset.s32 $0xFFFFF086  }
0x25: {  	[simem:s6], [sflag:s4] =	dma.local [hbm:s3], $0xF7A  }
0x26: {  	[smem:$0x3F99] =	sst s1;
	(tag) =	ssettag s2;
	_ =	strace s9  }
0x27: {  	s1 =	sld [smem:$0x3FA9]  }
0x28: {  	s2 =	sld [smem:$0x3FAA]  }
0x29: {  	s4 =	sld [smem:$0x3FAC]  }
0x2a: {  	p0 =	seq.s32 s5, $0x0;
	s5 =	sld [smem:$0x3FAD]  }
0x2b: {  	s6 =	sld [smem:$0x3FAE]  }
0x2c: {  	s7 =	sld [smem:$0x3FAF]  }
0x2d: {  	s3 =	simm.s32 $0x108;
	s8 =	sld [smem:$0x3FB0]  }
0x2e: {  	s3 =	simm.s32 @!p0 $0x1082;
	s9 =	sld [smem:$0x3FB1]  }
0x2f: {  	lr =	sadd.s32 s0, s3;
	s0 =	sld [smem:$0x3FA8]  }
0x30: {  	s3 =	sld [smem:$0x3FAB]  }
0x31: {  	[smem:$0x3FB4] =	sst s10  }
0x32: {  	s10 =	sld [smem:$0x3FB2];
	_ =	sdelay $0x3  }
0x33: {  	p0 =	seq.s32 s10, $0x1;
	s10 =	sld [smem:$0x3FB4];
	_ =	sdelay $0x3  }
0x34: {  	[smem:$0x3FB4] =	sst s10  }
0x35: {  	s10 =	sld [smem:$0x3FB3];
	_ =	sdelay $0x3  }
0x36: {  	p1 =	seq.s32 s10, $0x1;
	s10 =	sld [smem:$0x3FB4];
	_ =	sdelay $0x3  }
0x37: {  	[smem:$0x3FB4] =	sst s10  }
0x38: {  	s10 =	sld [smem:$0x3FB5]  }
0x39: {  	_ = 	snop;
	(pc) =	sbr.ind lr, $3  }
0x3a: {  	_ = 	snop  }
0x3b: {  	_ = 	snop  }
0x3c: {  	p2 =	seq.s32 s10, $0x1;
	s10 =	sld [smem:$0x3FB4]  }
0x3d: {  	_ =	shalt  }
0x3e: {  	_ =	shalt  }
0x3f: {  	_ =	shalt  }
0x40: {  	_ =	shalt  }
0x41: {  	_ =	shalt  }
0x42: {  	_ =	shalt  }
0x43: {  	_ =	shalt  }
0x44: {  	_ =	shalt  }
0x45: {  	_ =	shalt  }
0x46: {  	_ =	shalt  }
0x47: {  	_ =	shalt  }
0x48: {  	_ =	shalt  }
0x49: {  	_ =	shalt  }
0x4a: {  	_ =	shalt  }
0x4b: {  	_ =	shalt  }
0x4c: {  	_ =	shalt  }
0x4d: {  	_ =	shalt  }
0x4e: {  	_ =	shalt  }
0x4f: {  	_ =	shalt  }
0x50: {  	_ =	shalt  }
0x51: {  	_ =	shalt  }
0x52: {  	_ =	shalt  }
0x53: {  	_ =	shalt  }
0x54: {  	_ =	shalt  }
0x55: {  	_ =	shalt  }
0x56: {  	_ =	shalt  }
0x57: {  	_ =	shalt  }
0x58: {  	_ =	shalt  }
0x59: {  	_ =	shalt  }
0x5a: {  	_ =	shalt  }
0x5b: {  	_ =	shalt  }
0x5c: {  	_ =	shalt  }
0x5d: {  	_ =	shalt  }
0x5e: {  	_ =	shalt  }
0x5f: {  	_ =	shalt  }
0x60: {  	_ =	shalt  }
0x61: {  	_ =	shalt  }
0x62: {  	_ =	shalt  }
0x63: {  	_ =	shalt  }
0x64: {  	_ =	shalt  }
0x65: {  	_ =	shalt  }
0x66: {  	_ =	shalt  }
0x67: {  	_ =	shalt  }
0x68: {  	_ =	shalt  }
0x69: {  	_ =	shalt  }
0x6a: {  	_ =	shalt  }
0x6b: {  	_ =	shalt  }
0x6c: {  	_ =	shalt  }
0x6d: {  	_ =	shalt  }
0x6e: {  	_ =	shalt  }
0x6f: {  	_ =	shalt  }
0x70: {  	_ =	shalt  }
0x71: {  	_ =	shalt  }
0x72: {  	_ =	shalt  }
0x73: {  	_ =	shalt  }
0x74: {  	_ =	shalt  }
0x75: {  	_ =	shalt  }
0x76: {  	_ =	shalt  }
0x77: {  	_ =	shalt  }
0x78: {  	_ =	shalt  }
0x79: {  	_ =	shalt  }
0x7a: {  	_ =	shalt  }
0x7b: {  	_ =	shalt  }
0x7c: {  	_ =	shalt  }
0x7d: {  	_ =	shalt  }
0x7e: {  	_ =	shalt  }
0x7f: {  	_ =	shalt  }
0x80: {  	_ =	shalt  }
0x81: {  	_ =	shalt  }
0x82: {  	_ =	shalt  }
0x83: {  	_ =	shalt  }
0x84: {  	_ =	shalt  }
0x85: {  	_ =	shalt  }
0x86: {  	_ =	shalt  }
0x87: {  	_ =	shalt  }
.Lfunc_end0:
.L_simem_size_0:
called_computation.1_lowered:
.L_overlay_start_0:
0x88: {  	s2 =	sld [smem:$0x3FD9]  }
0x89: {  	s3 =	sld [smem:$0x3FFE];
	_ =	sdelay $0x1  }
0x8a: {  	s1 =	srdreg.scid  }
0x8b: {  	s0 =	sand.u32 $0x1, s1  }
0x8c: {  	s17 =	sshll.u32 s0, $0xA;
	s2 =	sadd.s32 s3, s2  }
0x8d: {  	s2 =	sadd.s32 s2, s17  }
0x8e: {  	[smem:$0x3FC0] =	sst s2  }
0x8f: {  	_ = 	snop  }
0x90: {  	s18 =	sld [smem:$0x3FC7];
	(tm) =	ssettm $0x1  }
0x91: {  	s19 =	sld [smem:$0x3FFB];
	_ =	sdelay $0x3  }
0x92: {  	_ =	strace s19  }
0x93: {  	s2 =	sld [smem:$0x3FFC];
	_ =	sdelay $0x3  }
0x94: {  	_ =	strace s2  }
0x95: {  	s2 =	sld [smem:$0x3FFD];
	_ =	sdelay $0x3  }
0x96: {  	_ =	strace s2  }
0x97: {  	_ =	strace $0x8FFFFFFF  }
0x98: {  	s20 =	sld [smem:$0x3FDB];
	_ =	sdelay $0x1  }
0x99: {  	s4 =	simm.s32 $_scs_section_size  }
0x9a: {  	s5 =	simm.s32 $_size__tile_overlayer_lowered;
	s6 =	simm.s32 $_tile_overlayer_lowered  }
0x9b: {  	s7 =	simm.s32 $0x1BFF;
	s21 =	sshll.u32 s6, $0x1;
	s4 =	sadd.s32 s4, s20  }
0x9c: {  	s22 =	simm.s32 $0x0;
	s5 =	sshll.u32 s5, $0x1;
	s6 =	sadd.s32 s21, s4  }
0x9d: {  	[timem:s22], [sflag:s7] =	dma.local [hbm:s6], s5  }
0x9e: {  	_ =	swait.ge [sflag:s7], s5  }
0x9f: {  	s5 =	ssub.s32 $0x0, s5;
	[sflag:s7] =	ssyncset.done $0x0  }
0xa0: {  	[sflag:s7] =	ssyncadd.s32 s5;
	_ =	sdelay $0x1  }
0xa1: {  	s23 =	simm.s32 $0x1B8B  }
0xa2: {  	_ =	swait.ge [sflag:s23], $0x1  }
0xa3: {  	[sflag:s23] =	ssyncset.done $0x0  }
0xa4: {  	[sflag:s23] =	ssyncadd.s32 $0xFFFFFFFF  }
0xa5: {  	s5 =	sld [smem:$0x0]  }
0xa6: {  	s6 =	sand.u32 $0xFFFFFFFE, s1  }
0xa7: {  	p0 =	sne.s32 s1, s6  }
0xa8: {  	s6 =	sshll.u32 @p0 s6, $0xE  }
0xa9: {  	s6 =	sadd.s32 @p0 $0x11B8D, s6;
	s7 =	sshll.u32 @p0 s5, $0x11  }
0xaa: {  	s6 =	sor.u32 @p0 s7, s6  }
0xab: {  	[sflag:s6] =	ssyncadd.remote.s32 @p0 $0x1;
	_ =	sdelay $0x1  }
0xac: {  	s6 =	simm.s32 @p0 $0x1B8D  }
0xad: {  	_ =	swait.eq @p0 [sflag:s6], $0x1  }
0xae: {  	[sflag:s6] =	ssyncadd.s32 @p0 $0xFFFFFFFF  }
0xaf: {  	s7 =	sshll.u32 @!p0 s1, $0xE  }
0xb0: {  	s7 =	sor.u32 @!p0 $0x4000, s7;
	s6 =	simm.s32 @!p0 $0x1B8D  }
0xb1: {  	s5 =	sshll.u32 @!p0 s5, $0x11;
	s7 =	sadd.s32 @!p0 $0x11B8D, s7;
	_ =	swait.eq @!p0 [sflag:s6], $0x1  }
0xb2: {  	s5 =	sor.u32 @!p0 s5, s7;
	[sflag:s6] =	ssyncadd.s32 @!p0 $0xFFFFFFFF  }
0xb3: {  	s25 =	simm.s32 $0x1B8E;
	s24 =	sld [smem:$0x3FFE];
	[sflag:s5] =	ssyncadd.remote.s32 @!p0 $0x1  }
0xb4: {  	s26 =	simm.s32 $execute0_lowered;
	[smem:$0x3FD2] =	sst s25  }
0xb5: {  	s6 =	sshll.u32 s26, $0x1;
	_ =	strace $0x80000049;
	[dreg:$0x1] =	wrdreg $0xFFFFFFFF  }
0xb6: {  	s28 =	simm.s32 $_size_execute0_lowered;
	s4 =	sadd.s32 s4, s6;
	[dreg:$0x0] =	wrdreg $0x0  }
0xb7: {  	s6 =	sshll.u32 s28, $0x1;
	[dreg:$0x2] =	wrdreg s4  }
0xb8: {  	[dreg:$0x3] =	wrdreg s6  }
0xb9: {  	[dreg:$0x4] =	wrdreg $0xC0  }
0xba: {  	_ =	task [dreg:s22], $0x5FFFF  }
0xbb: {  	[dreg:$0x1] =	wrdreg $0xFFFFFFFF  }
0xbc: {  	[dreg:$0x0] =	wrdreg $0x60  }
0xbd: {  	[dreg:$0x2] =	wrdreg s24  }
0xbe: {  	[dreg:$0x3] =	wrdreg s18  }
0xbf: {  	[dreg:$0x4] =	wrdreg $0xA  }
0xc0: {  	_ =	task.clear_ibuf [dreg:s22], $0x5FFFF;
	_ =	strace $0x90000049  }
0xc1: {  	s29 =	simm.s32 $0xA;
	_ =	strace $0x8000004B  }
0xc2: {  	_ =	swait.ge [sflag:s29], $0x1  }
0xc3: {  	[sflag:s29] =	ssyncadd.s32 $0xFFFFFFFF  }
0xc4: {  	_ =	strace $0x9000004B  }
0xc5: {  	_ =	sfence  }
0xc6: {  	s30 =	sld [smem:$0x0];
	_ =	sdelay $0x2  }
0xc7: {  	s31 =	sshll.u32 s1, $0xD;
	s1 =	sshrl.u32 s1, $0x2  }
0xc8: {  	s4 =	sand.u32 $0x4000, s31;
	s1 =	sadd.s32 s1, s30  }
0xc9: {  	s0 =	sor.u32 s4, s0;
	s1 =	sshll.u32 s1, $0x11  }
0xca: {  	s0 =	sor.u32 s1, s0  }
0xcb: {  	s0 =	sadd.s32 $0x8F2B, s0  }
0xcc: {  	[sflag:s0] =	ssyncadd.remote.s32 $0x1  }
0xcd: {  	_ =	sfence.sel $0xFFFF  }
0xce: {  	[dreg:$0x0] =	wrdreg $0xFFFFFFFF;
	(pc) =	sbr.abs _section_cstart, $3  }
0xcf: {  	[dreg:$0x1] =	wrdreg $0xFFFFFFFF  }
0xd0: {  	_ =	task.clear_ibuf [dreg:s22], $0x2FFFF;
	_ =	strace $0x9FFFFFFF  }
0xd1: {  	(tm) =	ssettm $0x7FFFFFFF  }
tec
execute0_lowered:
.L_overlay_start_1:
0x0: {  	(tag) =	ssettag $0x1  }
0x1: {  	s1 =	srdreg.scid;
	s5 =	rddreg [dreg:$0x0]  }
0x2: {  	s0 =	stileid.u32;
	s2 =	rddreg [dreg:$0x1];
	s3 =	simm.s32 $0x0  }
0x3: {  	s12 =	simm.s32 $0x300;
	s13 =	simm.s32 $0x500;
	s14 =	simm.s32 $0x380  }
0x4: {  	s15 =	simm.s32 $0x4500;
	s16 =	simm.s32 $0x400;
	s17 =	simm.s32 $0x8500  }
0x5: {  	s18 =	simm.s32 $0x1;
	s19 =	simm.s32 $0x100;
	s20 =	simm.s32 $0x180  }
0x6: {  	s21 =	simm.s32 $0x200;
	s22 =	simm.s32 $0x2;
	s23 =	simm.s32 $0x3  }
0x7: {  	s24 =	simm.s32 $0x0;
	s6 =	sand.u32 $0x1, s1;
	s1 =	rddreg [dreg:$0x2]  }
0x8: {  	s4 =	sshll.u32 s0, $0x8;
	[smem:$0x7FF] =	sst s3;
	s9 =	sshrl.u32 s0, $0x3  }
0x9: {  	s11 =	sadd.s32 $0x32400, s5;
	s7 =	sshll.u32 s6, $0x7;
	s6 =	ssub.s32 $0x2, s6  }
0xa: {  	s10 =	sshll.u32 s9, $0x12;
	s9 =	smul.u32 $0xC0000, s9;
	s7 =	sor.u32 s7, s4  }
0xb: {  	s25 =	sshrl.u32 s6, $0x1;
	s4 =	sshrl.u32 s7, $0x3;
	s7 =	sshll.u32 s7, $0x7  }
0xc: {  	_ =	strace $0x8000004A;
	s26 =	ssub.s32 s6, s25;
	s7 =	ssub.s32 s7, s10  }
0xd: {  	s8 =	sadd.s32 s4, s5;
	s4 =	sadd.s32 $0x2000, s5;
	s28 =	sadd.s32 s9, s7  }
0xe: {  	s10 =	simm.s32 $0x4;
	s5 =	sadd.s32 $0x2200, s8;
	s7 =	sshrl.u32 s28, $0x3  }
0xf: {  	s29 =	sadd.s32 $0x40000, s28;
	s9 =	sadd.s32 $0x80000, s28;
	s6 =	sadd.s32 s11, s7  }
0x10: {  	v0 =	vimm.s32 $0x0;
	v1 =	vimm.s32 $0x1;
	v2 =	vimm.s32 $0x2;
	s30 =	sshrl.u32 s29, $0x3;
	s31 =	sshrl.u32 s9, $0x3;
	s9 =	smax.u32 s26, $0x1  }
0x11: {  	v3 =	vimm.s32 $0x3;
	v4 =	vimm.s32 $0x4;
	v5 =	vimm.s32 $0x5;
	s7 =	sadd.s32 s11, s30;
	s8 =	sadd.s32 s11, s31;
	s11 =	simm.s32 $0x80  }
.LBB2_1:
0x12: {  	[tilespmem:s3], [sflag:$0x4] =	stream.linear.gather [hbm4b:s5+s3], $0x80, $0x38;
	[tilespmem:$0xC500] =	vst v63  }
0x13: {  	_ =	swait.ge [sflag:s10], $0x80  }
0x14: {  	[sflag:s10] =	ssyncset.done $0x0  }
0x15: {  	[sflag:s10] =	ssyncadd.s32 $0xFFFFFF80  }
0x16: {  	[tilespmem:s11], [sflag:$0x4] =	stream.linear.gather [hbm4b:s4+s3], $0x6, $0x38;
	[tilespmem:$0xC500] =	vst v63  }
0x17: {  	_ =	swait.ge [sflag:s10], $0x6  }
0x18: {  	[sflag:s10] =	ssyncset.done $0x0  }
0x19: {  	[sflag:s10] =	ssyncadd.s32 $0xFFFFFFFA  }
0x1a: {  	v6 =	vld [tilespmem:$0x0]  }
0x1b: {  	v7 =	vld [tilespmem:$0x10];
	_ =	sdelay $0x3  }
0x1c: {  	v8 =	vld [tilespmem:$0x20];
	[tilespmem:$0x100] =	vst v6  }
0x1d: {  	v6 =	vadd.s32 $0x249F0, v6;
	[tilespmem:$0x110] =	vst v7  }
0x1e: {  	v7 =	vadd.s32 $0x249F0, v7;
	[tilespmem:$0x300] =	vst v6;
	v6 =	vld [tilespmem:$0x30]  }
0x1f: {  	[tilespmem:$0x310] =	vst v7;
	v7 =	vld [tilespmem:$0x40];
	_ =	sdelay $0x1  }
0x20: {  	[tilespmem:$0x120] =	vst v8;
	v8 =	vadd.s32 $0x249F0, v8  }
0x21: {  	[tilespmem:$0x320] =	vst v8  }
0x22: {  	v8 =	vld [tilespmem:$0x50];
	[tilespmem:$0x130] =	vst v6  }
0x23: {  	v6 =	vadd.s32 $0x249F0, v6;
	[tilespmem:$0x140] =	vst v7  }
0x24: {  	v7 =	vadd.s32 $0x249F0, v7;
	[tilespmem:$0x330] =	vst v6;
	v6 =	vld [tilespmem:$0x60]  }
0x25: {  	[tilespmem:$0x340] =	vst v7;
	v7 =	vld [tilespmem:$0x70];
	_ =	sdelay $0x1  }
0x26: {  	v9 =	vld [tilespmem:$0x0];
	[tilespmem:$0x150] =	vst v8;
	v8 =	vadd.s32 $0x249F0, v8  }
0x27: {  	[tilespmem:$0x350] =	vst v8  }
0x28: {  	v8 =	vld [tilespmem:$0x10];
	[tilespmem:$0x160] =	vst v6  }
0x29: {  	v6 =	vadd.s32 $0x249F0, v6;
	[tilespmem:$0x170] =	vst v7  }
0x2a: {  	[tilespmem:$0x360] =	vst v6;
	v6 =	vadd.s32 $0x249F0, v7;
	v7 =	vld [tilespmem:$0x20]  }
0x2b: {  	[tilespmem:$0x370] =	vst v6;
	v6 =	vadd.s32 $0xC350, v9  }
0x2c: {  	[tilespmem:$0x180] =	vst v6;
	v6 =	vadd.s32 $0x30D40, v9;
	v9 =	vld [tilespmem:$0x30]  }
0x2d: {  	[tilespmem:$0x380] =	vst v6;
	v6 =	vadd.s32 $0xC350, v8  }
0x2e: {  	[tilespmem:$0x190] =	vst v6;
	v6 =	vadd.s32 $0x30D40, v8;
	v8 =	vld [tilespmem:$0x40]  }
0x2f: {  	[tilespmem:$0x390] =	vst v6;
	v6 =	vadd.s32 $0xC350, v7  }
0x30: {  	[tilespmem:$0x1A0] =	vst v6;
	v6 =	vadd.s32 $0x30D40, v7;
	v7 =	vld [tilespmem:$0x50]  }
0x31: {  	[tilespmem:$0x3A0] =	vst v6;
	v6 =	vadd.s32 $0xC350, v9  }
0x32: {  	[tilespmem:$0x1B0] =	vst v6;
	v6 =	vadd.s32 $0x30D40, v9;
	v9 =	vld [tilespmem:$0x60]  }
0x33: {  	[tilespmem:$0x3B0] =	vst v6;
	v6 =	vadd.s32 $0xC350, v8  }
0x34: {  	[tilespmem:$0x1C0] =	vst v6;
	v6 =	vadd.s32 $0x30D40, v8;
	v8 =	vld [tilespmem:$0x70]  }
0x35: {  	[tilespmem:$0x3C0] =	vst v6;
	v6 =	vadd.s32 $0xC350, v7  }
0x36: {  	[tilespmem:$0x1D0] =	vst v6;
	v6 =	vadd.s32 $0x30D40, v7;
	v7 =	vld [tilespmem:$0x0]  }
0x37: {  	[tilespmem:$0x3D0] =	vst v6;
	v6 =	vadd.s32 $0xC350, v9  }
0x38: {  	[tilespmem:$0x1E0] =	vst v6;
	v6 =	vadd.s32 $0x30D40, v9;
	v9 =	vld [tilespmem:$0x10]  }
0x39: {  	[tilespmem:$0x3E0] =	vst v6;
	v6 =	vadd.s32 $0xC350, v8  }
0x3a: {  	[tilespmem:$0x1F0] =	vst v6;
	v6 =	vadd.s32 $0x30D40, v8;
	v8 =	vld [tilespmem:$0x20]  }
0x3b: {  	v14 =	vld [tilespmem:$0x80];
	[tilespmem:$0x3F0] =	vst v6;
	v6 =	vadd.s32 $0x186A0, v7  }
0x3c: {  	[tilespmem:$0x200] =	vst v6;
	v6 =	vadd.s32 $0x3D090, v7;
	v7 =	vld [tilespmem:$0x30]  }
0x3d: {  	[tilespmem:$0x400] =	vst v6;
	v6 =	vadd.s32 $0x186A0, v9  }
0x3e: {  	[tilespmem:$0x210] =	vst v6;
	v6 =	vadd.s32 $0x3D090, v9;
	v9 =	vld [tilespmem:$0x40]  }
0x3f: {  	[tilespmem:$0x410] =	vst v6;
	v6 =	vadd.s32 $0x186A0, v8  }
0x40: {  	[tilespmem:$0x220] =	vst v6;
	v6 =	vadd.s32 $0x3D090, v8;
	v8 =	vld [tilespmem:$0x50]  }
0x41: {  	v10 =	vperm.xlane v14, v0;
	v11 =	vperm.xlane v14, v1;
	[tilespmem:$0x420] =	vst v6;
	v6 =	vadd.s32 $0x186A0, v7  }
0x42: {  	[tilespmem:$0x230] =	vst v6;
	v6 =	vadd.s32 $0x3D090, v7;
	v7 =	vld [tilespmem:$0x60]  }
0x43: {  	v10 =	vsub.f32 v11, v10;
	[tilespmem:$0x430] =	vst v6;
	v6 =	vadd.s32 $0x186A0, v9  }
0x44: {  	[tilespmem:$0x240] =	vst v6;
	v6 =	vadd.s32 $0x3D090, v9;
	v9 =	vld [tilespmem:$0x70]  }
0x45: {  	v10 =	vmul.f32 $1.442695020e+00, v10;
	[tilespmem:$0x440] =	vst v6;
	v6 =	vadd.s32 $0x186A0, v8  }
0x46: {  	[tilespmem:$0x250] =	vst v6;
	v6 =	vadd.s32 $0x3D090, v8  }
0x47: {  	(erf) = vpow2.f32 v10;
	[tilespmem:$0x450] =	vst v6;
	v6 =	vadd.s32 $0x186A0, v7  }
0x48: {  	[tilespmem:$0x260] =	vst v6;
	v6 =	vadd.s32 $0x3D090, v7  }
0x49: {  	[tilespmem:$0x460] =	vst v6;
	v6 =	vadd.s32 $0x186A0, v9  }
0x4a: {  	[tilespmem:$0x270] =	vst v6;
	v6 =	vadd.s32 $0x3D090, v9  }
0x4b: {  	[tilespmem:$0x470] =	vst v6  }
0x4c: {  	[tilespmem:s13], [sflag:$0x1] =	stream.indirect.gather [hbm4b:s2+s11], $0x80, s12, s11, $0xb8;
	[tilespmem:$0xC500] =	vst v63  }
0x4d: {  	_ = 	snop  }
0x4e: {  	[tilespmem:s15], [sflag:$0x1] =	stream.indirect.gather [hbm4b:s2+s11], $0x80, s14, s11, $0xb8;
	[tilespmem:$0xC500] =	vst v63  }
0x4f: {  	_ = 	snop  }
0x50: {  	v8 =	vpop (erf);
	[tilespmem:s17], [sflag:$0x1] =	stream.indirect.gather [hbm4b:s2+s11], $0x80, s16, s11, $0xb8;
	[tilespmem:$0xC500] =	vst v63  }
0x51: {  	_ =	swait.ge [sflag:s18], $0x4000  }
0x52: {  	[sflag:s18] =	ssyncset.done $0x0  }
0x53: {  	s25 =	simm.s32 $0x580;
	[sflag:s18] =	ssyncadd.s32 $0xFFFFC000  }
0x54: {  	v6 =	vld [tilespmem:s25+$0x70]  }
0x55: {  	v7 =	vld [tilespmem:s25+$0xFFFFFF90]  }
0x56: {  	v9 =	vld [tilespmem:s25+$0xFFFFFFA0]  }
0x57: {  	v10 =	vld [tilespmem:s25+$0xFFFFFFB0]  }
0x58: {  	v13 =	vld [tilespmem:s25+$0xFFFFFFE0]  }
0x59: {  	v15 =	vld [tilespmem:s25+$0xFFFFFFF0]  }
0x5a: {  	v11 =	vld [tilespmem:s25+$0xFFFFFFC0];
	v6 =	vmul.f32 v6, v8  }
0x5b: {  	v16 =	vld [tilespmem:s25+$0x10];
	v7 =	vmul.f32 v7, v8  }
0x5c: {  	v12 =	vld [tilespmem:s25+$0xFFFFFFD0];
	v9 =	vmul.f32 v9, v8;
	[tilespmem:s25+$0x70] =	vst v6  }
0x5d: {  	v13 =	vmul.f32 v13, v8;
	[tilespmem:s25+$0xFFFFFF90] =	vst v7;
	v7 =	vld [tilespmem:s25+$0x0]  }
0x5e: {  	v15 =	vmul.f32 v15, v8;
	[tilespmem:s25+$0xFFFFFFA0] =	vst v9  }
0x5f: {  	v17 =	vld [tilespmem:s25+$0x20];
	v6 =	vmul.f32 v10, v8;
	[tilespmem:s25+$0xFFFFFFE0] =	vst v13  }
0x60: {  	v16 =	vmul.f32 v16, v8;
	v9 =	vmul.f32 v11, v8;
	v11 =	vld [tilespmem:s25+$0x30];
	[tilespmem:s25+$0xFFFFFFF0] =	vst v15  }
0x61: {  	v10 =	vperm.xlane v14, v3;
	[tilespmem:s25+$0xFFFFFFB0] =	vst v6;
	v6 =	vmul.f32 v12, v8;
	v12 =	vld [tilespmem:s25+$0x40]  }
0x62: {  	v13 =	vld [tilespmem:s25+$0x50];
	[tilespmem:s25+$0xFFFFFFC0] =	vst v9;
	v9 =	vperm.xlane v14, v2;
	v18 =	vmul.f32 v7, v8  }
0x63: {  	[tilespmem:s25+$0xFFFFFFD0] =	vst v6;
	v6 =	vperm.xlane v14, v4;
	v7 =	vperm.xlane v14, v5;
	v14 =	vld [tilespmem:s25+$0x60]  }
0x64: {  	s26 =	simm.s32 $0x0;
	s28 =	simm.s32 $0x680;
	v17 =	vmul.f32 v17, v8;
	v15 =	vld [tilespmem:s25+$0xFFFFFF80];
	[tilespmem:s25+$0x0] =	vst v18  }
.LBB2_2:
0x65: {  	v18 =	vld [tilespmem:s28+$0x70];
	s26 =	sadd.s32 $0x2, s26;
	[tilespmem:s25+$0x10] =	vst v16;
	v11 =	vmul.f32 v11, v8  }
0x66: {  	v16 =	vld [tilespmem:s28+$0xFFFFFF90];
	p0 =	slt.u32 s26, $0x7E;
	[tilespmem:s25+$0x20] =	vst v17;
	v12 =	vmul.f32 v12, v8  }
0x67: {  	v17 =	vld [tilespmem:s28+$0xFFFFFFA0];
	[tilespmem:s25+$0x30] =	vst v11;
	v11 =	vmul.f32 v13, v8  }
0x68: {  	v13 =	vld [tilespmem:s28+$0xFFFFFFB0];
	[tilespmem:s25+$0x40] =	vst v12;
	v12 =	vmul.f32 v14, v8  }
0x69: {  	v14 =	vld [tilespmem:s28+$0xFFFFFFC0];
	v15 =	vmul.f32 v15, v8;
	[tilespmem:s25+$0x50] =	vst v11  }
0x6a: {  	v11 =	vld [tilespmem:s28+$0xFFFFFFD0];
	v18 =	vmul.f32 v18, v8;
	[tilespmem:s25+$0x60] =	vst v12  }
0x6b: {  	v12 =	vmul.f32 v16, v8;
	v16 =	vld [tilespmem:s28+$0xFFFFFFE0];
	[tilespmem:s25+$0xFFFFFF80] =	vst v15;
	s25 =	smov.u32 s28  }
0x6c: {  	v15 =	vmul.f32 v17, v8;
	v17 =	vld [tilespmem:s28+$0xFFFFFFF0];
	[tilespmem:s28+$0x70] =	vst v18  }
0x6d: {  	[tilespmem:s28+$0xFFFFFF90] =	vst v12;
	v12 =	vmul.f32 v13, v8;
	v13 =	vld [tilespmem:s28+$0x0]  }
0x6e: {  	[tilespmem:s28+$0xFFFFFFA0] =	vst v15;
	v14 =	vmul.f32 v14, v8;
	v15 =	vld [tilespmem:s28+$0x10]  }
0x6f: {  	[tilespmem:s28+$0xFFFFFFB0] =	vst v12;
	v12 =	vmul.f32 v11, v8;
	v18 =	vld [tilespmem:s28+$0x20]  }
.Ltmp0:
0x70: {  	[tilespmem:s28+$0xFFFFFFC0] =	vst v14;
	v14 =	vmul.f32 v16, v8;
	v11 =	vld [tilespmem:s28+$0x30];
	(pc) =	sbr.rel @p0 .LBB2_2-.Ltmp0, $4  }
0x71: {  	[tilespmem:s28+$0xFFFFFFD0] =	vst v12;
	v16 =	vmul.f32 v17, v8;
	v12 =	vld [tilespmem:s28+$0x40]  }
0x72: {  	[tilespmem:s28+$0xFFFFFFE0] =	vst v14;
	v17 =	vmul.f32 v13, v8;
	v13 =	vld [tilespmem:s28+$0x50]  }
0x73: {  	[tilespmem:s28+$0xFFFFFFF0] =	vst v16;
	v16 =	vmul.f32 v15, v8;
	v14 =	vld [tilespmem:s28+$0x60]  }
0x74: {  	s28 =	sadd.s32 $0x100, s28;
	v15 =	vld [tilespmem:s25+$0xFFFFFF80];
	[tilespmem:s25+$0x0] =	vst v17;
	v17 =	vmul.f32 v18, v8  }
0x75: {  	v9 =	vsub.f32 v10, v9;
	_ =	sdelay $0x1  }
0x76: {  	v9 =	vmul.f32 $1.442695020e+00, v9;
	_ =	sdelay $0x1  }
0x77: {  	(erf) = vpow2.f32 v9;
	_ =	sdelay $0x1  }
0x78: {  	[tilespmem:s25+$0x10] =	vst v16;
	v10 =	vmul.f32 v12, v8  }
0x79: {  	[tilespmem:s25+$0x20] =	vst v17;
	v9 =	vmul.f32 v11, v8  }
0x7a: {  	[tilespmem:s25+$0x40] =	vst v10;
	v10 =	vmul.f32 v14, v8  }
0x7b: {  	[tilespmem:s25+$0x30] =	vst v9;
	v9 =	vmul.f32 v13, v8;
	v8 =	vmul.f32 v15, v8  }
0x7c: {  	[tilespmem:s25+$0x60] =	vst v10  }
0x7d: {  	[tilespmem:s25+$0x50] =	vst v9  }
0x7e: {  	[tilespmem:s25+$0xFFFFFF80] =	vst v8  }
0x7f: {  	[tilespmem:s13], [sflag:$0x2] =	stream.indirect.gather.add.f32 [hbm:s2], $0x80, s19, s11, $0xb8;
	v8 =	vpop (erf);
	[tilespmem:$0xC500] =	vst v63  }
0x80: {  	_ =	swait.ge [sflag:s18], $0x4000  }
0x81: {  	[sflag:s18] =	ssyncset.done $0x0  }
0x82: {  	s25 =	simm.s32 $0x4500;
	[sflag:s18] =	ssyncadd.s32 $0xFFFFC000  }
0x83: {  	v9 =	vld [tilespmem:s25+$0xF0]  }
0x84: {  	v10 =	vld [tilespmem:s25+$0x10]  }
0x85: {  	v11 =	vld [tilespmem:s25+$0x20]  }
0x86: {  	v12 =	vld [tilespmem:s25+$0x30]  }
0x87: {  	v13 =	vld [tilespmem:s25+$0x40]  }
0x88: {  	v14 =	vld [tilespmem:s25+$0x50];
	v9 =	vmul.f32 v9, v8  }
0x89: {  	v15 =	vld [tilespmem:s25+$0x60];
	v10 =	vmul.f32 v10, v8  }
0x8a: {  	v16 =	vld [tilespmem:s25+$0x70];
	v11 =	vmul.f32 v11, v8;
	[tilespmem:s25+$0xF0] =	vst v9  }
0x8b: {  	[tilespmem:s25+$0x10] =	vst v10;
	v9 =	vmul.f32 v12, v8;
	v12 =	vld [tilespmem:s25+$0x80]  }
0x8c: {  	[tilespmem:s25+$0x20] =	vst v11;
	v10 =	vmul.f32 v13, v8;
	v13 =	vld [tilespmem:s25+$0x90]  }
0x8d: {  	v17 =	vld [tilespmem:s25+$0xA0];
	v11 =	vmul.f32 v14, v8;
	[tilespmem:s25+$0x30] =	vst v9  }
0x8e: {  	v14 =	vmul.f32 v15, v8;
	[tilespmem:s25+$0x40] =	vst v10;
	v9 =	vld [tilespmem:s25+$0xB0]  }
0x8f: {  	v15 =	vmul.f32 v16, v8;
	[tilespmem:s25+$0x50] =	vst v11;
	v10 =	vld [tilespmem:s25+$0xC0]  }
0x90: {  	[tilespmem:s25+$0x60] =	vst v14;
	v11 =	vld [tilespmem:s25+$0xD0];
	v16 =	vmul.f32 v12, v8  }
0x91: {  	[tilespmem:s25+$0x70] =	vst v15;
	v12 =	vld [tilespmem:s25+$0xE0];
	v14 =	vmul.f32 v13, v8  }
0x92: {  	s26 =	simm.s32 $0x0;
	s28 =	simm.s32 $0x4600;
	v15 =	vmul.f32 v17, v8;
	v13 =	vld [tilespmem:s25+$0x0];
	[tilespmem:s25+$0x80] =	vst v16  }
.LBB2_4:
0x93: {  	v16 =	vld [tilespmem:s28+$0xF0];
	s26 =	sadd.s32 $0x2, s26;
	[tilespmem:s25+$0x90] =	vst v14;
	v9 =	vmul.f32 v9, v8  }
0x94: {  	v14 =	vld [tilespmem:s28+$0x10];
	p0 =	slt.u32 s26, $0x7E;
	[tilespmem:s25+$0xA0] =	vst v15;
	v10 =	vmul.f32 v10, v8  }
0x95: {  	v15 =	vld [tilespmem:s28+$0x20];
	[tilespmem:s25+$0xB0] =	vst v9;
	v9 =	vmul.f32 v11, v8  }
0x96: {  	v11 =	vld [tilespmem:s28+$0x30];
	[tilespmem:s25+$0xC0] =	vst v10;
	v10 =	vmul.f32 v12, v8  }
0x97: {  	v12 =	vld [tilespmem:s28+$0x40];
	v13 =	vmul.f32 v13, v8;
	[tilespmem:s25+$0xD0] =	vst v9  }
0x98: {  	v9 =	vld [tilespmem:s28+$0x50];
	v16 =	vmul.f32 v16, v8;
	[tilespmem:s25+$0xE0] =	vst v10  }
0x99: {  	v10 =	vmul.f32 v14, v8;
	v14 =	vld [tilespmem:s28+$0x60];
	[tilespmem:s25+$0x0] =	vst v13;
	s25 =	smov.u32 s28  }
0x9a: {  	v13 =	vmul.f32 v15, v8;
	v15 =	vld [tilespmem:s28+$0x70];
	[tilespmem:s28+$0xF0] =	vst v16  }
0x9b: {  	[tilespmem:s28+$0x10] =	vst v10;
	v10 =	vmul.f32 v11, v8;
	v11 =	vld [tilespmem:s28+$0x80]  }
0x9c: {  	[tilespmem:s28+$0x20] =	vst v13;
	v12 =	vmul.f32 v12, v8;
	v13 =	vld [tilespmem:s28+$0x90]  }
0x9d: {  	[tilespmem:s28+$0x30] =	vst v10;
	v10 =	vmul.f32 v9, v8;
	v16 =	vld [tilespmem:s28+$0xA0]  }
.Ltmp1:
0x9e: {  	[tilespmem:s28+$0x40] =	vst v12;
	v12 =	vmul.f32 v14, v8;
	v9 =	vld [tilespmem:s28+$0xB0];
	(pc) =	sbr.rel @p0 .LBB2_4-.Ltmp1, $4  }
0x9f: {  	[tilespmem:s28+$0x50] =	vst v10;
	v14 =	vmul.f32 v15, v8;
	v10 =	vld [tilespmem:s28+$0xC0]  }
0xa0: {  	[tilespmem:s28+$0x60] =	vst v12;
	v15 =	vmul.f32 v11, v8;
	v11 =	vld [tilespmem:s28+$0xD0]  }
0xa1: {  	[tilespmem:s28+$0x70] =	vst v14;
	v14 =	vmul.f32 v13, v8;
	v12 =	vld [tilespmem:s28+$0xE0]  }
0xa2: {  	s28 =	sadd.s32 $0x100, s28;
	v13 =	vld [tilespmem:s25+$0x0];
	[tilespmem:s25+$0x80] =	vst v15;
	v15 =	vmul.f32 v16, v8  }
0xa3: {  	v6 =	vsub.f32 v7, v6;
	_ =	sdelay $0x1  }
0xa4: {  	v6 =	vmul.f32 $1.442695020e+00, v6;
	_ =	sdelay $0x1  }
0xa5: {  	(erf) = vpow2.f32 v6;
	_ =	sdelay $0x1  }
0xa6: {  	[tilespmem:s25+$0x90] =	vst v14;
	v7 =	vmul.f32 v10, v8  }
0xa7: {  	[tilespmem:s25+$0xA0] =	vst v15;
	v6 =	vmul.f32 v9, v8  }
0xa8: {  	[tilespmem:s25+$0xC0] =	vst v7;
	v7 =	vmul.f32 v12, v8  }
0xa9: {  	[tilespmem:s25+$0xB0] =	vst v6;
	v6 =	vmul.f32 v11, v8  }
0xaa: {  	[tilespmem:s25+$0xE0] =	vst v7;
	v8 =	vmul.f32 v13, v8  }
0xab: {  	[tilespmem:s25+$0xD0] =	vst v6  }
0xac: {  	[tilespmem:s25+$0x0] =	vst v8  }
0xad: {  	[tilespmem:s15], [sflag:$0x2] =	stream.indirect.gather.add.f32 [hbm:s2], $0x80, s20, s11, $0xb8;
	v6 =	vpop (erf);
	[tilespmem:$0xC500] =	vst v63  }
0xae: {  	_ =	swait.ge [sflag:s18], $0x4000  }
0xaf: {  	[sflag:s18] =	ssyncset.done $0x0  }
0xb0: {  	s25 =	simm.s32 $0x8500;
	[sflag:s18] =	ssyncadd.s32 $0xFFFFC000  }
0xb1: {  	v7 =	vld [tilespmem:s25+$0xF0]  }
0xb2: {  	v8 =	vld [tilespmem:s25+$0x10]  }
0xb3: {  	v9 =	vld [tilespmem:s25+$0x20]  }
0xb4: {  	v10 =	vld [tilespmem:s25+$0x30]  }
0xb5: {  	v11 =	vld [tilespmem:s25+$0x40]  }
0xb6: {  	v12 =	vld [tilespmem:s25+$0x50];
	v7 =	vmul.f32 v7, v6  }
0xb7: {  	v13 =	vld [tilespmem:s25+$0x60];
	v8 =	vmul.f32 v8, v6  }
0xb8: {  	v14 =	vld [tilespmem:s25+$0x70];
	v9 =	vmul.f32 v9, v6;
	[tilespmem:s25+$0xF0] =	vst v7  }
0xb9: {  	[tilespmem:s25+$0x10] =	vst v8;
	v7 =	vmul.f32 v10, v6;
	v10 =	vld [tilespmem:s25+$0x80]  }
0xba: {  	[tilespmem:s25+$0x20] =	vst v9;
	v8 =	vmul.f32 v11, v6;
	v11 =	vld [tilespmem:s25+$0x90]  }
0xbb: {  	v15 =	vld [tilespmem:s25+$0xA0];
	v9 =	vmul.f32 v12, v6;
	[tilespmem:s25+$0x30] =	vst v7  }
0xbc: {  	v12 =	vmul.f32 v13, v6;
	[tilespmem:s25+$0x40] =	vst v8;
	v7 =	vld [tilespmem:s25+$0xB0]  }
0xbd: {  	v13 =	vmul.f32 v14, v6;
	[tilespmem:s25+$0x50] =	vst v9;
	v8 =	vld [tilespmem:s25+$0xC0]  }
0xbe: {  	[tilespmem:s25+$0x60] =	vst v12;
	v9 =	vld [tilespmem:s25+$0xD0];
	v14 =	vmul.f32 v10, v6  }
0xbf: {  	[tilespmem:s25+$0x70] =	vst v13;
	v10 =	vld [tilespmem:s25+$0xE0];
	v12 =	vmul.f32 v11, v6  }
0xc0: {  	s26 =	simm.s32 $0x0;
	s28 =	simm.s32 $0x8600;
	v13 =	vmul.f32 v15, v6;
	v11 =	vld [tilespmem:s25+$0x0];
	[tilespmem:s25+$0x80] =	vst v14  }
.LBB2_6:
0xc1: {  	v14 =	vld [tilespmem:s28+$0xF0];
	s26 =	sadd.s32 $0x2, s26;
	[tilespmem:s25+$0x90] =	vst v12;
	v7 =	vmul.f32 v7, v6  }
0xc2: {  	v12 =	vld [tilespmem:s28+$0x10];
	p0 =	slt.u32 s26, $0x7E;
	[tilespmem:s25+$0xA0] =	vst v13;
	v8 =	vmul.f32 v8, v6  }
0xc3: {  	v13 =	vld [tilespmem:s28+$0x20];
	[tilespmem:s25+$0xB0] =	vst v7;
	v7 =	vmul.f32 v9, v6  }
0xc4: {  	v9 =	vld [tilespmem:s28+$0x30];
	[tilespmem:s25+$0xC0] =	vst v8;
	v8 =	vmul.f32 v10, v6  }
0xc5: {  	v10 =	vld [tilespmem:s28+$0x40];
	v11 =	vmul.f32 v11, v6;
	[tilespmem:s25+$0xD0] =	vst v7  }
0xc6: {  	v7 =	vld [tilespmem:s28+$0x50];
	v14 =	vmul.f32 v14, v6;
	[tilespmem:s25+$0xE0] =	vst v8  }
0xc7: {  	v8 =	vmul.f32 v12, v6;
	v12 =	vld [tilespmem:s28+$0x60];
	[tilespmem:s25+$0x0] =	vst v11;
	s25 =	smov.u32 s28  }
0xc8: {  	v11 =	vmul.f32 v13, v6;
	v13 =	vld [tilespmem:s28+$0x70];
	[tilespmem:s28+$0xF0] =	vst v14  }
0xc9: {  	[tilespmem:s28+$0x10] =	vst v8;
	v8 =	vmul.f32 v9, v6;
	v9 =	vld [tilespmem:s28+$0x80]  }
0xca: {  	[tilespmem:s28+$0x20] =	vst v11;
	v10 =	vmul.f32 v10, v6;
	v11 =	vld [tilespmem:s28+$0x90]  }
0xcb: {  	[tilespmem:s28+$0x30] =	vst v8;
	v8 =	vmul.f32 v7, v6;
	v14 =	vld [tilespmem:s28+$0xA0]  }
.Ltmp2:
0xcc: {  	[tilespmem:s28+$0x40] =	vst v10;
	v10 =	vmul.f32 v12, v6;
	v7 =	vld [tilespmem:s28+$0xB0];
	(pc) =	sbr.rel @p0 .LBB2_6-.Ltmp2, $4  }
0xcd: {  	[tilespmem:s28+$0x50] =	vst v8;
	v12 =	vmul.f32 v13, v6;
	v8 =	vld [tilespmem:s28+$0xC0]  }
0xce: {  	[tilespmem:s28+$0x60] =	vst v10;
	v13 =	vmul.f32 v9, v6;
	v9 =	vld [tilespmem:s28+$0xD0]  }
0xcf: {  	[tilespmem:s28+$0x70] =	vst v12;
	v12 =	vmul.f32 v11, v6;
	v10 =	vld [tilespmem:s28+$0xE0]  }
0xd0: {  	s28 =	sadd.s32 $0x100, s28;
	v11 =	vld [tilespmem:s25+$0x0];
	[tilespmem:s25+$0x80] =	vst v13;
	v13 =	vmul.f32 v14, v6  }
0xd1: {  	[tilespmem:s25+$0x90] =	vst v12;
	v7 =	vmul.f32 v7, v6  }
0xd2: {  	[tilespmem:s25+$0xA0] =	vst v13;
	v8 =	vmul.f32 v8, v6  }
0xd3: {  	[tilespmem:s25+$0xB0] =	vst v7;
	v7 =	vmul.f32 v9, v6  }
0xd4: {  	[tilespmem:s25+$0xC0] =	vst v8;
	v63 =	vmul.f32 v10, v6  }
0xd5: {  	v6 =	vmul.f32 v11, v6;
	[tilespmem:s25+$0xD0] =	vst v7  }
0xd6: {  	[tilespmem:s25+$0xE0] =	vst v63  }
0xd7: {  	[tilespmem:s25+$0x0] =	vst v6  }
0xd8: {  	[tilespmem:s17], [sflag:$0x2] =	stream.indirect.gather.add.f32 [hbm:s2], $0x80, s21, s11, $0xb8;
	[tilespmem:$0xC500] =	vst v63  }
0xd9: {  	_ =	swait.ge [sflag:s22], $0x4000  }
0xda: {  	[sflag:s22] =	ssyncset.done $0x0  }
0xdb: {  	[sflag:s22] =	ssyncadd.s32 $0xFFFFC000  }
0xdc: {  	[hbm4b:s6+s3] =	stream.linear.scatter [tilespmem:s13], [sflag:$0x3], $0x4000, $0x38;
	[tilespmem:$0xC500] =	vst v63  }
0xdd: {  	_ =	swait.ge [sflag:s22], $0x4000  }
0xde: {  	[sflag:s22] =	ssyncset.done $0x0  }
0xdf: {  	[sflag:s22] =	ssyncadd.s32 $0xFFFFC000  }
0xe0: {  	[hbm4b:s7+s3] =	stream.linear.scatter [tilespmem:s15], [sflag:$0x3], $0x4000, $0x38;
	[tilespmem:$0xC500] =	vst v63  }
0xe1: {  	_ =	swait.ge [sflag:s22], $0x4000  }
0xe2: {  	[sflag:s22] =	ssyncset.done $0x0  }
0xe3: {  	[sflag:s22] =	ssyncadd.s32 $0xFFFFC000  }
0xe4: {  	[hbm4b:s8+s3] =	stream.linear.scatter [tilespmem:s17], [sflag:$0x3], $0x4000, $0x38;
	[tilespmem:$0xC500] =	vst v63  }
0xe5: {  	_ =	swait.ge [sflag:s23], $0x4000  }
0xe6: {  	[sflag:s23] =	ssyncset.done $0x0  }
0xe7: {  	s24 =	sadd.s32 $0x1, s24;
	[sflag:s23] =	ssyncadd.s32 $0xFFFFC000  }
0xe8: {  	p0 =	sne.s32 s24, s9;
	_ =	swait.ge [sflag:s23], $0x4000  }
.Ltmp3:
0xe9: {  	[sflag:s23] =	ssyncset.done $0x0;
	(pc) =	sbr.rel @p0 .LBB2_1-.Ltmp3, $4  }
0xea: {  	[sflag:s23] =	ssyncadd.s32 $0xFFFFC000  }
0xeb: {  	_ =	swait.ge [sflag:s23], $0x4000  }
0xec: {  	[sflag:s23] =	ssyncset.done $0x0  }
0xed: {  	[sflag:s23] =	ssyncadd.s32 $0xFFFFC000  }
0xee: {  	_ =	sfence.sel $0x180000  }
0xef: {  	[bflag:$0x0] =	sbarrier.arrive $0xFFFF  }
0xf0: {  	p0 =	sne.s32 s0, $0x0;
	_ =	strace $0x9000004A  }
0xf1: {  	s0 =	sadd.s32 @!p0 $0x100000, s1;
	[bflag:$0x2] =	sbarrier.arrive $0xFFFF  }
0xf2: {  	[sflag:s0] =	ssyncadd.tile.s32 @!p0 $0x1;
	_ =	shalt  }
.Lfunc_end2:
_tile_overlayer_lowered:
.L_overlay_start_2:
0xf3: {  	(tag) =	ssettag $0x2  }
0xf4: {  	s0 =	rddreg [dreg:$0x0];
	s2 =	stileid.u32  }
0xf5: {  	s1 =	rddreg [dreg:$0x1];
	p0 =	sne.s32 s2, $0x0  }
0xf6: {  	s3 =	rddreg [dreg:$0x2];
	[bflag:$0x3] =	sbarrier.arrive $0xFFFF;
	s2 =	simm.s32 @!p0 $0x1C04  }
0xf7: {  	[timem:s3], [sflag:s2] =	dma.local @!p0 [hbm:s0], s1  }
0xf8: {  	s0 =	simm.s32 @!p0 $0x4  }
0xf9: {  	_ =	swait.ge @!p0 [sflag:s0], s1  }
0xfa: {  	s1 =	ssub.s32 @!p0 $0x0, s1;
	[sflag:s0] =	ssyncset.done @!p0 $0x0  }
0xfb: {  	[sflag:s0] =	ssyncadd.s32 @!p0 s1  }
0xfc: {  	[bflag:$0x3] =	sbarrier.arrive $0xFFFF  }
0xfd: {  	_ =	shalt  }

</sc_bundles>
